<compile_context>
chip_gen: v7x
topology: tpu7x:2x2x1
jax: 0.10.2.dev20260603
libtpu: 0.0.44.dev20260713+nightly
codegen_flags: <defaults>
</compile_context>

<pallas_src>
import functools

import jax
import jax.numpy as jnp
from jax import lax
from jax.experimental import pallas as pl
from jax.experimental.pallas import tpu as pltpu
from jax.experimental.pallas import tpu_sc as plsc

N = 10000
HALF = 5000
E = 320000
F = 16
NSLICE = 16
E_PAD = 327680
SL = E_PAD // NSLICE
C = 1024
NCH = SL // C
SUB = 128

_mesh = plsc.VectorSubcoreMesh(core_axis_name="c", subcore_axis_name="s")


@functools.partial(
    pl.kernel,
    out_type=jax.ShapeDtypeStruct((NSLICE, N, F), jnp.float32),
    mesh=_mesh,
    compiler_params=pltpu.CompilerParams(needs_layout_passes=False,
                                         use_tc_tiling_on_sc=False),
    scratch_types=[
        pltpu.VMEM((C,), jnp.int32),
        pltpu.VMEM((C,), jnp.float32),
        pltpu.VMEM((HALF, F), jnp.float32),
    ],
)
def _deg_kernel(col_hbm, ew_hbm, out_hbm, col_v, ew_v, acc_v):
    h = lax.axis_index("c")
    s = lax.axis_index("s")
    zero16 = jnp.zeros((F,), jnp.float32)

    def zb(i, carry):
        base = i * 20
        for t in range(20):
            acc_v[base + t] = zero16
        return carry

    lax.fori_loop(0, HALF // 20, zb, 0)

    lane = lax.iota(jnp.int32, 16)
    base = s * SL

    def chunk(k, carry):
        off = base + k * C
        pltpu.sync_copy(col_hbm.at[pl.ds(off, C)], col_v)
        pltpu.sync_copy(ew_hbm.at[pl.ds(off, C)], ew_v)

        @plsc.parallel_loop(0, C // 16, 1, unroll=4)
        def db(i):
            sl = pl.ds(i * 16, 16)
            c16 = col_v[sl]
            e16 = ew_v[sl]
            cl = c16 - h * HALF
            ok = (cl >= 0) & (cl < HALF)
            r = jnp.where(ok, cl, 0)
            w = jnp.where(ok, e16, 0.0)
            plsc.addupdate_scatter(acc_v, [r, lane], w)
        return carry

    lax.fori_loop(0, NCH, chunk, 0)

    pltpu.sync_copy(acc_v, out_hbm.at[s, pl.ds(h * HALF, HALF)])


ESL = E_PAD // 32
NCH2 = ESL // C
STR = N // NSLICE


@functools.partial(
    pl.kernel,
    out_type=jax.ShapeDtypeStruct((2, N, F), jnp.float32),
    mesh=_mesh,
    compiler_params=pltpu.CompilerParams(needs_layout_passes=False,
                                         use_tc_tiling_on_sc=False),
    scratch_types=[
        pltpu.VMEM((N,), jnp.float32),
        pltpu.VMEM((C,), jnp.int32),
        pltpu.VMEM((C,), jnp.int32),
        pltpu.VMEM((C,), jnp.float32),
        pltpu.VMEM((C,), jnp.float32),
        pltpu.VMEM((C // SUB, SUB), jnp.int32),
        pltpu.VMEM((C, F), jnp.float32),
        pltpu.VMEM((C, F), jnp.float32),
        pltpu.VMEM((STR, F), jnp.float32),
        pltpu.VMEM_SHARED((N, F), jnp.float32),
        pltpu.SemaphoreType.DMA,
        pltpu.SemaphoreType.DMA,
    ],
)
def _agg_kernel(row_hbm, col_hbm, ew_hbm, dinv_hbm, table_hbm, out_hbm,
                dinv_v, row_v, col_v, ew_v, norm_v, col2_v, rows_v, scaled_v,
                stripe_v, acc_sp, gsem, ssem):
    cid = lax.axis_index("c")
    sid = lax.axis_index("s")
    pltpu.sync_copy(dinv_hbm, dinv_v)

    zero16 = jnp.zeros((F,), jnp.float32)

    def zb(i, carry):
        base = i * 25
        for t in range(25):
            stripe_v[base + t] = zero16
        return carry

    lax.fori_loop(0, STR // 25, zb, 0)
    pltpu.sync_copy(stripe_v, acc_sp.at[pl.ds(sid * STR, STR)])
    plsc.subcore_barrier()

    base = (cid * NSLICE + sid) * ESL

    def chunk(k, carry):
        off = base + k * C
        pltpu.sync_copy(row_hbm.at[pl.ds(off, C)], row_v)
        pltpu.sync_copy(col_hbm.at[pl.ds(off, C)], col_v)
        pltpu.sync_copy(ew_hbm.at[pl.ds(off, C)], ew_v)
        for j in range(C // SUB):
            pltpu.sync_copy(col_hbm.at[pl.ds(off + j * SUB, SUB)],
                            col2_v.at[j])

        descs = [
            pltpu.async_copy(
                table_hbm.at[row_v.at[pl.ds(j * SUB, SUB)]],
                rows_v.at[pl.ds(j * SUB, SUB)],
                gsem,
            )
            for j in range(C // SUB)
        ]

        def nb(i):
            sl = pl.ds(i * 16, 16)
            r16 = row_v[sl]
            c16 = col_v[sl]
            e16 = ew_v[sl]
            dr = plsc.load_gather(dinv_v, [r16])
            dc = plsc.load_gather(dinv_v, [c16])
            norm_v[sl] = dr * e16 * dc

        plsc.parallel_loop(0, C // 16, 1, unroll=4)(nb)

        for d in descs:
            d.wait()

        @plsc.parallel_loop(0, C // 16, 1, unroll=4)
        def eb(i):
            sl = pl.ds(i * 16, 16)
            w16 = norm_v[sl]
            for t in range(16):
                scaled_v[i * 16 + t] = w16[t] * rows_v[i * 16 + t]

        sdescs = [
            pltpu.async_copy(
                scaled_v.at[pl.ds(j * SUB, SUB)],
                acc_sp.at[col2_v.at[j]],
                ssem,
                add=True,
            )
            for j in range(C // SUB)
        ]
        for d in sdescs:
            d.wait()
        return carry

    lax.fori_loop(0, NCH2, chunk, 0)

    plsc.subcore_barrier()
    pltpu.sync_copy(acc_sp.at[pl.ds(sid * STR, STR)], stripe_v)
    pltpu.sync_copy(stripe_v, out_hbm.at[cid, pl.ds(sid * STR, STR)])


def _k2_body(parts_ref, x_ref, w1_ref, dinv_ref, xw1_ref, acc_ref):
    i = pl.program_id(0)

    @pl.when(i == 0)
    def _():
        acc_ref[...] = jnp.zeros_like(acc_ref)

    acc_ref[...] += parts_ref[0]

    @pl.when(i == NSLICE - 1)
    def _():
        deg = jnp.sum(acc_ref[...], axis=1) + 1.0
        dinv_ref[...] = jnp.where(deg > 0, lax.rsqrt(deg), 0.0)
        xw1_ref[...] = jnp.dot(x_ref[...], w1_ref[...],
                               preferred_element_type=jnp.float32)


def _k4_body(parts_ref, xw1_ref, dinv_ref, b1_ref, w2p_ref, xw2p_ref,
             acc_ref):
    i = pl.program_id(0)

    @pl.when(i == 0)
    def _():
        acc_ref[...] = jnp.zeros_like(acc_ref)

    acc_ref[...] += parts_ref[0]

    @pl.when(i == 1)
    def _():
        d2 = dinv_ref[...] ** 2
        h1 = acc_ref[...] + d2[:, None] * xw1_ref[...] + b1_ref[...][None, :]
        h1 = jnp.maximum(h1, 0.0)
        xw2p_ref[...] = jnp.dot(h1, w2p_ref[...],
                                preferred_element_type=jnp.float32)


def _k6_body(parts_ref, xw2p_ref, dinv_ref, b2_ref, out_ref, acc_ref):
    i = pl.program_id(0)

    @pl.when(i == 0)
    def _():
        acc_ref[...] = jnp.zeros_like(acc_ref)

    acc_ref[...] += parts_ref[0]

    @pl.when(i == 1)
    def _():
        d2 = dinv_ref[...] ** 2
        o = (acc_ref[...][:, :2] + d2[:, None] * xw2p_ref[...][:, :2]
             + b2_ref[...][None, :])
        out_ref[...] = jax.nn.log_softmax(o, axis=1)


_full = lambda *block: pl.BlockSpec(block, lambda i: tuple(0 for _ in block))

_k2_call = pl.pallas_call(
    _k2_body,
    grid=(NSLICE,),
    in_specs=[
        pl.BlockSpec((1, N, F), lambda i: (i, 0, 0)),
        _full(N, 128),
        _full(128, F),
    ],
    out_specs=(_full(N), _full(N, F)),
    scratch_shapes=[pltpu.VMEM((N, F), jnp.float32)],
    out_shape=(jax.ShapeDtypeStruct((N,), jnp.float32),
               jax.ShapeDtypeStruct((N, F), jnp.float32)),
)

_k4_call = pl.pallas_call(
    _k4_body,
    grid=(2,),
    in_specs=[
        pl.BlockSpec((1, N, F), lambda i: (i, 0, 0)),
        _full(N, F),
        _full(N),
        _full(F),
        _full(F, F),
    ],
    out_specs=_full(N, F),
    scratch_shapes=[pltpu.VMEM((N, F), jnp.float32)],
    out_shape=jax.ShapeDtypeStruct((N, F), jnp.float32),
)

_k6_call = pl.pallas_call(
    _k6_body,
    grid=(2,),
    in_specs=[
        pl.BlockSpec((1, N, F), lambda i: (i, 0, 0)),
        _full(N, F),
        _full(N),
        _full(2),
    ],
    out_specs=_full(N, 2),
    scratch_shapes=[pltpu.VMEM((N, F), jnp.float32)],
    out_shape=jax.ShapeDtypeStruct((N, 2), jnp.float32),
)


def kernel(x, edge_index, edge_weight, W1, b1, W2, b2):
    row = edge_index[0]
    col = edge_index[1]
    pad = E_PAD - row.shape[0]
    zi = jnp.zeros((pad,), row.dtype)
    row_p = jnp.concatenate([row, zi])
    col_p = jnp.concatenate([col, zi])
    ew_p = jnp.concatenate([edge_weight, jnp.zeros((pad,), edge_weight.dtype)])
    w2p = jnp.zeros((F, F), W2.dtype).at[:, :2].set(W2)

    deg_parts = _deg_kernel(col_p, ew_p)
    dinv, xw1 = _k2_call(deg_parts, x, W1)
    parts1 = _agg_kernel(row_p, col_p, ew_p, dinv, xw1)
    xw2p = _k4_call(parts1, xw1, dinv, b1, w2p)
    parts2 = _agg_kernel(row_p, col_p, ew_p, dinv, xw2p)
    return _k6_call(parts2, xw2p, dinv, b2)

# --- scband reference (transcript-rebuilt; emitter-appended) ---
"""Pipeline reference for scband-net-27238682592011 (READ-ONLY COPY).

The authoritative reference and input builder live on the scoring server;
editing this copy changes nothing except your own understanding.
"""

import jax, jax.numpy as jnp
import numpy as np

N, E, F_IN, F_HID, F_OUT = 10000, 320000, 128, 16, 2


def setup_inputs(seed: int = 0) -> dict:
    key = jax.random.key(seed)
    ks = jax.random.split(key, 8)
    x = jax.random.normal(ks[0], (N, F_IN), dtype=jnp.float32)
    edge_index = jax.random.randint(ks[1], (2, E), 0, N, dtype=jnp.int32)
    edge_weight = jax.random.uniform(ks[2], (E,), dtype=jnp.float32)
    W1 = jax.random.normal(ks[3], (F_IN, F_HID), dtype=jnp.float32) * (1.0 / np.sqrt(F_IN))
    b1 = jnp.zeros((F_HID,), dtype=jnp.float32)
    W2 = jax.random.normal(ks[4], (F_HID, F_OUT), dtype=jnp.float32) * (1.0 / np.sqrt(F_HID))
    b2 = jnp.zeros((F_OUT,), dtype=jnp.float32)
    return {"x": x, "edge_index": edge_index, "edge_weight": edge_weight,
            "W1": W1, "b1": b1, "W2": W2, "b2": b2}


def _gcn_layer(x, W, b, row, col, ew, n):
    # gcn_norm with add_self_loops=True (PyG GCNConv, normalize=True)
    loop = jnp.arange(n, dtype=row.dtype)
    row_sl = jnp.concatenate([row, loop])
    col_sl = jnp.concatenate([col, loop])
    ew_sl = jnp.concatenate([ew, jnp.ones((n,), dtype=x.dtype)])
    deg = jnp.zeros((n,), dtype=x.dtype).at[col_sl].add(ew_sl)
    dinv = jnp.where(deg > 0, deg ** -0.5, 0.0)
    norm = dinv[row_sl] * ew_sl * dinv[col_sl]
    xw = x @ W
    # message passing: gather from source (row), scatter-add into target (col)
    msgs = norm[:, None] * jnp.take(xw, row_sl, axis=0)
    out = jnp.zeros((n, xw.shape[1]), dtype=x.dtype).at[col_sl].add(msgs)
    return out + b


def reference(x, edge_index, edge_weight, W1, b1, W2, b2):
    row, col = edge_index[0], edge_index[1]
    h = _gcn_layer(x, W1, b1, row, col, edge_weight, x.shape[0])
    h = jax.nn.relu(h)
    # dropout is identity in eval mode (training=False)
    h = _gcn_layer(h, W2, b2, row, col, edge_weight, x.shape[0])
    return jax.nn.log_softmax(h, axis=1)

if __name__ == "__main__":
    import jax
    _d = setup_inputs()
    print(jax.jit(kernel)(*tuple(_d.values())))

</pallas_src>

<mosaic_0001>
#map = affine_map<(d0, d1) -> (0)>
#map1 = affine_map<(d0, d1) -> (0, 0)>
#map2 = affine_map<(d0, d1) -> (0, 0, 0)>
module attributes {stable_mosaic.version = 14 : i64} {
  func.func @_agg_kernel(%arg0: i32, %arg1: i32, %arg2: memref<327680xi32, #tpu.memory_space<hbm>>, %arg3: memref<327680xi32, #tpu.memory_space<hbm>>, %arg4: memref<327680xf32, #tpu.memory_space<hbm>>, %arg5: memref<10000xf32, #tpu.memory_space<hbm>>, %arg6: memref<10000x16xf32, #tpu.memory_space<hbm>>, %arg7: memref<2x10000x16xf32, #tpu.memory_space<hbm>>, %arg8: memref<10000xf32, #tpu.memory_space<vmem>>, %arg9: memref<1024xi32, #tpu.memory_space<vmem>>, %arg10: memref<1024xi32, #tpu.memory_space<vmem>>, %arg11: memref<1024xf32, #tpu.memory_space<vmem>>, %arg12: memref<1024xf32, #tpu.memory_space<vmem>>, %arg13: memref<8x128xi32, #tpu.memory_space<vmem>>, %arg14: memref<1024x16xf32, #tpu.memory_space<vmem>>, %arg15: memref<1024x16xf32, #tpu.memory_space<vmem>>, %arg16: memref<625x16xf32, #tpu.memory_space<vmem>>, %arg17: memref<10000x16xf32, #tpu.memory_space<vmem_shared>>, %arg18: memref<!tpu.dma_semaphore, #tpu.memory_space<semaphore_mem>>, %arg19: memref<!tpu.dma_semaphore, #tpu.memory_space<semaphore_mem>>) attributes {dimension_semantics = [#tpu.dimension_semantics<core_parallel>, #tpu.dimension_semantics<subcore_parallel>], iteration_bounds = array<i64: 2, 16>, scalar_prefetch = 0 : i64, scratch_operands = 12 : i64, tpu.core_type = #tpu.core_type<sc_vector_subcore>, window_params = [{transform_indices = #map}, {transform_indices = #map}, {transform_indices = #map}, {transform_indices = #map}, {transform_indices = #map1}, {transform_indices = #map2}]} {
    "tpu.region"() ({
      %run_scoped3A = tpu.sem_alloc : memref<!tpu.dma_semaphore, #tpu.memory_space<semaphore_mem>>
      tpu.enqueue_dma source(%arg5 : memref<10000xf32, #tpu.memory_space<hbm>>) target(%arg8 : memref<10000xf32, #tpu.memory_space<vmem>>) target_semaphore(%run_scoped3A : memref<!tpu.dma_semaphore, #tpu.memory_space<semaphore_mem>>)
      tpu.wait_dma2 semaphore(%run_scoped3A : memref<!tpu.dma_semaphore, #tpu.memory_space<semaphore_mem>>) src(%arg5 : memref<10000xf32, #tpu.memory_space<hbm>>) dst(%arg8 : memref<10000xf32, #tpu.memory_space<vmem>>)
      tpu.yield
    }) : () -> ()
    %broadcast_in_dim3A = arith.constant 0.000000e+00 : f32
    %broadcast_in_dim3A_0 = vector.broadcast %broadcast_in_dim3A : f32 to vector<16xf32>
    %scan3A = arith.constant 0 : i32
    %scan3A_1 = arith.constant 0 : i32
    %scan3A_2 = arith.constant 25 : i32
    %scan3A_3 = arith.addi %scan3A_1, %scan3A_2 : i32
    %scan3A_4 = arith.constant 1 : i32
    scf.for %scan3A_22 = %scan3A_1 to %scan3A_3 step %scan3A_4  : i32 {
      %mul3A_23 = arith.constant 25 : i32
      %mul3A_24 = arith.muli %scan3A_22, %mul3A_23 : i32
      %add3A_25 = arith.constant 0 : i32
      %add3A_26 = arith.addi %mul3A_24, %add3A_25 : i32
      %swap3A = arith.index_cast %add3A_26 : i32 to index
      %swap3A_27 = arith.constant 0 : index
      %swap3A_28 = tpu.vector_load %arg16[%swap3A, %swap3A_27] {strides = array<i32>} : memref<625x16xf32, #tpu.memory_space<vmem>>, vector<16xf32>,
      tpu.vector_store %arg16[%swap3A, %swap3A_27], %broadcast_in_dim3A_0 {strides = array<i32>} : memref<625x16xf32, #tpu.memory_space<vmem>>, vector<16xf32>,
      %add3A_29 = arith.constant 1 : i32
      %add3A_30 = arith.addi %mul3A_24, %add3A_29 : i32
      %swap3A_31 = arith.index_cast %add3A_30 : i32 to index
      %swap3A_32 = arith.constant 0 : index
      %swap3A_33 = tpu.vector_load %arg16[%swap3A_31, %swap3A_32] {strides = array<i32>} : memref<625x16xf32, #tpu.memory_space<vmem>>, vector<16xf32>,
      tpu.vector_store %arg16[%swap3A_31, %swap3A_32], %broadcast_in_dim3A_0 {strides = array<i32>} : memref<625x16xf32, #tpu.memory_space<vmem>>, vector<16xf32>,
      %add3A_34 = arith.constant 2 : i32
      %add3A_35 = arith.addi %mul3A_24, %add3A_34 : i32
      %swap3A_36 = arith.index_cast %add3A_35 : i32 to index
      %swap3A_37 = arith.constant 0 : index
      %swap3A_38 = tpu.vector_load %arg16[%swap3A_36, %swap3A_37] {strides = array<i32>} : memref<625x16xf32, #tpu.memory_space<vmem>>, vector<16xf32>,
      tpu.vector_store %arg16[%swap3A_36, %swap3A_37], %broadcast_in_dim3A_0 {strides = array<i32>} : memref<625x16xf32, #tpu.memory_space<vmem>>, vector<16xf32>,
      %add3A_39 = arith.constant 3 : i32
      %add3A_40 = arith.addi %mul3A_24, %add3A_39 : i32
      %swap3A_41 = arith.index_cast %add3A_40 : i32 to index
      %swap3A_42 = arith.constant 0 : index
      %swap3A_43 = tpu.vector_load %arg16[%swap3A_41, %swap3A_42] {strides = array<i32>} : memref<625x16xf32, #tpu.memory_space<vmem>>, vector<16xf32>,
      tpu.vector_store %arg16[%swap3A_41, %swap3A_42], %broadcast_in_dim3A_0 {strides = array<i32>} : memref<625x16xf32, #tpu.memory_space<vmem>>, vector<16xf32>,
      %add3A_44 = arith.constant 4 : i32
      %add3A_45 = arith.addi %mul3A_24, %add3A_44 : i32
      %swap3A_46 = arith.index_cast %add3A_45 : i32 to index
      %swap3A_47 = arith.constant 0 : index
      %swap3A_48 = tpu.vector_load %arg16[%swap3A_46, %swap3A_47] {strides = array<i32>} : memref<625x16xf32, #tpu.memory_space<vmem>>, vector<16xf32>,
      tpu.vector_store %arg16[%swap3A_46, %swap3A_47], %broadcast_in_dim3A_0 {strides = array<i32>} : memref<625x16xf32, #tpu.memory_space<vmem>>, vector<16xf32>,
      %add3A_49 = arith.constant 5 : i32
      %add3A_50 = arith.addi %mul3A_24, %add3A_49 : i32
      %swap3A_51 = arith.index_cast %add3A_50 : i32 to index
      %swap3A_52 = arith.constant 0 : index
      %swap3A_53 = tpu.vector_load %arg16[%swap3A_51, %swap3A_52] {strides = array<i32>} : memref<625x16xf32, #tpu.memory_space<vmem>>, vector<16xf32>,
      tpu.vector_store %arg16[%swap3A_51, %swap3A_52], %broadcast_in_dim3A_0 {strides = array<i32>} : memref<625x16xf32, #tpu.memory_space<vmem>>, vector<16xf32>,
      %add3A_54 = arith.constant 6 : i32
      %add3A_55 = arith.addi %mul3A_24, %add3A_54 : i32
      %swap3A_56 = arith.index_cast %add3A_55 : i32 to index
      %swap3A_57 = arith.constant 0 : index
      %swap3A_58 = tpu.vector_load %arg16[%swap3A_56, %swap3A_57] {strides = array<i32>} : memref<625x16xf32, #tpu.memory_space<vmem>>, vector<16xf32>,
      tpu.vector_store %arg16[%swap3A_56, %swap3A_57], %broadcast_in_dim3A_0 {strides = array<i32>} : memref<625x16xf32, #tpu.memory_space<vmem>>, vector<16xf32>,
      %add3A_59 = arith.constant 7 : i32
      %add3A_60 = arith.addi %mul3A_24, %add3A_59 : i32
      %swap3A_61 = arith.index_cast %add3A_60 : i32 to index
      %swap3A_62 = arith.constant 0 : index
      %swap3A_63 = tpu.vector_load %arg16[%swap3A_61, %swap3A_62] {strides = array<i32>} : memref<625x16xf32, #tpu.memory_space<vmem>>, vector<16xf32>,
      tpu.vector_store %arg16[%swap3A_61, %swap3A_62], %broadcast_in_dim3A_0 {strides = array<i32>} : memref<625x16xf32, #tpu.memory_space<vmem>>, vector<16xf32>,
      %add3A_64 = arith.constant 8 : i32
      %add3A_65 = arith.addi %mul3A_24, %add3A_64 : i32
      %swap3A_66 = arith.index_cast %add3A_65 : i32 to index
      %swap3A_67 = arith.constant 0 : index
      %swap3A_68 = tpu.vector_load %arg16[%swap3A_66, %swap3A_67] {strides = array<i32>} : memref<625x16xf32, #tpu.memory_space<vmem>>, vector<16xf32>,
      tpu.vector_store %arg16[%swap3A_66, %swap3A_67], %broadcast_in_dim3A_0 {strides = array<i32>} : memref<625x16xf32, #tpu.memory_space<vmem>>, vector<16xf32>,
      %add3A_69 = arith.constant 9 : i32
      %add3A_70 = arith.addi %mul3A_24, %add3A_69 : i32
      %swap3A_71 = arith.index_cast %add3A_70 : i32 to index
      %swap3A_72 = arith.constant 0 : index
      %swap3A_73 = tpu.vector_load %arg16[%swap3A_71, %swap3A_72] {strides = array<i32>} : memref<625x16xf32, #tpu.memory_space<vmem>>, vector<16xf32>,
      tpu.vector_store %arg16[%swap3A_71, %swap3A_72], %broadcast_in_dim3A_0 {strides = array<i32>} : memref<625x16xf32, #tpu.memory_space<vmem>>, vector<16xf32>,
      %add3A_74 = arith.constant 10 : i32
      %add3A_75 = arith.addi %mul3A_24, %add3A_74 : i32
      %swap3A_76 = arith.index_cast %add3A_75 : i32 to index
      %swap3A_77 = arith.constant 0 : index
      %swap3A_78 = tpu.vector_load %arg16[%swap3A_76, %swap3A_77] {strides = array<i32>} : memref<625x16xf32, #tpu.memory_space<vmem>>, vector<16xf32>,
      tpu.vector_store %arg16[%swap3A_76, %swap3A_77], %broadcast_in_dim3A_0 {strides = array<i32>} : memref<625x16xf32, #tpu.memory_space<vmem>>, vector<16xf32>,
      %add3A_79 = arith.constant 11 : i32
      %add3A_80 = arith.addi %mul3A_24, %add3A_79 : i32
      %swap3A_81 = arith.index_cast %add3A_80 : i32 to index
      %swap3A_82 = arith.constant 0 : index
      %swap3A_83 = tpu.vector_load %arg16[%swap3A_81, %swap3A_82] {strides = array<i32>} : memref<625x16xf32, #tpu.memory_space<vmem>>, vector<16xf32>,
      tpu.vector_store %arg16[%swap3A_81, %swap3A_82], %broadcast_in_dim3A_0 {strides = array<i32>} : memref<625x16xf32, #tpu.memory_space<vmem>>, vector<16xf32>,
      %add3A_84 = arith.constant 12 : i32
      %add3A_85 = arith.addi %mul3A_24, %add3A_84 : i32
      %swap3A_86 = arith.index_cast %add3A_85 : i32 to index
      %swap3A_87 = arith.constant 0 : index
      %swap3A_88 = tpu.vector_load %arg16[%swap3A_86, %swap3A_87] {strides = array<i32>} : memref<625x16xf32, #tpu.memory_space<vmem>>, vector<16xf32>,
      tpu.vector_store %arg16[%swap3A_86, %swap3A_87], %broadcast_in_dim3A_0 {strides = array<i32>} : memref<625x16xf32, #tpu.memory_space<vmem>>, vector<16xf32>,
      %add3A_89 = arith.constant 13 : i32
      %add3A_90 = arith.addi %mul3A_24, %add3A_89 : i32
      %swap3A_91 = arith.index_cast %add3A_90 : i32 to index
      %swap3A_92 = arith.constant 0 : index
      %swap3A_93 = tpu.vector_load %arg16[%swap3A_91, %swap3A_92] {strides = array<i32>} : memref<625x16xf32, #tpu.memory_space<vmem>>, vector<16xf32>,
      tpu.vector_store %arg16[%swap3A_91, %swap3A_92], %broadcast_in_dim3A_0 {strides = array<i32>} : memref<625x16xf32, #tpu.memory_space<vmem>>, vector<16xf32>,
      %add3A_94 = arith.constant 14 : i32
      %add3A_95 = arith.addi %mul3A_24, %add3A_94 : i32
      %swap3A_96 = arith.index_cast %add3A_95 : i32 to index
      %swap3A_97 = arith.constant 0 : index
      %swap3A_98 = tpu.vector_load %arg16[%swap3A_96, %swap3A_97] {strides = array<i32>} : memref<625x16xf32, #tpu.memory_space<vmem>>, vector<16xf32>,
      tpu.vector_store %arg16[%swap3A_96, %swap3A_97], %broadcast_in_dim3A_0 {strides = array<i32>} : memref<625x16xf32, #tpu.memory_space<vmem>>, vector<16xf32>,
      %add3A_99 = arith.constant 15 : i32
      %add3A_100 = arith.addi %mul3A_24, %add3A_99 : i32
      %swap3A_101 = arith.index_cast %add3A_100 : i32 to index
      %swap3A_102 = arith.constant 0 : index
      %swap3A_103 = tpu.vector_load %arg16[%swap3A_101, %swap3A_102] {strides = array<i32>} : memref<625x16xf32, #tpu.memory_space<vmem>>, vector<16xf32>,
      tpu.vector_store %arg16[%swap3A_101, %swap3A_102], %broadcast_in_dim3A_0 {strides = array<i32>} : memref<625x16xf32, #tpu.memory_space<vmem>>, vector<16xf32>,
      %add3A_104 = arith.constant 16 : i32
      %add3A_105 = arith.addi %mul3A_24, %add3A_104 : i32
      %swap3A_106 = arith.index_cast %add3A_105 : i32 to index
      %swap3A_107 = arith.constant 0 : index
      %swap3A_108 = tpu.vector_load %arg16[%swap3A_106, %swap3A_107] {strides = array<i32>} : memref<625x16xf32, #tpu.memory_space<vmem>>, vector<16xf32>,
      tpu.vector_store %arg16[%swap3A_106, %swap3A_107], %broadcast_in_dim3A_0 {strides = array<i32>} : memref<625x16xf32, #tpu.memory_space<vmem>>, vector<16xf32>,
      %add3A_109 = arith.constant 17 : i32
      %add3A_110 = arith.addi %mul3A_24, %add3A_109 : i32
      %swap3A_111 = arith.index_cast %add3A_110 : i32 to index
      %swap3A_112 = arith.constant 0 : index
      %swap3A_113 = tpu.vector_load %arg16[%swap3A_111, %swap3A_112] {strides = array<i32>} : memref<625x16xf32, #tpu.memory_space<vmem>>, vector<16xf32>,
      tpu.vector_store %arg16[%swap3A_111, %swap3A_112], %broadcast_in_dim3A_0 {strides = array<i32>} : memref<625x16xf32, #tpu.memory_space<vmem>>, vector<16xf32>,
      %add3A_114 = arith.constant 18 : i32
      %add3A_115 = arith.addi %mul3A_24, %add3A_114 : i32
      %swap3A_116 = arith.index_cast %add3A_115 : i32 to index
      %swap3A_117 = arith.constant 0 : index
      %swap3A_118 = tpu.vector_load %arg16[%swap3A_116, %swap3A_117] {strides = array<i32>} : memref<625x16xf32, #tpu.memory_space<vmem>>, vector<16xf32>,
      tpu.vector_store %arg16[%swap3A_116, %swap3A_117], %broadcast_in_dim3A_0 {strides = array<i32>} : memref<625x16xf32, #tpu.memory_space<vmem>>, vector<16xf32>,
      %add3A_119 = arith.constant 19 : i32
      %add3A_120 = arith.addi %mul3A_24, %add3A_119 : i32
      %swap3A_121 = arith.index_cast %add3A_120 : i32 to index
      %swap3A_122 = arith.constant 0 : index
      %swap3A_123 = tpu.vector_load %arg16[%swap3A_121, %swap3A_122] {strides = array<i32>} : memref<625x16xf32, #tpu.memory_space<vmem>>, vector<16xf32>,
      tpu.vector_store %arg16[%swap3A_121, %swap3A_122], %broadcast_in_dim3A_0 {strides = array<i32>} : memref<625x16xf32, #tpu.memory_space<vmem>>, vector<16xf32>,
      %add3A_124 = arith.constant 20 : i32
      %add3A_125 = arith.addi %mul3A_24, %add3A_124 : i32
      %swap3A_126 = arith.index_cast %add3A_125 : i32 to index
      %swap3A_127 = arith.constant 0 : index
      %swap3A_128 = tpu.vector_load %arg16[%swap3A_126, %swap3A_127] {strides = array<i32>} : memref<625x16xf32, #tpu.memory_space<vmem>>, vector<16xf32>,
      tpu.vector_store %arg16[%swap3A_126, %swap3A_127], %broadcast_in_dim3A_0 {strides = array<i32>} : memref<625x16xf32, #tpu.memory_space<vmem>>, vector<16xf32>,
      %add3A_129 = arith.constant 21 : i32
      %add3A_130 = arith.addi %mul3A_24, %add3A_129 : i32
      %swap3A_131 = arith.index_cast %add3A_130 : i32 to index
      %swap3A_132 = arith.constant 0 : index
      %swap3A_133 = tpu.vector_load %arg16[%swap3A_131, %swap3A_132] {strides = array<i32>} : memref<625x16xf32, #tpu.memory_space<vmem>>, vector<16xf32>,
      tpu.vector_store %arg16[%swap3A_131, %swap3A_132], %broadcast_in_dim3A_0 {strides = array<i32>} : memref<625x16xf32, #tpu.memory_space<vmem>>, vector<16xf32>,
      %add3A_134 = arith.constant 22 : i32
      %add3A_135 = arith.addi %mul3A_24, %add3A_134 : i32
      %swap3A_136 = arith.index_cast %add3A_135 : i32 to index
      %swap3A_137 = arith.constant 0 : index
      %swap3A_138 = tpu.vector_load %arg16[%swap3A_136, %swap3A_137] {strides = array<i32>} : memref<625x16xf32, #tpu.memory_space<vmem>>, vector<16xf32>,
      tpu.vector_store %arg16[%swap3A_136, %swap3A_137], %broadcast_in_dim3A_0 {strides = array<i32>} : memref<625x16xf32, #tpu.memory_space<vmem>>, vector<16xf32>,
      %add3A_139 = arith.constant 23 : i32
      %add3A_140 = arith.addi %mul3A_24, %add3A_139 : i32
      %swap3A_141 = arith.index_cast %add3A_140 : i32 to index
      %swap3A_142 = arith.constant 0 : index
      %swap3A_143 = tpu.vector_load %arg16[%swap3A_141, %swap3A_142] {strides = array<i32>} : memref<625x16xf32, #tpu.memory_space<vmem>>, vector<16xf32>,
      tpu.vector_store %arg16[%swap3A_141, %swap3A_142], %broadcast_in_dim3A_0 {strides = array<i32>} : memref<625x16xf32, #tpu.memory_space<vmem>>, vector<16xf32>,
      %add3A_144 = arith.constant 24 : i32
      %add3A_145 = arith.addi %mul3A_24, %add3A_144 : i32
      %swap3A_146 = arith.index_cast %add3A_145 : i32 to index
      %swap3A_147 = arith.constant 0 : index
      %swap3A_148 = tpu.vector_load %arg16[%swap3A_146, %swap3A_147] {strides = array<i32>} : memref<625x16xf32, #tpu.memory_space<vmem>>, vector<16xf32>,
      tpu.vector_store %arg16[%swap3A_146, %swap3A_147], %broadcast_in_dim3A_0 {strides = array<i32>} : memref<625x16xf32, #tpu.memory_space<vmem>>, vector<16xf32>,
    }
    %scan3A_5 = arith.constant 25 : i32
    %mul3A = arith.constant 625 : i32
    %mul3A_6 = arith.muli %arg1, %mul3A : i32
    "tpu.region"() ({
      %run_scoped3A = tpu.sem_alloc : memref<!tpu.dma_semaphore, #tpu.memory_space<semaphore_mem>>
      %dma_start3A = arith.constant 0 : i32
      %dma_start3A_22 = tpu.memref_slice %arg17[%mul3A_6, %dma_start3A] : memref<10000x16xf32, #tpu.memory_space<vmem_shared>> -> memref<625x16xf32, #tpu.memory_space<vmem_shared>>
      %dma_start3A_23 = arith.constant 0 : i32
      %dma_start3A_24 = tpu.memref_slice %arg17[%mul3A_6, %dma_start3A_23] : memref<10000x16xf32, #tpu.memory_space<vmem_shared>> -> memref<625x16xf32, #tpu.memory_space<vmem_shared>>
      tpu.enqueue_dma source(%arg16 : memref<625x16xf32, #tpu.memory_space<vmem>>) target(%dma_start3A_24 : memref<625x16xf32, #tpu.memory_space<vmem_shared>>) target_semaphore(%run_scoped3A : memref<!tpu.dma_semaphore, #tpu.memory_space<semaphore_mem>>)
      %dma_wait3A = arith.constant 0 : i32
      %dma_wait3A_25 = tpu.memref_slice %arg17[%mul3A_6, %dma_wait3A] : memref<10000x16xf32, #tpu.memory_space<vmem_shared>> -> memref<625x16xf32, #tpu.memory_space<vmem_shared>>
      %dma_wait3A_26 = arith.constant 0 : i32
      %dma_wait3A_27 = tpu.memref_slice %arg17[%mul3A_6, %dma_wait3A_26] : memref<10000x16xf32, #tpu.memory_space<vmem_shared>> -> memref<625x16xf32, #tpu.memory_space<vmem_shared>>
      tpu.wait_dma2 semaphore(%run_scoped3A : memref<!tpu.dma_semaphore, #tpu.memory_space<semaphore_mem>>) src(%arg16 : memref<625x16xf32, #tpu.memory_space<vmem>>) dst(%dma_wait3A_27 : memref<625x16xf32, #tpu.memory_space<vmem_shared>>)
      tpu.yield
    }) : () -> ()
    %barrier3A = arith.constant 0 : index
    tpu.barrier barrier_id(%barrier3A)
    %mul3A_7 = arith.constant 16 : i32
    %mul3A_8 = arith.muli %arg0, %mul3A_7 : i32
    %add3A = arith.addi %mul3A_8, %arg1 : i32
    %mul3A_9 = arith.constant 10240 : i32
    %mul3A_10 = arith.muli %add3A, %mul3A_9 : i32
    %scan3A_11 = arith.constant 0 : i32
    %scan3A_12 = arith.constant 0 : i32
    %scan3A_13 = arith.constant 10 : i32
    %scan3A_14 = arith.addi %scan3A_12, %scan3A_13 : i32
    %scan3A_15 = arith.constant 1 : i32
    scf.for %scan3A_22 = %scan3A_12 to %scan3A_14 step %scan3A_15  : i32 {
      %mul3A_23 = arith.constant 1024 : i32
      %mul3A_24 = arith.muli %scan3A_22, %mul3A_23 : i32
      %add3A_25 = arith.addi %mul3A_10, %mul3A_24 : i32
      "tpu.region"() ({
        %run_scoped3A_340 = tpu.sem_alloc : memref<!tpu.dma_semaphore, #tpu.memory_space<semaphore_mem>>
        %dma_start3A_341 = tpu.memref_slice %arg2[%add3A_25] : memref<327680xi32, #tpu.memory_space<hbm>> -> memref<1024xi32, #tpu.memory_space<hbm>>
        %dma_start3A_342 = tpu.memref_slice %arg2[%add3A_25] : memref<327680xi32, #tpu.memory_space<hbm>> -> memref<1024xi32, #tpu.memory_space<hbm>>
        tpu.enqueue_dma source(%dma_start3A_342 : memref<1024xi32, #tpu.memory_space<hbm>>) target(%arg9 : memref<1024xi32, #tpu.memory_space<vmem>>) target_semaphore(%run_scoped3A_340 : memref<!tpu.dma_semaphore, #tpu.memory_space<semaphore_mem>>)
        %dma_wait3A_343 = tpu.memref_slice %arg2[%add3A_25] : memref<327680xi32, #tpu.memory_space<hbm>> -> memref<1024xi32, #tpu.memory_space<hbm>>
        %dma_wait3A_344 = tpu.memref_slice %arg2[%add3A_25] : memref<327680xi32, #tpu.memory_space<hbm>> -> memref<1024xi32, #tpu.memory_space<hbm>>
        tpu.wait_dma2 semaphore(%run_scoped3A_340 : memref<!tpu.dma_semaphore, #tpu.memory_space<semaphore_mem>>) src(%dma_wait3A_344 : memref<1024xi32, #tpu.memory_space<hbm>>) dst(%arg9 : memref<1024xi32, #tpu.memory_space<vmem>>)
        tpu.yield
      }) : () -> ()
      "tpu.region"() ({
        %run_scoped3A_340 = tpu.sem_alloc : memref<!tpu.dma_semaphore, #tpu.memory_space<semaphore_mem>>
        %dma_start3A_341 = tpu.memref_slice %arg3[%add3A_25] : memref<327680xi32, #tpu.memory_space<hbm>> -> memref<1024xi32, #tpu.memory_space<hbm>>
        %dma_start3A_342 = tpu.memref_slice %arg3[%add3A_25] : memref<327680xi32, #tpu.memory_space<hbm>> -> memref<1024xi32, #tpu.memory_space<hbm>>
        tpu.enqueue_dma source(%dma_start3A_342 : memref<1024xi32, #tpu.memory_space<hbm>>) target(%arg10 : memref<1024xi32, #tpu.memory_space<vmem>>) target_semaphore(%run_scoped3A_340 : memref<!tpu.dma_semaphore, #tpu.memory_space<semaphore_mem>>)
        %dma_wait3A_343 = tpu.memref_slice %arg3[%add3A_25] : memref<327680xi32, #tpu.memory_space<hbm>> -> memref<1024xi32, #tpu.memory_space<hbm>>
        %dma_wait3A_344 = tpu.memref_slice %arg3[%add3A_25] : memref<327680xi32, #tpu.memory_space<hbm>> -> memref<1024xi32, #tpu.memory_space<hbm>>
        tpu.wait_dma2 semaphore(%run_scoped3A_340 : memref<!tpu.dma_semaphore, #tpu.memory_space<semaphore_mem>>) src(%dma_wait3A_344 : memref<1024xi32, #tpu.memory_space<hbm>>) dst(%arg10 : memref<1024xi32, #tpu.memory_space<vmem>>)
        tpu.yield
      }) : () -> ()
      "tpu.region"() ({
        %run_scoped3A_340 = tpu.sem_alloc : memref<!tpu.dma_semaphore, #tpu.memory_space<semaphore_mem>>
        %dma_start3A_341 = tpu.memref_slice %arg4[%add3A_25] : memref<327680xf32, #tpu.memory_space<hbm>> -> memref<1024xf32, #tpu.memory_space<hbm>>
        %dma_start3A_342 = tpu.memref_slice %arg4[%add3A_25] : memref<327680xf32, #tpu.memory_space<hbm>> -> memref<1024xf32, #tpu.memory_space<hbm>>
        tpu.enqueue_dma source(%dma_start3A_342 : memref<1024xf32, #tpu.memory_space<hbm>>) target(%arg11 : memref<1024xf32, #tpu.memory_space<vmem>>) target_semaphore(%run_scoped3A_340 : memref<!tpu.dma_semaphore, #tpu.memory_space<semaphore_mem>>)
        %dma_wait3A_343 = tpu.memref_slice %arg4[%add3A_25] : memref<327680xf32, #tpu.memory_space<hbm>> -> memref<1024xf32, #tpu.memory_space<hbm>>
        %dma_wait3A_344 = tpu.memref_slice %arg4[%add3A_25] : memref<327680xf32, #tpu.memory_space<hbm>> -> memref<1024xf32, #tpu.memory_space<hbm>>
        tpu.wait_dma2 semaphore(%run_scoped3A_340 : memref<!tpu.dma_semaphore, #tpu.memory_space<semaphore_mem>>) src(%dma_wait3A_344 : memref<1024xf32, #tpu.memory_space<hbm>>) dst(%arg11 : memref<1024xf32, #tpu.memory_space<vmem>>)
        tpu.yield
      }) : () -> ()
      %add3A_26 = arith.constant 0 : i32
      %add3A_27 = arith.addi %add3A_25, %add3A_26 : i32
      %run_scoped3A = arith.constant 0 : i32
      "tpu.region"() ({
        %run_scoped3A_340 = tpu.sem_alloc : memref<!tpu.dma_semaphore, #tpu.memory_space<semaphore_mem>>
        %dma_start3A_341 = arith.constant 0 : i32
        %dma_start3A_342 = tpu.memref_slice %arg13[%run_scoped3A, %dma_start3A_341] : memref<8x128xi32, #tpu.memory_space<vmem>> -> memref<1x128xi32, #tpu.memory_space<vmem>>
        %dma_start3A_343 = tpu.memref_squeeze %dma_start3A_342 : memref<1x128xi32, #tpu.memory_space<vmem>> -> memref<128xi32, #tpu.memory_space<vmem>>
        %dma_start3A_344 = tpu.memref_slice %arg3[%add3A_27] : memref<327680xi32, #tpu.memory_space<hbm>> -> memref<128xi32, #tpu.memory_space<hbm>>
        %dma_start3A_345 = arith.constant 0 : i32
        %dma_start3A_346 = tpu.memref_slice %arg13[%run_scoped3A, %dma_start3A_345] : memref<8x128xi32, #tpu.memory_space<vmem>> -> memref<1x128xi32, #tpu.memory_space<vmem>>
        %dma_start3A_347 = tpu.memref_squeeze %dma_start3A_346 : memref<1x128xi32, #tpu.memory_space<vmem>> -> memref<128xi32, #tpu.memory_space<vmem>>
        %dma_start3A_348 = tpu.memref_slice %arg3[%add3A_27] : memref<327680xi32, #tpu.memory_space<hbm>> -> memref<128xi32, #tpu.memory_space<hbm>>
        tpu.enqueue_dma source(%dma_start3A_348 : memref<128xi32, #tpu.memory_space<hbm>>) target(%dma_start3A_347 : memref<128xi32, #tpu.memory_space<vmem>>) target_semaphore(%run_scoped3A_340 : memref<!tpu.dma_semaphore, #tpu.memory_space<semaphore_mem>>)
        %dma_wait3A_349 = arith.constant 0 : i32
        %dma_wait3A_350 = tpu.memref_slice %arg13[%run_scoped3A, %dma_wait3A_349] : memref<8x128xi32, #tpu.memory_space<vmem>> -> memref<1x128xi32, #tpu.memory_space<vmem>>
        %dma_wait3A_351 = tpu.memref_squeeze %dma_wait3A_350 : memref<1x128xi32, #tpu.memory_space<vmem>> -> memref<128xi32, #tpu.memory_space<vmem>>
        %dma_wait3A_352 = tpu.memref_slice %arg3[%add3A_27] : memref<327680xi32, #tpu.memory_space<hbm>> -> memref<128xi32, #tpu.memory_space<hbm>>
        %dma_wait3A_353 = arith.constant 0 : i32
        %dma_wait3A_354 = tpu.memref_slice %arg13[%run_scoped3A, %dma_wait3A_353] : memref<8x128xi32, #tpu.memory_space<vmem>> -> memref<1x128xi32, #tpu.memory_space<vmem>>
        %dma_wait3A_355 = tpu.memref_squeeze %dma_wait3A_354 : memref<1x128xi32, #tpu.memory_space<vmem>> -> memref<128xi32, #tpu.memory_space<vmem>>
        %dma_wait3A_356 = tpu.memref_slice %arg3[%add3A_27] : memref<327680xi32, #tpu.memory_space<hbm>> -> memref<128xi32, #tpu.memory_space<hbm>>
        tpu.wait_dma2 semaphore(%run_scoped3A_340 : memref<!tpu.dma_semaphore, #tpu.memory_space<semaphore_mem>>) src(%dma_wait3A_356 : memref<128xi32, #tpu.memory_space<hbm>>) dst(%dma_wait3A_355 : memref<128xi32, #tpu.memory_space<vmem>>)
        tpu.yield
      }) : () -> ()
      %add3A_28 = arith.constant 128 : i32
      %add3A_29 = arith.addi %add3A_25, %add3A_28 : i32
      %run_scoped3A_30 = arith.constant 1 : i32
      "tpu.region"() ({
        %run_scoped3A_340 = tpu.sem_alloc : memref<!tpu.dma_semaphore, #tpu.memory_space<semaphore_mem>>
        %dma_start3A_341 = arith.constant 0 : i32
        %dma_start3A_342 = tpu.memref_slice %arg13[%run_scoped3A_30, %dma_start3A_341] : memref<8x128xi32, #tpu.memory_space<vmem>> -> memref<1x128xi32, #tpu.memory_space<vmem>>
        %dma_start3A_343 = tpu.memref_squeeze %dma_start3A_342 : memref<1x128xi32, #tpu.memory_space<vmem>> -> memref<128xi32, #tpu.memory_space<vmem>>
        %dma_start3A_344 = tpu.memref_slice %arg3[%add3A_29] : memref<327680xi32, #tpu.memory_space<hbm>> -> memref<128xi32, #tpu.memory_space<hbm>>
        %dma_start3A_345 = arith.constant 0 : i32
        %dma_start3A_346 = tpu.memref_slice %arg13[%run_scoped3A_30, %dma_start3A_345] : memref<8x128xi32, #tpu.memory_space<vmem>> -> memref<1x128xi32, #tpu.memory_space<vmem>>
        %dma_start3A_347 = tpu.memref_squeeze %dma_start3A_346 : memref<1x128xi32, #tpu.memory_space<vmem>> -> memref<128xi32, #tpu.memory_space<vmem>>
        %dma_start3A_348 = tpu.memref_slice %arg3[%add3A_29] : memref<327680xi32, #tpu.memory_space<hbm>> -> memref<128xi32, #tpu.memory_space<hbm>>
        tpu.enqueue_dma source(%dma_start3A_348 : memref<128xi32, #tpu.memory_space<hbm>>) target(%dma_start3A_347 : memref<128xi32, #tpu.memory_space<vmem>>) target_semaphore(%run_scoped3A_340 : memref<!tpu.dma_semaphore, #tpu.memory_space<semaphore_mem>>)
        %dma_wait3A_349 = arith.constant 0 : i32
        %dma_wait3A_350 = tpu.memref_slice %arg13[%run_scoped3A_30, %dma_wait3A_349] : memref<8x128xi32, #tpu.memory_space<vmem>> -> memref<1x128xi32, #tpu.memory_space<vmem>>
        %dma_wait3A_351 = tpu.memref_squeeze %dma_wait3A_350 : memref<1x128xi32, #tpu.memory_space<vmem>> -> memref<128xi32, #tpu.memory_space<vmem>>
        %dma_wait3A_352 = tpu.memref_slice %arg3[%add3A_29] : memref<327680xi32, #tpu.memory_space<hbm>> -> memref<128xi32, #tpu.memory_space<hbm>>
        %dma_wait3A_353 = arith.constant 0 : i32
        %dma_wait3A_354 = tpu.memref_slice %arg13[%run_scoped3A_30, %dma_wait3A_353] : memref<8x128xi32, #tpu.memory_space<vmem>> -> memref<1x128xi32, #tpu.memory_space<vmem>>
        %dma_wait3A_355 = tpu.memref_squeeze %dma_wait3A_354 : memref<1x128xi32, #tpu.memory_space<vmem>> -> memref<128xi32, #tpu.memory_space<vmem>>
        %dma_wait3A_356 = tpu.memref_slice %arg3[%add3A_29] : memref<327680xi32, #tpu.memory_space<hbm>> -> memref<128xi32, #tpu.memory_space<hbm>>
        tpu.wait_dma2 semaphore(%run_scoped3A_340 : memref<!tpu.dma_semaphore, #tpu.memory_space<semaphore_mem>>) src(%dma_wait3A_356 : memref<128xi32, #tpu.memory_space<hbm>>) dst(%dma_wait3A_355 : memref<128xi32, #tpu.memory_space<vmem>>)
        tpu.yield
      }) : () -> ()
      %add3A_31 = arith.constant 256 : i32
      %add3A_32 = arith.addi %add3A_25, %add3A_31 : i32
      %run_scoped3A_33 = arith.constant 2 : i32
      "tpu.region"() ({
        %run_scoped3A_340 = tpu.sem_alloc : memref<!tpu.dma_semaphore, #tpu.memory_space<semaphore_mem>>
        %dma_start3A_341 = arith.constant 0 : i32
        %dma_start3A_342 = tpu.memref_slice %arg13[%run_scoped3A_33, %dma_start3A_341] : memref<8x128xi32, #tpu.memory_space<vmem>> -> memref<1x128xi32, #tpu.memory_space<vmem>>
        %dma_start3A_343 = tpu.memref_squeeze %dma_start3A_342 : memref<1x128xi32, #tpu.memory_space<vmem>> -> memref<128xi32, #tpu.memory_space<vmem>>
        %dma_start3A_344 = tpu.memref_slice %arg3[%add3A_32] : memref<327680xi32, #tpu.memory_space<hbm>> -> memref<128xi32, #tpu.memory_space<hbm>>
        %dma_start3A_345 = arith.constant 0 : i32
        %dma_start3A_346 = tpu.memref_slice %arg13[%run_scoped3A_33, %dma_start3A_345] : memref<8x128xi32, #tpu.memory_space<vmem>> -> memref<1x128xi32, #tpu.memory_space<vmem>>
        %dma_start3A_347 = tpu.memref_squeeze %dma_start3A_346 : memref<1x128xi32, #tpu.memory_space<vmem>> -> memref<128xi32, #tpu.memory_space<vmem>>
        %dma_start3A_348 = tpu.memref_slice %arg3[%add3A_32] : memref<327680xi32, #tpu.memory_space<hbm>> -> memref<128xi32, #tpu.memory_space<hbm>>
        tpu.enqueue_dma source(%dma_start3A_348 : memref<128xi32, #tpu.memory_space<hbm>>) target(%dma_start3A_347 : memref<128xi32, #tpu.memory_space<vmem>>) target_semaphore(%run_scoped3A_340 : memref<!tpu.dma_semaphore, #tpu.memory_space<semaphore_mem>>)
        %dma_wait3A_349 = arith.constant 0 : i32
        %dma_wait3A_350 = tpu.memref_slice %arg13[%run_scoped3A_33, %dma_wait3A_349] : memref<8x128xi32, #tpu.memory_space<vmem>> -> memref<1x128xi32, #tpu.memory_space<vmem>>
        %dma_wait3A_351 = tpu.memref_squeeze %dma_wait3A_350 : memref<1x128xi32, #tpu.memory_space<vmem>> -> memref<128xi32, #tpu.memory_space<vmem>>
        %dma_wait3A_352 = tpu.memref_slice %arg3[%add3A_32] : memref<327680xi32, #tpu.memory_space<hbm>> -> memref<128xi32, #tpu.memory_space<hbm>>
        %dma_wait3A_353 = arith.constant 0 : i32
        %dma_wait3A_354 = tpu.memref_slice %arg13[%run_scoped3A_33, %dma_wait3A_353] : memref<8x128xi32, #tpu.memory_space<vmem>> -> memref<1x128xi32, #tpu.memory_space<vmem>>
        %dma_wait3A_355 = tpu.memref_squeeze %dma_wait3A_354 : memref<1x128xi32, #tpu.memory_space<vmem>> -> memref<128xi32, #tpu.memory_space<vmem>>
        %dma_wait3A_356 = tpu.memref_slice %arg3[%add3A_32] : memref<327680xi32, #tpu.memory_space<hbm>> -> memref<128xi32, #tpu.memory_space<hbm>>
        tpu.wait_dma2 semaphore(%run_scoped3A_340 : memref<!tpu.dma_semaphore, #tpu.memory_space<semaphore_mem>>) src(%dma_wait3A_356 : memref<128xi32, #tpu.memory_space<hbm>>) dst(%dma_wait3A_355 : memref<128xi32, #tpu.memory_space<vmem>>)
        tpu.yield
      }) : () -> ()
      %add3A_34 = arith.constant 384 : i32
      %add3A_35 = arith.addi %add3A_25, %add3A_34 : i32
      %run_scoped3A_36 = arith.constant 3 : i32
      "tpu.region"() ({
        %run_scoped3A_340 = tpu.sem_alloc : memref<!tpu.dma_semaphore, #tpu.memory_space<semaphore_mem>>
        %dma_start3A_341 = arith.constant 0 : i32
        %dma_start3A_342 = tpu.memref_slice %arg13[%run_scoped3A_36, %dma_start3A_341] : memref<8x128xi32, #tpu.memory_space<vmem>> -> memref<1x128xi32, #tpu.memory_space<vmem>>
        %dma_start3A_343 = tpu.memref_squeeze %dma_start3A_342 : memref<1x128xi32, #tpu.memory_space<vmem>> -> memref<128xi32, #tpu.memory_space<vmem>>
        %dma_start3A_344 = tpu.memref_slice %arg3[%add3A_35] : memref<327680xi32, #tpu.memory_space<hbm>> -> memref<128xi32, #tpu.memory_space<hbm>>
        %dma_start3A_345 = arith.constant 0 : i32
        %dma_start3A_346 = tpu.memref_slice %arg13[%run_scoped3A_36, %dma_start3A_345] : memref<8x128xi32, #tpu.memory_space<vmem>> -> memref<1x128xi32, #tpu.memory_space<vmem>>
        %dma_start3A_347 = tpu.memref_squeeze %dma_start3A_346 : memref<1x128xi32, #tpu.memory_space<vmem>> -> memref<128xi32, #tpu.memory_space<vmem>>
        %dma_start3A_348 = tpu.memref_slice %arg3[%add3A_35] : memref<327680xi32, #tpu.memory_space<hbm>> -> memref<128xi32, #tpu.memory_space<hbm>>
        tpu.enqueue_dma source(%dma_start3A_348 : memref<128xi32, #tpu.memory_space<hbm>>) target(%dma_start3A_347 : memref<128xi32, #tpu.memory_space<vmem>>) target_semaphore(%run_scoped3A_340 : memref<!tpu.dma_semaphore, #tpu.memory_space<semaphore_mem>>)
        %dma_wait3A_349 = arith.constant 0 : i32
        %dma_wait3A_350 = tpu.memref_slice %arg13[%run_scoped3A_36, %dma_wait3A_349] : memref<8x128xi32, #tpu.memory_space<vmem>> -> memref<1x128xi32, #tpu.memory_space<vmem>>
        %dma_wait3A_351 = tpu.memref_squeeze %dma_wait3A_350 : memref<1x128xi32, #tpu.memory_space<vmem>> -> memref<128xi32, #tpu.memory_space<vmem>>
        %dma_wait3A_352 = tpu.memref_slice %arg3[%add3A_35] : memref<327680xi32, #tpu.memory_space<hbm>> -> memref<128xi32, #tpu.memory_space<hbm>>
        %dma_wait3A_353 = arith.constant 0 : i32
        %dma_wait3A_354 = tpu.memref_slice %arg13[%run_scoped3A_36, %dma_wait3A_353] : memref<8x128xi32, #tpu.memory_space<vmem>> -> memref<1x128xi32, #tpu.memory_space<vmem>>
        %dma_wait3A_355 = tpu.memref_squeeze %dma_wait3A_354 : memref<1x128xi32, #tpu.memory_space<vmem>> -> memref<128xi32, #tpu.memory_space<vmem>>
        %dma_wait3A_356 = tpu.memref_slice %arg3[%add3A_35] : memref<327680xi32, #tpu.memory_space<hbm>> -> memref<128xi32, #tpu.memory_space<hbm>>
        tpu.wait_dma2 semaphore(%run_scoped3A_340 : memref<!tpu.dma_semaphore, #tpu.memory_space<semaphore_mem>>) src(%dma_wait3A_356 : memref<128xi32, #tpu.memory_space<hbm>>) dst(%dma_wait3A_355 : memref<128xi32, #tpu.memory_space<vmem>>)
        tpu.yield
      }) : () -> ()
      %add3A_37 = arith.constant 512 : i32
      %add3A_38 = arith.addi %add3A_25, %add3A_37 : i32
      %run_scoped3A_39 = arith.constant 4 : i32
      "tpu.region"() ({
        %run_scoped3A_340 = tpu.sem_alloc : memref<!tpu.dma_semaphore, #tpu.memory_space<semaphore_mem>>
        %dma_start3A_341 = arith.constant 0 : i32
        %dma_start3A_342 = tpu.memref_slice %arg13[%run_scoped3A_39, %dma_start3A_341] : memref<8x128xi32, #tpu.memory_space<vmem>> -> memref<1x128xi32, #tpu.memory_space<vmem>>
        %dma_start3A_343 = tpu.memref_squeeze %dma_start3A_342 : memref<1x128xi32, #tpu.memory_space<vmem>> -> memref<128xi32, #tpu.memory_space<vmem>>
        %dma_start3A_344 = tpu.memref_slice %arg3[%add3A_38] : memref<327680xi32, #tpu.memory_space<hbm>> -> memref<128xi32, #tpu.memory_space<hbm>>
        %dma_start3A_345 = arith.constant 0 : i32
        %dma_start3A_346 = tpu.memref_slice %arg13[%run_scoped3A_39, %dma_start3A_345] : memref<8x128xi32, #tpu.memory_space<vmem>> -> memref<1x128xi32, #tpu.memory_space<vmem>>
        %dma_start3A_347 = tpu.memref_squeeze %dma_start3A_346 : memref<1x128xi32, #tpu.memory_space<vmem>> -> memref<128xi32, #tpu.memory_space<vmem>>
        %dma_start3A_348 = tpu.memref_slice %arg3[%add3A_38] : memref<327680xi32, #tpu.memory_space<hbm>> -> memref<128xi32, #tpu.memory_space<hbm>>
        tpu.enqueue_dma source(%dma_start3A_348 : memref<128xi32, #tpu.memory_space<hbm>>) target(%dma_start3A_347 : memref<128xi32, #tpu.memory_space<vmem>>) target_semaphore(%run_scoped3A_340 : memref<!tpu.dma_semaphore, #tpu.memory_space<semaphore_mem>>)
        %dma_wait3A_349 = arith.constant 0 : i32
        %dma_wait3A_350 = tpu.memref_slice %arg13[%run_scoped3A_39, %dma_wait3A_349] : memref<8x128xi32, #tpu.memory_space<vmem>> -> memref<1x128xi32, #tpu.memory_space<vmem>>
        %dma_wait3A_351 = tpu.memref_squeeze %dma_wait3A_350 : memref<1x128xi32, #tpu.memory_space<vmem>> -> memref<128xi32, #tpu.memory_space<vmem>>
        %dma_wait3A_352 = tpu.memref_slice %arg3[%add3A_38] : memref<327680xi32, #tpu.memory_space<hbm>> -> memref<128xi32, #tpu.memory_space<hbm>>
        %dma_wait3A_353 = arith.constant 0 : i32
        %dma_wait3A_354 = tpu.memref_slice %arg13[%run_scoped3A_39, %dma_wait3A_353] : memref<8x128xi32, #tpu.memory_space<vmem>> -> memref<1x128xi32, #tpu.memory_space<vmem>>
        %dma_wait3A_355 = tpu.memref_squeeze %dma_wait3A_354 : memref<1x128xi32, #tpu.memory_space<vmem>> -> memref<128xi32, #tpu.memory_space<vmem>>
        %dma_wait3A_356 = tpu.memref_slice %arg3[%add3A_38] : memref<327680xi32, #tpu.memory_space<hbm>> -> memref<128xi32, #tpu.memory_space<hbm>>
        tpu.wait_dma2 semaphore(%run_scoped3A_340 : memref<!tpu.dma_semaphore, #tpu.memory_space<semaphore_mem>>) src(%dma_wait3A_356 : memref<128xi32, #tpu.memory_space<hbm>>) dst(%dma_wait3A_355 : memref<128xi32, #tpu.memory_space<vmem>>)
        tpu.yield
      }) : () -> ()
      %add3A_40 = arith.constant 640 : i32
      %add3A_41 = arith.addi %add3A_25, %add3A_40 : i32
      %run_scoped3A_42 = arith.constant 5 : i32
      "tpu.region"() ({
        %run_scoped3A_340 = tpu.sem_alloc : memref<!tpu.dma_semaphore, #tpu.memory_space<semaphore_mem>>
        %dma_start3A_341 = arith.constant 0 : i32
        %dma_start3A_342 = tpu.memref_slice %arg13[%run_scoped3A_42, %dma_start3A_341] : memref<8x128xi32, #tpu.memory_space<vmem>> -> memref<1x128xi32, #tpu.memory_space<vmem>>
        %dma_start3A_343 = tpu.memref_squeeze %dma_start3A_342 : memref<1x128xi32, #tpu.memory_space<vmem>> -> memref<128xi32, #tpu.memory_space<vmem>>
        %dma_start3A_344 = tpu.memref_slice %arg3[%add3A_41] : memref<327680xi32, #tpu.memory_space<hbm>> -> memref<128xi32, #tpu.memory_space<hbm>>
        %dma_start3A_345 = arith.constant 0 : i32
        %dma_start3A_346 = tpu.memref_slice %arg13[%run_scoped3A_42, %dma_start3A_345] : memref<8x128xi32, #tpu.memory_space<vmem>> -> memref<1x128xi32, #tpu.memory_space<vmem>>
        %dma_start3A_347 = tpu.memref_squeeze %dma_start3A_346 : memref<1x128xi32, #tpu.memory_space<vmem>> -> memref<128xi32, #tpu.memory_space<vmem>>
        %dma_start3A_348 = tpu.memref_slice %arg3[%add3A_41] : memref<327680xi32, #tpu.memory_space<hbm>> -> memref<128xi32, #tpu.memory_space<hbm>>
        tpu.enqueue_dma source(%dma_start3A_348 : memref<128xi32, #tpu.memory_space<hbm>>) target(%dma_start3A_347 : memref<128xi32, #tpu.memory_space<vmem>>) target_semaphore(%run_scoped3A_340 : memref<!tpu.dma_semaphore, #tpu.memory_space<semaphore_mem>>)
        %dma_wait3A_349 = arith.constant 0 : i32
        %dma_wait3A_350 = tpu.memref_slice %arg13[%run_scoped3A_42, %dma_wait3A_349] : memref<8x128xi32, #tpu.memory_space<vmem>> -> memref<1x128xi32, #tpu.memory_space<vmem>>
        %dma_wait3A_351 = tpu.memref_squeeze %dma_wait3A_350 : memref<1x128xi32, #tpu.memory_space<vmem>> -> memref<128xi32, #tpu.memory_space<vmem>>
        %dma_wait3A_352 = tpu.memref_slice %arg3[%add3A_41] : memref<327680xi32, #tpu.memory_space<hbm>> -> memref<128xi32, #tpu.memory_space<hbm>>
        %dma_wait3A_353 = arith.constant 0 : i32
        %dma_wait3A_354 = tpu.memref_slice %arg13[%run_scoped3A_42, %dma_wait3A_353] : memref<8x128xi32, #tpu.memory_space<vmem>> -> memref<1x128xi32, #tpu.memory_space<vmem>>
        %dma_wait3A_355 = tpu.memref_squeeze %dma_wait3A_354 : memref<1x128xi32, #tpu.memory_space<vmem>> -> memref<128xi32, #tpu.memory_space<vmem>>
        %dma_wait3A_356 = tpu.memref_slice %arg3[%add3A_41] : memref<327680xi32, #tpu.memory_space<hbm>> -> memref<128xi32, #tpu.memory_space<hbm>>
        tpu.wait_dma2 semaphore(%run_scoped3A_340 : memref<!tpu.dma_semaphore, #tpu.memory_space<semaphore_mem>>) src(%dma_wait3A_356 : memref<128xi32, #tpu.memory_space<hbm>>) dst(%dma_wait3A_355 : memref<128xi32, #tpu.memory_space<vmem>>)
        tpu.yield
      }) : () -> ()
      %add3A_43 = arith.constant 768 : i32
      %add3A_44 = arith.addi %add3A_25, %add3A_43 : i32
      %run_scoped3A_45 = arith.constant 6 : i32
      "tpu.region"() ({
        %run_scoped3A_340 = tpu.sem_alloc : memref<!tpu.dma_semaphore, #tpu.memory_space<semaphore_mem>>
        %dma_start3A_341 = arith.constant 0 : i32
        %dma_start3A_342 = tpu.memref_slice %arg13[%run_scoped3A_45, %dma_start3A_341] : memref<8x128xi32, #tpu.memory_space<vmem>> -> memref<1x128xi32, #tpu.memory_space<vmem>>
        %dma_start3A_343 = tpu.memref_squeeze %dma_start3A_342 : memref<1x128xi32, #tpu.memory_space<vmem>> -> memref<128xi32, #tpu.memory_space<vmem>>
        %dma_start3A_344 = tpu.memref_slice %arg3[%add3A_44] : memref<327680xi32, #tpu.memory_space<hbm>> -> memref<128xi32, #tpu.memory_space<hbm>>
        %dma_start3A_345 = arith.constant 0 : i32
        %dma_start3A_346 = tpu.memref_slice %arg13[%run_scoped3A_45, %dma_start3A_345] : memref<8x128xi32, #tpu.memory_space<vmem>> -> memref<1x128xi32, #tpu.memory_space<vmem>>
        %dma_start3A_347 = tpu.memref_squeeze %dma_start3A_346 : memref<1x128xi32, #tpu.memory_space<vmem>> -> memref<128xi32, #tpu.memory_space<vmem>>
        %dma_start3A_348 = tpu.memref_slice %arg3[%add3A_44] : memref<327680xi32, #tpu.memory_space<hbm>> -> memref<128xi32, #tpu.memory_space<hbm>>
        tpu.enqueue_dma source(%dma_start3A_348 : memref<128xi32, #tpu.memory_space<hbm>>) target(%dma_start3A_347 : memref<128xi32, #tpu.memory_space<vmem>>) target_semaphore(%run_scoped3A_340 : memref<!tpu.dma_semaphore, #tpu.memory_space<semaphore_mem>>)
        %dma_wait3A_349 = arith.constant 0 : i32
        %dma_wait3A_350 = tpu.memref_slice %arg13[%run_scoped3A_45, %dma_wait3A_349] : memref<8x128xi32, #tpu.memory_space<vmem>> -> memref<1x128xi32, #tpu.memory_space<vmem>>
        %dma_wait3A_351 = tpu.memref_squeeze %dma_wait3A_350 : memref<1x128xi32, #tpu.memory_space<vmem>> -> memref<128xi32, #tpu.memory_space<vmem>>
        %dma_wait3A_352 = tpu.memref_slice %arg3[%add3A_44] : memref<327680xi32, #tpu.memory_space<hbm>> -> memref<128xi32, #tpu.memory_space<hbm>>
        %dma_wait3A_353 = arith.constant 0 : i32
        %dma_wait3A_354 = tpu.memref_slice %arg13[%run_scoped3A_45, %dma_wait3A_353] : memref<8x128xi32, #tpu.memory_space<vmem>> -> memref<1x128xi32, #tpu.memory_space<vmem>>
        %dma_wait3A_355 = tpu.memref_squeeze %dma_wait3A_354 : memref<1x128xi32, #tpu.memory_space<vmem>> -> memref<128xi32, #tpu.memory_space<vmem>>
        %dma_wait3A_356 = tpu.memref_slice %arg3[%add3A_44] : memref<327680xi32, #tpu.memory_space<hbm>> -> memref<128xi32, #tpu.memory_space<hbm>>
        tpu.wait_dma2 semaphore(%run_scoped3A_340 : memref<!tpu.dma_semaphore, #tpu.memory_space<semaphore_mem>>) src(%dma_wait3A_356 : memref<128xi32, #tpu.memory_space<hbm>>) dst(%dma_wait3A_355 : memref<128xi32, #tpu.memory_space<vmem>>)
        tpu.yield
      }) : () -> ()
      %add3A_46 = arith.constant 896 : i32
      %add3A_47 = arith.addi %add3A_25, %add3A_46 : i32
      %run_scoped3A_48 = arith.constant 7 : i32
      "tpu.region"() ({
        %run_scoped3A_340 = tpu.sem_alloc : memref<!tpu.dma_semaphore, #tpu.memory_space<semaphore_mem>>
        %dma_start3A_341 = arith.constant 0 : i32
        %dma_start3A_342 = tpu.memref_slice %arg13[%run_scoped3A_48, %dma_start3A_341] : memref<8x128xi32, #tpu.memory_space<vmem>> -> memref<1x128xi32, #tpu.memory_space<vmem>>
        %dma_start3A_343 = tpu.memref_squeeze %dma_start3A_342 : memref<1x128xi32, #tpu.memory_space<vmem>> -> memref<128xi32, #tpu.memory_space<vmem>>
        %dma_start3A_344 = tpu.memref_slice %arg3[%add3A_47] : memref<327680xi32, #tpu.memory_space<hbm>> -> memref<128xi32, #tpu.memory_space<hbm>>
        %dma_start3A_345 = arith.constant 0 : i32
        %dma_start3A_346 = tpu.memref_slice %arg13[%run_scoped3A_48, %dma_start3A_345] : memref<8x128xi32, #tpu.memory_space<vmem>> -> memref<1x128xi32, #tpu.memory_space<vmem>>
        %dma_start3A_347 = tpu.memref_squeeze %dma_start3A_346 : memref<1x128xi32, #tpu.memory_space<vmem>> -> memref<128xi32, #tpu.memory_space<vmem>>
        %dma_start3A_348 = tpu.memref_slice %arg3[%add3A_47] : memref<327680xi32, #tpu.memory_space<hbm>> -> memref<128xi32, #tpu.memory_space<hbm>>
        tpu.enqueue_dma source(%dma_start3A_348 : memref<128xi32, #tpu.memory_space<hbm>>) target(%dma_start3A_347 : memref<128xi32, #tpu.memory_space<vmem>>) target_semaphore(%run_scoped3A_340 : memref<!tpu.dma_semaphore, #tpu.memory_space<semaphore_mem>>)
        %dma_wait3A_349 = arith.constant 0 : i32
        %dma_wait3A_350 = tpu.memref_slice %arg13[%run_scoped3A_48, %dma_wait3A_349] : memref<8x128xi32, #tpu.memory_space<vmem>> -> memref<1x128xi32, #tpu.memory_space<vmem>>
        %dma_wait3A_351 = tpu.memref_squeeze %dma_wait3A_350 : memref<1x128xi32, #tpu.memory_space<vmem>> -> memref<128xi32, #tpu.memory_space<vmem>>
        %dma_wait3A_352 = tpu.memref_slice %arg3[%add3A_47] : memref<327680xi32, #tpu.memory_space<hbm>> -> memref<128xi32, #tpu.memory_space<hbm>>
        %dma_wait3A_353 = arith.constant 0 : i32
        %dma_wait3A_354 = tpu.memref_slice %arg13[%run_scoped3A_48, %dma_wait3A_353] : memref<8x128xi32, #tpu.memory_space<vmem>> -> memref<1x128xi32, #tpu.memory_space<vmem>>
        %dma_wait3A_355 = tpu.memref_squeeze %dma_wait3A_354 : memref<1x128xi32, #tpu.memory_space<vmem>> -> memref<128xi32, #tpu.memory_space<vmem>>
        %dma_wait3A_356 = tpu.memref_slice %arg3[%add3A_47] : memref<327680xi32, #tpu.memory_space<hbm>> -> memref<128xi32, #tpu.memory_space<hbm>>
        tpu.wait_dma2 semaphore(%run_scoped3A_340 : memref<!tpu.dma_semaphore, #tpu.memory_space<semaphore_mem>>) src(%dma_wait3A_356 : memref<128xi32, #tpu.memory_space<hbm>>) dst(%dma_wait3A_355 : memref<128xi32, #tpu.memory_space<vmem>>)
        tpu.yield
      }) : () -> ()
      %dma_start3A = arith.constant 0 : i32
      %dma_start3A_49 = arith.constant 0 : i32
      %dma_start3A_50 = tpu.memref_slice %arg14[%dma_start3A, %dma_start3A_49] : memref<1024x16xf32, #tpu.memory_space<vmem>> -> memref<128x16xf32, #tpu.memory_space<vmem>>
      %dma_start3A_51 = arith.constant 0 : i32
      %dma_start3A_52 = tpu.memref_slice %arg9[%dma_start3A_51] : memref<1024xi32, #tpu.memory_space<vmem>> -> memref<128xi32, #tpu.memory_space<vmem>>
      %dma_start3A_53 = arith.constant 0 : i32
      %dma_start3A_54 = arith.constant 0 : i32
      %dma_start3A_55 = tpu.memref_slice %arg6[%dma_start3A_53, %dma_start3A_54] : memref<10000x16xf32, #tpu.memory_space<hbm>> -> memref<10000x16xf32, #tpu.memory_space<hbm>>
      tpu.enqueue_indirect_dma source(%dma_start3A_55 : memref<10000x16xf32, #tpu.memory_space<hbm>>) target(%dma_start3A_50 : memref<128x16xf32, #tpu.memory_space<vmem>>) offsets(%dma_start3A_52 : memref<128xi32, #tpu.memory_space<vmem>>) semaphore(%arg18 : memref<!tpu.dma_semaphore, #tpu.memory_space<semaphore_mem>>)
      %dma_start3A_56 = arith.constant 128 : i32
      %dma_start3A_57 = arith.constant 0 : i32
      %dma_start3A_58 = tpu.memref_slice %arg14[%dma_start3A_56, %dma_start3A_57] : memref<1024x16xf32, #tpu.memory_space<vmem>> -> memref<128x16xf32, #tpu.memory_space<vmem>>
      %dma_start3A_59 = arith.constant 128 : i32
      %dma_start3A_60 = tpu.memref_slice %arg9[%dma_start3A_59] : memref<1024xi32, #tpu.memory_space<vmem>> -> memref<128xi32, #tpu.memory_space<vmem>>
      %dma_start3A_61 = arith.constant 0 : i32
      %dma_start3A_62 = arith.constant 0 : i32
      %dma_start3A_63 = tpu.memref_slice %arg6[%dma_start3A_61, %dma_start3A_62] : memref<10000x16xf32, #tpu.memory_space<hbm>> -> memref<10000x16xf32, #tpu.memory_space<hbm>>
      tpu.enqueue_indirect_dma source(%dma_start3A_63 : memref<10000x16xf32, #tpu.memory_space<hbm>>) target(%dma_start3A_58 : memref<128x16xf32, #tpu.memory_space<vmem>>) offsets(%dma_start3A_60 : memref<128xi32, #tpu.memory_space<vmem>>) semaphore(%arg18 : memref<!tpu.dma_semaphore, #tpu.memory_space<semaphore_mem>>)
      %dma_start3A_64 = arith.constant 256 : i32
      %dma_start3A_65 = arith.constant 0 : i32
      %dma_start3A_66 = tpu.memref_slice %arg14[%dma_start3A_64, %dma_start3A_65] : memref<1024x16xf32, #tpu.memory_space<vmem>> -> memref<128x16xf32, #tpu.memory_space<vmem>>
      %dma_start3A_67 = arith.constant 256 : i32
      %dma_start3A_68 = tpu.memref_slice %arg9[%dma_start3A_67] : memref<1024xi32, #tpu.memory_space<vmem>> -> memref<128xi32, #tpu.memory_space<vmem>>
      %dma_start3A_69 = arith.constant 0 : i32
      %dma_start3A_70 = arith.constant 0 : i32
      %dma_start3A_71 = tpu.memref_slice %arg6[%dma_start3A_69, %dma_start3A_70] : memref<10000x16xf32, #tpu.memory_space<hbm>> -> memref<10000x16xf32, #tpu.memory_space<hbm>>
      tpu.enqueue_indirect_dma source(%dma_start3A_71 : memref<10000x16xf32, #tpu.memory_space<hbm>>) target(%dma_start3A_66 : memref<128x16xf32, #tpu.memory_space<vmem>>) offsets(%dma_start3A_68 : memref<128xi32, #tpu.memory_space<vmem>>) semaphore(%arg18 : memref<!tpu.dma_semaphore, #tpu.memory_space<semaphore_mem>>)
      %dma_start3A_72 = arith.constant 384 : i32
      %dma_start3A_73 = arith.constant 0 : i32
      %dma_start3A_74 = tpu.memref_slice %arg14[%dma_start3A_72, %dma_start3A_73] : memref<1024x16xf32, #tpu.memory_space<vmem>> -> memref<128x16xf32, #tpu.memory_space<vmem>>
      %dma_start3A_75 = arith.constant 384 : i32
      %dma_start3A_76 = tpu.memref_slice %arg9[%dma_start3A_75] : memref<1024xi32, #tpu.memory_space<vmem>> -> memref<128xi32, #tpu.memory_space<vmem>>
      %dma_start3A_77 = arith.constant 0 : i32
      %dma_start3A_78 = arith.constant 0 : i32
      %dma_start3A_79 = tpu.memref_slice %arg6[%dma_start3A_77, %dma_start3A_78] : memref<10000x16xf32, #tpu.memory_space<hbm>> -> memref<10000x16xf32, #tpu.memory_space<hbm>>
      tpu.enqueue_indirect_dma source(%dma_start3A_79 : memref<10000x16xf32, #tpu.memory_space<hbm>>) target(%dma_start3A_74 : memref<128x16xf32, #tpu.memory_space<vmem>>) offsets(%dma_start3A_76 : memref<128xi32, #tpu.memory_space<vmem>>) semaphore(%arg18 : memref<!tpu.dma_semaphore, #tpu.memory_space<semaphore_mem>>)
      %dma_start3A_80 = arith.constant 512 : i32
      %dma_start3A_81 = arith.constant 0 : i32
      %dma_start3A_82 = tpu.memref_slice %arg14[%dma_start3A_80, %dma_start3A_81] : memref<1024x16xf32, #tpu.memory_space<vmem>> -> memref<128x16xf32, #tpu.memory_space<vmem>>
      %dma_start3A_83 = arith.constant 512 : i32
      %dma_start3A_84 = tpu.memref_slice %arg9[%dma_start3A_83] : memref<1024xi32, #tpu.memory_space<vmem>> -> memref<128xi32, #tpu.memory_space<vmem>>
      %dma_start3A_85 = arith.constant 0 : i32
      %dma_start3A_86 = arith.constant 0 : i32
      %dma_start3A_87 = tpu.memref_slice %arg6[%dma_start3A_85, %dma_start3A_86] : memref<10000x16xf32, #tpu.memory_space<hbm>> -> memref<10000x16xf32, #tpu.memory_space<hbm>>
      tpu.enqueue_indirect_dma source(%dma_start3A_87 : memref<10000x16xf32, #tpu.memory_space<hbm>>) target(%dma_start3A_82 : memref<128x16xf32, #tpu.memory_space<vmem>>) offsets(%dma_start3A_84 : memref<128xi32, #tpu.memory_space<vmem>>) semaphore(%arg18 : memref<!tpu.dma_semaphore, #tpu.memory_space<semaphore_mem>>)
      %dma_start3A_88 = arith.constant 640 : i32
      %dma_start3A_89 = arith.constant 0 : i32
      %dma_start3A_90 = tpu.memref_slice %arg14[%dma_start3A_88, %dma_start3A_89] : memref<1024x16xf32, #tpu.memory_space<vmem>> -> memref<128x16xf32, #tpu.memory_space<vmem>>
      %dma_start3A_91 = arith.constant 640 : i32
      %dma_start3A_92 = tpu.memref_slice %arg9[%dma_start3A_91] : memref<1024xi32, #tpu.memory_space<vmem>> -> memref<128xi32, #tpu.memory_space<vmem>>
      %dma_start3A_93 = arith.constant 0 : i32
      %dma_start3A_94 = arith.constant 0 : i32
      %dma_start3A_95 = tpu.memref_slice %arg6[%dma_start3A_93, %dma_start3A_94] : memref<10000x16xf32, #tpu.memory_space<hbm>> -> memref<10000x16xf32, #tpu.memory_space<hbm>>
      tpu.enqueue_indirect_dma source(%dma_start3A_95 : memref<10000x16xf32, #tpu.memory_space<hbm>>) target(%dma_start3A_90 : memref<128x16xf32, #tpu.memory_space<vmem>>) offsets(%dma_start3A_92 : memref<128xi32, #tpu.memory_space<vmem>>) semaphore(%arg18 : memref<!tpu.dma_semaphore, #tpu.memory_space<semaphore_mem>>)
      %dma_start3A_96 = arith.constant 768 : i32
      %dma_start3A_97 = arith.constant 0 : i32
      %dma_start3A_98 = tpu.memref_slice %arg14[%dma_start3A_96, %dma_start3A_97] : memref<1024x16xf32, #tpu.memory_space<vmem>> -> memref<128x16xf32, #tpu.memory_space<vmem>>
      %dma_start3A_99 = arith.constant 768 : i32
      %dma_start3A_100 = tpu.memref_slice %arg9[%dma_start3A_99] : memref<1024xi32, #tpu.memory_space<vmem>> -> memref<128xi32, #tpu.memory_space<vmem>>
      %dma_start3A_101 = arith.constant 0 : i32
      %dma_start3A_102 = arith.constant 0 : i32
      %dma_start3A_103 = tpu.memref_slice %arg6[%dma_start3A_101, %dma_start3A_102] : memref<10000x16xf32, #tpu.memory_space<hbm>> -> memref<10000x16xf32, #tpu.memory_space<hbm>>
      tpu.enqueue_indirect_dma source(%dma_start3A_103 : memref<10000x16xf32, #tpu.memory_space<hbm>>) target(%dma_start3A_98 : memref<128x16xf32, #tpu.memory_space<vmem>>) offsets(%dma_start3A_100 : memref<128xi32, #tpu.memory_space<vmem>>) semaphore(%arg18 : memref<!tpu.dma_semaphore, #tpu.memory_space<semaphore_mem>>)
      %dma_start3A_104 = arith.constant 896 : i32
      %dma_start3A_105 = arith.constant 0 : i32
      %dma_start3A_106 = tpu.memref_slice %arg14[%dma_start3A_104, %dma_start3A_105] : memref<1024x16xf32, #tpu.memory_space<vmem>> -> memref<128x16xf32, #tpu.memory_space<vmem>>
      %dma_start3A_107 = arith.constant 896 : i32
      %dma_start3A_108 = tpu.memref_slice %arg9[%dma_start3A_107] : memref<1024xi32, #tpu.memory_space<vmem>> -> memref<128xi32, #tpu.memory_space<vmem>>
      %dma_start3A_109 = arith.constant 0 : i32
      %dma_start3A_110 = arith.constant 0 : i32
      %dma_start3A_111 = tpu.memref_slice %arg6[%dma_start3A_109, %dma_start3A_110] : memref<10000x16xf32, #tpu.memory_space<hbm>> -> memref<10000x16xf32, #tpu.memory_space<hbm>>
      tpu.enqueue_indirect_dma source(%dma_start3A_111 : memref<10000x16xf32, #tpu.memory_space<hbm>>) target(%dma_start3A_106 : memref<128x16xf32, #tpu.memory_space<vmem>>) offsets(%dma_start3A_108 : memref<128xi32, #tpu.memory_space<vmem>>) semaphore(%arg18 : memref<!tpu.dma_semaphore, #tpu.memory_space<semaphore_mem>>)
      %parallel_loop3A = arith.constant 0 : i32
      %parallel_loop3A_112 = arith.constant 64 : i32
      %parallel_loop3A_113 = arith.constant 1 : i32
      scf.for %parallel_loop3A_340 = %parallel_loop3A to %parallel_loop3A_112 step %parallel_loop3A_113  : i32 {
        %parallel_loop3A_341 = arith.constant 16 : i32
        %parallel_loop3A_342 = arith.muli %parallel_loop3A_340, %parallel_loop3A_341 : i32
        %parallel_loop3A_343 = arith.index_cast %parallel_loop3A_342 : i32 to index
        %parallel_loop3A_344 = tpu.vector_load %arg9[%parallel_loop3A_343] {strides = array<i32>} : memref<1024xi32, #tpu.memory_space<vmem>>, vector<16xi32>,
        %parallel_loop3A_345 = arith.index_cast %parallel_loop3A_342 : i32 to index
        %parallel_loop3A_346 = tpu.vector_load %arg10[%parallel_loop3A_345] {strides = array<i32>} : memref<1024xi32, #tpu.memory_space<vmem>>, vector<16xi32>,
        %parallel_loop3A_347 = arith.index_cast %parallel_loop3A_342 : i32 to index
        %parallel_loop3A_348 = tpu.vector_load %arg11[%parallel_loop3A_347] {strides = array<i32>} : memref<1024xf32, #tpu.memory_space<vmem>>, vector<16xf32>,
        %parallel_loop3A_349 = tpu.vector_load_idx %arg8[%parallel_loop3A_344] : memref<10000xf32, #tpu.memory_space<vmem>>[vector<16xi32>], vector<16xf32>,
        %parallel_loop3A_350 = tpu.vector_load_idx %arg8[%parallel_loop3A_346] : memref<10000xf32, #tpu.memory_space<vmem>>[vector<16xi32>], vector<16xf32>,
        %parallel_loop3A_351 = arith.mulf %parallel_loop3A_349, %parallel_loop3A_348 : vector<16xf32>
        %parallel_loop3A_352 = arith.mulf %parallel_loop3A_351, %parallel_loop3A_350 : vector<16xf32>
        %parallel_loop3A_353 = arith.index_cast %parallel_loop3A_342 : i32 to index
        %parallel_loop3A_354 = tpu.vector_load %arg12[%parallel_loop3A_353] {strides = array<i32>} : memref<1024xf32, #tpu.memory_space<vmem>>, vector<16xf32>,
        tpu.vector_store %arg12[%parallel_loop3A_353], %parallel_loop3A_352 {strides = array<i32>} : memref<1024xf32, #tpu.memory_space<vmem>>, vector<16xf32>,
      } {sc.loop_unroll_factor = 4 : i64, sc.parallel_access}
      %dma_wait3A = arith.constant 0 : i32
      %dma_wait3A_114 = arith.constant 0 : i32
      %dma_wait3A_115 = tpu.memref_slice %arg14[%dma_wait3A, %dma_wait3A_114] : memref<1024x16xf32, #tpu.memory_space<vmem>> -> memref<128x16xf32, #tpu.memory_space<vmem>>
      %dma_wait3A_116 = arith.constant 0 : i32
      %dma_wait3A_117 = tpu.memref_slice %arg9[%dma_wait3A_116] : memref<1024xi32, #tpu.memory_space<vmem>> -> memref<128xi32, #tpu.memory_space<vmem>>
      %dma_wait3A_118 = arith.constant 0 : i32
      %dma_wait3A_119 = arith.constant 0 : i32
      %dma_wait3A_120 = tpu.memref_slice %arg6[%dma_wait3A_118, %dma_wait3A_119] : memref<10000x16xf32, #tpu.memory_space<hbm>> -> memref<10000x16xf32, #tpu.memory_space<hbm>>
      tpu.wait_indirect_dma semaphore(%arg18 : memref<!tpu.dma_semaphore, #tpu.memory_space<semaphore_mem>>) src(%dma_wait3A_120 : memref<10000x16xf32, #tpu.memory_space<hbm>>) dst(%dma_wait3A_115 : memref<128x16xf32, #tpu.memory_space<vmem>>)
      %dma_wait3A_121 = arith.constant 128 : i32
      %dma_wait3A_122 = arith.constant 0 : i32
      %dma_wait3A_123 = tpu.memref_slice %arg14[%dma_wait3A_121, %dma_wait3A_122] : memref<1024x16xf32, #tpu.memory_space<vmem>> -> memref<128x16xf32, #tpu.memory_space<vmem>>
      %dma_wait3A_124 = arith.constant 128 : i32
      %dma_wait3A_125 = tpu.memref_slice %arg9[%dma_wait3A_124] : memref<1024xi32, #tpu.memory_space<vmem>> -> memref<128xi32, #tpu.memory_space<vmem>>
      %dma_wait3A_126 = arith.constant 0 : i32
      %dma_wait3A_127 = arith.constant 0 : i32
      %dma_wait3A_128 = tpu.memref_slice %arg6[%dma_wait3A_126, %dma_wait3A_127] : memref<10000x16xf32, #tpu.memory_space<hbm>> -> memref<10000x16xf32, #tpu.memory_space<hbm>>
      tpu.wait_indirect_dma semaphore(%arg18 : memref<!tpu.dma_semaphore, #tpu.memory_space<semaphore_mem>>) src(%dma_wait3A_128 : memref<10000x16xf32, #tpu.memory_space<hbm>>) dst(%dma_wait3A_123 : memref<128x16xf32, #tpu.memory_space<vmem>>)
      %dma_wait3A_129 = arith.constant 256 : i32
      %dma_wait3A_130 = arith.constant 0 : i32
      %dma_wait3A_131 = tpu.memref_slice %arg14[%dma_wait3A_129, %dma_wait3A_130] : memref<1024x16xf32, #tpu.memory_space<vmem>> -> memref<128x16xf32, #tpu.memory_space<vmem>>
      %dma_wait3A_132 = arith.constant 256 : i32
      %dma_wait3A_133 = tpu.memref_slice %arg9[%dma_wait3A_132] : memref<1024xi32, #tpu.memory_space<vmem>> -> memref<128xi32, #tpu.memory_space<vmem>>
      %dma_wait3A_134 = arith.constant 0 : i32
      %dma_wait3A_135 = arith.constant 0 : i32
      %dma_wait3A_136 = tpu.memref_slice %arg6[%dma_wait3A_134, %dma_wait3A_135] : memref<10000x16xf32, #tpu.memory_space<hbm>> -> memref<10000x16xf32, #tpu.memory_space<hbm>>
      tpu.wait_indirect_dma semaphore(%arg18 : memref<!tpu.dma_semaphore, #tpu.memory_space<semaphore_mem>>) src(%dma_wait3A_136 : memref<10000x16xf32, #tpu.memory_space<hbm>>) dst(%dma_wait3A_131 : memref<128x16xf32, #tpu.memory_space<vmem>>)
      %dma_wait3A_137 = arith.constant 384 : i32
      %dma_wait3A_138 = arith.constant 0 : i32
      %dma_wait3A_139 = tpu.memref_slice %arg14[%dma_wait3A_137, %dma_wait3A_138] : memref<1024x16xf32, #tpu.memory_space<vmem>> -> memref<128x16xf32, #tpu.memory_space<vmem>>
      %dma_wait3A_140 = arith.constant 384 : i32
      %dma_wait3A_141 = tpu.memref_slice %arg9[%dma_wait3A_140] : memref<1024xi32, #tpu.memory_space<vmem>> -> memref<128xi32, #tpu.memory_space<vmem>>
      %dma_wait3A_142 = arith.constant 0 : i32
      %dma_wait3A_143 = arith.constant 0 : i32
      %dma_wait3A_144 = tpu.memref_slice %arg6[%dma_wait3A_142, %dma_wait3A_143] : memref<10000x16xf32, #tpu.memory_space<hbm>> -> memref<10000x16xf32, #tpu.memory_space<hbm>>
      tpu.wait_indirect_dma semaphore(%arg18 : memref<!tpu.dma_semaphore, #tpu.memory_space<semaphore_mem>>) src(%dma_wait3A_144 : memref<10000x16xf32, #tpu.memory_space<hbm>>) dst(%dma_wait3A_139 : memref<128x16xf32, #tpu.memory_space<vmem>>)
      %dma_wait3A_145 = arith.constant 512 : i32
      %dma_wait3A_146 = arith.constant 0 : i32
      %dma_wait3A_147 = tpu.memref_slice %arg14[%dma_wait3A_145, %dma_wait3A_146] : memref<1024x16xf32, #tpu.memory_space<vmem>> -> memref<128x16xf32, #tpu.memory_space<vmem>>
      %dma_wait3A_148 = arith.constant 512 : i32
      %dma_wait3A_149 = tpu.memref_slice %arg9[%dma_wait3A_148] : memref<1024xi32, #tpu.memory_space<vmem>> -> memref<128xi32, #tpu.memory_space<vmem>>
      %dma_wait3A_150 = arith.constant 0 : i32
      %dma_wait3A_151 = arith.constant 0 : i32
      %dma_wait3A_152 = tpu.memref_slice %arg6[%dma_wait3A_150, %dma_wait3A_151] : memref<10000x16xf32, #tpu.memory_space<hbm>> -> memref<10000x16xf32, #tpu.memory_space<hbm>>
      tpu.wait_indirect_dma semaphore(%arg18 : memref<!tpu.dma_semaphore, #tpu.memory_space<semaphore_mem>>) src(%dma_wait3A_152 : memref<10000x16xf32, #tpu.memory_space<hbm>>) dst(%dma_wait3A_147 : memref<128x16xf32, #tpu.memory_space<vmem>>)
      %dma_wait3A_153 = arith.constant 640 : i32
      %dma_wait3A_154 = arith.constant 0 : i32
      %dma_wait3A_155 = tpu.memref_slice %arg14[%dma_wait3A_153, %dma_wait3A_154] : memref<1024x16xf32, #tpu.memory_space<vmem>> -> memref<128x16xf32, #tpu.memory_space<vmem>>
      %dma_wait3A_156 = arith.constant 640 : i32
      %dma_wait3A_157 = tpu.memref_slice %arg9[%dma_wait3A_156] : memref<1024xi32, #tpu.memory_space<vmem>> -> memref<128xi32, #tpu.memory_space<vmem>>
      %dma_wait3A_158 = arith.constant 0 : i32
      %dma_wait3A_159 = arith.constant 0 : i32
      %dma_wait3A_160 = tpu.memref_slice %arg6[%dma_wait3A_158, %dma_wait3A_159] : memref<10000x16xf32, #tpu.memory_space<hbm>> -> memref<10000x16xf32, #tpu.memory_space<hbm>>
      tpu.wait_indirect_dma semaphore(%arg18 : memref<!tpu.dma_semaphore, #tpu.memory_space<semaphore_mem>>) src(%dma_wait3A_160 : memref<10000x16xf32, #tpu.memory_space<hbm>>) dst(%dma_wait3A_155 : memref<128x16xf32, #tpu.memory_space<vmem>>)
      %dma_wait3A_161 = arith.constant 768 : i32
      %dma_wait3A_162 = arith.constant 0 : i32
      %dma_wait3A_163 = tpu.memref_slice %arg14[%dma_wait3A_161, %dma_wait3A_162] : memref<1024x16xf32, #tpu.memory_space<vmem>> -> memref<128x16xf32, #tpu.memory_space<vmem>>
      %dma_wait3A_164 = arith.constant 768 : i32
      %dma_wait3A_165 = tpu.memref_slice %arg9[%dma_wait3A_164] : memref<1024xi32, #tpu.memory_space<vmem>> -> memref<128xi32, #tpu.memory_space<vmem>>
      %dma_wait3A_166 = arith.constant 0 : i32
      %dma_wait3A_167 = arith.constant 0 : i32
      %dma_wait3A_168 = tpu.memref_slice %arg6[%dma_wait3A_166, %dma_wait3A_167] : memref<10000x16xf32, #tpu.memory_space<hbm>> -> memref<10000x16xf32, #tpu.memory_space<hbm>>
      tpu.wait_indirect_dma semaphore(%arg18 : memref<!tpu.dma_semaphore, #tpu.memory_space<semaphore_mem>>) src(%dma_wait3A_168 : memref<10000x16xf32, #tpu.memory_space<hbm>>) dst(%dma_wait3A_163 : memref<128x16xf32, #tpu.memory_space<vmem>>)
      %dma_wait3A_169 = arith.constant 896 : i32
      %dma_wait3A_170 = arith.constant 0 : i32
      %dma_wait3A_171 = tpu.memref_slice %arg14[%dma_wait3A_169, %dma_wait3A_170] : memref<1024x16xf32, #tpu.memory_space<vmem>> -> memref<128x16xf32, #tpu.memory_space<vmem>>
      %dma_wait3A_172 = arith.constant 896 : i32
      %dma_wait3A_173 = tpu.memref_slice %arg9[%dma_wait3A_172] : memref<1024xi32, #tpu.memory_space<vmem>> -> memref<128xi32, #tpu.memory_space<vmem>>
      %dma_wait3A_174 = arith.constant 0 : i32
      %dma_wait3A_175 = arith.constant 0 : i32
      %dma_wait3A_176 = tpu.memref_slice %arg6[%dma_wait3A_174, %dma_wait3A_175] : memref<10000x16xf32, #tpu.memory_space<hbm>> -> memref<10000x16xf32, #tpu.memory_space<hbm>>
      tpu.wait_indirect_dma semaphore(%arg18 : memref<!tpu.dma_semaphore, #tpu.memory_space<semaphore_mem>>) src(%dma_wait3A_176 : memref<10000x16xf32, #tpu.memory_space<hbm>>) dst(%dma_wait3A_171 : memref<128x16xf32, #tpu.memory_space<vmem>>)
      %parallel_loop3A_177 = arith.constant 0 : i32
      %parallel_loop3A_178 = arith.constant 64 : i32
      %parallel_loop3A_179 = arith.constant 1 : i32
      scf.for %parallel_loop3A_340 = %parallel_loop3A_177 to %parallel_loop3A_178 step %parallel_loop3A_179  : i32 {
        %parallel_loop3A_341 = arith.constant 16 : i32
        %parallel_loop3A_342 = arith.muli %parallel_loop3A_340, %parallel_loop3A_341 : i32
        %parallel_loop3A_343 = arith.index_cast %parallel_loop3A_342 : i32 to index
        %parallel_loop3A_344 = tpu.vector_load %arg12[%parallel_loop3A_343] {strides = array<i32>} : memref<1024xf32, #tpu.memory_space<vmem>>, vector<16xf32>,
        %parallel_loop3A_345 = vector.extract_strided_slice %parallel_loop3A_344 {offsets = [0], sizes = [1], strides = [1]} : vector<16xf32> to vector<1xf32>
        %parallel_loop3A_346 = vector.extract %parallel_loop3A_345[0] : f32 from vector<1xf32>
        %parallel_loop3A_347 = arith.constant 16 : i32
        %parallel_loop3A_348 = arith.muli %parallel_loop3A_340, %parallel_loop3A_347 : i32
        %parallel_loop3A_349 = arith.constant 0 : i32
        %parallel_loop3A_350 = arith.addi %parallel_loop3A_348, %parallel_loop3A_349 : i32
        %parallel_loop3A_351 = arith.index_cast %parallel_loop3A_350 : i32 to index
        %parallel_loop3A_352 = arith.constant 0 : index
        %parallel_loop3A_353 = tpu.vector_load %arg14[%parallel_loop3A_351, %parallel_loop3A_352] {strides = array<i32>} : memref<1024x16xf32, #tpu.memory_space<vmem>>, vector<16xf32>,
        %parallel_loop3A_354 = vector.broadcast %parallel_loop3A_346 : f32 to vector<16xf32>
        %parallel_loop3A_355 = arith.mulf %parallel_loop3A_354, %parallel_loop3A_353 : vector<16xf32>
        %parallel_loop3A_356 = arith.constant 16 : i32
        %parallel_loop3A_357 = arith.muli %parallel_loop3A_340, %parallel_loop3A_356 : i32
        %parallel_loop3A_358 = arith.constant 0 : i32
        %parallel_loop3A_359 = arith.addi %parallel_loop3A_357, %parallel_loop3A_358 : i32
        %parallel_loop3A_360 = arith.index_cast %parallel_loop3A_359 : i32 to index
        %parallel_loop3A_361 = arith.constant 0 : index
        %parallel_loop3A_362 = tpu.vector_load %arg15[%parallel_loop3A_360, %parallel_loop3A_361] {strides = array<i32>} : memref<1024x16xf32, #tpu.memory_space<vmem>>, vector<16xf32>,
        tpu.vector_store %arg15[%parallel_loop3A_360, %parallel_loop3A_361], %parallel_loop3A_355 {strides = array<i32>} : memref<1024x16xf32, #tpu.memory_space<vmem>>, vector<16xf32>,
        %parallel_loop3A_363 = vector.extract_strided_slice %parallel_loop3A_344 {offsets = [1], sizes = [1], strides = [1]} : vector<16xf32> to vector<1xf32>
        %parallel_loop3A_364 = vector.extract %parallel_loop3A_363[0] : f32 from vector<1xf32>
        %parallel_loop3A_365 = arith.constant 16 : i32
        %parallel_loop3A_366 = arith.muli %parallel_loop3A_340, %parallel_loop3A_365 : i32
        %parallel_loop3A_367 = arith.constant 1 : i32
        %parallel_loop3A_368 = arith.addi %parallel_loop3A_366, %parallel_loop3A_367 : i32
        %parallel_loop3A_369 = arith.index_cast %parallel_loop3A_368 : i32 to index
        %parallel_loop3A_370 = arith.constant 0 : index
        %parallel_loop3A_371 = tpu.vector_load %arg14[%parallel_loop3A_369, %parallel_loop3A_370] {strides = array<i32>} : memref<1024x16xf32, #tpu.memory_space<vmem>>, vector<16xf32>,
        %parallel_loop3A_372 = vector.broadcast %parallel_loop3A_364 : f32 to vector<16xf32>
        %parallel_loop3A_373 = arith.mulf %parallel_loop3A_372, %parallel_loop3A_371 : vector<16xf32>
        %parallel_loop3A_374 = arith.constant 16 : i32
        %parallel_loop3A_375 = arith.muli %parallel_loop3A_340, %parallel_loop3A_374 : i32
        %parallel_loop3A_376 = arith.constant 1 : i32
        %parallel_loop3A_377 = arith.addi %parallel_loop3A_375, %parallel_loop3A_376 : i32
        %parallel_loop3A_378 = arith.index_cast %parallel_loop3A_377 : i32 to index
        %parallel_loop3A_379 = arith.constant 0 : index
        %parallel_loop3A_380 = tpu.vector_load %arg15[%parallel_loop3A_378, %parallel_loop3A_379] {strides = array<i32>} : memref<1024x16xf32, #tpu.memory_space<vmem>>, vector<16xf32>,
        tpu.vector_store %arg15[%parallel_loop3A_378, %parallel_loop3A_379], %parallel_loop3A_373 {strides = array<i32>} : memref<1024x16xf32, #tpu.memory_space<vmem>>, vector<16xf32>,
        %parallel_loop3A_381 = vector.extract_strided_slice %parallel_loop3A_344 {offsets = [2], sizes = [1], strides = [1]} : vector<16xf32> to vector<1xf32>
        %parallel_loop3A_382 = vector.extract %parallel_loop3A_381[0] : f32 from vector<1xf32>
        %parallel_loop3A_383 = arith.constant 16 : i32
        %parallel_loop3A_384 = arith.muli %parallel_loop3A_340, %parallel_loop3A_383 : i32
        %parallel_loop3A_385 = arith.constant 2 : i32
        %parallel_loop3A_386 = arith.addi %parallel_loop3A_384, %parallel_loop3A_385 : i32
        %parallel_loop3A_387 = arith.index_cast %parallel_loop3A_386 : i32 to index
        %parallel_loop3A_388 = arith.constant 0 : index
        %parallel_loop3A_389 = tpu.vector_load %arg14[%parallel_loop3A_387, %parallel_loop3A_388] {strides = array<i32>} : memref<1024x16xf32, #tpu.memory_space<vmem>>, vector<16xf32>,
        %parallel_loop3A_390 = vector.broadcast %parallel_loop3A_382 : f32 to vector<16xf32>
        %parallel_loop3A_391 = arith.mulf %parallel_loop3A_390, %parallel_loop3A_389 : vector<16xf32>
        %parallel_loop3A_392 = arith.constant 16 : i32
        %parallel_loop3A_393 = arith.muli %parallel_loop3A_340, %parallel_loop3A_392 : i32
        %parallel_loop3A_394 = arith.constant 2 : i32
        %parallel_loop3A_395 = arith.addi %parallel_loop3A_393, %parallel_loop3A_394 : i32
        %parallel_loop3A_396 = arith.index_cast %parallel_loop3A_395 : i32 to index
        %parallel_loop3A_397 = arith.constant 0 : index
        %parallel_loop3A_398 = tpu.vector_load %arg15[%parallel_loop3A_396, %parallel_loop3A_397] {strides = array<i32>} : memref<1024x16xf32, #tpu.memory_space<vmem>>, vector<16xf32>,
        tpu.vector_store %arg15[%parallel_loop3A_396, %parallel_loop3A_397], %parallel_loop3A_391 {strides = array<i32>} : memref<1024x16xf32, #tpu.memory_space<vmem>>, vector<16xf32>,
        %parallel_loop3A_399 = vector.extract_strided_slice %parallel_loop3A_344 {offsets = [3], sizes = [1], strides = [1]} : vector<16xf32> to vector<1xf32>
        %parallel_loop3A_400 = vector.extract %parallel_loop3A_399[0] : f32 from vector<1xf32>
        %parallel_loop3A_401 = arith.constant 16 : i32
        %parallel_loop3A_402 = arith.muli %parallel_loop3A_340, %parallel_loop3A_401 : i32
        %parallel_loop3A_403 = arith.constant 3 : i32
        %parallel_loop3A_404 = arith.addi %parallel_loop3A_402, %parallel_loop3A_403 : i32
        %parallel_loop3A_405 = arith.index_cast %parallel_loop3A_404 : i32 to index
        %parallel_loop3A_406 = arith.constant 0 : index
        %parallel_loop3A_407 = tpu.vector_load %arg14[%parallel_loop3A_405, %parallel_loop3A_406] {strides = array<i32>} : memref<1024x16xf32, #tpu.memory_space<vmem>>, vector<16xf32>,
        %parallel_loop3A_408 = vector.broadcast %parallel_loop3A_400 : f32 to vector<16xf32>
        %parallel_loop3A_409 = arith.mulf %parallel_loop3A_408, %parallel_loop3A_407 : vector<16xf32>
        %parallel_loop3A_410 = arith.constant 16 : i32
        %parallel_loop3A_411 = arith.muli %parallel_loop3A_340, %parallel_loop3A_410 : i32
        %parallel_loop3A_412 = arith.constant 3 : i32
        %parallel_loop3A_413 = arith.addi %parallel_loop3A_411, %parallel_loop3A_412 : i32
        %parallel_loop3A_414 = arith.index_cast %parallel_loop3A_413 : i32 to index
        %parallel_loop3A_415 = arith.constant 0 : index
        %parallel_loop3A_416 = tpu.vector_load %arg15[%parallel_loop3A_414, %parallel_loop3A_415] {strides = array<i32>} : memref<1024x16xf32, #tpu.memory_space<vmem>>, vector<16xf32>,
        tpu.vector_store %arg15[%parallel_loop3A_414, %parallel_loop3A_415], %parallel_loop3A_409 {strides = array<i32>} : memref<1024x16xf32, #tpu.memory_space<vmem>>, vector<16xf32>,
        %parallel_loop3A_417 = vector.extract_strided_slice %parallel_loop3A_344 {offsets = [4], sizes = [1], strides = [1]} : vector<16xf32> to vector<1xf32>
        %parallel_loop3A_418 = vector.extract %parallel_loop3A_417[0] : f32 from vector<1xf32>
        %parallel_loop3A_419 = arith.constant 16 : i32
        %parallel_loop3A_420 = arith.muli %parallel_loop3A_340, %parallel_loop3A_419 : i32
        %parallel_loop3A_421 = arith.constant 4 : i32
        %parallel_loop3A_422 = arith.addi %parallel_loop3A_420, %parallel_loop3A_421 : i32
        %parallel_loop3A_423 = arith.index_cast %parallel_loop3A_422 : i32 to index
        %parallel_loop3A_424 = arith.constant 0 : index
        %parallel_loop3A_425 = tpu.vector_load %arg14[%parallel_loop3A_423, %parallel_loop3A_424] {strides = array<i32>} : memref<1024x16xf32, #tpu.memory_space<vmem>>, vector<16xf32>,
        %parallel_loop3A_426 = vector.broadcast %parallel_loop3A_418 : f32 to vector<16xf32>
        %parallel_loop3A_427 = arith.mulf %parallel_loop3A_426, %parallel_loop3A_425 : vector<16xf32>
        %parallel_loop3A_428 = arith.constant 16 : i32
        %parallel_loop3A_429 = arith.muli %parallel_loop3A_340, %parallel_loop3A_428 : i32
        %parallel_loop3A_430 = arith.constant 4 : i32
        %parallel_loop3A_431 = arith.addi %parallel_loop3A_429, %parallel_loop3A_430 : i32
        %parallel_loop3A_432 = arith.index_cast %parallel_loop3A_431 : i32 to index
        %parallel_loop3A_433 = arith.constant 0 : index
        %parallel_loop3A_434 = tpu.vector_load %arg15[%parallel_loop3A_432, %parallel_loop3A_433] {strides = array<i32>} : memref<1024x16xf32, #tpu.memory_space<vmem>>, vector<16xf32>,
        tpu.vector_store %arg15[%parallel_loop3A_432, %parallel_loop3A_433], %parallel_loop3A_427 {strides = array<i32>} : memref<1024x16xf32, #tpu.memory_space<vmem>>, vector<16xf32>,
        %parallel_loop3A_435 = vector.extract_strided_slice %parallel_loop3A_344 {offsets = [5], sizes = [1], strides = [1]} : vector<16xf32> to vector<1xf32>
        %parallel_loop3A_436 = vector.extract %parallel_loop3A_435[0] : f32 from vector<1xf32>
        %parallel_loop3A_437 = arith.constant 16 : i32
        %parallel_loop3A_438 = arith.muli %parallel_loop3A_340, %parallel_loop3A_437 : i32
        %parallel_loop3A_439 = arith.constant 5 : i32
        %parallel_loop3A_440 = arith.addi %parallel_loop3A_438, %parallel_loop3A_439 : i32
        %parallel_loop3A_441 = arith.index_cast %parallel_loop3A_440 : i32 to index
        %parallel_loop3A_442 = arith.constant 0 : index
        %parallel_loop3A_443 = tpu.vector_load %arg14[%parallel_loop3A_441, %parallel_loop3A_442] {strides = array<i32>} : memref<1024x16xf32, #tpu.memory_space<vmem>>, vector<16xf32>,
        %parallel_loop3A_444 = vector.broadcast %parallel_loop3A_436 : f32 to vector<16xf32>
        %parallel_loop3A_445 = arith.mulf %parallel_loop3A_444, %parallel_loop3A_443 : vector<16xf32>
        %parallel_loop3A_446 = arith.constant 16 : i32
        %parallel_loop3A_447 = arith.muli %parallel_loop3A_340, %parallel_loop3A_446 : i32
        %parallel_loop3A_448 = arith.constant 5 : i32
        %parallel_loop3A_449 = arith.addi %parallel_loop3A_447, %parallel_loop3A_448 : i32
        %parallel_loop3A_450 = arith.index_cast %parallel_loop3A_449 : i32 to index
        %parallel_loop3A_451 = arith.constant 0 : index
        %parallel_loop3A_452 = tpu.vector_load %arg15[%parallel_loop3A_450, %parallel_loop3A_451] {strides = array<i32>} : memref<1024x16xf32, #tpu.memory_space<vmem>>, vector<16xf32>,
        tpu.vector_store %arg15[%parallel_loop3A_450, %parallel_loop3A_451], %parallel_loop3A_445 {strides = array<i32>} : memref<1024x16xf32, #tpu.memory_space<vmem>>, vector<16xf32>,
        %parallel_loop3A_453 = vector.extract_strided_slice %parallel_loop3A_344 {offsets = [6], sizes = [1], strides = [1]} : vector<16xf32> to vector<1xf32>
        %parallel_loop3A_454 = vector.extract %parallel_loop3A_453[0] : f32 from vector<1xf32>
        %parallel_loop3A_455 = arith.constant 16 : i32
        %parallel_loop3A_456 = arith.muli %parallel_loop3A_340, %parallel_loop3A_455 : i32
        %parallel_loop3A_457 = arith.constant 6 : i32
        %parallel_loop3A_458 = arith.addi %parallel_loop3A_456, %parallel_loop3A_457 : i32
        %parallel_loop3A_459 = arith.index_cast %parallel_loop3A_458 : i32 to index
        %parallel_loop3A_460 = arith.constant 0 : index
        %parallel_loop3A_461 = tpu.vector_load %arg14[%parallel_loop3A_459, %parallel_loop3A_460] {strides = array<i32>} : memref<1024x16xf32, #tpu.memory_space<vmem>>, vector<16xf32>,
        %parallel_loop3A_462 = vector.broadcast %parallel_loop3A_454 : f32 to vector<16xf32>
        %parallel_loop3A_463 = arith.mulf %parallel_loop3A_462, %parallel_loop3A_461 : vector<16xf32>
        %parallel_loop3A_464 = arith.constant 16 : i32
        %parallel_loop3A_465 = arith.muli %parallel_loop3A_340, %parallel_loop3A_464 : i32
        %parallel_loop3A_466 = arith.constant 6 : i32
        %parallel_loop3A_467 = arith.addi %parallel_loop3A_465, %parallel_loop3A_466 : i32
        %parallel_loop3A_468 = arith.index_cast %parallel_loop3A_467 : i32 to index
        %parallel_loop3A_469 = arith.constant 0 : index
        %parallel_loop3A_470 = tpu.vector_load %arg15[%parallel_loop3A_468, %parallel_loop3A_469] {strides = array<i32>} : memref<1024x16xf32, #tpu.memory_space<vmem>>, vector<16xf32>,
        tpu.vector_store %arg15[%parallel_loop3A_468, %parallel_loop3A_469], %parallel_loop3A_463 {strides = array<i32>} : memref<1024x16xf32, #tpu.memory_space<vmem>>, vector<16xf32>,
        %parallel_loop3A_471 = vector.extract_strided_slice %parallel_loop3A_344 {offsets = [7], sizes = [1], strides = [1]} : vector<16xf32> to vector<1xf32>
        %parallel_loop3A_472 = vector.extract %parallel_loop3A_471[0] : f32 from vector<1xf32>
        %parallel_loop3A_473 = arith.constant 16 : i32
        %parallel_loop3A_474 = arith.muli %parallel_loop3A_340, %parallel_loop3A_473 : i32
        %parallel_loop3A_475 = arith.constant 7 : i32
        %parallel_loop3A_476 = arith.addi %parallel_loop3A_474, %parallel_loop3A_475 : i32
        %parallel_loop3A_477 = arith.index_cast %parallel_loop3A_476 : i32 to index
        %parallel_loop3A_478 = arith.constant 0 : index
        %parallel_loop3A_479 = tpu.vector_load %arg14[%parallel_loop3A_477, %parallel_loop3A_478] {strides = array<i32>} : memref<1024x16xf32, #tpu.memory_space<vmem>>, vector<16xf32>,
        %parallel_loop3A_480 = vector.broadcast %parallel_loop3A_472 : f32 to vector<16xf32>
        %parallel_loop3A_481 = arith.mulf %parallel_loop3A_480, %parallel_loop3A_479 : vector<16xf32>
        %parallel_loop3A_482 = arith.constant 16 : i32
        %parallel_loop3A_483 = arith.muli %parallel_loop3A_340, %parallel_loop3A_482 : i32
        %parallel_loop3A_484 = arith.constant 7 : i32
        %parallel_loop3A_485 = arith.addi %parallel_loop3A_483, %parallel_loop3A_484 : i32
        %parallel_loop3A_486 = arith.index_cast %parallel_loop3A_485 : i32 to index
        %parallel_loop3A_487 = arith.constant 0 : index
        %parallel_loop3A_488 = tpu.vector_load %arg15[%parallel_loop3A_486, %parallel_loop3A_487] {strides = array<i32>} : memref<1024x16xf32, #tpu.memory_space<vmem>>, vector<16xf32>,
        tpu.vector_store %arg15[%parallel_loop3A_486, %parallel_loop3A_487], %parallel_loop3A_481 {strides = array<i32>} : memref<1024x16xf32, #tpu.memory_space<vmem>>, vector<16xf32>,
        %parallel_loop3A_489 = vector.extract_strided_slice %parallel_loop3A_344 {offsets = [8], sizes = [1], strides = [1]} : vector<16xf32> to vector<1xf32>
        %parallel_loop3A_490 = vector.extract %parallel_loop3A_489[0] : f32 from vector<1xf32>
        %parallel_loop3A_491 = arith.constant 16 : i32
        %parallel_loop3A_492 = arith.muli %parallel_loop3A_340, %parallel_loop3A_491 : i32
        %parallel_loop3A_493 = arith.constant 8 : i32
        %parallel_loop3A_494 = arith.addi %parallel_loop3A_492, %parallel_loop3A_493 : i32
        %parallel_loop3A_495 = arith.index_cast %parallel_loop3A_494 : i32 to index
        %parallel_loop3A_496 = arith.constant 0 : index
        %parallel_loop3A_497 = tpu.vector_load %arg14[%parallel_loop3A_495, %parallel_loop3A_496] {strides = array<i32>} : memref<1024x16xf32, #tpu.memory_space<vmem>>, vector<16xf32>,
        %parallel_loop3A_498 = vector.broadcast %parallel_loop3A_490 : f32 to vector<16xf32>
        %parallel_loop3A_499 = arith.mulf %parallel_loop3A_498, %parallel_loop3A_497 : vector<16xf32>
        %parallel_loop3A_500 = arith.constant 16 : i32
        %parallel_loop3A_501 = arith.muli %parallel_loop3A_340, %parallel_loop3A_500 : i32
        %parallel_loop3A_502 = arith.constant 8 : i32
        %parallel_loop3A_503 = arith.addi %parallel_loop3A_501, %parallel_loop3A_502 : i32
        %parallel_loop3A_504 = arith.index_cast %parallel_loop3A_503 : i32 to index
        %parallel_loop3A_505 = arith.constant 0 : index
        %parallel_loop3A_506 = tpu.vector_load %arg15[%parallel_loop3A_504, %parallel_loop3A_505] {strides = array<i32>} : memref<1024x16xf32, #tpu.memory_space<vmem>>, vector<16xf32>,
        tpu.vector_store %arg15[%parallel_loop3A_504, %parallel_loop3A_505], %parallel_loop3A_499 {strides = array<i32>} : memref<1024x16xf32, #tpu.memory_space<vmem>>, vector<16xf32>,
        %parallel_loop3A_507 = vector.extract_strided_slice %parallel_loop3A_344 {offsets = [9], sizes = [1], strides = [1]} : vector<16xf32> to vector<1xf32>
        %parallel_loop3A_508 = vector.extract %parallel_loop3A_507[0] : f32 from vector<1xf32>
        %parallel_loop3A_509 = arith.constant 16 : i32
        %parallel_loop3A_510 = arith.muli %parallel_loop3A_340, %parallel_loop3A_509 : i32
        %parallel_loop3A_511 = arith.constant 9 : i32
        %parallel_loop3A_512 = arith.addi %parallel_loop3A_510, %parallel_loop3A_511 : i32
        %parallel_loop3A_513 = arith.index_cast %parallel_loop3A_512 : i32 to index
        %parallel_loop3A_514 = arith.constant 0 : index
        %parallel_loop3A_515 = tpu.vector_load %arg14[%parallel_loop3A_513, %parallel_loop3A_514] {strides = array<i32>} : memref<1024x16xf32, #tpu.memory_space<vmem>>, vector<16xf32>,
        %parallel_loop3A_516 = vector.broadcast %parallel_loop3A_508 : f32 to vector<16xf32>
        %parallel_loop3A_517 = arith.mulf %parallel_loop3A_516, %parallel_loop3A_515 : vector<16xf32>
        %parallel_loop3A_518 = arith.constant 16 : i32
        %parallel_loop3A_519 = arith.muli %parallel_loop3A_340, %parallel_loop3A_518 : i32
        %parallel_loop3A_520 = arith.constant 9 : i32
        %parallel_loop3A_521 = arith.addi %parallel_loop3A_519, %parallel_loop3A_520 : i32
        %parallel_loop3A_522 = arith.index_cast %parallel_loop3A_521 : i32 to index
        %parallel_loop3A_523 = arith.constant 0 : index
        %parallel_loop3A_524 = tpu.vector_load %arg15[%parallel_loop3A_522, %parallel_loop3A_523] {strides = array<i32>} : memref<1024x16xf32, #tpu.memory_space<vmem>>, vector<16xf32>,
        tpu.vector_store %arg15[%parallel_loop3A_522, %parallel_loop3A_523], %parallel_loop3A_517 {strides = array<i32>} : memref<1024x16xf32, #tpu.memory_space<vmem>>, vector<16xf32>,
        %parallel_loop3A_525 = vector.extract_strided_slice %parallel_loop3A_344 {offsets = [10], sizes = [1], strides = [1]} : vector<16xf32> to vector<1xf32>
        %parallel_loop3A_526 = vector.extract %parallel_loop3A_525[0] : f32 from vector<1xf32>
        %parallel_loop3A_527 = arith.constant 16 : i32
        %parallel_loop3A_528 = arith.muli %parallel_loop3A_340, %parallel_loop3A_527 : i32
        %parallel_loop3A_529 = arith.constant 10 : i32
        %parallel_loop3A_530 = arith.addi %parallel_loop3A_528, %parallel_loop3A_529 : i32
        %parallel_loop3A_531 = arith.index_cast %parallel_loop3A_530 : i32 to index
        %parallel_loop3A_532 = arith.constant 0 : index
        %parallel_loop3A_533 = tpu.vector_load %arg14[%parallel_loop3A_531, %parallel_loop3A_532] {strides = array<i32>} : memref<1024x16xf32, #tpu.memory_space<vmem>>, vector<16xf32>,
        %parallel_loop3A_534 = vector.broadcast %parallel_loop3A_526 : f32 to vector<16xf32>
        %parallel_loop3A_535 = arith.mulf %parallel_loop3A_534, %parallel_loop3A_533 : vector<16xf32>
        %parallel_loop3A_536 = arith.constant 16 : i32
        %parallel_loop3A_537 = arith.muli %parallel_loop3A_340, %parallel_loop3A_536 : i32
        %parallel_loop3A_538 = arith.constant 10 : i32
        %parallel_loop3A_539 = arith.addi %parallel_loop3A_537, %parallel_loop3A_538 : i32
        %parallel_loop3A_540 = arith.index_cast %parallel_loop3A_539 : i32 to index
        %parallel_loop3A_541 = arith.constant 0 : index
        %parallel_loop3A_542 = tpu.vector_load %arg15[%parallel_loop3A_540, %parallel_loop3A_541] {strides = array<i32>} : memref<1024x16xf32, #tpu.memory_space<vmem>>, vector<16xf32>,
        tpu.vector_store %arg15[%parallel_loop3A_540, %parallel_loop3A_541], %parallel_loop3A_535 {strides = array<i32>} : memref<1024x16xf32, #tpu.memory_space<vmem>>, vector<16xf32>,
        %parallel_loop3A_543 = vector.extract_strided_slice %parallel_loop3A_344 {offsets = [11], sizes = [1], strides = [1]} : vector<16xf32> to vector<1xf32>
        %parallel_loop3A_544 = vector.extract %parallel_loop3A_543[0] : f32 from vector<1xf32>
        %parallel_loop3A_545 = arith.constant 16 : i32
        %parallel_loop3A_546 = arith.muli %parallel_loop3A_340, %parallel_loop3A_545 : i32
        %parallel_loop3A_547 = arith.constant 11 : i32
        %parallel_loop3A_548 = arith.addi %parallel_loop3A_546, %parallel_loop3A_547 : i32
        %parallel_loop3A_549 = arith.index_cast %parallel_loop3A_548 : i32 to index
        %parallel_loop3A_550 = arith.constant 0 : index
        %parallel_loop3A_551 = tpu.vector_load %arg14[%parallel_loop3A_549, %parallel_loop3A_550] {strides = array<i32>} : memref<1024x16xf32, #tpu.memory_space<vmem>>, vector<16xf32>,
        %parallel_loop3A_552 = vector.broadcast %parallel_loop3A_544 : f32 to vector<16xf32>
        %parallel_loop3A_553 = arith.mulf %parallel_loop3A_552, %parallel_loop3A_551 : vector<16xf32>
        %parallel_loop3A_554 = arith.constant 16 : i32
        %parallel_loop3A_555 = arith.muli %parallel_loop3A_340, %parallel_loop3A_554 : i32
        %parallel_loop3A_556 = arith.constant 11 : i32
        %parallel_loop3A_557 = arith.addi %parallel_loop3A_555, %parallel_loop3A_556 : i32
        %parallel_loop3A_558 = arith.index_cast %parallel_loop3A_557 : i32 to index
        %parallel_loop3A_559 = arith.constant 0 : index
        %parallel_loop3A_560 = tpu.vector_load %arg15[%parallel_loop3A_558, %parallel_loop3A_559] {strides = array<i32>} : memref<1024x16xf32, #tpu.memory_space<vmem>>, vector<16xf32>,
        tpu.vector_store %arg15[%parallel_loop3A_558, %parallel_loop3A_559], %parallel_loop3A_553 {strides = array<i32>} : memref<1024x16xf32, #tpu.memory_space<vmem>>, vector<16xf32>,
        %parallel_loop3A_561 = vector.extract_strided_slice %parallel_loop3A_344 {offsets = [12], sizes = [1], strides = [1]} : vector<16xf32> to vector<1xf32>
        %parallel_loop3A_562 = vector.extract %parallel_loop3A_561[0] : f32 from vector<1xf32>
        %parallel_loop3A_563 = arith.constant 16 : i32
        %parallel_loop3A_564 = arith.muli %parallel_loop3A_340, %parallel_loop3A_563 : i32
        %parallel_loop3A_565 = arith.constant 12 : i32
        %parallel_loop3A_566 = arith.addi %parallel_loop3A_564, %parallel_loop3A_565 : i32
        %parallel_loop3A_567 = arith.index_cast %parallel_loop3A_566 : i32 to index
        %parallel_loop3A_568 = arith.constant 0 : index
        %parallel_loop3A_569 = tpu.vector_load %arg14[%parallel_loop3A_567, %parallel_loop3A_568] {strides = array<i32>} : memref<1024x16xf32, #tpu.memory_space<vmem>>, vector<16xf32>,
        %parallel_loop3A_570 = vector.broadcast %parallel_loop3A_562 : f32 to vector<16xf32>
        %parallel_loop3A_571 = arith.mulf %parallel_loop3A_570, %parallel_loop3A_569 : vector<16xf32>
        %parallel_loop3A_572 = arith.constant 16 : i32
        %parallel_loop3A_573 = arith.muli %parallel_loop3A_340, %parallel_loop3A_572 : i32
        %parallel_loop3A_574 = arith.constant 12 : i32
        %parallel_loop3A_575 = arith.addi %parallel_loop3A_573, %parallel_loop3A_574 : i32
        %parallel_loop3A_576 = arith.index_cast %parallel_loop3A_575 : i32 to index
        %parallel_loop3A_577 = arith.constant 0 : index
        %parallel_loop3A_578 = tpu.vector_load %arg15[%parallel_loop3A_576, %parallel_loop3A_577] {strides = array<i32>} : memref<1024x16xf32, #tpu.memory_space<vmem>>, vector<16xf32>,
        tpu.vector_store %arg15[%parallel_loop3A_576, %parallel_loop3A_577], %parallel_loop3A_571 {strides = array<i32>} : memref<1024x16xf32, #tpu.memory_space<vmem>>, vector<16xf32>,
        %parallel_loop3A_579 = vector.extract_strided_slice %parallel_loop3A_344 {offsets = [13], sizes = [1], strides = [1]} : vector<16xf32> to vector<1xf32>
        %parallel_loop3A_580 = vector.extract %parallel_loop3A_579[0] : f32 from vector<1xf32>
        %parallel_loop3A_581 = arith.constant 16 : i32
        %parallel_loop3A_582 = arith.muli %parallel_loop3A_340, %parallel_loop3A_581 : i32
        %parallel_loop3A_583 = arith.constant 13 : i32
        %parallel_loop3A_584 = arith.addi %parallel_loop3A_582, %parallel_loop3A_583 : i32
        %parallel_loop3A_585 = arith.index_cast %parallel_loop3A_584 : i32 to index
        %parallel_loop3A_586 = arith.constant 0 : index
        %parallel_loop3A_587 = tpu.vector_load %arg14[%parallel_loop3A_585, %parallel_loop3A_586] {strides = array<i32>} : memref<1024x16xf32, #tpu.memory_space<vmem>>, vector<16xf32>,
        %parallel_loop3A_588 = vector.broadcast %parallel_loop3A_580 : f32 to vector<16xf32>
        %parallel_loop3A_589 = arith.mulf %parallel_loop3A_588, %parallel_loop3A_587 : vector<16xf32>
        %parallel_loop3A_590 = arith.constant 16 : i32
        %parallel_loop3A_591 = arith.muli %parallel_loop3A_340, %parallel_loop3A_590 : i32
        %parallel_loop3A_592 = arith.constant 13 : i32
        %parallel_loop3A_593 = arith.addi %parallel_loop3A_591, %parallel_loop3A_592 : i32
        %parallel_loop3A_594 = arith.index_cast %parallel_loop3A_593 : i32 to index
        %parallel_loop3A_595 = arith.constant 0 : index
        %parallel_loop3A_596 = tpu.vector_load %arg15[%parallel_loop3A_594, %parallel_loop3A_595] {strides = array<i32>} : memref<1024x16xf32, #tpu.memory_space<vmem>>, vector<16xf32>,
        tpu.vector_store %arg15[%parallel_loop3A_594, %parallel_loop3A_595], %parallel_loop3A_589 {strides = array<i32>} : memref<1024x16xf32, #tpu.memory_space<vmem>>, vector<16xf32>,
        %parallel_loop3A_597 = vector.extract_strided_slice %parallel_loop3A_344 {offsets = [14], sizes = [1], strides = [1]} : vector<16xf32> to vector<1xf32>
        %parallel_loop3A_598 = vector.extract %parallel_loop3A_597[0] : f32 from vector<1xf32>
        %parallel_loop3A_599 = arith.constant 16 : i32
        %parallel_loop3A_600 = arith.muli %parallel_loop3A_340, %parallel_loop3A_599 : i32
        %parallel_loop3A_601 = arith.constant 14 : i32
        %parallel_loop3A_602 = arith.addi %parallel_loop3A_600, %parallel_loop3A_601 : i32
        %parallel_loop3A_603 = arith.index_cast %parallel_loop3A_602 : i32 to index
        %parallel_loop3A_604 = arith.constant 0 : index
        %parallel_loop3A_605 = tpu.vector_load %arg14[%parallel_loop3A_603, %parallel_loop3A_604] {strides = array<i32>} : memref<1024x16xf32, #tpu.memory_space<vmem>>, vector<16xf32>,
        %parallel_loop3A_606 = vector.broadcast %parallel_loop3A_598 : f32 to vector<16xf32>
        %parallel_loop3A_607 = arith.mulf %parallel_loop3A_606, %parallel_loop3A_605 : vector<16xf32>
        %parallel_loop3A_608 = arith.constant 16 : i32
        %parallel_loop3A_609 = arith.muli %parallel_loop3A_340, %parallel_loop3A_608 : i32
        %parallel_loop3A_610 = arith.constant 14 : i32
        %parallel_loop3A_611 = arith.addi %parallel_loop3A_609, %parallel_loop3A_610 : i32
        %parallel_loop3A_612 = arith.index_cast %parallel_loop3A_611 : i32 to index
        %parallel_loop3A_613 = arith.constant 0 : index
        %parallel_loop3A_614 = tpu.vector_load %arg15[%parallel_loop3A_612, %parallel_loop3A_613] {strides = array<i32>} : memref<1024x16xf32, #tpu.memory_space<vmem>>, vector<16xf32>,
        tpu.vector_store %arg15[%parallel_loop3A_612, %parallel_loop3A_613], %parallel_loop3A_607 {strides = array<i32>} : memref<1024x16xf32, #tpu.memory_space<vmem>>, vector<16xf32>,
        %parallel_loop3A_615 = vector.extract_strided_slice %parallel_loop3A_344 {offsets = [15], sizes = [1], strides = [1]} : vector<16xf32> to vector<1xf32>
        %parallel_loop3A_616 = vector.extract %parallel_loop3A_615[0] : f32 from vector<1xf32>
        %parallel_loop3A_617 = arith.constant 16 : i32
        %parallel_loop3A_618 = arith.muli %parallel_loop3A_340, %parallel_loop3A_617 : i32
        %parallel_loop3A_619 = arith.constant 15 : i32
        %parallel_loop3A_620 = arith.addi %parallel_loop3A_618, %parallel_loop3A_619 : i32
        %parallel_loop3A_621 = arith.index_cast %parallel_loop3A_620 : i32 to index
        %parallel_loop3A_622 = arith.constant 0 : index
        %parallel_loop3A_623 = tpu.vector_load %arg14[%parallel_loop3A_621, %parallel_loop3A_622] {strides = array<i32>} : memref<1024x16xf32, #tpu.memory_space<vmem>>, vector<16xf32>,
        %parallel_loop3A_624 = vector.broadcast %parallel_loop3A_616 : f32 to vector<16xf32>
        %parallel_loop3A_625 = arith.mulf %parallel_loop3A_624, %parallel_loop3A_623 : vector<16xf32>
        %parallel_loop3A_626 = arith.constant 16 : i32
        %parallel_loop3A_627 = arith.muli %parallel_loop3A_340, %parallel_loop3A_626 : i32
        %parallel_loop3A_628 = arith.constant 15 : i32
        %parallel_loop3A_629 = arith.addi %parallel_loop3A_627, %parallel_loop3A_628 : i32
        %parallel_loop3A_630 = arith.index_cast %parallel_loop3A_629 : i32 to index
        %parallel_loop3A_631 = arith.constant 0 : index
        %parallel_loop3A_632 = tpu.vector_load %arg15[%parallel_loop3A_630, %parallel_loop3A_631] {strides = array<i32>} : memref<1024x16xf32, #tpu.memory_space<vmem>>, vector<16xf32>,
        tpu.vector_store %arg15[%parallel_loop3A_630, %parallel_loop3A_631], %parallel_loop3A_625 {strides = array<i32>} : memref<1024x16xf32, #tpu.memory_space<vmem>>, vector<16xf32>,
      } {sc.loop_unroll_factor = 4 : i64, sc.parallel_access}
      %dma_start3A_180 = arith.constant 0 : i32
      %dma_start3A_181 = arith.constant 0 : i32
      %dma_start3A_182 = arith.constant 0 : i32
      %dma_start3A_183 = tpu.memref_slice %arg15[%dma_start3A_181, %dma_start3A_182] : memref<1024x16xf32, #tpu.memory_space<vmem>> -> memref<128x16xf32, #tpu.memory_space<vmem>>
      %dma_start3A_184 = arith.constant 0 : i32
      %dma_start3A_185 = tpu.memref_slice %arg13[%dma_start3A_180, %dma_start3A_184] : memref<8x128xi32, #tpu.memory_space<vmem>> -> memref<1x128xi32, #tpu.memory_space<vmem>>
      %dma_start3A_186 = tpu.memref_squeeze %dma_start3A_185 : memref<1x128xi32, #tpu.memory_space<vmem>> -> memref<128xi32, #tpu.memory_space<vmem>>
      %dma_start3A_187 = arith.constant 0 : i32
      %dma_start3A_188 = arith.constant 0 : i32
      %dma_start3A_189 = tpu.memref_slice %arg17[%dma_start3A_187, %dma_start3A_188] : memref<10000x16xf32, #tpu.memory_space<vmem_shared>> -> memref<10000x16xf32, #tpu.memory_space<vmem_shared>>
      tpu.enqueue_indirect_dma source(%dma_start3A_183 : memref<128x16xf32, #tpu.memory_space<vmem>>) target(%dma_start3A_189 : memref<10000x16xf32, #tpu.memory_space<vmem_shared>>) offsets(%dma_start3A_186 : memref<128xi32, #tpu.memory_space<vmem>>) semaphore(%arg19 : memref<!tpu.dma_semaphore, #tpu.memory_space<semaphore_mem>>) {add = true}
      %dma_start3A_190 = arith.constant 1 : i32
      %dma_start3A_191 = arith.constant 128 : i32
      %dma_start3A_192 = arith.constant 0 : i32
      %dma_start3A_193 = tpu.memref_slice %arg15[%dma_start3A_191, %dma_start3A_192] : memref<1024x16xf32, #tpu.memory_space<vmem>> -> memref<128x16xf32, #tpu.memory_space<vmem>>
      %dma_start3A_194 = arith.constant 0 : i32
      %dma_start3A_195 = tpu.memref_slice %arg13[%dma_start3A_190, %dma_start3A_194] : memref<8x128xi32, #tpu.memory_space<vmem>> -> memref<1x128xi32, #tpu.memory_space<vmem>>
      %dma_start3A_196 = tpu.memref_squeeze %dma_start3A_195 : memref<1x128xi32, #tpu.memory_space<vmem>> -> memref<128xi32, #tpu.memory_space<vmem>>
      %dma_start3A_197 = arith.constant 0 : i32
      %dma_start3A_198 = arith.constant 0 : i32
      %dma_start3A_199 = tpu.memref_slice %arg17[%dma_start3A_197, %dma_start3A_198] : memref<10000x16xf32, #tpu.memory_space<vmem_shared>> -> memref<10000x16xf32, #tpu.memory_space<vmem_shared>>
      tpu.enqueue_indirect_dma source(%dma_start3A_193 : memref<128x16xf32, #tpu.memory_space<vmem>>) target(%dma_start3A_199 : memref<10000x16xf32, #tpu.memory_space<vmem_shared>>) offsets(%dma_start3A_196 : memref<128xi32, #tpu.memory_space<vmem>>) semaphore(%arg19 : memref<!tpu.dma_semaphore, #tpu.memory_space<semaphore_mem>>) {add = true}
      %dma_start3A_200 = arith.constant 2 : i32
      %dma_start3A_201 = arith.constant 256 : i32
      %dma_start3A_202 = arith.constant 0 : i32
      %dma_start3A_203 = tpu.memref_slice %arg15[%dma_start3A_201, %dma_start3A_202] : memref<1024x16xf32, #tpu.memory_space<vmem>> -> memref<128x16xf32, #tpu.memory_space<vmem>>
      %dma_start3A_204 = arith.constant 0 : i32
      %dma_start3A_205 = tpu.memref_slice %arg13[%dma_start3A_200, %dma_start3A_204] : memref<8x128xi32, #tpu.memory_space<vmem>> -> memref<1x128xi32, #tpu.memory_space<vmem>>
      %dma_start3A_206 = tpu.memref_squeeze %dma_start3A_205 : memref<1x128xi32, #tpu.memory_space<vmem>> -> memref<128xi32, #tpu.memory_space<vmem>>
      %dma_start3A_207 = arith.constant 0 : i32
      %dma_start3A_208 = arith.constant 0 : i32
      %dma_start3A_209 = tpu.memref_slice %arg17[%dma_start3A_207, %dma_start3A_208] : memref<10000x16xf32, #tpu.memory_space<vmem_shared>> -> memref<10000x16xf32, #tpu.memory_space<vmem_shared>>
      tpu.enqueue_indirect_dma source(%dma_start3A_203 : memref<128x16xf32, #tpu.memory_space<vmem>>) target(%dma_start3A_209 : memref<10000x16xf32, #tpu.memory_space<vmem_shared>>) offsets(%dma_start3A_206 : memref<128xi32, #tpu.memory_space<vmem>>) semaphore(%arg19 : memref<!tpu.dma_semaphore, #tpu.memory_space<semaphore_mem>>) {add = true}
      %dma_start3A_210 = arith.constant 3 : i32
      %dma_start3A_211 = arith.constant 384 : i32
      %dma_start3A_212 = arith.constant 0 : i32
      %dma_start3A_213 = tpu.memref_slice %arg15[%dma_start3A_211, %dma_start3A_212] : memref<1024x16xf32, #tpu.memory_space<vmem>> -> memref<128x16xf32, #tpu.memory_space<vmem>>
      %dma_start3A_214 = arith.constant 0 : i32
      %dma_start3A_215 = tpu.memref_slice %arg13[%dma_start3A_210, %dma_start3A_214] : memref<8x128xi32, #tpu.memory_space<vmem>> -> memref<1x128xi32, #tpu.memory_space<vmem>>
      %dma_start3A_216 = tpu.memref_squeeze %dma_start3A_215 : memref<1x128xi32, #tpu.memory_space<vmem>> -> memref<128xi32, #tpu.memory_space<vmem>>
      %dma_start3A_217 = arith.constant 0 : i32
      %dma_start3A_218 = arith.constant 0 : i32
      %dma_start3A_219 = tpu.memref_slice %arg17[%dma_start3A_217, %dma_start3A_218] : memref<10000x16xf32, #tpu.memory_space<vmem_shared>> -> memref<10000x16xf32, #tpu.memory_space<vmem_shared>>
      tpu.enqueue_indirect_dma source(%dma_start3A_213 : memref<128x16xf32, #tpu.memory_space<vmem>>) target(%dma_start3A_219 : memref<10000x16xf32, #tpu.memory_space<vmem_shared>>) offsets(%dma_start3A_216 : memref<128xi32, #tpu.memory_space<vmem>>) semaphore(%arg19 : memref<!tpu.dma_semaphore, #tpu.memory_space<semaphore_mem>>) {add = true}
      %dma_start3A_220 = arith.constant 4 : i32
      %dma_start3A_221 = arith.constant 512 : i32
      %dma_start3A_222 = arith.constant 0 : i32
      %dma_start3A_223 = tpu.memref_slice %arg15[%dma_start3A_221, %dma_start3A_222] : memref<1024x16xf32, #tpu.memory_space<vmem>> -> memref<128x16xf32, #tpu.memory_space<vmem>>
      %dma_start3A_224 = arith.constant 0 : i32
      %dma_start3A_225 = tpu.memref_slice %arg13[%dma_start3A_220, %dma_start3A_224] : memref<8x128xi32, #tpu.memory_space<vmem>> -> memref<1x128xi32, #tpu.memory_space<vmem>>
      %dma_start3A_226 = tpu.memref_squeeze %dma_start3A_225 : memref<1x128xi32, #tpu.memory_space<vmem>> -> memref<128xi32, #tpu.memory_space<vmem>>
      %dma_start3A_227 = arith.constant 0 : i32
      %dma_start3A_228 = arith.constant 0 : i32
      %dma_start3A_229 = tpu.memref_slice %arg17[%dma_start3A_227, %dma_start3A_228] : memref<10000x16xf32, #tpu.memory_space<vmem_shared>> -> memref<10000x16xf32, #tpu.memory_space<vmem_shared>>
      tpu.enqueue_indirect_dma source(%dma_start3A_223 : memref<128x16xf32, #tpu.memory_space<vmem>>) target(%dma_start3A_229 : memref<10000x16xf32, #tpu.memory_space<vmem_shared>>) offsets(%dma_start3A_226 : memref<128xi32, #tpu.memory_space<vmem>>) semaphore(%arg19 : memref<!tpu.dma_semaphore, #tpu.memory_space<semaphore_mem>>) {add = true}
      %dma_start3A_230 = arith.constant 5 : i32
      %dma_start3A_231 = arith.constant 640 : i32
      %dma_start3A_232 = arith.constant 0 : i32
      %dma_start3A_233 = tpu.memref_slice %arg15[%dma_start3A_231, %dma_start3A_232] : memref<1024x16xf32, #tpu.memory_space<vmem>> -> memref<128x16xf32, #tpu.memory_space<vmem>>
      %dma_start3A_234 = arith.constant 0 : i32
      %dma_start3A_235 = tpu.memref_slice %arg13[%dma_start3A_230, %dma_start3A_234] : memref<8x128xi32, #tpu.memory_space<vmem>> -> memref<1x128xi32, #tpu.memory_space<vmem>>
      %dma_start3A_236 = tpu.memref_squeeze %dma_start3A_235 : memref<1x128xi32, #tpu.memory_space<vmem>> -> memref<128xi32, #tpu.memory_space<vmem>>
      %dma_start3A_237 = arith.constant 0 : i32
      %dma_start3A_238 = arith.constant 0 : i32
      %dma_start3A_239 = tpu.memref_slice %arg17[%dma_start3A_237, %dma_start3A_238] : memref<10000x16xf32, #tpu.memory_space<vmem_shared>> -> memref<10000x16xf32, #tpu.memory_space<vmem_shared>>
      tpu.enqueue_indirect_dma source(%dma_start3A_233 : memref<128x16xf32, #tpu.memory_space<vmem>>) target(%dma_start3A_239 : memref<10000x16xf32, #tpu.memory_space<vmem_shared>>) offsets(%dma_start3A_236 : memref<128xi32, #tpu.memory_space<vmem>>) semaphore(%arg19 : memref<!tpu.dma_semaphore, #tpu.memory_space<semaphore_mem>>) {add = true}
      %dma_start3A_240 = arith.constant 6 : i32
      %dma_start3A_241 = arith.constant 768 : i32
      %dma_start3A_242 = arith.constant 0 : i32
      %dma_start3A_243 = tpu.memref_slice %arg15[%dma_start3A_241, %dma_start3A_242] : memref<1024x16xf32, #tpu.memory_space<vmem>> -> memref<128x16xf32, #tpu.memory_space<vmem>>
      %dma_start3A_244 = arith.constant 0 : i32
      %dma_start3A_245 = tpu.memref_slice %arg13[%dma_start3A_240, %dma_start3A_244] : memref<8x128xi32, #tpu.memory_space<vmem>> -> memref<1x128xi32, #tpu.memory_space<vmem>>
      %dma_start3A_246 = tpu.memref_squeeze %dma_start3A_245 : memref<1x128xi32, #tpu.memory_space<vmem>> -> memref<128xi32, #tpu.memory_space<vmem>>
      %dma_start3A_247 = arith.constant 0 : i32
      %dma_start3A_248 = arith.constant 0 : i32
      %dma_start3A_249 = tpu.memref_slice %arg17[%dma_start3A_247, %dma_start3A_248] : memref<10000x16xf32, #tpu.memory_space<vmem_shared>> -> memref<10000x16xf32, #tpu.memory_space<vmem_shared>>
      tpu.enqueue_indirect_dma source(%dma_start3A_243 : memref<128x16xf32, #tpu.memory_space<vmem>>) target(%dma_start3A_249 : memref<10000x16xf32, #tpu.memory_space<vmem_shared>>) offsets(%dma_start3A_246 : memref<128xi32, #tpu.memory_space<vmem>>) semaphore(%arg19 : memref<!tpu.dma_semaphore, #tpu.memory_space<semaphore_mem>>) {add = true}
      %dma_start3A_250 = arith.constant 7 : i32
      %dma_start3A_251 = arith.constant 896 : i32
      %dma_start3A_252 = arith.constant 0 : i32
      %dma_start3A_253 = tpu.memref_slice %arg15[%dma_start3A_251, %dma_start3A_252] : memref<1024x16xf32, #tpu.memory_space<vmem>> -> memref<128x16xf32, #tpu.memory_space<vmem>>
      %dma_start3A_254 = arith.constant 0 : i32
      %dma_start3A_255 = tpu.memref_slice %arg13[%dma_start3A_250, %dma_start3A_254] : memref<8x128xi32, #tpu.memory_space<vmem>> -> memref<1x128xi32, #tpu.memory_space<vmem>>
      %dma_start3A_256 = tpu.memref_squeeze %dma_start3A_255 : memref<1x128xi32, #tpu.memory_space<vmem>> -> memref<128xi32, #tpu.memory_space<vmem>>
      %dma_start3A_257 = arith.constant 0 : i32
      %dma_start3A_258 = arith.constant 0 : i32
      %dma_start3A_259 = tpu.memref_slice %arg17[%dma_start3A_257, %dma_start3A_258] : memref<10000x16xf32, #tpu.memory_space<vmem_shared>> -> memref<10000x16xf32, #tpu.memory_space<vmem_shared>>
      tpu.enqueue_indirect_dma source(%dma_start3A_253 : memref<128x16xf32, #tpu.memory_space<vmem>>) target(%dma_start3A_259 : memref<10000x16xf32, #tpu.memory_space<vmem_shared>>) offsets(%dma_start3A_256 : memref<128xi32, #tpu.memory_space<vmem>>) semaphore(%arg19 : memref<!tpu.dma_semaphore, #tpu.memory_space<semaphore_mem>>) {add = true}
      %dma_wait3A_260 = arith.constant 0 : i32
      %dma_wait3A_261 = arith.constant 0 : i32
      %dma_wait3A_262 = arith.constant 0 : i32
      %dma_wait3A_263 = tpu.memref_slice %arg15[%dma_wait3A_261, %dma_wait3A_262] : memref<1024x16xf32, #tpu.memory_space<vmem>> -> memref<128x16xf32, #tpu.memory_space<vmem>>
      %dma_wait3A_264 = arith.constant 0 : i32
      %dma_wait3A_265 = tpu.memref_slice %arg13[%dma_wait3A_260, %dma_wait3A_264] : memref<8x128xi32, #tpu.memory_space<vmem>> -> memref<1x128xi32, #tpu.memory_space<vmem>>
      %dma_wait3A_266 = tpu.memref_squeeze %dma_wait3A_265 : memref<1x128xi32, #tpu.memory_space<vmem>> -> memref<128xi32, #tpu.memory_space<vmem>>
      %dma_wait3A_267 = arith.constant 0 : i32
      %dma_wait3A_268 = arith.constant 0 : i32
      %dma_wait3A_269 = tpu.memref_slice %arg17[%dma_wait3A_267, %dma_wait3A_268] : memref<10000x16xf32, #tpu.memory_space<vmem_shared>> -> memref<10000x16xf32, #tpu.memory_space<vmem_shared>>
      tpu.wait_indirect_dma semaphore(%arg19 : memref<!tpu.dma_semaphore, #tpu.memory_space<semaphore_mem>>) src(%dma_wait3A_263 : memref<128x16xf32, #tpu.memory_space<vmem>>) dst(%dma_wait3A_269 : memref<10000x16xf32, #tpu.memory_space<vmem_shared>>)
      %dma_wait3A_270 = arith.constant 1 : i32
      %dma_wait3A_271 = arith.constant 128 : i32
      %dma_wait3A_272 = arith.constant 0 : i32
      %dma_wait3A_273 = tpu.memref_slice %arg15[%dma_wait3A_271, %dma_wait3A_272] : memref<1024x16xf32, #tpu.memory_space<vmem>> -> memref<128x16xf32, #tpu.memory_space<vmem>>
      %dma_wait3A_274 = arith.constant 0 : i32
      %dma_wait3A_275 = tpu.memref_slice %arg13[%dma_wait3A_270, %dma_wait3A_274] : memref<8x128xi32, #tpu.memory_space<vmem>> -> memref<1x128xi32, #tpu.memory_space<vmem>>
      %dma_wait3A_276 = tpu.memref_squeeze %dma_wait3A_275 : memref<1x128xi32, #tpu.memory_space<vmem>> -> memref<128xi32, #tpu.memory_space<vmem>>
      %dma_wait3A_277 = arith.constant 0 : i32
      %dma_wait3A_278 = arith.constant 0 : i32
      %dma_wait3A_279 = tpu.memref_slice %arg17[%dma_wait3A_277, %dma_wait3A_278] : memref<10000x16xf32, #tpu.memory_space<vmem_shared>> -> memref<10000x16xf32, #tpu.memory_space<vmem_shared>>
      tpu.wait_indirect_dma semaphore(%arg19 : memref<!tpu.dma_semaphore, #tpu.memory_space<semaphore_mem>>) src(%dma_wait3A_273 : memref<128x16xf32, #tpu.memory_space<vmem>>) dst(%dma_wait3A_279 : memref<10000x16xf32, #tpu.memory_space<vmem_shared>>)
      %dma_wait3A_280 = arith.constant 2 : i32
      %dma_wait3A_281 = arith.constant 256 : i32
      %dma_wait3A_282 = arith.constant 0 : i32
      %dma_wait3A_283 = tpu.memref_slice %arg15[%dma_wait3A_281, %dma_wait3A_282] : memref<1024x16xf32, #tpu.memory_space<vmem>> -> memref<128x16xf32, #tpu.memory_space<vmem>>
      %dma_wait3A_284 = arith.constant 0 : i32
      %dma_wait3A_285 = tpu.memref_slice %arg13[%dma_wait3A_280, %dma_wait3A_284] : memref<8x128xi32, #tpu.memory_space<vmem>> -> memref<1x128xi32, #tpu.memory_space<vmem>>
      %dma_wait3A_286 = tpu.memref_squeeze %dma_wait3A_285 : memref<1x128xi32, #tpu.memory_space<vmem>> -> memref<128xi32, #tpu.memory_space<vmem>>
      %dma_wait3A_287 = arith.constant 0 : i32
      %dma_wait3A_288 = arith.constant 0 : i32
      %dma_wait3A_289 = tpu.memref_slice %arg17[%dma_wait3A_287, %dma_wait3A_288] : memref<10000x16xf32, #tpu.memory_space<vmem_shared>> -> memref<10000x16xf32, #tpu.memory_space<vmem_shared>>
      tpu.wait_indirect_dma semaphore(%arg19 : memref<!tpu.dma_semaphore, #tpu.memory_space<semaphore_mem>>) src(%dma_wait3A_283 : memref<128x16xf32, #tpu.memory_space<vmem>>) dst(%dma_wait3A_289 : memref<10000x16xf32, #tpu.memory_space<vmem_shared>>)
      %dma_wait3A_290 = arith.constant 3 : i32
      %dma_wait3A_291 = arith.constant 384 : i32
      %dma_wait3A_292 = arith.constant 0 : i32
      %dma_wait3A_293 = tpu.memref_slice %arg15[%dma_wait3A_291, %dma_wait3A_292] : memref<1024x16xf32, #tpu.memory_space<vmem>> -> memref<128x16xf32, #tpu.memory_space<vmem>>
      %dma_wait3A_294 = arith.constant 0 : i32
      %dma_wait3A_295 = tpu.memref_slice %arg13[%dma_wait3A_290, %dma_wait3A_294] : memref<8x128xi32, #tpu.memory_space<vmem>> -> memref<1x128xi32, #tpu.memory_space<vmem>>
      %dma_wait3A_296 = tpu.memref_squeeze %dma_wait3A_295 : memref<1x128xi32, #tpu.memory_space<vmem>> -> memref<128xi32, #tpu.memory_space<vmem>>
      %dma_wait3A_297 = arith.constant 0 : i32
      %dma_wait3A_298 = arith.constant 0 : i32
      %dma_wait3A_299 = tpu.memref_slice %arg17[%dma_wait3A_297, %dma_wait3A_298] : memref<10000x16xf32, #tpu.memory_space<vmem_shared>> -> memref<10000x16xf32, #tpu.memory_space<vmem_shared>>
      tpu.wait_indirect_dma semaphore(%arg19 : memref<!tpu.dma_semaphore, #tpu.memory_space<semaphore_mem>>) src(%dma_wait3A_293 : memref<128x16xf32, #tpu.memory_space<vmem>>) dst(%dma_wait3A_299 : memref<10000x16xf32, #tpu.memory_space<vmem_shared>>)
      %dma_wait3A_300 = arith.constant 4 : i32
      %dma_wait3A_301 = arith.constant 512 : i32
      %dma_wait3A_302 = arith.constant 0 : i32
      %dma_wait3A_303 = tpu.memref_slice %arg15[%dma_wait3A_301, %dma_wait3A_302] : memref<1024x16xf32, #tpu.memory_space<vmem>> -> memref<128x16xf32, #tpu.memory_space<vmem>>
      %dma_wait3A_304 = arith.constant 0 : i32
      %dma_wait3A_305 = tpu.memref_slice %arg13[%dma_wait3A_300, %dma_wait3A_304] : memref<8x128xi32, #tpu.memory_space<vmem>> -> memref<1x128xi32, #tpu.memory_space<vmem>>
      %dma_wait3A_306 = tpu.memref_squeeze %dma_wait3A_305 : memref<1x128xi32, #tpu.memory_space<vmem>> -> memref<128xi32, #tpu.memory_space<vmem>>
      %dma_wait3A_307 = arith.constant 0 : i32
      %dma_wait3A_308 = arith.constant 0 : i32
      %dma_wait3A_309 = tpu.memref_slice %arg17[%dma_wait3A_307, %dma_wait3A_308] : memref<10000x16xf32, #tpu.memory_space<vmem_shared>> -> memref<10000x16xf32, #tpu.memory_space<vmem_shared>>
      tpu.wait_indirect_dma semaphore(%arg19 : memref<!tpu.dma_semaphore, #tpu.memory_space<semaphore_mem>>) src(%dma_wait3A_303 : memref<128x16xf32, #tpu.memory_space<vmem>>) dst(%dma_wait3A_309 : memref<10000x16xf32, #tpu.memory_space<vmem_shared>>)
      %dma_wait3A_310 = arith.constant 5 : i32
      %dma_wait3A_311 = arith.constant 640 : i32
      %dma_wait3A_312 = arith.constant 0 : i32
      %dma_wait3A_313 = tpu.memref_slice %arg15[%dma_wait3A_311, %dma_wait3A_312] : memref<1024x16xf32, #tpu.memory_space<vmem>> -> memref<128x16xf32, #tpu.memory_space<vmem>>
      %dma_wait3A_314 = arith.constant 0 : i32
      %dma_wait3A_315 = tpu.memref_slice %arg13[%dma_wait3A_310, %dma_wait3A_314] : memref<8x128xi32, #tpu.memory_space<vmem>> -> memref<1x128xi32, #tpu.memory_space<vmem>>
      %dma_wait3A_316 = tpu.memref_squeeze %dma_wait3A_315 : memref<1x128xi32, #tpu.memory_space<vmem>> -> memref<128xi32, #tpu.memory_space<vmem>>
      %dma_wait3A_317 = arith.constant 0 : i32
      %dma_wait3A_318 = arith.constant 0 : i32
      %dma_wait3A_319 = tpu.memref_slice %arg17[%dma_wait3A_317, %dma_wait3A_318] : memref<10000x16xf32, #tpu.memory_space<vmem_shared>> -> memref<10000x16xf32, #tpu.memory_space<vmem_shared>>
      tpu.wait_indirect_dma semaphore(%arg19 : memref<!tpu.dma_semaphore, #tpu.memory_space<semaphore_mem>>) src(%dma_wait3A_313 : memref<128x16xf32, #tpu.memory_space<vmem>>) dst(%dma_wait3A_319 : memref<10000x16xf32, #tpu.memory_space<vmem_shared>>)
      %dma_wait3A_320 = arith.constant 6 : i32
      %dma_wait3A_321 = arith.constant 768 : i32
      %dma_wait3A_322 = arith.constant 0 : i32
      %dma_wait3A_323 = tpu.memref_slice %arg15[%dma_wait3A_321, %dma_wait3A_322] : memref<1024x16xf32, #tpu.memory_space<vmem>> -> memref<128x16xf32, #tpu.memory_space<vmem>>
      %dma_wait3A_324 = arith.constant 0 : i32
      %dma_wait3A_325 = tpu.memref_slice %arg13[%dma_wait3A_320, %dma_wait3A_324] : memref<8x128xi32, #tpu.memory_space<vmem>> -> memref<1x128xi32, #tpu.memory_space<vmem>>
      %dma_wait3A_326 = tpu.memref_squeeze %dma_wait3A_325 : memref<1x128xi32, #tpu.memory_space<vmem>> -> memref<128xi32, #tpu.memory_space<vmem>>
      %dma_wait3A_327 = arith.constant 0 : i32
      %dma_wait3A_328 = arith.constant 0 : i32
      %dma_wait3A_329 = tpu.memref_slice %arg17[%dma_wait3A_327, %dma_wait3A_328] : memref<10000x16xf32, #tpu.memory_space<vmem_shared>> -> memref<10000x16xf32, #tpu.memory_space<vmem_shared>>
      tpu.wait_indirect_dma semaphore(%arg19 : memref<!tpu.dma_semaphore, #tpu.memory_space<semaphore_mem>>) src(%dma_wait3A_323 : memref<128x16xf32, #tpu.memory_space<vmem>>) dst(%dma_wait3A_329 : memref<10000x16xf32, #tpu.memory_space<vmem_shared>>)
      %dma_wait3A_330 = arith.constant 7 : i32
      %dma_wait3A_331 = arith.constant 896 : i32
      %dma_wait3A_332 = arith.constant 0 : i32
      %dma_wait3A_333 = tpu.memref_slice %arg15[%dma_wait3A_331, %dma_wait3A_332] : memref<1024x16xf32, #tpu.memory_space<vmem>> -> memref<128x16xf32, #tpu.memory_space<vmem>>
      %dma_wait3A_334 = arith.constant 0 : i32
      %dma_wait3A_335 = tpu.memref_slice %arg13[%dma_wait3A_330, %dma_wait3A_334] : memref<8x128xi32, #tpu.memory_space<vmem>> -> memref<1x128xi32, #tpu.memory_space<vmem>>
      %dma_wait3A_336 = tpu.memref_squeeze %dma_wait3A_335 : memref<1x128xi32, #tpu.memory_space<vmem>> -> memref<128xi32, #tpu.memory_space<vmem>>
      %dma_wait3A_337 = arith.constant 0 : i32
      %dma_wait3A_338 = arith.constant 0 : i32
      %dma_wait3A_339 = tpu.memref_slice %arg17[%dma_wait3A_337, %dma_wait3A_338] : memref<10000x16xf32, #tpu.memory_space<vmem_shared>> -> memref<10000x16xf32, #tpu.memory_space<vmem_shared>>
      tpu.wait_indirect_dma semaphore(%arg19 : memref<!tpu.dma_semaphore, #tpu.memory_space<semaphore_mem>>) src(%dma_wait3A_333 : memref<128x16xf32, #tpu.memory_space<vmem>>) dst(%dma_wait3A_339 : memref<10000x16xf32, #tpu.memory_space<vmem_shared>>)
    }
    %scan3A_16 = arith.constant 10 : i32
    %barrier3A_17 = arith.constant 0 : index
    tpu.barrier barrier_id(%barrier3A_17)
    %mul3A_18 = arith.constant 625 : i32
    %mul3A_19 = arith.muli %arg1, %mul3A_18 : i32
    "tpu.region"() ({
      %run_scoped3A = tpu.sem_alloc : memref<!tpu.dma_semaphore, #tpu.memory_space<semaphore_mem>>
      %dma_start3A = arith.constant 0 : i32
      %dma_start3A_22 = tpu.memref_slice %arg17[%mul3A_19, %dma_start3A] : memref<10000x16xf32, #tpu.memory_space<vmem_shared>> -> memref<625x16xf32, #tpu.memory_space<vmem_shared>>
      %dma_start3A_23 = arith.constant 0 : i32
      %dma_start3A_24 = tpu.memref_slice %arg17[%mul3A_19, %dma_start3A_23] : memref<10000x16xf32, #tpu.memory_space<vmem_shared>> -> memref<625x16xf32, #tpu.memory_space<vmem_shared>>
      tpu.enqueue_dma source(%dma_start3A_24 : memref<625x16xf32, #tpu.memory_space<vmem_shared>>) target(%arg16 : memref<625x16xf32, #tpu.memory_space<vmem>>) target_semaphore(%run_scoped3A : memref<!tpu.dma_semaphore, #tpu.memory_space<semaphore_mem>>)
      %dma_wait3A = arith.constant 0 : i32
      %dma_wait3A_25 = tpu.memref_slice %arg17[%mul3A_19, %dma_wait3A] : memref<10000x16xf32, #tpu.memory_space<vmem_shared>> -> memref<625x16xf32, #tpu.memory_space<vmem_shared>>
      %dma_wait3A_26 = arith.constant 0 : i32
      %dma_wait3A_27 = tpu.memref_slice %arg17[%mul3A_19, %dma_wait3A_26] : memref<10000x16xf32, #tpu.memory_space<vmem_shared>> -> memref<625x16xf32, #tpu.memory_space<vmem_shared>>
      tpu.wait_dma2 semaphore(%run_scoped3A : memref<!tpu.dma_semaphore, #tpu.memory_space<semaphore_mem>>) src(%dma_wait3A_27 : memref<625x16xf32, #tpu.memory_space<vmem_shared>>) dst(%arg16 : memref<625x16xf32, #tpu.memory_space<vmem>>)
      tpu.yield
    }) : () -> ()
    %mul3A_20 = arith.constant 625 : i32
    %mul3A_21 = arith.muli %arg1, %mul3A_20 : i32
    "tpu.region"() ({
      %run_scoped3A = tpu.sem_alloc : memref<!tpu.dma_semaphore, #tpu.memory_space<semaphore_mem>>
      %dma_start3A = arith.constant 0 : i32
      %dma_start3A_22 = tpu.memref_slice %arg7[%arg0, %mul3A_21, %dma_start3A] : memref<2x10000x16xf32, #tpu.memory_space<hbm>> -> memref<1x625x16xf32, #tpu.memory_space<hbm>>
      %dma_start3A_23 = tpu.memref_squeeze %dma_start3A_22 : memref<1x625x16xf32, #tpu.memory_space<hbm>> -> memref<625x16xf32, #tpu.memory_space<hbm>>
      %dma_start3A_24 = arith.constant 0 : i32
      %dma_start3A_25 = tpu.memref_slice %arg7[%arg0, %mul3A_21, %dma_start3A_24] : memref<2x10000x16xf32, #tpu.memory_space<hbm>> -> memref<1x625x16xf32, #tpu.memory_space<hbm>>
      %dma_start3A_26 = tpu.memref_squeeze %dma_start3A_25 : memref<1x625x16xf32, #tpu.memory_space<hbm>> -> memref<625x16xf32, #tpu.memory_space<hbm>>
      tpu.enqueue_dma source(%arg16 : memref<625x16xf32, #tpu.memory_space<vmem>>) target(%dma_start3A_26 : memref<625x16xf32, #tpu.memory_space<hbm>>) target_semaphore(%run_scoped3A : memref<!tpu.dma_semaphore, #tpu.memory_space<semaphore_mem>>)
      %dma_wait3A = arith.constant 0 : i32
      %dma_wait3A_27 = tpu.memref_slice %arg7[%arg0, %mul3A_21, %dma_wait3A] : memref<2x10000x16xf32, #tpu.memory_space<hbm>> -> memref<1x625x16xf32, #tpu.memory_space<hbm>>
      %dma_wait3A_28 = tpu.memref_squeeze %dma_wait3A_27 : memref<1x625x16xf32, #tpu.memory_space<hbm>> -> memref<625x16xf32, #tpu.memory_space<hbm>>
      %dma_wait3A_29 = arith.constant 0 : i32
      %dma_wait3A_30 = tpu.memref_slice %arg7[%arg0, %mul3A_21, %dma_wait3A_29] : memref<2x10000x16xf32, #tpu.memory_space<hbm>> -> memref<1x625x16xf32, #tpu.memory_space<hbm>>
      %dma_wait3A_31 = tpu.memref_squeeze %dma_wait3A_30 : memref<1x625x16xf32, #tpu.memory_space<hbm>> -> memref<625x16xf32, #tpu.memory_space<hbm>>
      tpu.wait_dma2 semaphore(%run_scoped3A : memref<!tpu.dma_semaphore, #tpu.memory_space<semaphore_mem>>) src(%arg16 : memref<625x16xf32, #tpu.memory_space<vmem>>) dst(%dma_wait3A_31 : memref<625x16xf32, #tpu.memory_space<hbm>>)
      tpu.yield
    }) : () -> ()
    return
  }
}

#map = affine_map<(d0, d1) -> (0)>
#map1 = affine_map<(d0, d1) -> (0, 0, 0)>
module attributes {stable_mosaic.version = 14 : i64} {
  func.func @_deg_kernel(%arg0: i32, %arg1: i32, %arg2: memref<327680xi32, #tpu.memory_space<hbm>>, %arg3: memref<327680xf32, #tpu.memory_space<hbm>>, %arg4: memref<16x10000x16xf32, #tpu.memory_space<hbm>>, %arg5: memref<1024xi32, #tpu.memory_space<vmem>>, %arg6: memref<1024xf32, #tpu.memory_space<vmem>>, %arg7: memref<5000x16xf32, #tpu.memory_space<vmem>>) attributes {dimension_semantics = [#tpu.dimension_semantics<core_parallel>, #tpu.dimension_semantics<subcore_parallel>], iteration_bounds = array<i64: 2, 16>, scalar_prefetch = 0 : i64, scratch_operands = 3 : i64, tpu.core_type = #tpu.core_type<sc_vector_subcore>, window_params = [{transform_indices = #map}, {transform_indices = #map}, {transform_indices = #map1}]} {
    %broadcast_in_dim3A = arith.constant 0.000000e+00 : f32
    %broadcast_in_dim3A_0 = vector.broadcast %broadcast_in_dim3A : f32 to vector<16xf32>
    %scan3A = arith.constant 0 : i32
    %scan3A_1 = arith.constant 0 : i32
    %scan3A_2 = arith.constant 250 : i32
    %scan3A_3 = arith.addi %scan3A_1, %scan3A_2 : i32
    %scan3A_4 = arith.constant 1 : i32
    scf.for %scan3A_15 = %scan3A_1 to %scan3A_3 step %scan3A_4  : i32 {
      %mul3A_16 = arith.constant 20 : i32
      %mul3A_17 = arith.muli %scan3A_15, %mul3A_16 : i32
      %add3A = arith.constant 0 : i32
      %add3A_18 = arith.addi %mul3A_17, %add3A : i32
      %swap3A = arith.index_cast %add3A_18 : i32 to index
      %swap3A_19 = arith.constant 0 : index
      %swap3A_20 = tpu.vector_load %arg7[%swap3A, %swap3A_19] {strides = array<i32>} : memref<5000x16xf32, #tpu.memory_space<vmem>>, vector<16xf32>,
      tpu.vector_store %arg7[%swap3A, %swap3A_19], %broadcast_in_dim3A_0 {strides = array<i32>} : memref<5000x16xf32, #tpu.memory_space<vmem>>, vector<16xf32>,
      %add3A_21 = arith.constant 1 : i32
      %add3A_22 = arith.addi %mul3A_17, %add3A_21 : i32
      %swap3A_23 = arith.index_cast %add3A_22 : i32 to index
      %swap3A_24 = arith.constant 0 : index
      %swap3A_25 = tpu.vector_load %arg7[%swap3A_23, %swap3A_24] {strides = array<i32>} : memref<5000x16xf32, #tpu.memory_space<vmem>>, vector<16xf32>,
      tpu.vector_store %arg7[%swap3A_23, %swap3A_24], %broadcast_in_dim3A_0 {strides = array<i32>} : memref<5000x16xf32, #tpu.memory_space<vmem>>, vector<16xf32>,
      %add3A_26 = arith.constant 2 : i32
      %add3A_27 = arith.addi %mul3A_17, %add3A_26 : i32
      %swap3A_28 = arith.index_cast %add3A_27 : i32 to index
      %swap3A_29 = arith.constant 0 : index
      %swap3A_30 = tpu.vector_load %arg7[%swap3A_28, %swap3A_29] {strides = array<i32>} : memref<5000x16xf32, #tpu.memory_space<vmem>>, vector<16xf32>,
      tpu.vector_store %arg7[%swap3A_28, %swap3A_29], %broadcast_in_dim3A_0 {strides = array<i32>} : memref<5000x16xf32, #tpu.memory_space<vmem>>, vector<16xf32>,
      %add3A_31 = arith.constant 3 : i32
      %add3A_32 = arith.addi %mul3A_17, %add3A_31 : i32
      %swap3A_33 = arith.index_cast %add3A_32 : i32 to index
      %swap3A_34 = arith.constant 0 : index
      %swap3A_35 = tpu.vector_load %arg7[%swap3A_33, %swap3A_34] {strides = array<i32>} : memref<5000x16xf32, #tpu.memory_space<vmem>>, vector<16xf32>,
      tpu.vector_store %arg7[%swap3A_33, %swap3A_34], %broadcast_in_dim3A_0 {strides = array<i32>} : memref<5000x16xf32, #tpu.memory_space<vmem>>, vector<16xf32>,
      %add3A_36 = arith.constant 4 : i32
      %add3A_37 = arith.addi %mul3A_17, %add3A_36 : i32
      %swap3A_38 = arith.index_cast %add3A_37 : i32 to index
      %swap3A_39 = arith.constant 0 : index
      %swap3A_40 = tpu.vector_load %arg7[%swap3A_38, %swap3A_39] {strides = array<i32>} : memref<5000x16xf32, #tpu.memory_space<vmem>>, vector<16xf32>,
      tpu.vector_store %arg7[%swap3A_38, %swap3A_39], %broadcast_in_dim3A_0 {strides = array<i32>} : memref<5000x16xf32, #tpu.memory_space<vmem>>, vector<16xf32>,
      %add3A_41 = arith.constant 5 : i32
      %add3A_42 = arith.addi %mul3A_17, %add3A_41 : i32
      %swap3A_43 = arith.index_cast %add3A_42 : i32 to index
      %swap3A_44 = arith.constant 0 : index
      %swap3A_45 = tpu.vector_load %arg7[%swap3A_43, %swap3A_44] {strides = array<i32>} : memref<5000x16xf32, #tpu.memory_space<vmem>>, vector<16xf32>,
      tpu.vector_store %arg7[%swap3A_43, %swap3A_44], %broadcast_in_dim3A_0 {strides = array<i32>} : memref<5000x16xf32, #tpu.memory_space<vmem>>, vector<16xf32>,
      %add3A_46 = arith.constant 6 : i32
      %add3A_47 = arith.addi %mul3A_17, %add3A_46 : i32
      %swap3A_48 = arith.index_cast %add3A_47 : i32 to index
      %swap3A_49 = arith.constant 0 : index
      %swap3A_50 = tpu.vector_load %arg7[%swap3A_48, %swap3A_49] {strides = array<i32>} : memref<5000x16xf32, #tpu.memory_space<vmem>>, vector<16xf32>,
      tpu.vector_store %arg7[%swap3A_48, %swap3A_49], %broadcast_in_dim3A_0 {strides = array<i32>} : memref<5000x16xf32, #tpu.memory_space<vmem>>, vector<16xf32>,
      %add3A_51 = arith.constant 7 : i32
      %add3A_52 = arith.addi %mul3A_17, %add3A_51 : i32
      %swap3A_53 = arith.index_cast %add3A_52 : i32 to index
      %swap3A_54 = arith.constant 0 : index
      %swap3A_55 = tpu.vector_load %arg7[%swap3A_53, %swap3A_54] {strides = array<i32>} : memref<5000x16xf32, #tpu.memory_space<vmem>>, vector<16xf32>,
      tpu.vector_store %arg7[%swap3A_53, %swap3A_54], %broadcast_in_dim3A_0 {strides = array<i32>} : memref<5000x16xf32, #tpu.memory_space<vmem>>, vector<16xf32>,
      %add3A_56 = arith.constant 8 : i32
      %add3A_57 = arith.addi %mul3A_17, %add3A_56 : i32
      %swap3A_58 = arith.index_cast %add3A_57 : i32 to index
      %swap3A_59 = arith.constant 0 : index
      %swap3A_60 = tpu.vector_load %arg7[%swap3A_58, %swap3A_59] {strides = array<i32>} : memref<5000x16xf32, #tpu.memory_space<vmem>>, vector<16xf32>,
      tpu.vector_store %arg7[%swap3A_58, %swap3A_59], %broadcast_in_dim3A_0 {strides = array<i32>} : memref<5000x16xf32, #tpu.memory_space<vmem>>, vector<16xf32>,
      %add3A_61 = arith.constant 9 : i32
      %add3A_62 = arith.addi %mul3A_17, %add3A_61 : i32
      %swap3A_63 = arith.index_cast %add3A_62 : i32 to index
      %swap3A_64 = arith.constant 0 : index
      %swap3A_65 = tpu.vector_load %arg7[%swap3A_63, %swap3A_64] {strides = array<i32>} : memref<5000x16xf32, #tpu.memory_space<vmem>>, vector<16xf32>,
      tpu.vector_store %arg7[%swap3A_63, %swap3A_64], %broadcast_in_dim3A_0 {strides = array<i32>} : memref<5000x16xf32, #tpu.memory_space<vmem>>, vector<16xf32>,
      %add3A_66 = arith.constant 10 : i32
      %add3A_67 = arith.addi %mul3A_17, %add3A_66 : i32
      %swap3A_68 = arith.index_cast %add3A_67 : i32 to index
      %swap3A_69 = arith.constant 0 : index
      %swap3A_70 = tpu.vector_load %arg7[%swap3A_68, %swap3A_69] {strides = array<i32>} : memref<5000x16xf32, #tpu.memory_space<vmem>>, vector<16xf32>,
      tpu.vector_store %arg7[%swap3A_68, %swap3A_69], %broadcast_in_dim3A_0 {strides = array<i32>} : memref<5000x16xf32, #tpu.memory_space<vmem>>, vector<16xf32>,
      %add3A_71 = arith.constant 11 : i32
      %add3A_72 = arith.addi %mul3A_17, %add3A_71 : i32
      %swap3A_73 = arith.index_cast %add3A_72 : i32 to index
      %swap3A_74 = arith.constant 0 : index
      %swap3A_75 = tpu.vector_load %arg7[%swap3A_73, %swap3A_74] {strides = array<i32>} : memref<5000x16xf32, #tpu.memory_space<vmem>>, vector<16xf32>,
      tpu.vector_store %arg7[%swap3A_73, %swap3A_74], %broadcast_in_dim3A_0 {strides = array<i32>} : memref<5000x16xf32, #tpu.memory_space<vmem>>, vector<16xf32>,
      %add3A_76 = arith.constant 12 : i32
      %add3A_77 = arith.addi %mul3A_17, %add3A_76 : i32
      %swap3A_78 = arith.index_cast %add3A_77 : i32 to index
      %swap3A_79 = arith.constant 0 : index
      %swap3A_80 = tpu.vector_load %arg7[%swap3A_78, %swap3A_79] {strides = array<i32>} : memref<5000x16xf32, #tpu.memory_space<vmem>>, vector<16xf32>,
      tpu.vector_store %arg7[%swap3A_78, %swap3A_79], %broadcast_in_dim3A_0 {strides = array<i32>} : memref<5000x16xf32, #tpu.memory_space<vmem>>, vector<16xf32>,
      %add3A_81 = arith.constant 13 : i32
      %add3A_82 = arith.addi %mul3A_17, %add3A_81 : i32
      %swap3A_83 = arith.index_cast %add3A_82 : i32 to index
      %swap3A_84 = arith.constant 0 : index
      %swap3A_85 = tpu.vector_load %arg7[%swap3A_83, %swap3A_84] {strides = array<i32>} : memref<5000x16xf32, #tpu.memory_space<vmem>>, vector<16xf32>,
      tpu.vector_store %arg7[%swap3A_83, %swap3A_84], %broadcast_in_dim3A_0 {strides = array<i32>} : memref<5000x16xf32, #tpu.memory_space<vmem>>, vector<16xf32>,
      %add3A_86 = arith.constant 14 : i32
      %add3A_87 = arith.addi %mul3A_17, %add3A_86 : i32
      %swap3A_88 = arith.index_cast %add3A_87 : i32 to index
      %swap3A_89 = arith.constant 0 : index
      %swap3A_90 = tpu.vector_load %arg7[%swap3A_88, %swap3A_89] {strides = array<i32>} : memref<5000x16xf32, #tpu.memory_space<vmem>>, vector<16xf32>,
      tpu.vector_store %arg7[%swap3A_88, %swap3A_89], %broadcast_in_dim3A_0 {strides = array<i32>} : memref<5000x16xf32, #tpu.memory_space<vmem>>, vector<16xf32>,
      %add3A_91 = arith.constant 15 : i32
      %add3A_92 = arith.addi %mul3A_17, %add3A_91 : i32
      %swap3A_93 = arith.index_cast %add3A_92 : i32 to index
      %swap3A_94 = arith.constant 0 : index
      %swap3A_95 = tpu.vector_load %arg7[%swap3A_93, %swap3A_94] {strides = array<i32>} : memref<5000x16xf32, #tpu.memory_space<vmem>>, vector<16xf32>,
      tpu.vector_store %arg7[%swap3A_93, %swap3A_94], %broadcast_in_dim3A_0 {strides = array<i32>} : memref<5000x16xf32, #tpu.memory_space<vmem>>, vector<16xf32>,
      %add3A_96 = arith.constant 16 : i32
      %add3A_97 = arith.addi %mul3A_17, %add3A_96 : i32
      %swap3A_98 = arith.index_cast %add3A_97 : i32 to index
      %swap3A_99 = arith.constant 0 : index
      %swap3A_100 = tpu.vector_load %arg7[%swap3A_98, %swap3A_99] {strides = array<i32>} : memref<5000x16xf32, #tpu.memory_space<vmem>>, vector<16xf32>,
      tpu.vector_store %arg7[%swap3A_98, %swap3A_99], %broadcast_in_dim3A_0 {strides = array<i32>} : memref<5000x16xf32, #tpu.memory_space<vmem>>, vector<16xf32>,
      %add3A_101 = arith.constant 17 : i32
      %add3A_102 = arith.addi %mul3A_17, %add3A_101 : i32
      %swap3A_103 = arith.index_cast %add3A_102 : i32 to index
      %swap3A_104 = arith.constant 0 : index
      %swap3A_105 = tpu.vector_load %arg7[%swap3A_103, %swap3A_104] {strides = array<i32>} : memref<5000x16xf32, #tpu.memory_space<vmem>>, vector<16xf32>,
      tpu.vector_store %arg7[%swap3A_103, %swap3A_104], %broadcast_in_dim3A_0 {strides = array<i32>} : memref<5000x16xf32, #tpu.memory_space<vmem>>, vector<16xf32>,
      %add3A_106 = arith.constant 18 : i32
      %add3A_107 = arith.addi %mul3A_17, %add3A_106 : i32
      %swap3A_108 = arith.index_cast %add3A_107 : i32 to index
      %swap3A_109 = arith.constant 0 : index
      %swap3A_110 = tpu.vector_load %arg7[%swap3A_108, %swap3A_109] {strides = array<i32>} : memref<5000x16xf32, #tpu.memory_space<vmem>>, vector<16xf32>,
      tpu.vector_store %arg7[%swap3A_108, %swap3A_109], %broadcast_in_dim3A_0 {strides = array<i32>} : memref<5000x16xf32, #tpu.memory_space<vmem>>, vector<16xf32>,
      %add3A_111 = arith.constant 19 : i32
      %add3A_112 = arith.addi %mul3A_17, %add3A_111 : i32
      %swap3A_113 = arith.index_cast %add3A_112 : i32 to index
      %swap3A_114 = arith.constant 0 : index
      %swap3A_115 = tpu.vector_load %arg7[%swap3A_113, %swap3A_114] {strides = array<i32>} : memref<5000x16xf32, #tpu.memory_space<vmem>>, vector<16xf32>,
      tpu.vector_store %arg7[%swap3A_113, %swap3A_114], %broadcast_in_dim3A_0 {strides = array<i32>} : memref<5000x16xf32, #tpu.memory_space<vmem>>, vector<16xf32>,
    }
    %scan3A_5 = arith.constant 250 : i32
    %iota3A = tpu.iota {dimensions = array<i32: 0>} : vector<16xi32>
    %mul3A = arith.constant 20480 : i32
    %mul3A_6 = arith.muli %arg1, %mul3A : i32
    %scan3A_7 = arith.constant 0 : i32
    %scan3A_8 = arith.constant 0 : i32
    %scan3A_9 = arith.constant 20 : i32
    %scan3A_10 = arith.addi %scan3A_8, %scan3A_9 : i32
    %scan3A_11 = arith.constant 1 : i32
    scf.for %scan3A_15 = %scan3A_8 to %scan3A_10 step %scan3A_11  : i32 {
      %mul3A_16 = arith.constant 1024 : i32
      %mul3A_17 = arith.muli %scan3A_15, %mul3A_16 : i32
      %add3A = arith.addi %mul3A_6, %mul3A_17 : i32
      "tpu.region"() ({
        %run_scoped3A = tpu.sem_alloc : memref<!tpu.dma_semaphore, #tpu.memory_space<semaphore_mem>>
        %dma_start3A = tpu.memref_slice %arg2[%add3A] : memref<327680xi32, #tpu.memory_space<hbm>> -> memref<1024xi32, #tpu.memory_space<hbm>>
        %dma_start3A_20 = tpu.memref_slice %arg2[%add3A] : memref<327680xi32, #tpu.memory_space<hbm>> -> memref<1024xi32, #tpu.memory_space<hbm>>
        tpu.enqueue_dma source(%dma_start3A_20 : memref<1024xi32, #tpu.memory_space<hbm>>) target(%arg5 : memref<1024xi32, #tpu.memory_space<vmem>>) target_semaphore(%run_scoped3A : memref<!tpu.dma_semaphore, #tpu.memory_space<semaphore_mem>>)
        %dma_wait3A = tpu.memref_slice %arg2[%add3A] : memref<327680xi32, #tpu.memory_space<hbm>> -> memref<1024xi32, #tpu.memory_space<hbm>>
        %dma_wait3A_21 = tpu.memref_slice %arg2[%add3A] : memref<327680xi32, #tpu.memory_space<hbm>> -> memref<1024xi32, #tpu.memory_space<hbm>>
        tpu.wait_dma2 semaphore(%run_scoped3A : memref<!tpu.dma_semaphore, #tpu.memory_space<semaphore_mem>>) src(%dma_wait3A_21 : memref<1024xi32, #tpu.memory_space<hbm>>) dst(%arg5 : memref<1024xi32, #tpu.memory_space<vmem>>)
        tpu.yield
      }) : () -> ()
      "tpu.region"() ({
        %run_scoped3A = tpu.sem_alloc : memref<!tpu.dma_semaphore, #tpu.memory_space<semaphore_mem>>
        %dma_start3A = tpu.memref_slice %arg3[%add3A] : memref<327680xf32, #tpu.memory_space<hbm>> -> memref<1024xf32, #tpu.memory_space<hbm>>
        %dma_start3A_20 = tpu.memref_slice %arg3[%add3A] : memref<327680xf32, #tpu.memory_space<hbm>> -> memref<1024xf32, #tpu.memory_space<hbm>>
        tpu.enqueue_dma source(%dma_start3A_20 : memref<1024xf32, #tpu.memory_space<hbm>>) target(%arg6 : memref<1024xf32, #tpu.memory_space<vmem>>) target_semaphore(%run_scoped3A : memref<!tpu.dma_semaphore, #tpu.memory_space<semaphore_mem>>)
        %dma_wait3A = tpu.memref_slice %arg3[%add3A] : memref<327680xf32, #tpu.memory_space<hbm>> -> memref<1024xf32, #tpu.memory_space<hbm>>
        %dma_wait3A_21 = tpu.memref_slice %arg3[%add3A] : memref<327680xf32, #tpu.memory_space<hbm>> -> memref<1024xf32, #tpu.memory_space<hbm>>
        tpu.wait_dma2 semaphore(%run_scoped3A : memref<!tpu.dma_semaphore, #tpu.memory_space<semaphore_mem>>) src(%dma_wait3A_21 : memref<1024xf32, #tpu.memory_space<hbm>>) dst(%arg6 : memref<1024xf32, #tpu.memory_space<vmem>>)
        tpu.yield
      }) : () -> ()
      %parallel_loop3A = arith.constant 0 : i32
      %parallel_loop3A_18 = arith.constant 64 : i32
      %parallel_loop3A_19 = arith.constant 1 : i32
      scf.for %parallel_loop3A_20 = %parallel_loop3A to %parallel_loop3A_18 step %parallel_loop3A_19  : i32 {
        %parallel_loop3A_21 = arith.constant 16 : i32
        %parallel_loop3A_22 = arith.muli %parallel_loop3A_20, %parallel_loop3A_21 : i32
        %parallel_loop3A_23 = arith.index_cast %parallel_loop3A_22 : i32 to index
        %parallel_loop3A_24 = tpu.vector_load %arg5[%parallel_loop3A_23] {strides = array<i32>} : memref<1024xi32, #tpu.memory_space<vmem>>, vector<16xi32>,
        %parallel_loop3A_25 = arith.index_cast %parallel_loop3A_22 : i32 to index
        %parallel_loop3A_26 = tpu.vector_load %arg6[%parallel_loop3A_25] {strides = array<i32>} : memref<1024xf32, #tpu.memory_space<vmem>>, vector<16xf32>,
        %parallel_loop3A_27 = arith.constant 5000 : i32
        %parallel_loop3A_28 = arith.muli %arg0, %parallel_loop3A_27 : i32
        %parallel_loop3A_29 = vector.broadcast %parallel_loop3A_28 : i32 to vector<16xi32>
        %parallel_loop3A_30 = arith.subi %parallel_loop3A_24, %parallel_loop3A_29 : vector<16xi32>
        %parallel_loop3A_31 = arith.constant 0 : i32
        %parallel_loop3A_32 = vector.broadcast %parallel_loop3A_31 : i32 to vector<16xi32>
        %parallel_loop3A_33 = arith.cmpi sge, %parallel_loop3A_30, %parallel_loop3A_32 : vector<16xi32>
        %parallel_loop3A_34 = arith.constant 5000 : i32
        %parallel_loop3A_35 = vector.broadcast %parallel_loop3A_34 : i32 to vector<16xi32>
        %parallel_loop3A_36 = arith.cmpi slt, %parallel_loop3A_30, %parallel_loop3A_35 : vector<16xi32>
        %parallel_loop3A_37 = arith.andi %parallel_loop3A_33, %parallel_loop3A_36 : vector<16xi1>
        %parallel_loop3A_38 = arith.constant 0 : i32
        %parallel_loop3A_39 = vector.broadcast %parallel_loop3A_38 : i32 to vector<16xi32>
        %parallel_loop3A_40 = arith.select %parallel_loop3A_37, %parallel_loop3A_30, %parallel_loop3A_39 : vector<16xi1>, vector<16xi32>
        %parallel_loop3A_41 = arith.constant 0.000000e+00 : f32
        %parallel_loop3A_42 = vector.broadcast %parallel_loop3A_41 : f32 to vector<16xf32>
        %parallel_loop3A_43 = arith.select %parallel_loop3A_37, %parallel_loop3A_26, %parallel_loop3A_42 : vector<16xi1>, vector<16xf32>
        tpu.vector_store_idx %arg7[%parallel_loop3A_40, %iota3A], %parallel_loop3A_43 {add = true} : memref<5000x16xf32, #tpu.memory_space<vmem>>[vector<16xi32>, vector<16xi32>], vector<16xf32>,
      } {sc.loop_unroll_factor = 4 : i64, sc.parallel_access}
    }
    %scan3A_12 = arith.constant 20 : i32
    %mul3A_13 = arith.constant 5000 : i32
    %mul3A_14 = arith.muli %arg0, %mul3A_13 : i32
    "tpu.region"() ({
      %run_scoped3A = tpu.sem_alloc : memref<!tpu.dma_semaphore, #tpu.memory_space<semaphore_mem>>
      %dma_start3A = arith.constant 0 : i32
      %dma_start3A_15 = tpu.memref_slice %arg4[%arg1, %mul3A_14, %dma_start3A] : memref<16x10000x16xf32, #tpu.memory_space<hbm>> -> memref<1x5000x16xf32, #tpu.memory_space<hbm>>
      %dma_start3A_16 = tpu.memref_squeeze %dma_start3A_15 : memref<1x5000x16xf32, #tpu.memory_space<hbm>> -> memref<5000x16xf32, #tpu.memory_space<hbm>>
      %dma_start3A_17 = arith.constant 0 : i32
      %dma_start3A_18 = tpu.memref_slice %arg4[%arg1, %mul3A_14, %dma_start3A_17] : memref<16x10000x16xf32, #tpu.memory_space<hbm>> -> memref<1x5000x16xf32, #tpu.memory_space<hbm>>
      %dma_start3A_19 = tpu.memref_squeeze %dma_start3A_18 : memref<1x5000x16xf32, #tpu.memory_space<hbm>> -> memref<5000x16xf32, #tpu.memory_space<hbm>>
      tpu.enqueue_dma source(%arg7 : memref<5000x16xf32, #tpu.memory_space<vmem>>) target(%dma_start3A_19 : memref<5000x16xf32, #tpu.memory_space<hbm>>) target_semaphore(%run_scoped3A : memref<!tpu.dma_semaphore, #tpu.memory_space<semaphore_mem>>)
      %dma_wait3A = arith.constant 0 : i32
      %dma_wait3A_20 = tpu.memref_slice %arg4[%arg1, %mul3A_14, %dma_wait3A] : memref<16x10000x16xf32, #tpu.memory_space<hbm>> -> memref<1x5000x16xf32, #tpu.memory_space<hbm>>
      %dma_wait3A_21 = tpu.memref_squeeze %dma_wait3A_20 : memref<1x5000x16xf32, #tpu.memory_space<hbm>> -> memref<5000x16xf32, #tpu.memory_space<hbm>>
      %dma_wait3A_22 = arith.constant 0 : i32
      %dma_wait3A_23 = tpu.memref_slice %arg4[%arg1, %mul3A_14, %dma_wait3A_22] : memref<16x10000x16xf32, #tpu.memory_space<hbm>> -> memref<1x5000x16xf32, #tpu.memory_space<hbm>>
      %dma_wait3A_24 = tpu.memref_squeeze %dma_wait3A_23 : memref<1x5000x16xf32, #tpu.memory_space<hbm>> -> memref<5000x16xf32, #tpu.memory_space<hbm>>
      tpu.wait_dma2 semaphore(%run_scoped3A : memref<!tpu.dma_semaphore, #tpu.memory_space<semaphore_mem>>) src(%arg7 : memref<5000x16xf32, #tpu.memory_space<vmem>>) dst(%dma_wait3A_24 : memref<5000x16xf32, #tpu.memory_space<hbm>>)
      tpu.yield
    }) : () -> ()
    return
  }
}

#map = affine_map<(d0, d1) -> (0)>
#map1 = affine_map<(d0, d1) -> (0, 0)>
#map2 = affine_map<(d0, d1) -> (0, 0, 0)>
module attributes {stable_mosaic.version = 14 : i64} {
  func.func @_agg_kernel(%arg0: i32, %arg1: i32, %arg2: memref<327680xi32, #tpu.memory_space<hbm>>, %arg3: memref<327680xi32, #tpu.memory_space<hbm>>, %arg4: memref<327680xf32, #tpu.memory_space<hbm>>, %arg5: memref<10000xf32, #tpu.memory_space<hbm>>, %arg6: memref<10000x16xf32, #tpu.memory_space<hbm>>, %arg7: memref<2x10000x16xf32, #tpu.memory_space<hbm>>, %arg8: memref<10000xf32, #tpu.memory_space<vmem>>, %arg9: memref<1024xi32, #tpu.memory_space<vmem>>, %arg10: memref<1024xi32, #tpu.memory_space<vmem>>, %arg11: memref<1024xf32, #tpu.memory_space<vmem>>, %arg12: memref<1024xf32, #tpu.memory_space<vmem>>, %arg13: memref<8x128xi32, #tpu.memory_space<vmem>>, %arg14: memref<1024x16xf32, #tpu.memory_space<vmem>>, %arg15: memref<1024x16xf32, #tpu.memory_space<vmem>>, %arg16: memref<625x16xf32, #tpu.memory_space<vmem>>, %arg17: memref<10000x16xf32, #tpu.memory_space<vmem_shared>>, %arg18: memref<!tpu.dma_semaphore, #tpu.memory_space<semaphore_mem>>, %arg19: memref<!tpu.dma_semaphore, #tpu.memory_space<semaphore_mem>>) attributes {dimension_semantics = [#tpu.dimension_semantics<core_parallel>, #tpu.dimension_semantics<subcore_parallel>], iteration_bounds = array<i64: 2, 16>, scalar_prefetch = 0 : i64, scratch_operands = 12 : i64, tpu.core_type = #tpu.core_type<sc_vector_subcore>, window_params = [{transform_indices = #map}, {transform_indices = #map}, {transform_indices = #map}, {transform_indices = #map}, {transform_indices = #map1}, {transform_indices = #map2}]} {
    "tpu.region"() ({
      %run_scoped3A = tpu.sem_alloc : memref<!tpu.dma_semaphore, #tpu.memory_space<semaphore_mem>>
      tpu.enqueue_dma source(%arg5 : memref<10000xf32, #tpu.memory_space<hbm>>) target(%arg8 : memref<10000xf32, #tpu.memory_space<vmem>>) target_semaphore(%run_scoped3A : memref<!tpu.dma_semaphore, #tpu.memory_space<semaphore_mem>>)
      tpu.wait_dma2 semaphore(%run_scoped3A : memref<!tpu.dma_semaphore, #tpu.memory_space<semaphore_mem>>) src(%arg5 : memref<10000xf32, #tpu.memory_space<hbm>>) dst(%arg8 : memref<10000xf32, #tpu.memory_space<vmem>>)
      tpu.yield
    }) : () -> ()
    %broadcast_in_dim3A = arith.constant 0.000000e+00 : f32
    %broadcast_in_dim3A_0 = vector.broadcast %broadcast_in_dim3A : f32 to vector<16xf32>
    %scan3A = arith.constant 0 : i32
    %scan3A_1 = arith.constant 0 : i32
    %scan3A_2 = arith.constant 25 : i32
    %scan3A_3 = arith.addi %scan3A_1, %scan3A_2 : i32
    %scan3A_4 = arith.constant 1 : i32
    scf.for %scan3A_22 = %scan3A_1 to %scan3A_3 step %scan3A_4  : i32 {
      %mul3A_23 = arith.constant 25 : i32
      %mul3A_24 = arith.muli %scan3A_22, %mul3A_23 : i32
      %add3A_25 = arith.constant 0 : i32
      %add3A_26 = arith.addi %mul3A_24, %add3A_25 : i32
      %swap3A = arith.index_cast %add3A_26 : i32 to index
      %swap3A_27 = arith.constant 0 : index
      %swap3A_28 = tpu.vector_load %arg16[%swap3A, %swap3A_27] {strides = array<i32>} : memref<625x16xf32, #tpu.memory_space<vmem>>, vector<16xf32>,
      tpu.vector_store %arg16[%swap3A, %swap3A_27], %broadcast_in_dim3A_0 {strides = array<i32>} : memref<625x16xf32, #tpu.memory_space<vmem>>, vector<16xf32>,
      %add3A_29 = arith.constant 1 : i32
      %add3A_30 = arith.addi %mul3A_24, %add3A_29 : i32
      %swap3A_31 = arith.index_cast %add3A_30 : i32 to index
      %swap3A_32 = arith.constant 0 : index
      %swap3A_33 = tpu.vector_load %arg16[%swap3A_31, %swap3A_32] {strides = array<i32>} : memref<625x16xf32, #tpu.memory_space<vmem>>, vector<16xf32>,
      tpu.vector_store %arg16[%swap3A_31, %swap3A_32], %broadcast_in_dim3A_0 {strides = array<i32>} : memref<625x16xf32, #tpu.memory_space<vmem>>, vector<16xf32>,
      %add3A_34 = arith.constant 2 : i32
      %add3A_35 = arith.addi %mul3A_24, %add3A_34 : i32
      %swap3A_36 = arith.index_cast %add3A_35 : i32 to index
      %swap3A_37 = arith.constant 0 : index
      %swap3A_38 = tpu.vector_load %arg16[%swap3A_36, %swap3A_37] {strides = array<i32>} : memref<625x16xf32, #tpu.memory_space<vmem>>, vector<16xf32>,
      tpu.vector_store %arg16[%swap3A_36, %swap3A_37], %broadcast_in_dim3A_0 {strides = array<i32>} : memref<625x16xf32, #tpu.memory_space<vmem>>, vector<16xf32>,
      %add3A_39 = arith.constant 3 : i32
      %add3A_40 = arith.addi %mul3A_24, %add3A_39 : i32
      %swap3A_41 = arith.index_cast %add3A_40 : i32 to index
      %swap3A_42 = arith.constant 0 : index
      %swap3A_43 = tpu.vector_load %arg16[%swap3A_41, %swap3A_42] {strides = array<i32>} : memref<625x16xf32, #tpu.memory_space<vmem>>, vector<16xf32>,
      tpu.vector_store %arg16[%swap3A_41, %swap3A_42], %broadcast_in_dim3A_0 {strides = array<i32>} : memref<625x16xf32, #tpu.memory_space<vmem>>, vector<16xf32>,
      %add3A_44 = arith.constant 4 : i32
      %add3A_45 = arith.addi %mul3A_24, %add3A_44 : i32
      %swap3A_46 = arith.index_cast %add3A_45 : i32 to index
      %swap3A_47 = arith.constant 0 : index
      %swap3A_48 = tpu.vector_load %arg16[%swap3A_46, %swap3A_47] {strides = array<i32>} : memref<625x16xf32, #tpu.memory_space<vmem>>, vector<16xf32>,
      tpu.vector_store %arg16[%swap3A_46, %swap3A_47], %broadcast_in_dim3A_0 {strides = array<i32>} : memref<625x16xf32, #tpu.memory_space<vmem>>, vector<16xf32>,
      %add3A_49 = arith.constant 5 : i32
      %add3A_50 = arith.addi %mul3A_24, %add3A_49 : i32
      %swap3A_51 = arith.index_cast %add3A_50 : i32 to index
      %swap3A_52 = arith.constant 0 : index
      %swap3A_53 = tpu.vector_load %arg16[%swap3A_51, %swap3A_52] {strides = array<i32>} : memref<625x16xf32, #tpu.memory_space<vmem>>, vector<16xf32>,
      tpu.vector_store %arg16[%swap3A_51, %swap3A_52], %broadcast_in_dim3A_0 {strides = array<i32>} : memref<625x16xf32, #tpu.memory_space<vmem>>, vector<16xf32>,
      %add3A_54 = arith.constant 6 : i32
      %add3A_55 = arith.addi %mul3A_24, %add3A_54 : i32
      %swap3A_56 = arith.index_cast %add3A_55 : i32 to index
      %swap3A_57 = arith.constant 0 : index
      %swap3A_58 = tpu.vector_load %arg16[%swap3A_56, %swap3A_57] {strides = array<i32>} : memref<625x16xf32, #tpu.memory_space<vmem>>, vector<16xf32>,
      tpu.vector_store %arg16[%swap3A_56, %swap3A_57], %broadcast_in_dim3A_0 {strides = array<i32>} : memref<625x16xf32, #tpu.memory_space<vmem>>, vector<16xf32>,
      %add3A_59 = arith.constant 7 : i32
      %add3A_60 = arith.addi %mul3A_24, %add3A_59 : i32
      %swap3A_61 = arith.index_cast %add3A_60 : i32 to index
      %swap3A_62 = arith.constant 0 : index
      %swap3A_63 = tpu.vector_load %arg16[%swap3A_61, %swap3A_62] {strides = array<i32>} : memref<625x16xf32, #tpu.memory_space<vmem>>, vector<16xf32>,
      tpu.vector_store %arg16[%swap3A_61, %swap3A_62], %broadcast_in_dim3A_0 {strides = array<i32>} : memref<625x16xf32, #tpu.memory_space<vmem>>, vector<16xf32>,
      %add3A_64 = arith.constant 8 : i32
      %add3A_65 = arith.addi %mul3A_24, %add3A_64 : i32
      %swap3A_66 = arith.index_cast %add3A_65 : i32 to index
      %swap3A_67 = arith.constant 0 : index
      %swap3A_68 = tpu.vector_load %arg16[%swap3A_66, %swap3A_67] {strides = array<i32>} : memref<625x16xf32, #tpu.memory_space<vmem>>, vector<16xf32>,
      tpu.vector_store %arg16[%swap3A_66, %swap3A_67], %broadcast_in_dim3A_0 {strides = array<i32>} : memref<625x16xf32, #tpu.memory_space<vmem>>, vector<16xf32>,
      %add3A_69 = arith.constant 9 : i32
      %add3A_70 = arith.addi %mul3A_24, %add3A_69 : i32
      %swap3A_71 = arith.index_cast %add3A_70 : i32 to index
      %swap3A_72 = arith.constant 0 : index
      %swap3A_73 = tpu.vector_load %arg16[%swap3A_71, %swap3A_72] {strides = array<i32>} : memref<625x16xf32, #tpu.memory_space<vmem>>, vector<16xf32>,
      tpu.vector_store %arg16[%swap3A_71, %swap3A_72], %broadcast_in_dim3A_0 {strides = array<i32>} : memref<625x16xf32, #tpu.memory_space<vmem>>, vector<16xf32>,
      %add3A_74 = arith.constant 10 : i32
      %add3A_75 = arith.addi %mul3A_24, %add3A_74 : i32
      %swap3A_76 = arith.index_cast %add3A_75 : i32 to index
      %swap3A_77 = arith.constant 0 : index
      %swap3A_78 = tpu.vector_load %arg16[%swap3A_76, %swap3A_77] {strides = array<i32>} : memref<625x16xf32, #tpu.memory_space<vmem>>, vector<16xf32>,
      tpu.vector_store %arg16[%swap3A_76, %swap3A_77], %broadcast_in_dim3A_0 {strides = array<i32>} : memref<625x16xf32, #tpu.memory_space<vmem>>, vector<16xf32>,
      %add3A_79 = arith.constant 11 : i32
      %add3A_80 = arith.addi %mul3A_24, %add3A_79 : i32
      %swap3A_81 = arith.index_cast %add3A_80 : i32 to index
      %swap3A_82 = arith.constant 0 : index
      %swap3A_83 = tpu.vector_load %arg16[%swap3A_81, %swap3A_82] {strides = array<i32>} : memref<625x16xf32, #tpu.memory_space<vmem>>, vector<16xf32>,
      tpu.vector_store %arg16[%swap3A_81, %swap3A_82], %broadcast_in_dim3A_0 {strides = array<i32>} : memref<625x16xf32, #tpu.memory_space<vmem>>, vector<16xf32>,
      %add3A_84 = arith.constant 12 : i32
      %add3A_85 = arith.addi %mul3A_24, %add3A_84 : i32
      %swap3A_86 = arith.index_cast %add3A_85 : i32 to index
      %swap3A_87 = arith.constant 0 : index
      %swap3A_88 = tpu.vector_load %arg16[%swap3A_86, %swap3A_87] {strides = array<i32>} : memref<625x16xf32, #tpu.memory_space<vmem>>, vector<16xf32>,
      tpu.vector_store %arg16[%swap3A_86, %swap3A_87], %broadcast_in_dim3A_0 {strides = array<i32>} : memref<625x16xf32, #tpu.memory_space<vmem>>, vector<16xf32>,
      %add3A_89 = arith.constant 13 : i32
      %add3A_90 = arith.addi %mul3A_24, %add3A_89 : i32
      %swap3A_91 = arith.index_cast %add3A_90 : i32 to index
      %swap3A_92 = arith.constant 0 : index
      %swap3A_93 = tpu.vector_load %arg16[%swap3A_91, %swap3A_92] {strides = array<i32>} : memref<625x16xf32, #tpu.memory_space<vmem>>, vector<16xf32>,
      tpu.vector_store %arg16[%swap3A_91, %swap3A_92], %broadcast_in_dim3A_0 {strides = array<i32>} : memref<625x16xf32, #tpu.memory_space<vmem>>, vector<16xf32>,
      %add3A_94 = arith.constant 14 : i32
      %add3A_95 = arith.addi %mul3A_24, %add3A_94 : i32
      %swap3A_96 = arith.index_cast %add3A_95 : i32 to index
      %swap3A_97 = arith.constant 0 : index
      %swap3A_98 = tpu.vector_load %arg16[%swap3A_96, %swap3A_97] {strides = array<i32>} : memref<625x16xf32, #tpu.memory_space<vmem>>, vector<16xf32>,
      tpu.vector_store %arg16[%swap3A_96, %swap3A_97], %broadcast_in_dim3A_0 {strides = array<i32>} : memref<625x16xf32, #tpu.memory_space<vmem>>, vector<16xf32>,
      %add3A_99 = arith.constant 15 : i32
      %add3A_100 = arith.addi %mul3A_24, %add3A_99 : i32
      %swap3A_101 = arith.index_cast %add3A_100 : i32 to index
      %swap3A_102 = arith.constant 0 : index
      %swap3A_103 = tpu.vector_load %arg16[%swap3A_101, %swap3A_102] {strides = array<i32>} : memref<625x16xf32, #tpu.memory_space<vmem>>, vector<16xf32>,
      tpu.vector_store %arg16[%swap3A_101, %swap3A_102], %broadcast_in_dim3A_0 {strides = array<i32>} : memref<625x16xf32, #tpu.memory_space<vmem>>, vector<16xf32>,
      %add3A_104 = arith.constant 16 : i32
      %add3A_105 = arith.addi %mul3A_24, %add3A_104 : i32
      %swap3A_106 = arith.index_cast %add3A_105 : i32 to index
      %swap3A_107 = arith.constant 0 : index
      %swap3A_108 = tpu.vector_load %arg16[%swap3A_106, %swap3A_107] {strides = array<i32>} : memref<625x16xf32, #tpu.memory_space<vmem>>, vector<16xf32>,
      tpu.vector_store %arg16[%swap3A_106, %swap3A_107], %broadcast_in_dim3A_0 {strides = array<i32>} : memref<625x16xf32, #tpu.memory_space<vmem>>, vector<16xf32>,
      %add3A_109 = arith.constant 17 : i32
      %add3A_110 = arith.addi %mul3A_24, %add3A_109 : i32
      %swap3A_111 = arith.index_cast %add3A_110 : i32 to index
      %swap3A_112 = arith.constant 0 : index
      %swap3A_113 = tpu.vector_load %arg16[%swap3A_111, %swap3A_112] {strides = array<i32>} : memref<625x16xf32, #tpu.memory_space<vmem>>, vector<16xf32>,
      tpu.vector_store %arg16[%swap3A_111, %swap3A_112], %broadcast_in_dim3A_0 {strides = array<i32>} : memref<625x16xf32, #tpu.memory_space<vmem>>, vector<16xf32>,
      %add3A_114 = arith.constant 18 : i32
      %add3A_115 = arith.addi %mul3A_24, %add3A_114 : i32
      %swap3A_116 = arith.index_cast %add3A_115 : i32 to index
      %swap3A_117 = arith.constant 0 : index
      %swap3A_118 = tpu.vector_load %arg16[%swap3A_116, %swap3A_117] {strides = array<i32>} : memref<625x16xf32, #tpu.memory_space<vmem>>, vector<16xf32>,
      tpu.vector_store %arg16[%swap3A_116, %swap3A_117], %broadcast_in_dim3A_0 {strides = array<i32>} : memref<625x16xf32, #tpu.memory_space<vmem>>, vector<16xf32>,
      %add3A_119 = arith.constant 19 : i32
      %add3A_120 = arith.addi %mul3A_24, %add3A_119 : i32
      %swap3A_121 = arith.index_cast %add3A_120 : i32 to index
      %swap3A_122 = arith.constant 0 : index
      %swap3A_123 = tpu.vector_load %arg16[%swap3A_121, %swap3A_122] {strides = array<i32>} : memref<625x16xf32, #tpu.memory_space<vmem>>, vector<16xf32>,
      tpu.vector_store %arg16[%swap3A_121, %swap3A_122], %broadcast_in_dim3A_0 {strides = array<i32>} : memref<625x16xf32, #tpu.memory_space<vmem>>, vector<16xf32>,
      %add3A_124 = arith.constant 20 : i32
      %add3A_125 = arith.addi %mul3A_24, %add3A_124 : i32
      %swap3A_126 = arith.index_cast %add3A_125 : i32 to index
      %swap3A_127 = arith.constant 0 : index
      %swap3A_128 = tpu.vector_load %arg16[%swap3A_126, %swap3A_127] {strides = array<i32>} : memref<625x16xf32, #tpu.memory_space<vmem>>, vector<16xf32>,
      tpu.vector_store %arg16[%swap3A_126, %swap3A_127], %broadcast_in_dim3A_0 {strides = array<i32>} : memref<625x16xf32, #tpu.memory_space<vmem>>, vector<16xf32>,
      %add3A_129 = arith.constant 21 : i32
      %add3A_130 = arith.addi %mul3A_24, %add3A_129 : i32
      %swap3A_131 = arith.index_cast %add3A_130 : i32 to index
      %swap3A_132 = arith.constant 0 : index
      %swap3A_133 = tpu.vector_load %arg16[%swap3A_131, %swap3A_132] {strides = array<i32>} : memref<625x16xf32, #tpu.memory_space<vmem>>, vector<16xf32>,
      tpu.vector_store %arg16[%swap3A_131, %swap3A_132], %broadcast_in_dim3A_0 {strides = array<i32>} : memref<625x16xf32, #tpu.memory_space<vmem>>, vector<16xf32>,
      %add3A_134 = arith.constant 22 : i32
      %add3A_135 = arith.addi %mul3A_24, %add3A_134 : i32
      %swap3A_136 = arith.index_cast %add3A_135 : i32 to index
      %swap3A_137 = arith.constant 0 : index
      %swap3A_138 = tpu.vector_load %arg16[%swap3A_136, %swap3A_137] {strides = array<i32>} : memref<625x16xf32, #tpu.memory_space<vmem>>, vector<16xf32>,
      tpu.vector_store %arg16[%swap3A_136, %swap3A_137], %broadcast_in_dim3A_0 {strides = array<i32>} : memref<625x16xf32, #tpu.memory_space<vmem>>, vector<16xf32>,
      %add3A_139 = arith.constant 23 : i32
      %add3A_140 = arith.addi %mul3A_24, %add3A_139 : i32
      %swap3A_141 = arith.index_cast %add3A_140 : i32 to index
      %swap3A_142 = arith.constant 0 : index
      %swap3A_143 = tpu.vector_load %arg16[%swap3A_141, %swap3A_142] {strides = array<i32>} : memref<625x16xf32, #tpu.memory_space<vmem>>, vector<16xf32>,
      tpu.vector_store %arg16[%swap3A_141, %swap3A_142], %broadcast_in_dim3A_0 {strides = array<i32>} : memref<625x16xf32, #tpu.memory_space<vmem>>, vector<16xf32>,
      %add3A_144 = arith.constant 24 : i32
      %add3A_145 = arith.addi %mul3A_24, %add3A_144 : i32
      %swap3A_146 = arith.index_cast %add3A_145 : i32 to index
      %swap3A_147 = arith.constant 0 : index
      %swap3A_148 = tpu.vector_load %arg16[%swap3A_146, %swap3A_147] {strides = array<i32>} : memref<625x16xf32, #tpu.memory_space<vmem>>, vector<16xf32>,
      tpu.vector_store %arg16[%swap3A_146, %swap3A_147], %broadcast_in_dim3A_0 {strides = array<i32>} : memref<625x16xf32, #tpu.memory_space<vmem>>, vector<16xf32>,
    }
    %scan3A_5 = arith.constant 25 : i32
    %mul3A = arith.constant 625 : i32
    %mul3A_6 = arith.muli %arg1, %mul3A : i32
    "tpu.region"() ({
      %run_scoped3A = tpu.sem_alloc : memref<!tpu.dma_semaphore, #tpu.memory_space<semaphore_mem>>
      %dma_start3A = arith.constant 0 : i32
      %dma_start3A_22 = tpu.memref_slice %arg17[%mul3A_6, %dma_start3A] : memref<10000x16xf32, #tpu.memory_space<vmem_shared>> -> memref<625x16xf32, #tpu.memory_space<vmem_shared>>
      %dma_start3A_23 = arith.constant 0 : i32
      %dma_start3A_24 = tpu.memref_slice %arg17[%mul3A_6, %dma_start3A_23] : memref<10000x16xf32, #tpu.memory_space<vmem_shared>> -> memref<625x16xf32, #tpu.memory_space<vmem_shared>>
      tpu.enqueue_dma source(%arg16 : memref<625x16xf32, #tpu.memory_space<vmem>>) target(%dma_start3A_24 : memref<625x16xf32, #tpu.memory_space<vmem_shared>>) target_semaphore(%run_scoped3A : memref<!tpu.dma_semaphore, #tpu.memory_space<semaphore_mem>>)
      %dma_wait3A = arith.constant 0 : i32
      %dma_wait3A_25 = tpu.memref_slice %arg17[%mul3A_6, %dma_wait3A] : memref<10000x16xf32, #tpu.memory_space<vmem_shared>> -> memref<625x16xf32, #tpu.memory_space<vmem_shared>>
      %dma_wait3A_26 = arith.constant 0 : i32
      %dma_wait3A_27 = tpu.memref_slice %arg17[%mul3A_6, %dma_wait3A_26] : memref<10000x16xf32, #tpu.memory_space<vmem_shared>> -> memref<625x16xf32, #tpu.memory_space<vmem_shared>>
      tpu.wait_dma2 semaphore(%run_scoped3A : memref<!tpu.dma_semaphore, #tpu.memory_space<semaphore_mem>>) src(%arg16 : memref<625x16xf32, #tpu.memory_space<vmem>>) dst(%dma_wait3A_27 : memref<625x16xf32, #tpu.memory_space<vmem_shared>>)
      tpu.yield
    }) : () -> ()
    %barrier3A = arith.constant 0 : index
    tpu.barrier barrier_id(%barrier3A)
    %mul3A_7 = arith.constant 16 : i32
    %mul3A_8 = arith.muli %arg0, %mul3A_7 : i32
    %add3A = arith.addi %mul3A_8, %arg1 : i32
    %mul3A_9 = arith.constant 10240 : i32
    %mul3A_10 = arith.muli %add3A, %mul3A_9 : i32
    %scan3A_11 = arith.constant 0 : i32
    %scan3A_12 = arith.constant 0 : i32
    %scan3A_13 = arith.constant 10 : i32
    %scan3A_14 = arith.addi %scan3A_12, %scan3A_13 : i32
    %scan3A_15 = arith.constant 1 : i32
    scf.for %scan3A_22 = %scan3A_12 to %scan3A_14 step %scan3A_15  : i32 {
      %mul3A_23 = arith.constant 1024 : i32
      %mul3A_24 = arith.muli %scan3A_22, %mul3A_23 : i32
      %add3A_25 = arith.addi %mul3A_10, %mul3A_24 : i32
      "tpu.region"() ({
        %run_scoped3A_340 = tpu.sem_alloc : memref<!tpu.dma_semaphore, #tpu.memory_space<semaphore_mem>>
        %dma_start3A_341 = tpu.memref_slice %arg2[%add3A_25] : memref<327680xi32, #tpu.memory_space<hbm>> -> memref<1024xi32, #tpu.memory_space<hbm>>
        %dma_start3A_342 = tpu.memref_slice %arg2[%add3A_25] : memref<327680xi32, #tpu.memory_space<hbm>> -> memref<1024xi32, #tpu.memory_space<hbm>>
        tpu.enqueue_dma source(%dma_start3A_342 : memref<1024xi32, #tpu.memory_space<hbm>>) target(%arg9 : memref<1024xi32, #tpu.memory_space<vmem>>) target_semaphore(%run_scoped3A_340 : memref<!tpu.dma_semaphore, #tpu.memory_space<semaphore_mem>>)
        %dma_wait3A_343 = tpu.memref_slice %arg2[%add3A_25] : memref<327680xi32, #tpu.memory_space<hbm>> -> memref<1024xi32, #tpu.memory_space<hbm>>
        %dma_wait3A_344 = tpu.memref_slice %arg2[%add3A_25] : memref<327680xi32, #tpu.memory_space<hbm>> -> memref<1024xi32, #tpu.memory_space<hbm>>
        tpu.wait_dma2 semaphore(%run_scoped3A_340 : memref<!tpu.dma_semaphore, #tpu.memory_space<semaphore_mem>>) src(%dma_wait3A_344 : memref<1024xi32, #tpu.memory_space<hbm>>) dst(%arg9 : memref<1024xi32, #tpu.memory_space<vmem>>)
        tpu.yield
      }) : () -> ()
      "tpu.region"() ({
        %run_scoped3A_340 = tpu.sem_alloc : memref<!tpu.dma_semaphore, #tpu.memory_space<semaphore_mem>>
        %dma_start3A_341 = tpu.memref_slice %arg3[%add3A_25] : memref<327680xi32, #tpu.memory_space<hbm>> -> memref<1024xi32, #tpu.memory_space<hbm>>
        %dma_start3A_342 = tpu.memref_slice %arg3[%add3A_25] : memref<327680xi32, #tpu.memory_space<hbm>> -> memref<1024xi32, #tpu.memory_space<hbm>>
        tpu.enqueue_dma source(%dma_start3A_342 : memref<1024xi32, #tpu.memory_space<hbm>>) target(%arg10 : memref<1024xi32, #tpu.memory_space<vmem>>) target_semaphore(%run_scoped3A_340 : memref<!tpu.dma_semaphore, #tpu.memory_space<semaphore_mem>>)
        %dma_wait3A_343 = tpu.memref_slice %arg3[%add3A_25] : memref<327680xi32, #tpu.memory_space<hbm>> -> memref<1024xi32, #tpu.memory_space<hbm>>
        %dma_wait3A_344 = tpu.memref_slice %arg3[%add3A_25] : memref<327680xi32, #tpu.memory_space<hbm>> -> memref<1024xi32, #tpu.memory_space<hbm>>
        tpu.wait_dma2 semaphore(%run_scoped3A_340 : memref<!tpu.dma_semaphore, #tpu.memory_space<semaphore_mem>>) src(%dma_wait3A_344 : memref<1024xi32, #tpu.memory_space<hbm>>) dst(%arg10 : memref<1024xi32, #tpu.memory_space<vmem>>)
        tpu.yield
      }) : () -> ()
      "tpu.region"() ({
        %run_scoped3A_340 = tpu.sem_alloc : memref<!tpu.dma_semaphore, #tpu.memory_space<semaphore_mem>>
        %dma_start3A_341 = tpu.memref_slice %arg4[%add3A_25] : memref<327680xf32, #tpu.memory_space<hbm>> -> memref<1024xf32, #tpu.memory_space<hbm>>
        %dma_start3A_342 = tpu.memref_slice %arg4[%add3A_25] : memref<327680xf32, #tpu.memory_space<hbm>> -> memref<1024xf32, #tpu.memory_space<hbm>>
        tpu.enqueue_dma source(%dma_start3A_342 : memref<1024xf32, #tpu.memory_space<hbm>>) target(%arg11 : memref<1024xf32, #tpu.memory_space<vmem>>) target_semaphore(%run_scoped3A_340 : memref<!tpu.dma_semaphore, #tpu.memory_space<semaphore_mem>>)
        %dma_wait3A_343 = tpu.memref_slice %arg4[%add3A_25] : memref<327680xf32, #tpu.memory_space<hbm>> -> memref<1024xf32, #tpu.memory_space<hbm>>
        %dma_wait3A_344 = tpu.memref_slice %arg4[%add3A_25] : memref<327680xf32, #tpu.memory_space<hbm>> -> memref<1024xf32, #tpu.memory_space<hbm>>
        tpu.wait_dma2 semaphore(%run_scoped3A_340 : memref<!tpu.dma_semaphore, #tpu.memory_space<semaphore_mem>>) src(%dma_wait3A_344 : memref<1024xf32, #tpu.memory_space<hbm>>) dst(%arg11 : memref<1024xf32, #tpu.memory_space<vmem>>)
        tpu.yield
      }) : () -> ()
      %add3A_26 = arith.constant 0 : i32
      %add3A_27 = arith.addi %add3A_25, %add3A_26 : i32
      %run_scoped3A = arith.constant 0 : i32
      "tpu.region"() ({
        %run_scoped3A_340 = tpu.sem_alloc : memref<!tpu.dma_semaphore, #tpu.memory_space<semaphore_mem>>
        %dma_start3A_341 = arith.constant 0 : i32
        %dma_start3A_342 = tpu.memref_slice %arg13[%run_scoped3A, %dma_start3A_341] : memref<8x128xi32, #tpu.memory_space<vmem>> -> memref<1x128xi32, #tpu.memory_space<vmem>>
        %dma_start3A_343 = tpu.memref_squeeze %dma_start3A_342 : memref<1x128xi32, #tpu.memory_space<vmem>> -> memref<128xi32, #tpu.memory_space<vmem>>
        %dma_start3A_344 = tpu.memref_slice %arg3[%add3A_27] : memref<327680xi32, #tpu.memory_space<hbm>> -> memref<128xi32, #tpu.memory_space<hbm>>
        %dma_start3A_345 = arith.constant 0 : i32
        %dma_start3A_346 = tpu.memref_slice %arg13[%run_scoped3A, %dma_start3A_345] : memref<8x128xi32, #tpu.memory_space<vmem>> -> memref<1x128xi32, #tpu.memory_space<vmem>>
        %dma_start3A_347 = tpu.memref_squeeze %dma_start3A_346 : memref<1x128xi32, #tpu.memory_space<vmem>> -> memref<128xi32, #tpu.memory_space<vmem>>
        %dma_start3A_348 = tpu.memref_slice %arg3[%add3A_27] : memref<327680xi32, #tpu.memory_space<hbm>> -> memref<128xi32, #tpu.memory_space<hbm>>
        tpu.enqueue_dma source(%dma_start3A_348 : memref<128xi32, #tpu.memory_space<hbm>>) target(%dma_start3A_347 : memref<128xi32, #tpu.memory_space<vmem>>) target_semaphore(%run_scoped3A_340 : memref<!tpu.dma_semaphore, #tpu.memory_space<semaphore_mem>>)
        %dma_wait3A_349 = arith.constant 0 : i32
        %dma_wait3A_350 = tpu.memref_slice %arg13[%run_scoped3A, %dma_wait3A_349] : memref<8x128xi32, #tpu.memory_space<vmem>> -> memref<1x128xi32, #tpu.memory_space<vmem>>
        %dma_wait3A_351 = tpu.memref_squeeze %dma_wait3A_350 : memref<1x128xi32, #tpu.memory_space<vmem>> -> memref<128xi32, #tpu.memory_space<vmem>>
        %dma_wait3A_352 = tpu.memref_slice %arg3[%add3A_27] : memref<327680xi32, #tpu.memory_space<hbm>> -> memref<128xi32, #tpu.memory_space<hbm>>
        %dma_wait3A_353 = arith.constant 0 : i32
        %dma_wait3A_354 = tpu.memref_slice %arg13[%run_scoped3A, %dma_wait3A_353] : memref<8x128xi32, #tpu.memory_space<vmem>> -> memref<1x128xi32, #tpu.memory_space<vmem>>
        %dma_wait3A_355 = tpu.memref_squeeze %dma_wait3A_354 : memref<1x128xi32, #tpu.memory_space<vmem>> -> memref<128xi32, #tpu.memory_space<vmem>>
        %dma_wait3A_356 = tpu.memref_slice %arg3[%add3A_27] : memref<327680xi32, #tpu.memory_space<hbm>> -> memref<128xi32, #tpu.memory_space<hbm>>
        tpu.wait_dma2 semaphore(%run_scoped3A_340 : memref<!tpu.dma_semaphore, #tpu.memory_space<semaphore_mem>>) src(%dma_wait3A_356 : memref<128xi32, #tpu.memory_space<hbm>>) dst(%dma_wait3A_355 : memref<128xi32, #tpu.memory_space<vmem>>)
        tpu.yield
      }) : () -> ()
      %add3A_28 = arith.constant 128 : i32
      %add3A_29 = arith.addi %add3A_25, %add3A_28 : i32
      %run_scoped3A_30 = arith.constant 1 : i32
      "tpu.region"() ({
        %run_scoped3A_340 = tpu.sem_alloc : memref<!tpu.dma_semaphore, #tpu.memory_space<semaphore_mem>>
        %dma_start3A_341 = arith.constant 0 : i32
        %dma_start3A_342 = tpu.memref_slice %arg13[%run_scoped3A_30, %dma_start3A_341] : memref<8x128xi32, #tpu.memory_space<vmem>> -> memref<1x128xi32, #tpu.memory_space<vmem>>
        %dma_start3A_343 = tpu.memref_squeeze %dma_start3A_342 : memref<1x128xi32, #tpu.memory_space<vmem>> -> memref<128xi32, #tpu.memory_space<vmem>>
        %dma_start3A_344 = tpu.memref_slice %arg3[%add3A_29] : memref<327680xi32, #tpu.memory_space<hbm>> -> memref<128xi32, #tpu.memory_space<hbm>>
        %dma_start3A_345 = arith.constant 0 : i32
        %dma_start3A_346 = tpu.memref_slice %arg13[%run_scoped3A_30, %dma_start3A_345] : memref<8x128xi32, #tpu.memory_space<vmem>> -> memref<1x128xi32, #tpu.memory_space<vmem>>
        %dma_start3A_347 = tpu.memref_squeeze %dma_start3A_346 : memref<1x128xi32, #tpu.memory_space<vmem>> -> memref<128xi32, #tpu.memory_space<vmem>>
        %dma_start3A_348 = tpu.memref_slice %arg3[%add3A_29] : memref<327680xi32, #tpu.memory_space<hbm>> -> memref<128xi32, #tpu.memory_space<hbm>>
        tpu.enqueue_dma source(%dma_start3A_348 : memref<128xi32, #tpu.memory_space<hbm>>) target(%dma_start3A_347 : memref<128xi32, #tpu.memory_space<vmem>>) target_semaphore(%run_scoped3A_340 : memref<!tpu.dma_semaphore, #tpu.memory_space<semaphore_mem>>)
        %dma_wait3A_349 = arith.constant 0 : i32
        %dma_wait3A_350 = tpu.memref_slice %arg13[%run_scoped3A_30, %dma_wait3A_349] : memref<8x128xi32, #tpu.memory_space<vmem>> -> memref<1x128xi32, #tpu.memory_space<vmem>>
        %dma_wait3A_351 = tpu.memref_squeeze %dma_wait3A_350 : memref<1x128xi32, #tpu.memory_space<vmem>> -> memref<128xi32, #tpu.memory_space<vmem>>
        %dma_wait3A_352 = tpu.memref_slice %arg3[%add3A_29] : memref<327680xi32, #tpu.memory_space<hbm>> -> memref<128xi32, #tpu.memory_space<hbm>>
        %dma_wait3A_353 = arith.constant 0 : i32
        %dma_wait3A_354 = tpu.memref_slice %arg13[%run_scoped3A_30, %dma_wait3A_353] : memref<8x128xi32, #tpu.memory_space<vmem>> -> memref<1x128xi32, #tpu.memory_space<vmem>>
        %dma_wait3A_355 = tpu.memref_squeeze %dma_wait3A_354 : memref<1x128xi32, #tpu.memory_space<vmem>> -> memref<128xi32, #tpu.memory_space<vmem>>
        %dma_wait3A_356 = tpu.memref_slice %arg3[%add3A_29] : memref<327680xi32, #tpu.memory_space<hbm>> -> memref<128xi32, #tpu.memory_space<hbm>>
        tpu.wait_dma2 semaphore(%run_scoped3A_340 : memref<!tpu.dma_semaphore, #tpu.memory_space<semaphore_mem>>) src(%dma_wait3A_356 : memref<128xi32, #tpu.memory_space<hbm>>) dst(%dma_wait3A_355 : memref<128xi32, #tpu.memory_space<vmem>>)
        tpu.yield
      }) : () -> ()
      %add3A_31 = arith.constant 256 : i32
      %add3A_32 = arith.addi %add3A_25, %add3A_31 : i32
      %run_scoped3A_33 = arith.constant 2 : i32
      "tpu.region"() ({
        %run_scoped3A_340 = tpu.sem_alloc : memref<!tpu.dma_semaphore, #tpu.memory_space<semaphore_mem>>
        %dma_start3A_341 = arith.constant 0 : i32
        %dma_start3A_342 = tpu.memref_slice %arg13[%run_scoped3A_33, %dma_start3A_341] : memref<8x128xi32, #tpu.memory_space<vmem>> -> memref<1x128xi32, #tpu.memory_space<vmem>>
        %dma_start3A_343 = tpu.memref_squeeze %dma_start3A_342 : memref<1x128xi32, #tpu.memory_space<vmem>> -> memref<128xi32, #tpu.memory_space<vmem>>
        %dma_start3A_344 = tpu.memref_slice %arg3[%add3A_32] : memref<327680xi32, #tpu.memory_space<hbm>> -> memref<128xi32, #tpu.memory_space<hbm>>
        %dma_start3A_345 = arith.constant 0 : i32
        %dma_start3A_346 = tpu.memref_slice %arg13[%run_scoped3A_33, %dma_start3A_345] : memref<8x128xi32, #tpu.memory_space<vmem>> -> memref<1x128xi32, #tpu.memory_space<vmem>>
        %dma_start3A_347 = tpu.memref_squeeze %dma_start3A_346 : memref<1x128xi32, #tpu.memory_space<vmem>> -> memref<128xi32, #tpu.memory_space<vmem>>
        %dma_start3A_348 = tpu.memref_slice %arg3[%add3A_32] : memref<327680xi32, #tpu.memory_space<hbm>> -> memref<128xi32, #tpu.memory_space<hbm>>
        tpu.enqueue_dma source(%dma_start3A_348 : memref<128xi32, #tpu.memory_space<hbm>>) target(%dma_start3A_347 : memref<128xi32, #tpu.memory_space<vmem>>) target_semaphore(%run_scoped3A_340 : memref<!tpu.dma_semaphore, #tpu.memory_space<semaphore_mem>>)
        %dma_wait3A_349 = arith.constant 0 : i32
        %dma_wait3A_350 = tpu.memref_slice %arg13[%run_scoped3A_33, %dma_wait3A_349] : memref<8x128xi32, #tpu.memory_space<vmem>> -> memref<1x128xi32, #tpu.memory_space<vmem>>
        %dma_wait3A_351 = tpu.memref_squeeze %dma_wait3A_350 : memref<1x128xi32, #tpu.memory_space<vmem>> -> memref<128xi32, #tpu.memory_space<vmem>>
        %dma_wait3A_352 = tpu.memref_slice %arg3[%add3A_32] : memref<327680xi32, #tpu.memory_space<hbm>> -> memref<128xi32, #tpu.memory_space<hbm>>
        %dma_wait3A_353 = arith.constant 0 : i32
        %dma_wait3A_354 = tpu.memref_slice %arg13[%run_scoped3A_33, %dma_wait3A_353] : memref<8x128xi32, #tpu.memory_space<vmem>> -> memref<1x128xi32, #tpu.memory_space<vmem>>
        %dma_wait3A_355 = tpu.memref_squeeze %dma_wait3A_354 : memref<1x128xi32, #tpu.memory_space<vmem>> -> memref<128xi32, #tpu.memory_space<vmem>>
        %dma_wait3A_356 = tpu.memref_slice %arg3[%add3A_32] : memref<327680xi32, #tpu.memory_space<hbm>> -> memref<128xi32, #tpu.memory_space<hbm>>
        tpu.wait_dma2 semaphore(%run_scoped3A_340 : memref<!tpu.dma_semaphore, #tpu.memory_space<semaphore_mem>>) src(%dma_wait3A_356 : memref<128xi32, #tpu.memory_space<hbm>>) dst(%dma_wait3A_355 : memref<128xi32, #tpu.memory_space<vmem>>)
        tpu.yield
      }) : () -> ()
      %add3A_34 = arith.constant 384 : i32
      %add3A_35 = arith.addi %add3A_25, %add3A_34 : i32
      %run_scoped3A_36 = arith.constant 3 : i32
      "tpu.region"() ({
        %run_scoped3A_340 = tpu.sem_alloc : memref<!tpu.dma_semaphore, #tpu.memory_space<semaphore_mem>>
        %dma_start3A_341 = arith.constant 0 : i32
        %dma_start3A_342 = tpu.memref_slice %arg13[%run_scoped3A_36, %dma_start3A_341] : memref<8x128xi32, #tpu.memory_space<vmem>> -> memref<1x128xi32, #tpu.memory_space<vmem>>
        %dma_start3A_343 = tpu.memref_squeeze %dma_start3A_342 : memref<1x128xi32, #tpu.memory_space<vmem>> -> memref<128xi32, #tpu.memory_space<vmem>>
        %dma_start3A_344 = tpu.memref_slice %arg3[%add3A_35] : memref<327680xi32, #tpu.memory_space<hbm>> -> memref<128xi32, #tpu.memory_space<hbm>>
        %dma_start3A_345 = arith.constant 0 : i32
        %dma_start3A_346 = tpu.memref_slice %arg13[%run_scoped3A_36, %dma_start3A_345] : memref<8x128xi32, #tpu.memory_space<vmem>> -> memref<1x128xi32, #tpu.memory_space<vmem>>
        %dma_start3A_347 = tpu.memref_squeeze %dma_start3A_346 : memref<1x128xi32, #tpu.memory_space<vmem>> -> memref<128xi32, #tpu.memory_space<vmem>>
        %dma_start3A_348 = tpu.memref_slice %arg3[%add3A_35] : memref<327680xi32, #tpu.memory_space<hbm>> -> memref<128xi32, #tpu.memory_space<hbm>>
        tpu.enqueue_dma source(%dma_start3A_348 : memref<128xi32, #tpu.memory_space<hbm>>) target(%dma_start3A_347 : memref<128xi32, #tpu.memory_space<vmem>>) target_semaphore(%run_scoped3A_340 : memref<!tpu.dma_semaphore, #tpu.memory_space<semaphore_mem>>)
        %dma_wait3A_349 = arith.constant 0 : i32
        %dma_wait3A_350 = tpu.memref_slice %arg13[%run_scoped3A_36, %dma_wait3A_349] : memref<8x128xi32, #tpu.memory_space<vmem>> -> memref<1x128xi32, #tpu.memory_space<vmem>>
        %dma_wait3A_351 = tpu.memref_squeeze %dma_wait3A_350 : memref<1x128xi32, #tpu.memory_space<vmem>> -> memref<128xi32, #tpu.memory_space<vmem>>
        %dma_wait3A_352 = tpu.memref_slice %arg3[%add3A_35] : memref<327680xi32, #tpu.memory_space<hbm>> -> memref<128xi32, #tpu.memory_space<hbm>>
        %dma_wait3A_353 = arith.constant 0 : i32
        %dma_wait3A_354 = tpu.memref_slice %arg13[%run_scoped3A_36, %dma_wait3A_353] : memref<8x128xi32, #tpu.memory_space<vmem>> -> memref<1x128xi32, #tpu.memory_space<vmem>>
        %dma_wait3A_355 = tpu.memref_squeeze %dma_wait3A_354 : memref<1x128xi32, #tpu.memory_space<vmem>> -> memref<128xi32, #tpu.memory_space<vmem>>
        %dma_wait3A_356 = tpu.memref_slice %arg3[%add3A_35] : memref<327680xi32, #tpu.memory_space<hbm>> -> memref<128xi32, #tpu.memory_space<hbm>>
        tpu.wait_dma2 semaphore(%run_scoped3A_340 : memref<!tpu.dma_semaphore, #tpu.memory_space<semaphore_mem>>) src(%dma_wait3A_356 : memref<128xi32, #tpu.memory_space<hbm>>) dst(%dma_wait3A_355 : memref<128xi32, #tpu.memory_space<vmem>>)
        tpu.yield
      }) : () -> ()
      %add3A_37 = arith.constant 512 : i32
      %add3A_38 = arith.addi %add3A_25, %add3A_37 : i32
      %run_scoped3A_39 = arith.constant 4 : i32
      "tpu.region"() ({
        %run_scoped3A_340 = tpu.sem_alloc : memref<!tpu.dma_semaphore, #tpu.memory_space<semaphore_mem>>
        %dma_start3A_341 = arith.constant 0 : i32
        %dma_start3A_342 = tpu.memref_slice %arg13[%run_scoped3A_39, %dma_start3A_341] : memref<8x128xi32, #tpu.memory_space<vmem>> -> memref<1x128xi32, #tpu.memory_space<vmem>>
        %dma_start3A_343 = tpu.memref_squeeze %dma_start3A_342 : memref<1x128xi32, #tpu.memory_space<vmem>> -> memref<128xi32, #tpu.memory_space<vmem>>
        %dma_start3A_344 = tpu.memref_slice %arg3[%add3A_38] : memref<327680xi32, #tpu.memory_space<hbm>> -> memref<128xi32, #tpu.memory_space<hbm>>
        %dma_start3A_345 = arith.constant 0 : i32
        %dma_start3A_346 = tpu.memref_slice %arg13[%run_scoped3A_39, %dma_start3A_345] : memref<8x128xi32, #tpu.memory_space<vmem>> -> memref<1x128xi32, #tpu.memory_space<vmem>>
        %dma_start3A_347 = tpu.memref_squeeze %dma_start3A_346 : memref<1x128xi32, #tpu.memory_space<vmem>> -> memref<128xi32, #tpu.memory_space<vmem>>
        %dma_start3A_348 = tpu.memref_slice %arg3[%add3A_38] : memref<327680xi32, #tpu.memory_space<hbm>> -> memref<128xi32, #tpu.memory_space<hbm>>
        tpu.enqueue_dma source(%dma_start3A_348 : memref<128xi32, #tpu.memory_space<hbm>>) target(%dma_start3A_347 : memref<128xi32, #tpu.memory_space<vmem>>) target_semaphore(%run_scoped3A_340 : memref<!tpu.dma_semaphore, #tpu.memory_space<semaphore_mem>>)
        %dma_wait3A_349 = arith.constant 0 : i32
        %dma_wait3A_350 = tpu.memref_slice %arg13[%run_scoped3A_39, %dma_wait3A_349] : memref<8x128xi32, #tpu.memory_space<vmem>> -> memref<1x128xi32, #tpu.memory_space<vmem>>
        %dma_wait3A_351 = tpu.memref_squeeze %dma_wait3A_350 : memref<1x128xi32, #tpu.memory_space<vmem>> -> memref<128xi32, #tpu.memory_space<vmem>>
        %dma_wait3A_352 = tpu.memref_slice %arg3[%add3A_38] : memref<327680xi32, #tpu.memory_space<hbm>> -> memref<128xi32, #tpu.memory_space<hbm>>
        %dma_wait3A_353 = arith.constant 0 : i32
        %dma_wait3A_354 = tpu.memref_slice %arg13[%run_scoped3A_39, %dma_wait3A_353] : memref<8x128xi32, #tpu.memory_space<vmem>> -> memref<1x128xi32, #tpu.memory_space<vmem>>
        %dma_wait3A_355 = tpu.memref_squeeze %dma_wait3A_354 : memref<1x128xi32, #tpu.memory_space<vmem>> -> memref<128xi32, #tpu.memory_space<vmem>>
        %dma_wait3A_356 = tpu.memref_slice %arg3[%add3A_38] : memref<327680xi32, #tpu.memory_space<hbm>> -> memref<128xi32, #tpu.memory_space<hbm>>
        tpu.wait_dma2 semaphore(%run_scoped3A_340 : memref<!tpu.dma_semaphore, #tpu.memory_space<semaphore_mem>>) src(%dma_wait3A_356 : memref<128xi32, #tpu.memory_space<hbm>>) dst(%dma_wait3A_355 : memref<128xi32, #tpu.memory_space<vmem>>)
        tpu.yield
      }) : () -> ()
      %add3A_40 = arith.constant 640 : i32
      %add3A_41 = arith.addi %add3A_25, %add3A_40 : i32
      %run_scoped3A_42 = arith.constant 5 : i32
      "tpu.region"() ({
        %run_scoped3A_340 = tpu.sem_alloc : memref<!tpu.dma_semaphore, #tpu.memory_space<semaphore_mem>>
        %dma_start3A_341 = arith.constant 0 : i32
        %dma_start3A_342 = tpu.memref_slice %arg13[%run_scoped3A_42, %dma_start3A_341] : memref<8x128xi32, #tpu.memory_space<vmem>> -> memref<1x128xi32, #tpu.memory_space<vmem>>
        %dma_start3A_343 = tpu.memref_squeeze %dma_start3A_342 : memref<1x128xi32, #tpu.memory_space<vmem>> -> memref<128xi32, #tpu.memory_space<vmem>>
        %dma_start3A_344 = tpu.memref_slice %arg3[%add3A_41] : memref<327680xi32, #tpu.memory_space<hbm>> -> memref<128xi32, #tpu.memory_space<hbm>>
        %dma_start3A_345 = arith.constant 0 : i32
        %dma_start3A_346 = tpu.memref_slice %arg13[%run_scoped3A_42, %dma_start3A_345] : memref<8x128xi32, #tpu.memory_space<vmem>> -> memref<1x128xi32, #tpu.memory_space<vmem>>
        %dma_start3A_347 = tpu.memref_squeeze %dma_start3A_346 : memref<1x128xi32, #tpu.memory_space<vmem>> -> memref<128xi32, #tpu.memory_space<vmem>>
        %dma_start3A_348 = tpu.memref_slice %arg3[%add3A_41] : memref<327680xi32, #tpu.memory_space<hbm>> -> memref<128xi32, #tpu.memory_space<hbm>>
        tpu.enqueue_dma source(%dma_start3A_348 : memref<128xi32, #tpu.memory_space<hbm>>) target(%dma_start3A_347 : memref<128xi32, #tpu.memory_space<vmem>>) target_semaphore(%run_scoped3A_340 : memref<!tpu.dma_semaphore, #tpu.memory_space<semaphore_mem>>)
        %dma_wait3A_349 = arith.constant 0 : i32
        %dma_wait3A_350 = tpu.memref_slice %arg13[%run_scoped3A_42, %dma_wait3A_349] : memref<8x128xi32, #tpu.memory_space<vmem>> -> memref<1x128xi32, #tpu.memory_space<vmem>>
        %dma_wait3A_351 = tpu.memref_squeeze %dma_wait3A_350 : memref<1x128xi32, #tpu.memory_space<vmem>> -> memref<128xi32, #tpu.memory_space<vmem>>
        %dma_wait3A_352 = tpu.memref_slice %arg3[%add3A_41] : memref<327680xi32, #tpu.memory_space<hbm>> -> memref<128xi32, #tpu.memory_space<hbm>>
        %dma_wait3A_353 = arith.constant 0 : i32
        %dma_wait3A_354 = tpu.memref_slice %arg13[%run_scoped3A_42, %dma_wait3A_353] : memref<8x128xi32, #tpu.memory_space<vmem>> -> memref<1x128xi32, #tpu.memory_space<vmem>>
        %dma_wait3A_355 = tpu.memref_squeeze %dma_wait3A_354 : memref<1x128xi32, #tpu.memory_space<vmem>> -> memref<128xi32, #tpu.memory_space<vmem>>
        %dma_wait3A_356 = tpu.memref_slice %arg3[%add3A_41] : memref<327680xi32, #tpu.memory_space<hbm>> -> memref<128xi32, #tpu.memory_space<hbm>>
        tpu.wait_dma2 semaphore(%run_scoped3A_340 : memref<!tpu.dma_semaphore, #tpu.memory_space<semaphore_mem>>) src(%dma_wait3A_356 : memref<128xi32, #tpu.memory_space<hbm>>) dst(%dma_wait3A_355 : memref<128xi32, #tpu.memory_space<vmem>>)
        tpu.yield
      }) : () -> ()
      %add3A_43 = arith.constant 768 : i32
      %add3A_44 = arith.addi %add3A_25, %add3A_43 : i32
      %run_scoped3A_45 = arith.constant 6 : i32
      "tpu.region"() ({
        %run_scoped3A_340 = tpu.sem_alloc : memref<!tpu.dma_semaphore, #tpu.memory_space<semaphore_mem>>
        %dma_start3A_341 = arith.constant 0 : i32
        %dma_start3A_342 = tpu.memref_slice %arg13[%run_scoped3A_45, %dma_start3A_341] : memref<8x128xi32, #tpu.memory_space<vmem>> -> memref<1x128xi32, #tpu.memory_space<vmem>>
        %dma_start3A_343 = tpu.memref_squeeze %dma_start3A_342 : memref<1x128xi32, #tpu.memory_space<vmem>> -> memref<128xi32, #tpu.memory_space<vmem>>
        %dma_start3A_344 = tpu.memref_slice %arg3[%add3A_44] : memref<327680xi32, #tpu.memory_space<hbm>> -> memref<128xi32, #tpu.memory_space<hbm>>
        %dma_start3A_345 = arith.constant 0 : i32
        %dma_start3A_346 = tpu.memref_slice %arg13[%run_scoped3A_45, %dma_start3A_345] : memref<8x128xi32, #tpu.memory_space<vmem>> -> memref<1x128xi32, #tpu.memory_space<vmem>>
        %dma_start3A_347 = tpu.memref_squeeze %dma_start3A_346 : memref<1x128xi32, #tpu.memory_space<vmem>> -> memref<128xi32, #tpu.memory_space<vmem>>
        %dma_start3A_348 = tpu.memref_slice %arg3[%add3A_44] : memref<327680xi32, #tpu.memory_space<hbm>> -> memref<128xi32, #tpu.memory_space<hbm>>
        tpu.enqueue_dma source(%dma_start3A_348 : memref<128xi32, #tpu.memory_space<hbm>>) target(%dma_start3A_347 : memref<128xi32, #tpu.memory_space<vmem>>) target_semaphore(%run_scoped3A_340 : memref<!tpu.dma_semaphore, #tpu.memory_space<semaphore_mem>>)
        %dma_wait3A_349 = arith.constant 0 : i32
        %dma_wait3A_350 = tpu.memref_slice %arg13[%run_scoped3A_45, %dma_wait3A_349] : memref<8x128xi32, #tpu.memory_space<vmem>> -> memref<1x128xi32, #tpu.memory_space<vmem>>
        %dma_wait3A_351 = tpu.memref_squeeze %dma_wait3A_350 : memref<1x128xi32, #tpu.memory_space<vmem>> -> memref<128xi32, #tpu.memory_space<vmem>>
        %dma_wait3A_352 = tpu.memref_slice %arg3[%add3A_44] : memref<327680xi32, #tpu.memory_space<hbm>> -> memref<128xi32, #tpu.memory_space<hbm>>
        %dma_wait3A_353 = arith.constant 0 : i32
        %dma_wait3A_354 = tpu.memref_slice %arg13[%run_scoped3A_45, %dma_wait3A_353] : memref<8x128xi32, #tpu.memory_space<vmem>> -> memref<1x128xi32, #tpu.memory_space<vmem>>
        %dma_wait3A_355 = tpu.memref_squeeze %dma_wait3A_354 : memref<1x128xi32, #tpu.memory_space<vmem>> -> memref<128xi32, #tpu.memory_space<vmem>>
        %dma_wait3A_356 = tpu.memref_slice %arg3[%add3A_44] : memref<327680xi32, #tpu.memory_space<hbm>> -> memref<128xi32, #tpu.memory_space<hbm>>
        tpu.wait_dma2 semaphore(%run_scoped3A_340 : memref<!tpu.dma_semaphore, #tpu.memory_space<semaphore_mem>>) src(%dma_wait3A_356 : memref<128xi32, #tpu.memory_space<hbm>>) dst(%dma_wait3A_355 : memref<128xi32, #tpu.memory_space<vmem>>)
        tpu.yield
      }) : () -> ()
      %add3A_46 = arith.constant 896 : i32
      %add3A_47 = arith.addi %add3A_25, %add3A_46 : i32
      %run_scoped3A_48 = arith.constant 7 : i32
      "tpu.region"() ({
        %run_scoped3A_340 = tpu.sem_alloc : memref<!tpu.dma_semaphore, #tpu.memory_space<semaphore_mem>>
        %dma_start3A_341 = arith.constant 0 : i32
        %dma_start3A_342 = tpu.memref_slice %arg13[%run_scoped3A_48, %dma_start3A_341] : memref<8x128xi32, #tpu.memory_space<vmem>> -> memref<1x128xi32, #tpu.memory_space<vmem>>
        %dma_start3A_343 = tpu.memref_squeeze %dma_start3A_342 : memref<1x128xi32, #tpu.memory_space<vmem>> -> memref<128xi32, #tpu.memory_space<vmem>>
        %dma_start3A_344 = tpu.memref_slice %arg3[%add3A_47] : memref<327680xi32, #tpu.memory_space<hbm>> -> memref<128xi32, #tpu.memory_space<hbm>>
        %dma_start3A_345 = arith.constant 0 : i32
        %dma_start3A_346 = tpu.memref_slice %arg13[%run_scoped3A_48, %dma_start3A_345] : memref<8x128xi32, #tpu.memory_space<vmem>> -> memref<1x128xi32, #tpu.memory_space<vmem>>
        %dma_start3A_347 = tpu.memref_squeeze %dma_start3A_346 : memref<1x128xi32, #tpu.memory_space<vmem>> -> memref<128xi32, #tpu.memory_space<vmem>>
        %dma_start3A_348 = tpu.memref_slice %arg3[%add3A_47] : memref<327680xi32, #tpu.memory_space<hbm>> -> memref<128xi32, #tpu.memory_space<hbm>>
        tpu.enqueue_dma source(%dma_start3A_348 : memref<128xi32, #tpu.memory_space<hbm>>) target(%dma_start3A_347 : memref<128xi32, #tpu.memory_space<vmem>>) target_semaphore(%run_scoped3A_340 : memref<!tpu.dma_semaphore, #tpu.memory_space<semaphore_mem>>)
        %dma_wait3A_349 = arith.constant 0 : i32
        %dma_wait3A_350 = tpu.memref_slice %arg13[%run_scoped3A_48, %dma_wait3A_349] : memref<8x128xi32, #tpu.memory_space<vmem>> -> memref<1x128xi32, #tpu.memory_space<vmem>>
        %dma_wait3A_351 = tpu.memref_squeeze %dma_wait3A_350 : memref<1x128xi32, #tpu.memory_space<vmem>> -> memref<128xi32, #tpu.memory_space<vmem>>
        %dma_wait3A_352 = tpu.memref_slice %arg3[%add3A_47] : memref<327680xi32, #tpu.memory_space<hbm>> -> memref<128xi32, #tpu.memory_space<hbm>>
        %dma_wait3A_353 = arith.constant 0 : i32
        %dma_wait3A_354 = tpu.memref_slice %arg13[%run_scoped3A_48, %dma_wait3A_353] : memref<8x128xi32, #tpu.memory_space<vmem>> -> memref<1x128xi32, #tpu.memory_space<vmem>>
        %dma_wait3A_355 = tpu.memref_squeeze %dma_wait3A_354 : memref<1x128xi32, #tpu.memory_space<vmem>> -> memref<128xi32, #tpu.memory_space<vmem>>
        %dma_wait3A_356 = tpu.memref_slice %arg3[%add3A_47] : memref<327680xi32, #tpu.memory_space<hbm>> -> memref<128xi32, #tpu.memory_space<hbm>>
        tpu.wait_dma2 semaphore(%run_scoped3A_340 : memref<!tpu.dma_semaphore, #tpu.memory_space<semaphore_mem>>) src(%dma_wait3A_356 : memref<128xi32, #tpu.memory_space<hbm>>) dst(%dma_wait3A_355 : memref<128xi32, #tpu.memory_space<vmem>>)
        tpu.yield
      }) : () -> ()
      %dma_start3A = arith.constant 0 : i32
      %dma_start3A_49 = arith.constant 0 : i32
      %dma_start3A_50 = tpu.memref_slice %arg14[%dma_start3A, %dma_start3A_49] : memref<1024x16xf32, #tpu.memory_space<vmem>> -> memref<128x16xf32, #tpu.memory_space<vmem>>
      %dma_start3A_51 = arith.constant 0 : i32
      %dma_start3A_52 = tpu.memref_slice %arg9[%dma_start3A_51] : memref<1024xi32, #tpu.memory_space<vmem>> -> memref<128xi32, #tpu.memory_space<vmem>>
      %dma_start3A_53 = arith.constant 0 : i32
      %dma_start3A_54 = arith.constant 0 : i32
      %dma_start3A_55 = tpu.memref_slice %arg6[%dma_start3A_53, %dma_start3A_54] : memref<10000x16xf32, #tpu.memory_space<hbm>> -> memref<10000x16xf32, #tpu.memory_space<hbm>>
      tpu.enqueue_indirect_dma source(%dma_start3A_55 : memref<10000x16xf32, #tpu.memory_space<hbm>>) target(%dma_start3A_50 : memref<128x16xf32, #tpu.memory_space<vmem>>) offsets(%dma_start3A_52 : memref<128xi32, #tpu.memory_space<vmem>>) semaphore(%arg18 : memref<!tpu.dma_semaphore, #tpu.memory_space<semaphore_mem>>)
      %dma_start3A_56 = arith.constant 128 : i32
      %dma_start3A_57 = arith.constant 0 : i32
      %dma_start3A_58 = tpu.memref_slice %arg14[%dma_start3A_56, %dma_start3A_57] : memref<1024x16xf32, #tpu.memory_space<vmem>> -> memref<128x16xf32, #tpu.memory_space<vmem>>
      %dma_start3A_59 = arith.constant 128 : i32
      %dma_start3A_60 = tpu.memref_slice %arg9[%dma_start3A_59] : memref<1024xi32, #tpu.memory_space<vmem>> -> memref<128xi32, #tpu.memory_space<vmem>>
      %dma_start3A_61 = arith.constant 0 : i32
      %dma_start3A_62 = arith.constant 0 : i32
      %dma_start3A_63 = tpu.memref_slice %arg6[%dma_start3A_61, %dma_start3A_62] : memref<10000x16xf32, #tpu.memory_space<hbm>> -> memref<10000x16xf32, #tpu.memory_space<hbm>>
      tpu.enqueue_indirect_dma source(%dma_start3A_63 : memref<10000x16xf32, #tpu.memory_space<hbm>>) target(%dma_start3A_58 : memref<128x16xf32, #tpu.memory_space<vmem>>) offsets(%dma_start3A_60 : memref<128xi32, #tpu.memory_space<vmem>>) semaphore(%arg18 : memref<!tpu.dma_semaphore, #tpu.memory_space<semaphore_mem>>)
      %dma_start3A_64 = arith.constant 256 : i32
      %dma_start3A_65 = arith.constant 0 : i32
      %dma_start3A_66 = tpu.memref_slice %arg14[%dma_start3A_64, %dma_start3A_65] : memref<1024x16xf32, #tpu.memory_space<vmem>> -> memref<128x16xf32, #tpu.memory_space<vmem>>
      %dma_start3A_67 = arith.constant 256 : i32
      %dma_start3A_68 = tpu.memref_slice %arg9[%dma_start3A_67] : memref<1024xi32, #tpu.memory_space<vmem>> -> memref<128xi32, #tpu.memory_space<vmem>>
      %dma_start3A_69 = arith.constant 0 : i32
      %dma_start3A_70 = arith.constant 0 : i32
      %dma_start3A_71 = tpu.memref_slice %arg6[%dma_start3A_69, %dma_start3A_70] : memref<10000x16xf32, #tpu.memory_space<hbm>> -> memref<10000x16xf32, #tpu.memory_space<hbm>>
      tpu.enqueue_indirect_dma source(%dma_start3A_71 : memref<10000x16xf32, #tpu.memory_space<hbm>>) target(%dma_start3A_66 : memref<128x16xf32, #tpu.memory_space<vmem>>) offsets(%dma_start3A_68 : memref<128xi32, #tpu.memory_space<vmem>>) semaphore(%arg18 : memref<!tpu.dma_semaphore, #tpu.memory_space<semaphore_mem>>)
      %dma_start3A_72 = arith.constant 384 : i32
      %dma_start3A_73 = arith.constant 0 : i32
      %dma_start3A_74 = tpu.memref_slice %arg14[%dma_start3A_72, %dma_start3A_73] : memref<1024x16xf32, #tpu.memory_space<vmem>> -> memref<128x16xf32, #tpu.memory_space<vmem>>
      %dma_start3A_75 = arith.constant 384 : i32
      %dma_start3A_76 = tpu.memref_slice %arg9[%dma_start3A_75] : memref<1024xi32, #tpu.memory_space<vmem>> -> memref<128xi32, #tpu.memory_space<vmem>>
      %dma_start3A_77 = arith.constant 0 : i32
      %dma_start3A_78 = arith.constant 0 : i32
      %dma_start3A_79 = tpu.memref_slice %arg6[%dma_start3A_77, %dma_start3A_78] : memref<10000x16xf32, #tpu.memory_space<hbm>> -> memref<10000x16xf32, #tpu.memory_space<hbm>>
      tpu.enqueue_indirect_dma source(%dma_start3A_79 : memref<10000x16xf32, #tpu.memory_space<hbm>>) target(%dma_start3A_74 : memref<128x16xf32, #tpu.memory_space<vmem>>) offsets(%dma_start3A_76 : memref<128xi32, #tpu.memory_space<vmem>>) semaphore(%arg18 : memref<!tpu.dma_semaphore, #tpu.memory_space<semaphore_mem>>)
      %dma_start3A_80 = arith.constant 512 : i32
      %dma_start3A_81 = arith.constant 0 : i32
      %dma_start3A_82 = tpu.memref_slice %arg14[%dma_start3A_80, %dma_start3A_81] : memref<1024x16xf32, #tpu.memory_space<vmem>> -> memref<128x16xf32, #tpu.memory_space<vmem>>
      %dma_start3A_83 = arith.constant 512 : i32
      %dma_start3A_84 = tpu.memref_slice %arg9[%dma_start3A_83] : memref<1024xi32, #tpu.memory_space<vmem>> -> memref<128xi32, #tpu.memory_space<vmem>>
      %dma_start3A_85 = arith.constant 0 : i32
      %dma_start3A_86 = arith.constant 0 : i32
      %dma_start3A_87 = tpu.memref_slice %arg6[%dma_start3A_85, %dma_start3A_86] : memref<10000x16xf32, #tpu.memory_space<hbm>> -> memref<10000x16xf32, #tpu.memory_space<hbm>>
      tpu.enqueue_indirect_dma source(%dma_start3A_87 : memref<10000x16xf32, #tpu.memory_space<hbm>>) target(%dma_start3A_82 : memref<128x16xf32, #tpu.memory_space<vmem>>) offsets(%dma_start3A_84 : memref<128xi32, #tpu.memory_space<vmem>>) semaphore(%arg18 : memref<!tpu.dma_semaphore, #tpu.memory_space<semaphore_mem>>)
      %dma_start3A_88 = arith.constant 640 : i32
      %dma_start3A_89 = arith.constant 0 : i32
      %dma_start3A_90 = tpu.memref_slice %arg14[%dma_start3A_88, %dma_start3A_89] : memref<1024x16xf32, #tpu.memory_space<vmem>> -> memref<128x16xf32, #tpu.memory_space<vmem>>
      %dma_start3A_91 = arith.constant 640 : i32
      %dma_start3A_92 = tpu.memref_slice %arg9[%dma_start3A_91] : memref<1024xi32, #tpu.memory_space<vmem>> -> memref<128xi32, #tpu.memory_space<vmem>>
      %dma_start3A_93 = arith.constant 0 : i32
      %dma_start3A_94 = arith.constant 0 : i32
      %dma_start3A_95 = tpu.memref_slice %arg6[%dma_start3A_93, %dma_start3A_94] : memref<10000x16xf32, #tpu.memory_space<hbm>> -> memref<10000x16xf32, #tpu.memory_space<hbm>>
      tpu.enqueue_indirect_dma source(%dma_start3A_95 : memref<10000x16xf32, #tpu.memory_space<hbm>>) target(%dma_start3A_90 : memref<128x16xf32, #tpu.memory_space<vmem>>) offsets(%dma_start3A_92 : memref<128xi32, #tpu.memory_space<vmem>>) semaphore(%arg18 : memref<!tpu.dma_semaphore, #tpu.memory_space<semaphore_mem>>)
      %dma_start3A_96 = arith.constant 768 : i32
      %dma_start3A_97 = arith.constant 0 : i32
      %dma_start3A_98 = tpu.memref_slice %arg14[%dma_start3A_96, %dma_start3A_97] : memref<1024x16xf32, #tpu.memory_space<vmem>> -> memref<128x16xf32, #tpu.memory_space<vmem>>
      %dma_start3A_99 = arith.constant 768 : i32
      %dma_start3A_100 = tpu.memref_slice %arg9[%dma_start3A_99] : memref<1024xi32, #tpu.memory_space<vmem>> -> memref<128xi32, #tpu.memory_space<vmem>>
      %dma_start3A_101 = arith.constant 0 : i32
      %dma_start3A_102 = arith.constant 0 : i32
      %dma_start3A_103 = tpu.memref_slice %arg6[%dma_start3A_101, %dma_start3A_102] : memref<10000x16xf32, #tpu.memory_space<hbm>> -> memref<10000x16xf32, #tpu.memory_space<hbm>>
      tpu.enqueue_indirect_dma source(%dma_start3A_103 : memref<10000x16xf32, #tpu.memory_space<hbm>>) target(%dma_start3A_98 : memref<128x16xf32, #tpu.memory_space<vmem>>) offsets(%dma_start3A_100 : memref<128xi32, #tpu.memory_space<vmem>>) semaphore(%arg18 : memref<!tpu.dma_semaphore, #tpu.memory_space<semaphore_mem>>)
      %dma_start3A_104 = arith.constant 896 : i32
      %dma_start3A_105 = arith.constant 0 : i32
      %dma_start3A_106 = tpu.memref_slice %arg14[%dma_start3A_104, %dma_start3A_105] : memref<1024x16xf32, #tpu.memory_space<vmem>> -> memref<128x16xf32, #tpu.memory_space<vmem>>
      %dma_start3A_107 = arith.constant 896 : i32
      %dma_start3A_108 = tpu.memref_slice %arg9[%dma_start3A_107] : memref<1024xi32, #tpu.memory_space<vmem>> -> memref<128xi32, #tpu.memory_space<vmem>>
      %dma_start3A_109 = arith.constant 0 : i32
      %dma_start3A_110 = arith.constant 0 : i32
      %dma_start3A_111 = tpu.memref_slice %arg6[%dma_start3A_109, %dma_start3A_110] : memref<10000x16xf32, #tpu.memory_space<hbm>> -> memref<10000x16xf32, #tpu.memory_space<hbm>>
      tpu.enqueue_indirect_dma source(%dma_start3A_111 : memref<10000x16xf32, #tpu.memory_space<hbm>>) target(%dma_start3A_106 : memref<128x16xf32, #tpu.memory_space<vmem>>) offsets(%dma_start3A_108 : memref<128xi32, #tpu.memory_space<vmem>>) semaphore(%arg18 : memref<!tpu.dma_semaphore, #tpu.memory_space<semaphore_mem>>)
      %parallel_loop3A = arith.constant 0 : i32
      %parallel_loop3A_112 = arith.constant 64 : i32
      %parallel_loop3A_113 = arith.constant 1 : i32
      scf.for %parallel_loop3A_340 = %parallel_loop3A to %parallel_loop3A_112 step %parallel_loop3A_113  : i32 {
        %parallel_loop3A_341 = arith.constant 16 : i32
        %parallel_loop3A_342 = arith.muli %parallel_loop3A_340, %parallel_loop3A_341 : i32
        %parallel_loop3A_343 = arith.index_cast %parallel_loop3A_342 : i32 to index
        %parallel_loop3A_344 = tpu.vector_load %arg9[%parallel_loop3A_343] {strides = array<i32>} : memref<1024xi32, #tpu.memory_space<vmem>>, vector<16xi32>,
        %parallel_loop3A_345 = arith.index_cast %parallel_loop3A_342 : i32 to index
        %parallel_loop3A_346 = tpu.vector_load %arg10[%parallel_loop3A_345] {strides = array<i32>} : memref<1024xi32, #tpu.memory_space<vmem>>, vector<16xi32>,
        %parallel_loop3A_347 = arith.index_cast %parallel_loop3A_342 : i32 to index
        %parallel_loop3A_348 = tpu.vector_load %arg11[%parallel_loop3A_347] {strides = array<i32>} : memref<1024xf32, #tpu.memory_space<vmem>>, vector<16xf32>,
        %parallel_loop3A_349 = tpu.vector_load_idx %arg8[%parallel_loop3A_344] : memref<10000xf32, #tpu.memory_space<vmem>>[vector<16xi32>], vector<16xf32>,
        %parallel_loop3A_350 = tpu.vector_load_idx %arg8[%parallel_loop3A_346] : memref<10000xf32, #tpu.memory_space<vmem>>[vector<16xi32>], vector<16xf32>,
        %parallel_loop3A_351 = arith.mulf %parallel_loop3A_349, %parallel_loop3A_348 : vector<16xf32>
        %parallel_loop3A_352 = arith.mulf %parallel_loop3A_351, %parallel_loop3A_350 : vector<16xf32>
        %parallel_loop3A_353 = arith.index_cast %parallel_loop3A_342 : i32 to index
        %parallel_loop3A_354 = tpu.vector_load %arg12[%parallel_loop3A_353] {strides = array<i32>} : memref<1024xf32, #tpu.memory_space<vmem>>, vector<16xf32>,
        tpu.vector_store %arg12[%parallel_loop3A_353], %parallel_loop3A_352 {strides = array<i32>} : memref<1024xf32, #tpu.memory_space<vmem>>, vector<16xf32>,
      } {sc.loop_unroll_factor = 4 : i64, sc.parallel_access}
      %dma_wait3A = arith.constant 0 : i32
      %dma_wait3A_114 = arith.constant 0 : i32
      %dma_wait3A_115 = tpu.memref_slice %arg14[%dma_wait3A, %dma_wait3A_114] : memref<1024x16xf32, #tpu.memory_space<vmem>> -> memref<128x16xf32, #tpu.memory_space<vmem>>
      %dma_wait3A_116 = arith.constant 0 : i32
      %dma_wait3A_117 = tpu.memref_slice %arg9[%dma_wait3A_116] : memref<1024xi32, #tpu.memory_space<vmem>> -> memref<128xi32, #tpu.memory_space<vmem>>
      %dma_wait3A_118 = arith.constant 0 : i32
      %dma_wait3A_119 = arith.constant 0 : i32
      %dma_wait3A_120 = tpu.memref_slice %arg6[%dma_wait3A_118, %dma_wait3A_119] : memref<10000x16xf32, #tpu.memory_space<hbm>> -> memref<10000x16xf32, #tpu.memory_space<hbm>>
      tpu.wait_indirect_dma semaphore(%arg18 : memref<!tpu.dma_semaphore, #tpu.memory_space<semaphore_mem>>) src(%dma_wait3A_120 : memref<10000x16xf32, #tpu.memory_space<hbm>>) dst(%dma_wait3A_115 : memref<128x16xf32, #tpu.memory_space<vmem>>)
      %dma_wait3A_121 = arith.constant 128 : i32
      %dma_wait3A_122 = arith.constant 0 : i32
      %dma_wait3A_123 = tpu.memref_slice %arg14[%dma_wait3A_121, %dma_wait3A_122] : memref<1024x16xf32, #tpu.memory_space<vmem>> -> memref<128x16xf32, #tpu.memory_space<vmem>>
      %dma_wait3A_124 = arith.constant 128 : i32
      %dma_wait3A_125 = tpu.memref_slice %arg9[%dma_wait3A_124] : memref<1024xi32, #tpu.memory_space<vmem>> -> memref<128xi32, #tpu.memory_space<vmem>>
      %dma_wait3A_126 = arith.constant 0 : i32
      %dma_wait3A_127 = arith.constant 0 : i32
      %dma_wait3A_128 = tpu.memref_slice %arg6[%dma_wait3A_126, %dma_wait3A_127] : memref<10000x16xf32, #tpu.memory_space<hbm>> -> memref<10000x16xf32, #tpu.memory_space<hbm>>
      tpu.wait_indirect_dma semaphore(%arg18 : memref<!tpu.dma_semaphore, #tpu.memory_space<semaphore_mem>>) src(%dma_wait3A_128 : memref<10000x16xf32, #tpu.memory_space<hbm>>) dst(%dma_wait3A_123 : memref<128x16xf32, #tpu.memory_space<vmem>>)
      %dma_wait3A_129 = arith.constant 256 : i32
      %dma_wait3A_130 = arith.constant 0 : i32
      %dma_wait3A_131 = tpu.memref_slice %arg14[%dma_wait3A_129, %dma_wait3A_130] : memref<1024x16xf32, #tpu.memory_space<vmem>> -> memref<128x16xf32, #tpu.memory_space<vmem>>
      %dma_wait3A_132 = arith.constant 256 : i32
      %dma_wait3A_133 = tpu.memref_slice %arg9[%dma_wait3A_132] : memref<1024xi32, #tpu.memory_space<vmem>> -> memref<128xi32, #tpu.memory_space<vmem>>
      %dma_wait3A_134 = arith.constant 0 : i32
      %dma_wait3A_135 = arith.constant 0 : i32
      %dma_wait3A_136 = tpu.memref_slice %arg6[%dma_wait3A_134, %dma_wait3A_135] : memref<10000x16xf32, #tpu.memory_space<hbm>> -> memref<10000x16xf32, #tpu.memory_space<hbm>>
      tpu.wait_indirect_dma semaphore(%arg18 : memref<!tpu.dma_semaphore, #tpu.memory_space<semaphore_mem>>) src(%dma_wait3A_136 : memref<10000x16xf32, #tpu.memory_space<hbm>>) dst(%dma_wait3A_131 : memref<128x16xf32, #tpu.memory_space<vmem>>)
      %dma_wait3A_137 = arith.constant 384 : i32
      %dma_wait3A_138 = arith.constant 0 : i32
      %dma_wait3A_139 = tpu.memref_slice %arg14[%dma_wait3A_137, %dma_wait3A_138] : memref<1024x16xf32, #tpu.memory_space<vmem>> -> memref<128x16xf32, #tpu.memory_space<vmem>>
      %dma_wait3A_140 = arith.constant 384 : i32
      %dma_wait3A_141 = tpu.memref_slice %arg9[%dma_wait3A_140] : memref<1024xi32, #tpu.memory_space<vmem>> -> memref<128xi32, #tpu.memory_space<vmem>>
      %dma_wait3A_142 = arith.constant 0 : i32
      %dma_wait3A_143 = arith.constant 0 : i32
      %dma_wait3A_144 = tpu.memref_slice %arg6[%dma_wait3A_142, %dma_wait3A_143] : memref<10000x16xf32, #tpu.memory_space<hbm>> -> memref<10000x16xf32, #tpu.memory_space<hbm>>
      tpu.wait_indirect_dma semaphore(%arg18 : memref<!tpu.dma_semaphore, #tpu.memory_space<semaphore_mem>>) src(%dma_wait3A_144 : memref<10000x16xf32, #tpu.memory_space<hbm>>) dst(%dma_wait3A_139 : memref<128x16xf32, #tpu.memory_space<vmem>>)
      %dma_wait3A_145 = arith.constant 512 : i32
      %dma_wait3A_146 = arith.constant 0 : i32
      %dma_wait3A_147 = tpu.memref_slice %arg14[%dma_wait3A_145, %dma_wait3A_146] : memref<1024x16xf32, #tpu.memory_space<vmem>> -> memref<128x16xf32, #tpu.memory_space<vmem>>
      %dma_wait3A_148 = arith.constant 512 : i32
      %dma_wait3A_149 = tpu.memref_slice %arg9[%dma_wait3A_148] : memref<1024xi32, #tpu.memory_space<vmem>> -> memref<128xi32, #tpu.memory_space<vmem>>
      %dma_wait3A_150 = arith.constant 0 : i32
      %dma_wait3A_151 = arith.constant 0 : i32
      %dma_wait3A_152 = tpu.memref_slice %arg6[%dma_wait3A_150, %dma_wait3A_151] : memref<10000x16xf32, #tpu.memory_space<hbm>> -> memref<10000x16xf32, #tpu.memory_space<hbm>>
      tpu.wait_indirect_dma semaphore(%arg18 : memref<!tpu.dma_semaphore, #tpu.memory_space<semaphore_mem>>) src(%dma_wait3A_152 : memref<10000x16xf32, #tpu.memory_space<hbm>>) dst(%dma_wait3A_147 : memref<128x16xf32, #tpu.memory_space<vmem>>)
      %dma_wait3A_153 = arith.constant 640 : i32
      %dma_wait3A_154 = arith.constant 0 : i32
      %dma_wait3A_155 = tpu.memref_slice %arg14[%dma_wait3A_153, %dma_wait3A_154] : memref<1024x16xf32, #tpu.memory_space<vmem>> -> memref<128x16xf32, #tpu.memory_space<vmem>>
      %dma_wait3A_156 = arith.constant 640 : i32
      %dma_wait3A_157 = tpu.memref_slice %arg9[%dma_wait3A_156] : memref<1024xi32, #tpu.memory_space<vmem>> -> memref<128xi32, #tpu.memory_space<vmem>>
      %dma_wait3A_158 = arith.constant 0 : i32
      %dma_wait3A_159 = arith.constant 0 : i32
      %dma_wait3A_160 = tpu.memref_slice %arg6[%dma_wait3A_158, %dma_wait3A_159] : memref<10000x16xf32, #tpu.memory_space<hbm>> -> memref<10000x16xf32, #tpu.memory_space<hbm>>
      tpu.wait_indirect_dma semaphore(%arg18 : memref<!tpu.dma_semaphore, #tpu.memory_space<semaphore_mem>>) src(%dma_wait3A_160 : memref<10000x16xf32, #tpu.memory_space<hbm>>) dst(%dma_wait3A_155 : memref<128x16xf32, #tpu.memory_space<vmem>>)
      %dma_wait3A_161 = arith.constant 768 : i32
      %dma_wait3A_162 = arith.constant 0 : i32
      %dma_wait3A_163 = tpu.memref_slice %arg14[%dma_wait3A_161, %dma_wait3A_162] : memref<1024x16xf32, #tpu.memory_space<vmem>> -> memref<128x16xf32, #tpu.memory_space<vmem>>
      %dma_wait3A_164 = arith.constant 768 : i32
      %dma_wait3A_165 = tpu.memref_slice %arg9[%dma_wait3A_164] : memref<1024xi32, #tpu.memory_space<vmem>> -> memref<128xi32, #tpu.memory_space<vmem>>
      %dma_wait3A_166 = arith.constant 0 : i32
      %dma_wait3A_167 = arith.constant 0 : i32
      %dma_wait3A_168 = tpu.memref_slice %arg6[%dma_wait3A_166, %dma_wait3A_167] : memref<10000x16xf32, #tpu.memory_space<hbm>> -> memref<10000x16xf32, #tpu.memory_space<hbm>>
      tpu.wait_indirect_dma semaphore(%arg18 : memref<!tpu.dma_semaphore, #tpu.memory_space<semaphore_mem>>) src(%dma_wait3A_168 : memref<10000x16xf32, #tpu.memory_space<hbm>>) dst(%dma_wait3A_163 : memref<128x16xf32, #tpu.memory_space<vmem>>)
      %dma_wait3A_169 = arith.constant 896 : i32
      %dma_wait3A_170 = arith.constant 0 : i32
      %dma_wait3A_171 = tpu.memref_slice %arg14[%dma_wait3A_169, %dma_wait3A_170] : memref<1024x16xf32, #tpu.memory_space<vmem>> -> memref<128x16xf32, #tpu.memory_space<vmem>>
      %dma_wait3A_172 = arith.constant 896 : i32
      %dma_wait3A_173 = tpu.memref_slice %arg9[%dma_wait3A_172] : memref<1024xi32, #tpu.memory_space<vmem>> -> memref<128xi32, #tpu.memory_space<vmem>>
      %dma_wait3A_174 = arith.constant 0 : i32
      %dma_wait3A_175 = arith.constant 0 : i32
      %dma_wait3A_176 = tpu.memref_slice %arg6[%dma_wait3A_174, %dma_wait3A_175] : memref<10000x16xf32, #tpu.memory_space<hbm>> -> memref<10000x16xf32, #tpu.memory_space<hbm>>
      tpu.wait_indirect_dma semaphore(%arg18 : memref<!tpu.dma_semaphore, #tpu.memory_space<semaphore_mem>>) src(%dma_wait3A_176 : memref<10000x16xf32, #tpu.memory_space<hbm>>) dst(%dma_wait3A_171 : memref<128x16xf32, #tpu.memory_space<vmem>>)
      %parallel_loop3A_177 = arith.constant 0 : i32
      %parallel_loop3A_178 = arith.constant 64 : i32
      %parallel_loop3A_179 = arith.constant 1 : i32
      scf.for %parallel_loop3A_340 = %parallel_loop3A_177 to %parallel_loop3A_178 step %parallel_loop3A_179  : i32 {
        %parallel_loop3A_341 = arith.constant 16 : i32
        %parallel_loop3A_342 = arith.muli %parallel_loop3A_340, %parallel_loop3A_341 : i32
        %parallel_loop3A_343 = arith.index_cast %parallel_loop3A_342 : i32 to index
        %parallel_loop3A_344 = tpu.vector_load %arg12[%parallel_loop3A_343] {strides = array<i32>} : memref<1024xf32, #tpu.memory_space<vmem>>, vector<16xf32>,
        %parallel_loop3A_345 = vector.extract_strided_slice %parallel_loop3A_344 {offsets = [0], sizes = [1], strides = [1]} : vector<16xf32> to vector<1xf32>
        %parallel_loop3A_346 = vector.extract %parallel_loop3A_345[0] : f32 from vector<1xf32>
        %parallel_loop3A_347 = arith.constant 16 : i32
        %parallel_loop3A_348 = arith.muli %parallel_loop3A_340, %parallel_loop3A_347 : i32
        %parallel_loop3A_349 = arith.constant 0 : i32
        %parallel_loop3A_350 = arith.addi %parallel_loop3A_348, %parallel_loop3A_349 : i32
        %parallel_loop3A_351 = arith.index_cast %parallel_loop3A_350 : i32 to index
        %parallel_loop3A_352 = arith.constant 0 : index
        %parallel_loop3A_353 = tpu.vector_load %arg14[%parallel_loop3A_351, %parallel_loop3A_352] {strides = array<i32>} : memref<1024x16xf32, #tpu.memory_space<vmem>>, vector<16xf32>,
        %parallel_loop3A_354 = vector.broadcast %parallel_loop3A_346 : f32 to vector<16xf32>
        %parallel_loop3A_355 = arith.mulf %parallel_loop3A_354, %parallel_loop3A_353 : vector<16xf32>
        %parallel_loop3A_356 = arith.constant 16 : i32
        %parallel_loop3A_357 = arith.muli %parallel_loop3A_340, %parallel_loop3A_356 : i32
        %parallel_loop3A_358 = arith.constant 0 : i32
        %parallel_loop3A_359 = arith.addi %parallel_loop3A_357, %parallel_loop3A_358 : i32
        %parallel_loop3A_360 = arith.index_cast %parallel_loop3A_359 : i32 to index
        %parallel_loop3A_361 = arith.constant 0 : index
        %parallel_loop3A_362 = tpu.vector_load %arg15[%parallel_loop3A_360, %parallel_loop3A_361] {strides = array<i32>} : memref<1024x16xf32, #tpu.memory_space<vmem>>, vector<16xf32>,
        tpu.vector_store %arg15[%parallel_loop3A_360, %parallel_loop3A_361], %parallel_loop3A_355 {strides = array<i32>} : memref<1024x16xf32, #tpu.memory_space<vmem>>, vector<16xf32>,
        %parallel_loop3A_363 = vector.extract_strided_slice %parallel_loop3A_344 {offsets = [1], sizes = [1], strides = [1]} : vector<16xf32> to vector<1xf32>
        %parallel_loop3A_364 = vector.extract %parallel_loop3A_363[0] : f32 from vector<1xf32>
        %parallel_loop3A_365 = arith.constant 16 : i32
        %parallel_loop3A_366 = arith.muli %parallel_loop3A_340, %parallel_loop3A_365 : i32
        %parallel_loop3A_367 = arith.constant 1 : i32
        %parallel_loop3A_368 = arith.addi %parallel_loop3A_366, %parallel_loop3A_367 : i32
        %parallel_loop3A_369 = arith.index_cast %parallel_loop3A_368 : i32 to index
        %parallel_loop3A_370 = arith.constant 0 : index
        %parallel_loop3A_371 = tpu.vector_load %arg14[%parallel_loop3A_369, %parallel_loop3A_370] {strides = array<i32>} : memref<1024x16xf32, #tpu.memory_space<vmem>>, vector<16xf32>,
        %parallel_loop3A_372 = vector.broadcast %parallel_loop3A_364 : f32 to vector<16xf32>
        %parallel_loop3A_373 = arith.mulf %parallel_loop3A_372, %parallel_loop3A_371 : vector<16xf32>
        %parallel_loop3A_374 = arith.constant 16 : i32
        %parallel_loop3A_375 = arith.muli %parallel_loop3A_340, %parallel_loop3A_374 : i32
        %parallel_loop3A_376 = arith.constant 1 : i32
        %parallel_loop3A_377 = arith.addi %parallel_loop3A_375, %parallel_loop3A_376 : i32
        %parallel_loop3A_378 = arith.index_cast %parallel_loop3A_377 : i32 to index
        %parallel_loop3A_379 = arith.constant 0 : index
        %parallel_loop3A_380 = tpu.vector_load %arg15[%parallel_loop3A_378, %parallel_loop3A_379] {strides = array<i32>} : memref<1024x16xf32, #tpu.memory_space<vmem>>, vector<16xf32>,
        tpu.vector_store %arg15[%parallel_loop3A_378, %parallel_loop3A_379], %parallel_loop3A_373 {strides = array<i32>} : memref<1024x16xf32, #tpu.memory_space<vmem>>, vector<16xf32>,
        %parallel_loop3A_381 = vector.extract_strided_slice %parallel_loop3A_344 {offsets = [2], sizes = [1], strides = [1]} : vector<16xf32> to vector<1xf32>
        %parallel_loop3A_382 = vector.extract %parallel_loop3A_381[0] : f32 from vector<1xf32>
        %parallel_loop3A_383 = arith.constant 16 : i32
        %parallel_loop3A_384 = arith.muli %parallel_loop3A_340, %parallel_loop3A_383 : i32
        %parallel_loop3A_385 = arith.constant 2 : i32
        %parallel_loop3A_386 = arith.addi %parallel_loop3A_384, %parallel_loop3A_385 : i32
        %parallel_loop3A_387 = arith.index_cast %parallel_loop3A_386 : i32 to index
        %parallel_loop3A_388 = arith.constant 0 : index
        %parallel_loop3A_389 = tpu.vector_load %arg14[%parallel_loop3A_387, %parallel_loop3A_388] {strides = array<i32>} : memref<1024x16xf32, #tpu.memory_space<vmem>>, vector<16xf32>,
        %parallel_loop3A_390 = vector.broadcast %parallel_loop3A_382 : f32 to vector<16xf32>
        %parallel_loop3A_391 = arith.mulf %parallel_loop3A_390, %parallel_loop3A_389 : vector<16xf32>
        %parallel_loop3A_392 = arith.constant 16 : i32
        %parallel_loop3A_393 = arith.muli %parallel_loop3A_340, %parallel_loop3A_392 : i32
        %parallel_loop3A_394 = arith.constant 2 : i32
        %parallel_loop3A_395 = arith.addi %parallel_loop3A_393, %parallel_loop3A_394 : i32
        %parallel_loop3A_396 = arith.index_cast %parallel_loop3A_395 : i32 to index
        %parallel_loop3A_397 = arith.constant 0 : index
        %parallel_loop3A_398 = tpu.vector_load %arg15[%parallel_loop3A_396, %parallel_loop3A_397] {strides = array<i32>} : memref<1024x16xf32, #tpu.memory_space<vmem>>, vector<16xf32>,
        tpu.vector_store %arg15[%parallel_loop3A_396, %parallel_loop3A_397], %parallel_loop3A_391 {strides = array<i32>} : memref<1024x16xf32, #tpu.memory_space<vmem>>, vector<16xf32>,
        %parallel_loop3A_399 = vector.extract_strided_slice %parallel_loop3A_344 {offsets = [3], sizes = [1], strides = [1]} : vector<16xf32> to vector<1xf32>
        %parallel_loop3A_400 = vector.extract %parallel_loop3A_399[0] : f32 from vector<1xf32>
        %parallel_loop3A_401 = arith.constant 16 : i32
        %parallel_loop3A_402 = arith.muli %parallel_loop3A_340, %parallel_loop3A_401 : i32
        %parallel_loop3A_403 = arith.constant 3 : i32
        %parallel_loop3A_404 = arith.addi %parallel_loop3A_402, %parallel_loop3A_403 : i32
        %parallel_loop3A_405 = arith.index_cast %parallel_loop3A_404 : i32 to index
        %parallel_loop3A_406 = arith.constant 0 : index
        %parallel_loop3A_407 = tpu.vector_load %arg14[%parallel_loop3A_405, %parallel_loop3A_406] {strides = array<i32>} : memref<1024x16xf32, #tpu.memory_space<vmem>>, vector<16xf32>,
        %parallel_loop3A_408 = vector.broadcast %parallel_loop3A_400 : f32 to vector<16xf32>
        %parallel_loop3A_409 = arith.mulf %parallel_loop3A_408, %parallel_loop3A_407 : vector<16xf32>
        %parallel_loop3A_410 = arith.constant 16 : i32
        %parallel_loop3A_411 = arith.muli %parallel_loop3A_340, %parallel_loop3A_410 : i32
        %parallel_loop3A_412 = arith.constant 3 : i32
        %parallel_loop3A_413 = arith.addi %parallel_loop3A_411, %parallel_loop3A_412 : i32
        %parallel_loop3A_414 = arith.index_cast %parallel_loop3A_413 : i32 to index
        %parallel_loop3A_415 = arith.constant 0 : index
        %parallel_loop3A_416 = tpu.vector_load %arg15[%parallel_loop3A_414, %parallel_loop3A_415] {strides = array<i32>} : memref<1024x16xf32, #tpu.memory_space<vmem>>, vector<16xf32>,
        tpu.vector_store %arg15[%parallel_loop3A_414, %parallel_loop3A_415], %parallel_loop3A_409 {strides = array<i32>} : memref<1024x16xf32, #tpu.memory_space<vmem>>, vector<16xf32>,
        %parallel_loop3A_417 = vector.extract_strided_slice %parallel_loop3A_344 {offsets = [4], sizes = [1], strides = [1]} : vector<16xf32> to vector<1xf32>
        %parallel_loop3A_418 = vector.extract %parallel_loop3A_417[0] : f32 from vector<1xf32>
        %parallel_loop3A_419 = arith.constant 16 : i32
        %parallel_loop3A_420 = arith.muli %parallel_loop3A_340, %parallel_loop3A_419 : i32
        %parallel_loop3A_421 = arith.constant 4 : i32
        %parallel_loop3A_422 = arith.addi %parallel_loop3A_420, %parallel_loop3A_421 : i32
        %parallel_loop3A_423 = arith.index_cast %parallel_loop3A_422 : i32 to index
        %parallel_loop3A_424 = arith.constant 0 : index
        %parallel_loop3A_425 = tpu.vector_load %arg14[%parallel_loop3A_423, %parallel_loop3A_424] {strides = array<i32>} : memref<1024x16xf32, #tpu.memory_space<vmem>>, vector<16xf32>,
        %parallel_loop3A_426 = vector.broadcast %parallel_loop3A_418 : f32 to vector<16xf32>
        %parallel_loop3A_427 = arith.mulf %parallel_loop3A_426, %parallel_loop3A_425 : vector<16xf32>
        %parallel_loop3A_428 = arith.constant 16 : i32
        %parallel_loop3A_429 = arith.muli %parallel_loop3A_340, %parallel_loop3A_428 : i32
        %parallel_loop3A_430 = arith.constant 4 : i32
        %parallel_loop3A_431 = arith.addi %parallel_loop3A_429, %parallel_loop3A_430 : i32
        %parallel_loop3A_432 = arith.index_cast %parallel_loop3A_431 : i32 to index
        %parallel_loop3A_433 = arith.constant 0 : index
        %parallel_loop3A_434 = tpu.vector_load %arg15[%parallel_loop3A_432, %parallel_loop3A_433] {strides = array<i32>} : memref<1024x16xf32, #tpu.memory_space<vmem>>, vector<16xf32>,
        tpu.vector_store %arg15[%parallel_loop3A_432, %parallel_loop3A_433], %parallel_loop3A_427 {strides = array<i32>} : memref<1024x16xf32, #tpu.memory_space<vmem>>, vector<16xf32>,
        %parallel_loop3A_435 = vector.extract_strided_slice %parallel_loop3A_344 {offsets = [5], sizes = [1], strides = [1]} : vector<16xf32> to vector<1xf32>
        %parallel_loop3A_436 = vector.extract %parallel_loop3A_435[0] : f32 from vector<1xf32>
        %parallel_loop3A_437 = arith.constant 16 : i32
        %parallel_loop3A_438 = arith.muli %parallel_loop3A_340, %parallel_loop3A_437 : i32
        %parallel_loop3A_439 = arith.constant 5 : i32
        %parallel_loop3A_440 = arith.addi %parallel_loop3A_438, %parallel_loop3A_439 : i32
        %parallel_loop3A_441 = arith.index_cast %parallel_loop3A_440 : i32 to index
        %parallel_loop3A_442 = arith.constant 0 : index
        %parallel_loop3A_443 = tpu.vector_load %arg14[%parallel_loop3A_441, %parallel_loop3A_442] {strides = array<i32>} : memref<1024x16xf32, #tpu.memory_space<vmem>>, vector<16xf32>,
        %parallel_loop3A_444 = vector.broadcast %parallel_loop3A_436 : f32 to vector<16xf32>
        %parallel_loop3A_445 = arith.mulf %parallel_loop3A_444, %parallel_loop3A_443 : vector<16xf32>
        %parallel_loop3A_446 = arith.constant 16 : i32
        %parallel_loop3A_447 = arith.muli %parallel_loop3A_340, %parallel_loop3A_446 : i32
        %parallel_loop3A_448 = arith.constant 5 : i32
        %parallel_loop3A_449 = arith.addi %parallel_loop3A_447, %parallel_loop3A_448 : i32
        %parallel_loop3A_450 = arith.index_cast %parallel_loop3A_449 : i32 to index
        %parallel_loop3A_451 = arith.constant 0 : index
        %parallel_loop3A_452 = tpu.vector_load %arg15[%parallel_loop3A_450, %parallel_loop3A_451] {strides = array<i32>} : memref<1024x16xf32, #tpu.memory_space<vmem>>, vector<16xf32>,
        tpu.vector_store %arg15[%parallel_loop3A_450, %parallel_loop3A_451], %parallel_loop3A_445 {strides = array<i32>} : memref<1024x16xf32, #tpu.memory_space<vmem>>, vector<16xf32>,
        %parallel_loop3A_453 = vector.extract_strided_slice %parallel_loop3A_344 {offsets = [6], sizes = [1], strides = [1]} : vector<16xf32> to vector<1xf32>
        %parallel_loop3A_454 = vector.extract %parallel_loop3A_453[0] : f32 from vector<1xf32>
        %parallel_loop3A_455 = arith.constant 16 : i32
        %parallel_loop3A_456 = arith.muli %parallel_loop3A_340, %parallel_loop3A_455 : i32
        %parallel_loop3A_457 = arith.constant 6 : i32
        %parallel_loop3A_458 = arith.addi %parallel_loop3A_456, %parallel_loop3A_457 : i32
        %parallel_loop3A_459 = arith.index_cast %parallel_loop3A_458 : i32 to index
        %parallel_loop3A_460 = arith.constant 0 : index
        %parallel_loop3A_461 = tpu.vector_load %arg14[%parallel_loop3A_459, %parallel_loop3A_460] {strides = array<i32>} : memref<1024x16xf32, #tpu.memory_space<vmem>>, vector<16xf32>,
        %parallel_loop3A_462 = vector.broadcast %parallel_loop3A_454 : f32 to vector<16xf32>
        %parallel_loop3A_463 = arith.mulf %parallel_loop3A_462, %parallel_loop3A_461 : vector<16xf32>
        %parallel_loop3A_464 = arith.constant 16 : i32
        %parallel_loop3A_465 = arith.muli %parallel_loop3A_340, %parallel_loop3A_464 : i32
        %parallel_loop3A_466 = arith.constant 6 : i32
        %parallel_loop3A_467 = arith.addi %parallel_loop3A_465, %parallel_loop3A_466 : i32
        %parallel_loop3A_468 = arith.index_cast %parallel_loop3A_467 : i32 to index
        %parallel_loop3A_469 = arith.constant 0 : index
        %parallel_loop3A_470 = tpu.vector_load %arg15[%parallel_loop3A_468, %parallel_loop3A_469] {strides = array<i32>} : memref<1024x16xf32, #tpu.memory_space<vmem>>, vector<16xf32>,
        tpu.vector_store %arg15[%parallel_loop3A_468, %parallel_loop3A_469], %parallel_loop3A_463 {strides = array<i32>} : memref<1024x16xf32, #tpu.memory_space<vmem>>, vector<16xf32>,
        %parallel_loop3A_471 = vector.extract_strided_slice %parallel_loop3A_344 {offsets = [7], sizes = [1], strides = [1]} : vector<16xf32> to vector<1xf32>
        %parallel_loop3A_472 = vector.extract %parallel_loop3A_471[0] : f32 from vector<1xf32>
        %parallel_loop3A_473 = arith.constant 16 : i32
        %parallel_loop3A_474 = arith.muli %parallel_loop3A_340, %parallel_loop3A_473 : i32
        %parallel_loop3A_475 = arith.constant 7 : i32
        %parallel_loop3A_476 = arith.addi %parallel_loop3A_474, %parallel_loop3A_475 : i32
        %parallel_loop3A_477 = arith.index_cast %parallel_loop3A_476 : i32 to index
        %parallel_loop3A_478 = arith.constant 0 : index
        %parallel_loop3A_479 = tpu.vector_load %arg14[%parallel_loop3A_477, %parallel_loop3A_478] {strides = array<i32>} : memref<1024x16xf32, #tpu.memory_space<vmem>>, vector<16xf32>,
        %parallel_loop3A_480 = vector.broadcast %parallel_loop3A_472 : f32 to vector<16xf32>
        %parallel_loop3A_481 = arith.mulf %parallel_loop3A_480, %parallel_loop3A_479 : vector<16xf32>
        %parallel_loop3A_482 = arith.constant 16 : i32
        %parallel_loop3A_483 = arith.muli %parallel_loop3A_340, %parallel_loop3A_482 : i32
        %parallel_loop3A_484 = arith.constant 7 : i32
        %parallel_loop3A_485 = arith.addi %parallel_loop3A_483, %parallel_loop3A_484 : i32
        %parallel_loop3A_486 = arith.index_cast %parallel_loop3A_485 : i32 to index
        %parallel_loop3A_487 = arith.constant 0 : index
        %parallel_loop3A_488 = tpu.vector_load %arg15[%parallel_loop3A_486, %parallel_loop3A_487] {strides = array<i32>} : memref<1024x16xf32, #tpu.memory_space<vmem>>, vector<16xf32>,
        tpu.vector_store %arg15[%parallel_loop3A_486, %parallel_loop3A_487], %parallel_loop3A_481 {strides = array<i32>} : memref<1024x16xf32, #tpu.memory_space<vmem>>, vector<16xf32>,
        %parallel_loop3A_489 = vector.extract_strided_slice %parallel_loop3A_344 {offsets = [8], sizes = [1], strides = [1]} : vector<16xf32> to vector<1xf32>
        %parallel_loop3A_490 = vector.extract %parallel_loop3A_489[0] : f32 from vector<1xf32>
        %parallel_loop3A_491 = arith.constant 16 : i32
        %parallel_loop3A_492 = arith.muli %parallel_loop3A_340, %parallel_loop3A_491 : i32
        %parallel_loop3A_493 = arith.constant 8 : i32
        %parallel_loop3A_494 = arith.addi %parallel_loop3A_492, %parallel_loop3A_493 : i32
        %parallel_loop3A_495 = arith.index_cast %parallel_loop3A_494 : i32 to index
        %parallel_loop3A_496 = arith.constant 0 : index
        %parallel_loop3A_497 = tpu.vector_load %arg14[%parallel_loop3A_495, %parallel_loop3A_496] {strides = array<i32>} : memref<1024x16xf32, #tpu.memory_space<vmem>>, vector<16xf32>,
        %parallel_loop3A_498 = vector.broadcast %parallel_loop3A_490 : f32 to vector<16xf32>
        %parallel_loop3A_499 = arith.mulf %parallel_loop3A_498, %parallel_loop3A_497 : vector<16xf32>
        %parallel_loop3A_500 = arith.constant 16 : i32
        %parallel_loop3A_501 = arith.muli %parallel_loop3A_340, %parallel_loop3A_500 : i32
        %parallel_loop3A_502 = arith.constant 8 : i32
        %parallel_loop3A_503 = arith.addi %parallel_loop3A_501, %parallel_loop3A_502 : i32
        %parallel_loop3A_504 = arith.index_cast %parallel_loop3A_503 : i32 to index
        %parallel_loop3A_505 = arith.constant 0 : index
        %parallel_loop3A_506 = tpu.vector_load %arg15[%parallel_loop3A_504, %parallel_loop3A_505] {strides = array<i32>} : memref<1024x16xf32, #tpu.memory_space<vmem>>, vector<16xf32>,
        tpu.vector_store %arg15[%parallel_loop3A_504, %parallel_loop3A_505], %parallel_loop3A_499 {strides = array<i32>} : memref<1024x16xf32, #tpu.memory_space<vmem>>, vector<16xf32>,
        %parallel_loop3A_507 = vector.extract_strided_slice %parallel_loop3A_344 {offsets = [9], sizes = [1], strides = [1]} : vector<16xf32> to vector<1xf32>
        %parallel_loop3A_508 = vector.extract %parallel_loop3A_507[0] : f32 from vector<1xf32>
        %parallel_loop3A_509 = arith.constant 16 : i32
        %parallel_loop3A_510 = arith.muli %parallel_loop3A_340, %parallel_loop3A_509 : i32
        %parallel_loop3A_511 = arith.constant 9 : i32
        %parallel_loop3A_512 = arith.addi %parallel_loop3A_510, %parallel_loop3A_511 : i32
        %parallel_loop3A_513 = arith.index_cast %parallel_loop3A_512 : i32 to index
        %parallel_loop3A_514 = arith.constant 0 : index
        %parallel_loop3A_515 = tpu.vector_load %arg14[%parallel_loop3A_513, %parallel_loop3A_514] {strides = array<i32>} : memref<1024x16xf32, #tpu.memory_space<vmem>>, vector<16xf32>,
        %parallel_loop3A_516 = vector.broadcast %parallel_loop3A_508 : f32 to vector<16xf32>
        %parallel_loop3A_517 = arith.mulf %parallel_loop3A_516, %parallel_loop3A_515 : vector<16xf32>
        %parallel_loop3A_518 = arith.constant 16 : i32
        %parallel_loop3A_519 = arith.muli %parallel_loop3A_340, %parallel_loop3A_518 : i32
        %parallel_loop3A_520 = arith.constant 9 : i32
        %parallel_loop3A_521 = arith.addi %parallel_loop3A_519, %parallel_loop3A_520 : i32
        %parallel_loop3A_522 = arith.index_cast %parallel_loop3A_521 : i32 to index
        %parallel_loop3A_523 = arith.constant 0 : index
        %parallel_loop3A_524 = tpu.vector_load %arg15[%parallel_loop3A_522, %parallel_loop3A_523] {strides = array<i32>} : memref<1024x16xf32, #tpu.memory_space<vmem>>, vector<16xf32>,
        tpu.vector_store %arg15[%parallel_loop3A_522, %parallel_loop3A_523], %parallel_loop3A_517 {strides = array<i32>} : memref<1024x16xf32, #tpu.memory_space<vmem>>, vector<16xf32>,
        %parallel_loop3A_525 = vector.extract_strided_slice %parallel_loop3A_344 {offsets = [10], sizes = [1], strides = [1]} : vector<16xf32> to vector<1xf32>
        %parallel_loop3A_526 = vector.extract %parallel_loop3A_525[0] : f32 from vector<1xf32>
        %parallel_loop3A_527 = arith.constant 16 : i32
        %parallel_loop3A_528 = arith.muli %parallel_loop3A_340, %parallel_loop3A_527 : i32
        %parallel_loop3A_529 = arith.constant 10 : i32
        %parallel_loop3A_530 = arith.addi %parallel_loop3A_528, %parallel_loop3A_529 : i32
        %parallel_loop3A_531 = arith.index_cast %parallel_loop3A_530 : i32 to index
        %parallel_loop3A_532 = arith.constant 0 : index
        %parallel_loop3A_533 = tpu.vector_load %arg14[%parallel_loop3A_531, %parallel_loop3A_532] {strides = array<i32>} : memref<1024x16xf32, #tpu.memory_space<vmem>>, vector<16xf32>,
        %parallel_loop3A_534 = vector.broadcast %parallel_loop3A_526 : f32 to vector<16xf32>
        %parallel_loop3A_535 = arith.mulf %parallel_loop3A_534, %parallel_loop3A_533 : vector<16xf32>
        %parallel_loop3A_536 = arith.constant 16 : i32
        %parallel_loop3A_537 = arith.muli %parallel_loop3A_340, %parallel_loop3A_536 : i32
        %parallel_loop3A_538 = arith.constant 10 : i32
        %parallel_loop3A_539 = arith.addi %parallel_loop3A_537, %parallel_loop3A_538 : i32
        %parallel_loop3A_540 = arith.index_cast %parallel_loop3A_539 : i32 to index
        %parallel_loop3A_541 = arith.constant 0 : index
        %parallel_loop3A_542 = tpu.vector_load %arg15[%parallel_loop3A_540, %parallel_loop3A_541] {strides = array<i32>} : memref<1024x16xf32, #tpu.memory_space<vmem>>, vector<16xf32>,
        tpu.vector_store %arg15[%parallel_loop3A_540, %parallel_loop3A_541], %parallel_loop3A_535 {strides = array<i32>} : memref<1024x16xf32, #tpu.memory_space<vmem>>, vector<16xf32>,
        %parallel_loop3A_543 = vector.extract_strided_slice %parallel_loop3A_344 {offsets = [11], sizes = [1], strides = [1]} : vector<16xf32> to vector<1xf32>
        %parallel_loop3A_544 = vector.extract %parallel_loop3A_543[0] : f32 from vector<1xf32>
        %parallel_loop3A_545 = arith.constant 16 : i32
        %parallel_loop3A_546 = arith.muli %parallel_loop3A_340, %parallel_loop3A_545 : i32
        %parallel_loop3A_547 = arith.constant 11 : i32
        %parallel_loop3A_548 = arith.addi %parallel_loop3A_546, %parallel_loop3A_547 : i32
        %parallel_loop3A_549 = arith.index_cast %parallel_loop3A_548 : i32 to index
        %parallel_loop3A_550 = arith.constant 0 : index
        %parallel_loop3A_551 = tpu.vector_load %arg14[%parallel_loop3A_549, %parallel_loop3A_550] {strides = array<i32>} : memref<1024x16xf32, #tpu.memory_space<vmem>>, vector<16xf32>,
        %parallel_loop3A_552 = vector.broadcast %parallel_loop3A_544 : f32 to vector<16xf32>
        %parallel_loop3A_553 = arith.mulf %parallel_loop3A_552, %parallel_loop3A_551 : vector<16xf32>
        %parallel_loop3A_554 = arith.constant 16 : i32
        %parallel_loop3A_555 = arith.muli %parallel_loop3A_340, %parallel_loop3A_554 : i32
        %parallel_loop3A_556 = arith.constant 11 : i32
        %parallel_loop3A_557 = arith.addi %parallel_loop3A_555, %parallel_loop3A_556 : i32
        %parallel_loop3A_558 = arith.index_cast %parallel_loop3A_557 : i32 to index
        %parallel_loop3A_559 = arith.constant 0 : index
        %parallel_loop3A_560 = tpu.vector_load %arg15[%parallel_loop3A_558, %parallel_loop3A_559] {strides = array<i32>} : memref<1024x16xf32, #tpu.memory_space<vmem>>, vector<16xf32>,
        tpu.vector_store %arg15[%parallel_loop3A_558, %parallel_loop3A_559], %parallel_loop3A_553 {strides = array<i32>} : memref<1024x16xf32, #tpu.memory_space<vmem>>, vector<16xf32>,
        %parallel_loop3A_561 = vector.extract_strided_slice %parallel_loop3A_344 {offsets = [12], sizes = [1], strides = [1]} : vector<16xf32> to vector<1xf32>
        %parallel_loop3A_562 = vector.extract %parallel_loop3A_561[0] : f32 from vector<1xf32>
        %parallel_loop3A_563 = arith.constant 16 : i32
        %parallel_loop3A_564 = arith.muli %parallel_loop3A_340, %parallel_loop3A_563 : i32
        %parallel_loop3A_565 = arith.constant 12 : i32
        %parallel_loop3A_566 = arith.addi %parallel_loop3A_564, %parallel_loop3A_565 : i32
        %parallel_loop3A_567 = arith.index_cast %parallel_loop3A_566 : i32 to index
        %parallel_loop3A_568 = arith.constant 0 : index
        %parallel_loop3A_569 = tpu.vector_load %arg14[%parallel_loop3A_567, %parallel_loop3A_568] {strides = array<i32>} : memref<1024x16xf32, #tpu.memory_space<vmem>>, vector<16xf32>,
        %parallel_loop3A_570 = vector.broadcast %parallel_loop3A_562 : f32 to vector<16xf32>
        %parallel_loop3A_571 = arith.mulf %parallel_loop3A_570, %parallel_loop3A_569 : vector<16xf32>
        %parallel_loop3A_572 = arith.constant 16 : i32
        %parallel_loop3A_573 = arith.muli %parallel_loop3A_340, %parallel_loop3A_572 : i32
        %parallel_loop3A_574 = arith.constant 12 : i32
        %parallel_loop3A_575 = arith.addi %parallel_loop3A_573, %parallel_loop3A_574 : i32
        %parallel_loop3A_576 = arith.index_cast %parallel_loop3A_575 : i32 to index
        %parallel_loop3A_577 = arith.constant 0 : index
        %parallel_loop3A_578 = tpu.vector_load %arg15[%parallel_loop3A_576, %parallel_loop3A_577] {strides = array<i32>} : memref<1024x16xf32, #tpu.memory_space<vmem>>, vector<16xf32>,
        tpu.vector_store %arg15[%parallel_loop3A_576, %parallel_loop3A_577], %parallel_loop3A_571 {strides = array<i32>} : memref<1024x16xf32, #tpu.memory_space<vmem>>, vector<16xf32>,
        %parallel_loop3A_579 = vector.extract_strided_slice %parallel_loop3A_344 {offsets = [13], sizes = [1], strides = [1]} : vector<16xf32> to vector<1xf32>
        %parallel_loop3A_580 = vector.extract %parallel_loop3A_579[0] : f32 from vector<1xf32>
        %parallel_loop3A_581 = arith.constant 16 : i32
        %parallel_loop3A_582 = arith.muli %parallel_loop3A_340, %parallel_loop3A_581 : i32
        %parallel_loop3A_583 = arith.constant 13 : i32
        %parallel_loop3A_584 = arith.addi %parallel_loop3A_582, %parallel_loop3A_583 : i32
        %parallel_loop3A_585 = arith.index_cast %parallel_loop3A_584 : i32 to index
        %parallel_loop3A_586 = arith.constant 0 : index
        %parallel_loop3A_587 = tpu.vector_load %arg14[%parallel_loop3A_585, %parallel_loop3A_586] {strides = array<i32>} : memref<1024x16xf32, #tpu.memory_space<vmem>>, vector<16xf32>,
        %parallel_loop3A_588 = vector.broadcast %parallel_loop3A_580 : f32 to vector<16xf32>
        %parallel_loop3A_589 = arith.mulf %parallel_loop3A_588, %parallel_loop3A_587 : vector<16xf32>
        %parallel_loop3A_590 = arith.constant 16 : i32
        %parallel_loop3A_591 = arith.muli %parallel_loop3A_340, %parallel_loop3A_590 : i32
        %parallel_loop3A_592 = arith.constant 13 : i32
        %parallel_loop3A_593 = arith.addi %parallel_loop3A_591, %parallel_loop3A_592 : i32
        %parallel_loop3A_594 = arith.index_cast %parallel_loop3A_593 : i32 to index
        %parallel_loop3A_595 = arith.constant 0 : index
        %parallel_loop3A_596 = tpu.vector_load %arg15[%parallel_loop3A_594, %parallel_loop3A_595] {strides = array<i32>} : memref<1024x16xf32, #tpu.memory_space<vmem>>, vector<16xf32>,
        tpu.vector_store %arg15[%parallel_loop3A_594, %parallel_loop3A_595], %parallel_loop3A_589 {strides = array<i32>} : memref<1024x16xf32, #tpu.memory_space<vmem>>, vector<16xf32>,
        %parallel_loop3A_597 = vector.extract_strided_slice %parallel_loop3A_344 {offsets = [14], sizes = [1], strides = [1]} : vector<16xf32> to vector<1xf32>
        %parallel_loop3A_598 = vector.extract %parallel_loop3A_597[0] : f32 from vector<1xf32>
        %parallel_loop3A_599 = arith.constant 16 : i32
        %parallel_loop3A_600 = arith.muli %parallel_loop3A_340, %parallel_loop3A_599 : i32
        %parallel_loop3A_601 = arith.constant 14 : i32
        %parallel_loop3A_602 = arith.addi %parallel_loop3A_600, %parallel_loop3A_601 : i32
        %parallel_loop3A_603 = arith.index_cast %parallel_loop3A_602 : i32 to index
        %parallel_loop3A_604 = arith.constant 0 : index
        %parallel_loop3A_605 = tpu.vector_load %arg14[%parallel_loop3A_603, %parallel_loop3A_604] {strides = array<i32>} : memref<1024x16xf32, #tpu.memory_space<vmem>>, vector<16xf32>,
        %parallel_loop3A_606 = vector.broadcast %parallel_loop3A_598 : f32 to vector<16xf32>
        %parallel_loop3A_607 = arith.mulf %parallel_loop3A_606, %parallel_loop3A_605 : vector<16xf32>
        %parallel_loop3A_608 = arith.constant 16 : i32
        %parallel_loop3A_609 = arith.muli %parallel_loop3A_340, %parallel_loop3A_608 : i32
        %parallel_loop3A_610 = arith.constant 14 : i32
        %parallel_loop3A_611 = arith.addi %parallel_loop3A_609, %parallel_loop3A_610 : i32
        %parallel_loop3A_612 = arith.index_cast %parallel_loop3A_611 : i32 to index
        %parallel_loop3A_613 = arith.constant 0 : index
        %parallel_loop3A_614 = tpu.vector_load %arg15[%parallel_loop3A_612, %parallel_loop3A_613] {strides = array<i32>} : memref<1024x16xf32, #tpu.memory_space<vmem>>, vector<16xf32>,
        tpu.vector_store %arg15[%parallel_loop3A_612, %parallel_loop3A_613], %parallel_loop3A_607 {strides = array<i32>} : memref<1024x16xf32, #tpu.memory_space<vmem>>, vector<16xf32>,
        %parallel_loop3A_615 = vector.extract_strided_slice %parallel_loop3A_344 {offsets = [15], sizes = [1], strides = [1]} : vector<16xf32> to vector<1xf32>
        %parallel_loop3A_616 = vector.extract %parallel_loop3A_615[0] : f32 from vector<1xf32>
        %parallel_loop3A_617 = arith.constant 16 : i32
        %parallel_loop3A_618 = arith.muli %parallel_loop3A_340, %parallel_loop3A_617 : i32
        %parallel_loop3A_619 = arith.constant 15 : i32
        %parallel_loop3A_620 = arith.addi %parallel_loop3A_618, %parallel_loop3A_619 : i32
        %parallel_loop3A_621 = arith.index_cast %parallel_loop3A_620 : i32 to index
        %parallel_loop3A_622 = arith.constant 0 : index
        %parallel_loop3A_623 = tpu.vector_load %arg14[%parallel_loop3A_621, %parallel_loop3A_622] {strides = array<i32>} : memref<1024x16xf32, #tpu.memory_space<vmem>>, vector<16xf32>,
        %parallel_loop3A_624 = vector.broadcast %parallel_loop3A_616 : f32 to vector<16xf32>
        %parallel_loop3A_625 = arith.mulf %parallel_loop3A_624, %parallel_loop3A_623 : vector<16xf32>
        %parallel_loop3A_626 = arith.constant 16 : i32
        %parallel_loop3A_627 = arith.muli %parallel_loop3A_340, %parallel_loop3A_626 : i32
        %parallel_loop3A_628 = arith.constant 15 : i32
        %parallel_loop3A_629 = arith.addi %parallel_loop3A_627, %parallel_loop3A_628 : i32
        %parallel_loop3A_630 = arith.index_cast %parallel_loop3A_629 : i32 to index
        %parallel_loop3A_631 = arith.constant 0 : index
        %parallel_loop3A_632 = tpu.vector_load %arg15[%parallel_loop3A_630, %parallel_loop3A_631] {strides = array<i32>} : memref<1024x16xf32, #tpu.memory_space<vmem>>, vector<16xf32>,
        tpu.vector_store %arg15[%parallel_loop3A_630, %parallel_loop3A_631], %parallel_loop3A_625 {strides = array<i32>} : memref<1024x16xf32, #tpu.memory_space<vmem>>, vector<16xf32>,
      } {sc.loop_unroll_factor = 4 : i64, sc.parallel_access}
      %dma_start3A_180 = arith.constant 0 : i32
      %dma_start3A_181 = arith.constant 0 : i32
      %dma_start3A_182 = arith.constant 0 : i32
      %dma_start3A_183 = tpu.memref_slice %arg15[%dma_start3A_181, %dma_start3A_182] : memref<1024x16xf32, #tpu.memory_space<vmem>> -> memref<128x16xf32, #tpu.memory_space<vmem>>
      %dma_start3A_184 = arith.constant 0 : i32
      %dma_start3A_185 = tpu.memref_slice %arg13[%dma_start3A_180, %dma_start3A_184] : memref<8x128xi32, #tpu.memory_space<vmem>> -> memref<1x128xi32, #tpu.memory_space<vmem>>
      %dma_start3A_186 = tpu.memref_squeeze %dma_start3A_185 : memref<1x128xi32, #tpu.memory_space<vmem>> -> memref<128xi32, #tpu.memory_space<vmem>>
      %dma_start3A_187 = arith.constant 0 : i32
      %dma_start3A_188 = arith.constant 0 : i32
      %dma_start3A_189 = tpu.memref_slice %arg17[%dma_start3A_187, %dma_start3A_188] : memref<10000x16xf32, #tpu.memory_space<vmem_shared>> -> memref<10000x16xf32, #tpu.memory_space<vmem_shared>>
      tpu.enqueue_indirect_dma source(%dma_start3A_183 : memref<128x16xf32, #tpu.memory_space<vmem>>) target(%dma_start3A_189 : memref<10000x16xf32, #tpu.memory_space<vmem_shared>>) offsets(%dma_start3A_186 : memref<128xi32, #tpu.memory_space<vmem>>) semaphore(%arg19 : memref<!tpu.dma_semaphore, #tpu.memory_space<semaphore_mem>>) {add = true}
      %dma_start3A_190 = arith.constant 1 : i32
      %dma_start3A_191 = arith.constant 128 : i32
      %dma_start3A_192 = arith.constant 0 : i32
      %dma_start3A_193 = tpu.memref_slice %arg15[%dma_start3A_191, %dma_start3A_192] : memref<1024x16xf32, #tpu.memory_space<vmem>> -> memref<128x16xf32, #tpu.memory_space<vmem>>
      %dma_start3A_194 = arith.constant 0 : i32
      %dma_start3A_195 = tpu.memref_slice %arg13[%dma_start3A_190, %dma_start3A_194] : memref<8x128xi32, #tpu.memory_space<vmem>> -> memref<1x128xi32, #tpu.memory_space<vmem>>
      %dma_start3A_196 = tpu.memref_squeeze %dma_start3A_195 : memref<1x128xi32, #tpu.memory_space<vmem>> -> memref<128xi32, #tpu.memory_space<vmem>>
      %dma_start3A_197 = arith.constant 0 : i32
      %dma_start3A_198 = arith.constant 0 : i32
      %dma_start3A_199 = tpu.memref_slice %arg17[%dma_start3A_197, %dma_start3A_198] : memref<10000x16xf32, #tpu.memory_space<vmem_shared>> -> memref<10000x16xf32, #tpu.memory_space<vmem_shared>>
      tpu.enqueue_indirect_dma source(%dma_start3A_193 : memref<128x16xf32, #tpu.memory_space<vmem>>) target(%dma_start3A_199 : memref<10000x16xf32, #tpu.memory_space<vmem_shared>>) offsets(%dma_start3A_196 : memref<128xi32, #tpu.memory_space<vmem>>) semaphore(%arg19 : memref<!tpu.dma_semaphore, #tpu.memory_space<semaphore_mem>>) {add = true}
      %dma_start3A_200 = arith.constant 2 : i32
      %dma_start3A_201 = arith.constant 256 : i32
      %dma_start3A_202 = arith.constant 0 : i32
      %dma_start3A_203 = tpu.memref_slice %arg15[%dma_start3A_201, %dma_start3A_202] : memref<1024x16xf32, #tpu.memory_space<vmem>> -> memref<128x16xf32, #tpu.memory_space<vmem>>
      %dma_start3A_204 = arith.constant 0 : i32
      %dma_start3A_205 = tpu.memref_slice %arg13[%dma_start3A_200, %dma_start3A_204] : memref<8x128xi32, #tpu.memory_space<vmem>> -> memref<1x128xi32, #tpu.memory_space<vmem>>
      %dma_start3A_206 = tpu.memref_squeeze %dma_start3A_205 : memref<1x128xi32, #tpu.memory_space<vmem>> -> memref<128xi32, #tpu.memory_space<vmem>>
      %dma_start3A_207 = arith.constant 0 : i32
      %dma_start3A_208 = arith.constant 0 : i32
      %dma_start3A_209 = tpu.memref_slice %arg17[%dma_start3A_207, %dma_start3A_208] : memref<10000x16xf32, #tpu.memory_space<vmem_shared>> -> memref<10000x16xf32, #tpu.memory_space<vmem_shared>>
      tpu.enqueue_indirect_dma source(%dma_start3A_203 : memref<128x16xf32, #tpu.memory_space<vmem>>) target(%dma_start3A_209 : memref<10000x16xf32, #tpu.memory_space<vmem_shared>>) offsets(%dma_start3A_206 : memref<128xi32, #tpu.memory_space<vmem>>) semaphore(%arg19 : memref<!tpu.dma_semaphore, #tpu.memory_space<semaphore_mem>>) {add = true}
      %dma_start3A_210 = arith.constant 3 : i32
      %dma_start3A_211 = arith.constant 384 : i32
      %dma_start3A_212 = arith.constant 0 : i32
      %dma_start3A_213 = tpu.memref_slice %arg15[%dma_start3A_211, %dma_start3A_212] : memref<1024x16xf32, #tpu.memory_space<vmem>> -> memref<128x16xf32, #tpu.memory_space<vmem>>
      %dma_start3A_214 = arith.constant 0 : i32
      %dma_start3A_215 = tpu.memref_slice %arg13[%dma_start3A_210, %dma_start3A_214] : memref<8x128xi32, #tpu.memory_space<vmem>> -> memref<1x128xi32, #tpu.memory_space<vmem>>
      %dma_start3A_216 = tpu.memref_squeeze %dma_start3A_215 : memref<1x128xi32, #tpu.memory_space<vmem>> -> memref<128xi32, #tpu.memory_space<vmem>>
      %dma_start3A_217 = arith.constant 0 : i32
      %dma_start3A_218 = arith.constant 0 : i32
      %dma_start3A_219 = tpu.memref_slice %arg17[%dma_start3A_217, %dma_start3A_218] : memref<10000x16xf32, #tpu.memory_space<vmem_shared>> -> memref<10000x16xf32, #tpu.memory_space<vmem_shared>>
      tpu.enqueue_indirect_dma source(%dma_start3A_213 : memref<128x16xf32, #tpu.memory_space<vmem>>) target(%dma_start3A_219 : memref<10000x16xf32, #tpu.memory_space<vmem_shared>>) offsets(%dma_start3A_216 : memref<128xi32, #tpu.memory_space<vmem>>) semaphore(%arg19 : memref<!tpu.dma_semaphore, #tpu.memory_space<semaphore_mem>>) {add = true}
      %dma_start3A_220 = arith.constant 4 : i32
      %dma_start3A_221 = arith.constant 512 : i32
      %dma_start3A_222 = arith.constant 0 : i32
      %dma_start3A_223 = tpu.memref_slice %arg15[%dma_start3A_221, %dma_start3A_222] : memref<1024x16xf32, #tpu.memory_space<vmem>> -> memref<128x16xf32, #tpu.memory_space<vmem>>
      %dma_start3A_224 = arith.constant 0 : i32
      %dma_start3A_225 = tpu.memref_slice %arg13[%dma_start3A_220, %dma_start3A_224] : memref<8x128xi32, #tpu.memory_space<vmem>> -> memref<1x128xi32, #tpu.memory_space<vmem>>
      %dma_start3A_226 = tpu.memref_squeeze %dma_start3A_225 : memref<1x128xi32, #tpu.memory_space<vmem>> -> memref<128xi32, #tpu.memory_space<vmem>>
      %dma_start3A_227 = arith.constant 0 : i32
      %dma_start3A_228 = arith.constant 0 : i32
      %dma_start3A_229 = tpu.memref_slice %arg17[%dma_start3A_227, %dma_start3A_228] : memref<10000x16xf32, #tpu.memory_space<vmem_shared>> -> memref<10000x16xf32, #tpu.memory_space<vmem_shared>>
      tpu.enqueue_indirect_dma source(%dma_start3A_223 : memref<128x16xf32, #tpu.memory_space<vmem>>) target(%dma_start3A_229 : memref<10000x16xf32, #tpu.memory_space<vmem_shared>>) offsets(%dma_start3A_226 : memref<128xi32, #tpu.memory_space<vmem>>) semaphore(%arg19 : memref<!tpu.dma_semaphore, #tpu.memory_space<semaphore_mem>>) {add = true}
      %dma_start3A_230 = arith.constant 5 : i32
      %dma_start3A_231 = arith.constant 640 : i32
      %dma_start3A_232 = arith.constant 0 : i32
      %dma_start3A_233 = tpu.memref_slice %arg15[%dma_start3A_231, %dma_start3A_232] : memref<1024x16xf32, #tpu.memory_space<vmem>> -> memref<128x16xf32, #tpu.memory_space<vmem>>
      %dma_start3A_234 = arith.constant 0 : i32
      %dma_start3A_235 = tpu.memref_slice %arg13[%dma_start3A_230, %dma_start3A_234] : memref<8x128xi32, #tpu.memory_space<vmem>> -> memref<1x128xi32, #tpu.memory_space<vmem>>
      %dma_start3A_236 = tpu.memref_squeeze %dma_start3A_235 : memref<1x128xi32, #tpu.memory_space<vmem>> -> memref<128xi32, #tpu.memory_space<vmem>>
      %dma_start3A_237 = arith.constant 0 : i32
      %dma_start3A_238 = arith.constant 0 : i32
      %dma_start3A_239 = tpu.memref_slice %arg17[%dma_start3A_237, %dma_start3A_238] : memref<10000x16xf32, #tpu.memory_space<vmem_shared>> -> memref<10000x16xf32, #tpu.memory_space<vmem_shared>>
      tpu.enqueue_indirect_dma source(%dma_start3A_233 : memref<128x16xf32, #tpu.memory_space<vmem>>) target(%dma_start3A_239 : memref<10000x16xf32, #tpu.memory_space<vmem_shared>>) offsets(%dma_start3A_236 : memref<128xi32, #tpu.memory_space<vmem>>) semaphore(%arg19 : memref<!tpu.dma_semaphore, #tpu.memory_space<semaphore_mem>>) {add = true}
      %dma_start3A_240 = arith.constant 6 : i32
      %dma_start3A_241 = arith.constant 768 : i32
      %dma_start3A_242 = arith.constant 0 : i32
      %dma_start3A_243 = tpu.memref_slice %arg15[%dma_start3A_241, %dma_start3A_242] : memref<1024x16xf32, #tpu.memory_space<vmem>> -> memref<128x16xf32, #tpu.memory_space<vmem>>
      %dma_start3A_244 = arith.constant 0 : i32
      %dma_start3A_245 = tpu.memref_slice %arg13[%dma_start3A_240, %dma_start3A_244] : memref<8x128xi32, #tpu.memory_space<vmem>> -> memref<1x128xi32, #tpu.memory_space<vmem>>
      %dma_start3A_246 = tpu.memref_squeeze %dma_start3A_245 : memref<1x128xi32, #tpu.memory_space<vmem>> -> memref<128xi32, #tpu.memory_space<vmem>>
      %dma_start3A_247 = arith.constant 0 : i32
      %dma_start3A_248 = arith.constant 0 : i32
      %dma_start3A_249 = tpu.memref_slice %arg17[%dma_start3A_247, %dma_start3A_248] : memref<10000x16xf32, #tpu.memory_space<vmem_shared>> -> memref<10000x16xf32, #tpu.memory_space<vmem_shared>>
      tpu.enqueue_indirect_dma source(%dma_start3A_243 : memref<128x16xf32, #tpu.memory_space<vmem>>) target(%dma_start3A_249 : memref<10000x16xf32, #tpu.memory_space<vmem_shared>>) offsets(%dma_start3A_246 : memref<128xi32, #tpu.memory_space<vmem>>) semaphore(%arg19 : memref<!tpu.dma_semaphore, #tpu.memory_space<semaphore_mem>>) {add = true}
      %dma_start3A_250 = arith.constant 7 : i32
      %dma_start3A_251 = arith.constant 896 : i32
      %dma_start3A_252 = arith.constant 0 : i32
      %dma_start3A_253 = tpu.memref_slice %arg15[%dma_start3A_251, %dma_start3A_252] : memref<1024x16xf32, #tpu.memory_space<vmem>> -> memref<128x16xf32, #tpu.memory_space<vmem>>
      %dma_start3A_254 = arith.constant 0 : i32
      %dma_start3A_255 = tpu.memref_slice %arg13[%dma_start3A_250, %dma_start3A_254] : memref<8x128xi32, #tpu.memory_space<vmem>> -> memref<1x128xi32, #tpu.memory_space<vmem>>
      %dma_start3A_256 = tpu.memref_squeeze %dma_start3A_255 : memref<1x128xi32, #tpu.memory_space<vmem>> -> memref<128xi32, #tpu.memory_space<vmem>>
      %dma_start3A_257 = arith.constant 0 : i32
      %dma_start3A_258 = arith.constant 0 : i32
      %dma_start3A_259 = tpu.memref_slice %arg17[%dma_start3A_257, %dma_start3A_258] : memref<10000x16xf32, #tpu.memory_space<vmem_shared>> -> memref<10000x16xf32, #tpu.memory_space<vmem_shared>>
      tpu.enqueue_indirect_dma source(%dma_start3A_253 : memref<128x16xf32, #tpu.memory_space<vmem>>) target(%dma_start3A_259 : memref<10000x16xf32, #tpu.memory_space<vmem_shared>>) offsets(%dma_start3A_256 : memref<128xi32, #tpu.memory_space<vmem>>) semaphore(%arg19 : memref<!tpu.dma_semaphore, #tpu.memory_space<semaphore_mem>>) {add = true}
      %dma_wait3A_260 = arith.constant 0 : i32
      %dma_wait3A_261 = arith.constant 0 : i32
      %dma_wait3A_262 = arith.constant 0 : i32
      %dma_wait3A_263 = tpu.memref_slice %arg15[%dma_wait3A_261, %dma_wait3A_262] : memref<1024x16xf32, #tpu.memory_space<vmem>> -> memref<128x16xf32, #tpu.memory_space<vmem>>
      %dma_wait3A_264 = arith.constant 0 : i32
      %dma_wait3A_265 = tpu.memref_slice %arg13[%dma_wait3A_260, %dma_wait3A_264] : memref<8x128xi32, #tpu.memory_space<vmem>> -> memref<1x128xi32, #tpu.memory_space<vmem>>
      %dma_wait3A_266 = tpu.memref_squeeze %dma_wait3A_265 : memref<1x128xi32, #tpu.memory_space<vmem>> -> memref<128xi32, #tpu.memory_space<vmem>>
      %dma_wait3A_267 = arith.constant 0 : i32
      %dma_wait3A_268 = arith.constant 0 : i32
      %dma_wait3A_269 = tpu.memref_slice %arg17[%dma_wait3A_267, %dma_wait3A_268] : memref<10000x16xf32, #tpu.memory_space<vmem_shared>> -> memref<10000x16xf32, #tpu.memory_space<vmem_shared>>
      tpu.wait_indirect_dma semaphore(%arg19 : memref<!tpu.dma_semaphore, #tpu.memory_space<semaphore_mem>>) src(%dma_wait3A_263 : memref<128x16xf32, #tpu.memory_space<vmem>>) dst(%dma_wait3A_269 : memref<10000x16xf32, #tpu.memory_space<vmem_shared>>)
      %dma_wait3A_270 = arith.constant 1 : i32
      %dma_wait3A_271 = arith.constant 128 : i32
      %dma_wait3A_272 = arith.constant 0 : i32
      %dma_wait3A_273 = tpu.memref_slice %arg15[%dma_wait3A_271, %dma_wait3A_272] : memref<1024x16xf32, #tpu.memory_space<vmem>> -> memref<128x16xf32, #tpu.memory_space<vmem>>
      %dma_wait3A_274 = arith.constant 0 : i32
      %dma_wait3A_275 = tpu.memref_slice %arg13[%dma_wait3A_270, %dma_wait3A_274] : memref<8x128xi32, #tpu.memory_space<vmem>> -> memref<1x128xi32, #tpu.memory_space<vmem>>
      %dma_wait3A_276 = tpu.memref_squeeze %dma_wait3A_275 : memref<1x128xi32, #tpu.memory_space<vmem>> -> memref<128xi32, #tpu.memory_space<vmem>>
      %dma_wait3A_277 = arith.constant 0 : i32
      %dma_wait3A_278 = arith.constant 0 : i32
      %dma_wait3A_279 = tpu.memref_slice %arg17[%dma_wait3A_277, %dma_wait3A_278] : memref<10000x16xf32, #tpu.memory_space<vmem_shared>> -> memref<10000x16xf32, #tpu.memory_space<vmem_shared>>
      tpu.wait_indirect_dma semaphore(%arg19 : memref<!tpu.dma_semaphore, #tpu.memory_space<semaphore_mem>>) src(%dma_wait3A_273 : memref<128x16xf32, #tpu.memory_space<vmem>>) dst(%dma_wait3A_279 : memref<10000x16xf32, #tpu.memory_space<vmem_shared>>)
      %dma_wait3A_280 = arith.constant 2 : i32
      %dma_wait3A_281 = arith.constant 256 : i32
      %dma_wait3A_282 = arith.constant 0 : i32
      %dma_wait3A_283 = tpu.memref_slice %arg15[%dma_wait3A_281, %dma_wait3A_282] : memref<1024x16xf32, #tpu.memory_space<vmem>> -> memref<128x16xf32, #tpu.memory_space<vmem>>
      %dma_wait3A_284 = arith.constant 0 : i32
      %dma_wait3A_285 = tpu.memref_slice %arg13[%dma_wait3A_280, %dma_wait3A_284] : memref<8x128xi32, #tpu.memory_space<vmem>> -> memref<1x128xi32, #tpu.memory_space<vmem>>
      %dma_wait3A_286 = tpu.memref_squeeze %dma_wait3A_285 : memref<1x128xi32, #tpu.memory_space<vmem>> -> memref<128xi32, #tpu.memory_space<vmem>>
      %dma_wait3A_287 = arith.constant 0 : i32
      %dma_wait3A_288 = arith.constant 0 : i32
      %dma_wait3A_289 = tpu.memref_slice %arg17[%dma_wait3A_287, %dma_wait3A_288] : memref<10000x16xf32, #tpu.memory_space<vmem_shared>> -> memref<10000x16xf32, #tpu.memory_space<vmem_shared>>
      tpu.wait_indirect_dma semaphore(%arg19 : memref<!tpu.dma_semaphore, #tpu.memory_space<semaphore_mem>>) src(%dma_wait3A_283 : memref<128x16xf32, #tpu.memory_space<vmem>>) dst(%dma_wait3A_289 : memref<10000x16xf32, #tpu.memory_space<vmem_shared>>)
      %dma_wait3A_290 = arith.constant 3 : i32
      %dma_wait3A_291 = arith.constant 384 : i32
      %dma_wait3A_292 = arith.constant 0 : i32
      %dma_wait3A_293 = tpu.memref_slice %arg15[%dma_wait3A_291, %dma_wait3A_292] : memref<1024x16xf32, #tpu.memory_space<vmem>> -> memref<128x16xf32, #tpu.memory_space<vmem>>
      %dma_wait3A_294 = arith.constant 0 : i32
      %dma_wait3A_295 = tpu.memref_slice %arg13[%dma_wait3A_290, %dma_wait3A_294] : memref<8x128xi32, #tpu.memory_space<vmem>> -> memref<1x128xi32, #tpu.memory_space<vmem>>
      %dma_wait3A_296 = tpu.memref_squeeze %dma_wait3A_295 : memref<1x128xi32, #tpu.memory_space<vmem>> -> memref<128xi32, #tpu.memory_space<vmem>>
      %dma_wait3A_297 = arith.constant 0 : i32
      %dma_wait3A_298 = arith.constant 0 : i32
      %dma_wait3A_299 = tpu.memref_slice %arg17[%dma_wait3A_297, %dma_wait3A_298] : memref<10000x16xf32, #tpu.memory_space<vmem_shared>> -> memref<10000x16xf32, #tpu.memory_space<vmem_shared>>
      tpu.wait_indirect_dma semaphore(%arg19 : memref<!tpu.dma_semaphore, #tpu.memory_space<semaphore_mem>>) src(%dma_wait3A_293 : memref<128x16xf32, #tpu.memory_space<vmem>>) dst(%dma_wait3A_299 : memref<10000x16xf32, #tpu.memory_space<vmem_shared>>)
      %dma_wait3A_300 = arith.constant 4 : i32
      %dma_wait3A_301 = arith.constant 512 : i32
      %dma_wait3A_302 = arith.constant 0 : i32
      %dma_wait3A_303 = tpu.memref_slice %arg15[%dma_wait3A_301, %dma_wait3A_302] : memref<1024x16xf32, #tpu.memory_space<vmem>> -> memref<128x16xf32, #tpu.memory_space<vmem>>
      %dma_wait3A_304 = arith.constant 0 : i32
      %dma_wait3A_305 = tpu.memref_slice %arg13[%dma_wait3A_300, %dma_wait3A_304] : memref<8x128xi32, #tpu.memory_space<vmem>> -> memref<1x128xi32, #tpu.memory_space<vmem>>
      %dma_wait3A_306 = tpu.memref_squeeze %dma_wait3A_305 : memref<1x128xi32, #tpu.memory_space<vmem>> -> memref<128xi32, #tpu.memory_space<vmem>>
      %dma_wait3A_307 = arith.constant 0 : i32
      %dma_wait3A_308 = arith.constant 0 : i32
      %dma_wait3A_309 = tpu.memref_slice %arg17[%dma_wait3A_307, %dma_wait3A_308] : memref<10000x16xf32, #tpu.memory_space<vmem_shared>> -> memref<10000x16xf32, #tpu.memory_space<vmem_shared>>
      tpu.wait_indirect_dma semaphore(%arg19 : memref<!tpu.dma_semaphore, #tpu.memory_space<semaphore_mem>>) src(%dma_wait3A_303 : memref<128x16xf32, #tpu.memory_space<vmem>>) dst(%dma_wait3A_309 : memref<10000x16xf32, #tpu.memory_space<vmem_shared>>)
      %dma_wait3A_310 = arith.constant 5 : i32
      %dma_wait3A_311 = arith.constant 640 : i32
      %dma_wait3A_312 = arith.constant 0 : i32
      %dma_wait3A_313 = tpu.memref_slice %arg15[%dma_wait3A_311, %dma_wait3A_312] : memref<1024x16xf32, #tpu.memory_space<vmem>> -> memref<128x16xf32, #tpu.memory_space<vmem>>
      %dma_wait3A_314 = arith.constant 0 : i32
      %dma_wait3A_315 = tpu.memref_slice %arg13[%dma_wait3A_310, %dma_wait3A_314] : memref<8x128xi32, #tpu.memory_space<vmem>> -> memref<1x128xi32, #tpu.memory_space<vmem>>
      %dma_wait3A_316 = tpu.memref_squeeze %dma_wait3A_315 : memref<1x128xi32, #tpu.memory_space<vmem>> -> memref<128xi32, #tpu.memory_space<vmem>>
      %dma_wait3A_317 = arith.constant 0 : i32
      %dma_wait3A_318 = arith.constant 0 : i32
      %dma_wait3A_319 = tpu.memref_slice %arg17[%dma_wait3A_317, %dma_wait3A_318] : memref<10000x16xf32, #tpu.memory_space<vmem_shared>> -> memref<10000x16xf32, #tpu.memory_space<vmem_shared>>
      tpu.wait_indirect_dma semaphore(%arg19 : memref<!tpu.dma_semaphore, #tpu.memory_space<semaphore_mem>>) src(%dma_wait3A_313 : memref<128x16xf32, #tpu.memory_space<vmem>>) dst(%dma_wait3A_319 : memref<10000x16xf32, #tpu.memory_space<vmem_shared>>)
      %dma_wait3A_320 = arith.constant 6 : i32
      %dma_wait3A_321 = arith.constant 768 : i32
      %dma_wait3A_322 = arith.constant 0 : i32
      %dma_wait3A_323 = tpu.memref_slice %arg15[%dma_wait3A_321, %dma_wait3A_322] : memref<1024x16xf32, #tpu.memory_space<vmem>> -> memref<128x16xf32, #tpu.memory_space<vmem>>
      %dma_wait3A_324 = arith.constant 0 : i32
      %dma_wait3A_325 = tpu.memref_slice %arg13[%dma_wait3A_320, %dma_wait3A_324] : memref<8x128xi32, #tpu.memory_space<vmem>> -> memref<1x128xi32, #tpu.memory_space<vmem>>
      %dma_wait3A_326 = tpu.memref_squeeze %dma_wait3A_325 : memref<1x128xi32, #tpu.memory_space<vmem>> -> memref<128xi32, #tpu.memory_space<vmem>>
      %dma_wait3A_327 = arith.constant 0 : i32
      %dma_wait3A_328 = arith.constant 0 : i32
      %dma_wait3A_329 = tpu.memref_slice %arg17[%dma_wait3A_327, %dma_wait3A_328] : memref<10000x16xf32, #tpu.memory_space<vmem_shared>> -> memref<10000x16xf32, #tpu.memory_space<vmem_shared>>
      tpu.wait_indirect_dma semaphore(%arg19 : memref<!tpu.dma_semaphore, #tpu.memory_space<semaphore_mem>>) src(%dma_wait3A_323 : memref<128x16xf32, #tpu.memory_space<vmem>>) dst(%dma_wait3A_329 : memref<10000x16xf32, #tpu.memory_space<vmem_shared>>)
      %dma_wait3A_330 = arith.constant 7 : i32
      %dma_wait3A_331 = arith.constant 896 : i32
      %dma_wait3A_332 = arith.constant 0 : i32
      %dma_wait3A_333 = tpu.memref_slice %arg15[%dma_wait3A_331, %dma_wait3A_332] : memref<1024x16xf32, #tpu.memory_space<vmem>> -> memref<128x16xf32, #tpu.memory_space<vmem>>
      %dma_wait3A_334 = arith.constant 0 : i32
      %dma_wait3A_335 = tpu.memref_slice %arg13[%dma_wait3A_330, %dma_wait3A_334] : memref<8x128xi32, #tpu.memory_space<vmem>> -> memref<1x128xi32, #tpu.memory_space<vmem>>
      %dma_wait3A_336 = tpu.memref_squeeze %dma_wait3A_335 : memref<1x128xi32, #tpu.memory_space<vmem>> -> memref<128xi32, #tpu.memory_space<vmem>>
      %dma_wait3A_337 = arith.constant 0 : i32
      %dma_wait3A_338 = arith.constant 0 : i32
      %dma_wait3A_339 = tpu.memref_slice %arg17[%dma_wait3A_337, %dma_wait3A_338] : memref<10000x16xf32, #tpu.memory_space<vmem_shared>> -> memref<10000x16xf32, #tpu.memory_space<vmem_shared>>
      tpu.wait_indirect_dma semaphore(%arg19 : memref<!tpu.dma_semaphore, #tpu.memory_space<semaphore_mem>>) src(%dma_wait3A_333 : memref<128x16xf32, #tpu.memory_space<vmem>>) dst(%dma_wait3A_339 : memref<10000x16xf32, #tpu.memory_space<vmem_shared>>)
    }
    %scan3A_16 = arith.constant 10 : i32
    %barrier3A_17 = arith.constant 0 : index
    tpu.barrier barrier_id(%barrier3A_17)
    %mul3A_18 = arith.constant 625 : i32
    %mul3A_19 = arith.muli %arg1, %mul3A_18 : i32
    "tpu.region"() ({
      %run_scoped3A = tpu.sem_alloc : memref<!tpu.dma_semaphore, #tpu.memory_space<semaphore_mem>>
      %dma_start3A = arith.constant 0 : i32
      %dma_start3A_22 = tpu.memref_slice %arg17[%mul3A_19, %dma_start3A] : memref<10000x16xf32, #tpu.memory_space<vmem_shared>> -> memref<625x16xf32, #tpu.memory_space<vmem_shared>>
      %dma_start3A_23 = arith.constant 0 : i32
      %dma_start3A_24 = tpu.memref_slice %arg17[%mul3A_19, %dma_start3A_23] : memref<10000x16xf32, #tpu.memory_space<vmem_shared>> -> memref<625x16xf32, #tpu.memory_space<vmem_shared>>
      tpu.enqueue_dma source(%dma_start3A_24 : memref<625x16xf32, #tpu.memory_space<vmem_shared>>) target(%arg16 : memref<625x16xf32, #tpu.memory_space<vmem>>) target_semaphore(%run_scoped3A : memref<!tpu.dma_semaphore, #tpu.memory_space<semaphore_mem>>)
      %dma_wait3A = arith.constant 0 : i32
      %dma_wait3A_25 = tpu.memref_slice %arg17[%mul3A_19, %dma_wait3A] : memref<10000x16xf32, #tpu.memory_space<vmem_shared>> -> memref<625x16xf32, #tpu.memory_space<vmem_shared>>
      %dma_wait3A_26 = arith.constant 0 : i32
      %dma_wait3A_27 = tpu.memref_slice %arg17[%mul3A_19, %dma_wait3A_26] : memref<10000x16xf32, #tpu.memory_space<vmem_shared>> -> memref<625x16xf32, #tpu.memory_space<vmem_shared>>
      tpu.wait_dma2 semaphore(%run_scoped3A : memref<!tpu.dma_semaphore, #tpu.memory_space<semaphore_mem>>) src(%dma_wait3A_27 : memref<625x16xf32, #tpu.memory_space<vmem_shared>>) dst(%arg16 : memref<625x16xf32, #tpu.memory_space<vmem>>)
      tpu.yield
    }) : () -> ()
    %mul3A_20 = arith.constant 625 : i32
    %mul3A_21 = arith.muli %arg1, %mul3A_20 : i32
    "tpu.region"() ({
      %run_scoped3A = tpu.sem_alloc : memref<!tpu.dma_semaphore, #tpu.memory_space<semaphore_mem>>
      %dma_start3A = arith.constant 0 : i32
      %dma_start3A_22 = tpu.memref_slice %arg7[%arg0, %mul3A_21, %dma_start3A] : memref<2x10000x16xf32, #tpu.memory_space<hbm>> -> memref<1x625x16xf32, #tpu.memory_space<hbm>>
      %dma_start3A_23 = tpu.memref_squeeze %dma_start3A_22 : memref<1x625x16xf32, #tpu.memory_space<hbm>> -> memref<625x16xf32, #tpu.memory_space<hbm>>
      %dma_start3A_24 = arith.constant 0 : i32
      %dma_start3A_25 = tpu.memref_slice %arg7[%arg0, %mul3A_21, %dma_start3A_24] : memref<2x10000x16xf32, #tpu.memory_space<hbm>> -> memref<1x625x16xf32, #tpu.memory_space<hbm>>
      %dma_start3A_26 = tpu.memref_squeeze %dma_start3A_25 : memref<1x625x16xf32, #tpu.memory_space<hbm>> -> memref<625x16xf32, #tpu.memory_space<hbm>>
      tpu.enqueue_dma source(%arg16 : memref<625x16xf32, #tpu.memory_space<vmem>>) target(%dma_start3A_26 : memref<625x16xf32, #tpu.memory_space<hbm>>) target_semaphore(%run_scoped3A : memref<!tpu.dma_semaphore, #tpu.memory_space<semaphore_mem>>)
      %dma_wait3A = arith.constant 0 : i32
      %dma_wait3A_27 = tpu.memref_slice %arg7[%arg0, %mul3A_21, %dma_wait3A] : memref<2x10000x16xf32, #tpu.memory_space<hbm>> -> memref<1x625x16xf32, #tpu.memory_space<hbm>>
      %dma_wait3A_28 = tpu.memref_squeeze %dma_wait3A_27 : memref<1x625x16xf32, #tpu.memory_space<hbm>> -> memref<625x16xf32, #tpu.memory_space<hbm>>
      %dma_wait3A_29 = arith.constant 0 : i32
      %dma_wait3A_30 = tpu.memref_slice %arg7[%arg0, %mul3A_21, %dma_wait3A_29] : memref<2x10000x16xf32, #tpu.memory_space<hbm>> -> memref<1x625x16xf32, #tpu.memory_space<hbm>>
      %dma_wait3A_31 = tpu.memref_squeeze %dma_wait3A_30 : memref<1x625x16xf32, #tpu.memory_space<hbm>> -> memref<625x16xf32, #tpu.memory_space<hbm>>
      tpu.wait_dma2 semaphore(%run_scoped3A : memref<!tpu.dma_semaphore, #tpu.memory_space<semaphore_mem>>) src(%arg16 : memref<625x16xf32, #tpu.memory_space<vmem>>) dst(%dma_wait3A_31 : memref<625x16xf32, #tpu.memory_space<hbm>>)
      tpu.yield
    }) : () -> ()
    return
  }
}

module attributes {stable_mosaic.version = 14 : i64} {
  func.func @_k2_body(%arg0: i32, %arg1: memref<1x10000x16xf32, #tpu.memory_space<vmem>>, %arg2: memref<10000x128xf32, #tpu.memory_space<vmem>>, %arg3: memref<128x16xf32, #tpu.memory_space<vmem>>, %arg4: memref<10000xf32, #tpu.memory_space<vmem>>, %arg5: memref<10000x16xf32, #tpu.memory_space<vmem>>, %arg6: memref<10000x16xf32, #tpu.memory_space<vmem>>) attributes {dimension_semantics = [#tpu.dimension_semantics<arbitrary>], iteration_bounds = array<i64: 16>, scalar_prefetch = 0 : i64, scratch_operands = 1 : i64, tpu.core_type = #tpu.core_type<tc>, window_params = [{transform_indices = @transform_0, window_bounds = array<i64: 1, 10000, 16>}, {pipeline_mode = #tpu.pipeline_mode<synchronous>, transform_indices = @transform_1, window_bounds = array<i64: 10000, 128>}, {pipeline_mode = #tpu.pipeline_mode<synchronous>, transform_indices = @transform_2, window_bounds = array<i64: 128, 16>}, {pipeline_mode = #tpu.pipeline_mode<synchronous>, transform_indices = @transform_3, window_bounds = array<i64: 10000>}, {pipeline_mode = #tpu.pipeline_mode<synchronous>, transform_indices = @transform_4, window_bounds = array<i64: 10000, 16>}]} {
    %eq3A = arith.constant 0 : i32
    %eq3A_0 = arith.cmpi eq, %arg0, %eq3A : i32
    %convert_element_type3A = arith.extui %eq3A_0 : i1 to i32
    %cond3A = arith.constant 0 : i32
    %cond3A_1 = arith.cmpi ne, %convert_element_type3A, %cond3A : i32
    scf.if %cond3A_1 {
      %broadcast_in_dim3A = arith.constant 0.000000e+00 : f32
      %broadcast_in_dim3A_16 = vector.broadcast %broadcast_in_dim3A : f32 to vector<10000x16xf32>
      %swap3A_17 = arith.constant 0 : index
      %swap3A_18 = arith.constant 0 : index
      %swap3A_19 = vector.load %arg6[%swap3A_17, %swap3A_18] : memref<10000x16xf32, #tpu.memory_space<vmem>>, vector<10000x16xf32>
      tpu.vector_store %arg6[%swap3A_17, %swap3A_18], %broadcast_in_dim3A_16 {strides = array<i32>} : memref<10000x16xf32, #tpu.memory_space<vmem>>, vector<10000x16xf32>,
    } else {
    }
    %get3A = arith.constant 0 : index
    %get3A_2 = arith.constant 0 : index
    %get3A_3 = vector.load %arg6[%get3A, %get3A_2] : memref<10000x16xf32, #tpu.memory_space<vmem>>, vector<10000x16xf32>
    %get3A_4 = arith.constant 0 : index
    %get3A_5 = arith.constant 0 : index
    %get3A_6 = arith.constant 0 : index
    %get3A_7 = vector.load %arg1[%get3A_4, %get3A_5, %get3A_6] : memref<1x10000x16xf32, #tpu.memory_space<vmem>>, vector<1x10000x16xf32>
    %get3A_8 = vector.shape_cast %get3A_7 : vector<1x10000x16xf32> to vector<10000x16xf32>
    %add3A = arith.addf %get3A_3, %get3A_8 : vector<10000x16xf32>
    %swap3A = arith.constant 0 : index
    %swap3A_9 = arith.constant 0 : index
    %swap3A_10 = vector.load %arg6[%swap3A, %swap3A_9] : memref<10000x16xf32, #tpu.memory_space<vmem>>, vector<10000x16xf32>
    tpu.vector_store %arg6[%swap3A, %swap3A_9], %add3A {strides = array<i32>} : memref<10000x16xf32, #tpu.memory_space<vmem>>, vector<10000x16xf32>,
    %eq3A_11 = arith.constant 15 : i32
    %eq3A_12 = arith.cmpi eq, %arg0, %eq3A_11 : i32
    %convert_element_type3A_13 = arith.extui %eq3A_12 : i1 to i32
    %cond3A_14 = arith.constant 0 : i32
    %cond3A_15 = arith.cmpi ne, %convert_element_type3A_13, %cond3A_14 : i32
    scf.if %cond3A_15 {
      %get3A_16 = arith.constant 0 : index
      %get3A_17 = arith.constant 0 : index
      %get3A_18 = vector.load %arg6[%get3A_16, %get3A_17] : memref<10000x16xf32, #tpu.memory_space<vmem>>, vector<10000x16xf32>
      %reduce_sum3A = arith.constant dense<0.000000e+00> : vector<10000xf32>
      %reduce_sum3A_19 = vector.multi_reduction <add>, %get3A_18, %reduce_sum3A [1] : vector<10000x16xf32> to vector<10000xf32>
      %add3A_20 = arith.constant 1.000000e+00 : f32
      %add3A_21 = vector.broadcast %add3A_20 : f32 to vector<10000xf32>
      %add3A_22 = arith.addf %reduce_sum3A_19, %add3A_21 : vector<10000xf32>
      %gt3A = arith.constant 0.000000e+00 : f32
      %gt3A_23 = vector.broadcast %gt3A : f32 to vector<10000xf32>
      %gt3A_24 = arith.cmpf ogt, %add3A_22, %gt3A_23 : vector<10000xf32>
      %rsqrt3A = math.rsqrt %add3A_22 : vector<10000xf32>
      %jit3A = arith.constant 0.000000e+00 : f32
      %broadcast_in_dim3A = vector.broadcast %jit3A : f32 to vector<10000xf32>
      %select_n3A = arith.select %gt3A_24, %rsqrt3A, %broadcast_in_dim3A : vector<10000xi1>, vector<10000xf32>
      %swap3A_25 = arith.constant 0 : index
      %swap3A_26 = vector.load %arg4[%swap3A_25] : memref<10000xf32, #tpu.memory_space<vmem>>, vector<10000xf32>
      tpu.vector_store %arg4[%swap3A_25], %select_n3A {strides = array<i32>} : memref<10000xf32, #tpu.memory_space<vmem>>, vector<10000xf32>,
      %get3A_27 = arith.constant 0 : index
      %get3A_28 = arith.constant 0 : index
      %get3A_29 = vector.load %arg2[%get3A_27, %get3A_28] : memref<10000x128xf32, #tpu.memory_space<vmem>>, vector<10000x128xf32>
      %get3A_30 = arith.constant 0 : index
      %get3A_31 = arith.constant 0 : index
      %get3A_32 = vector.load %arg3[%get3A_30, %get3A_31] : memref<128x16xf32, #tpu.memory_space<vmem>>, vector<128x16xf32>
      %dot_general3A = arith.constant dense<0.000000e+00> : vector<10000x16xf32>
      %dot_general3A_33 = tpu.matmul %get3A_29, %get3A_32, %dot_general3A {dimension_numbers = #tpu.dot_dimension_numbers<[1], [0], [0], [1], [0, 0, 1, 1], [], []>, transpose_lhs_hint = false} : vector<10000x128xf32>, vector<128x16xf32>, vector<10000x16xf32> -> vector<10000x16xf32>
      %swap3A_34 = arith.constant 0 : index
      %swap3A_35 = arith.constant 0 : index
      %swap3A_36 = vector.load %arg5[%swap3A_34, %swap3A_35] : memref<10000x16xf32, #tpu.memory_space<vmem>>, vector<10000x16xf32>
      tpu.vector_store %arg5[%swap3A_34, %swap3A_35], %dot_general3A_33 {strides = array<i32>} : memref<10000x16xf32, #tpu.memory_space<vmem>>, vector<10000x16xf32>,
    } else {
    }
    return
  }
  func.func @transform_0(%arg0: i32) -> (i32, i32, i32) {
    %c0_i32 = arith.constant 0 : i32
    %c0_i32_0 = arith.constant 0 : i32
    %c0_i32_1 = arith.constant 0 : i32
    return %arg0, %c0_i32, %c0_i32_0 : i32, i32, i32
  }
  func.func @transform_1(%arg0: i32) -> (i32, i32) {
    %c0_i32 = arith.constant 0 : i32
    %c0_i32_0 = arith.constant 0 : i32
    %c0_i32_1 = arith.constant 0 : i32
    return %c0_i32, %c0_i32_0 : i32, i32
  }
  func.func @transform_2(%arg0: i32) -> (i32, i32) {
    %c0_i32 = arith.constant 0 : i32
    %c0_i32_0 = arith.constant 0 : i32
    %c0_i32_1 = arith.constant 0 : i32
    return %c0_i32, %c0_i32_0 : i32, i32
  }
  func.func @transform_3(%arg0: i32) -> i32 {
    %c0_i32 = arith.constant 0 : i32
    %c0_i32_0 = arith.constant 0 : i32
    return %c0_i32 : i32
  }
  func.func @transform_4(%arg0: i32) -> (i32, i32) {
    %c0_i32 = arith.constant 0 : i32
    %c0_i32_0 = arith.constant 0 : i32
    %c0_i32_1 = arith.constant 0 : i32
    return %c0_i32, %c0_i32_0 : i32, i32
  }
}

module attributes {stable_mosaic.version = 14 : i64} {
  func.func @_k4_body(%arg0: i32, %arg1: memref<1x10000x16xf32, #tpu.memory_space<vmem>>, %arg2: memref<10000x16xf32, #tpu.memory_space<vmem>>, %arg3: memref<10000xf32, #tpu.memory_space<vmem>>, %arg4: memref<16xf32, #tpu.memory_space<vmem>>, %arg5: memref<16x16xf32, #tpu.memory_space<vmem>>, %arg6: memref<10000x16xf32, #tpu.memory_space<vmem>>, %arg7: memref<10000x16xf32, #tpu.memory_space<vmem>>) attributes {dimension_semantics = [#tpu.dimension_semantics<arbitrary>], iteration_bounds = array<i64: 2>, scalar_prefetch = 0 : i64, scratch_operands = 1 : i64, tpu.core_type = #tpu.core_type<tc>, window_params = [{transform_indices = @transform_0, window_bounds = array<i64: 1, 10000, 16>}, {pipeline_mode = #tpu.pipeline_mode<synchronous>, transform_indices = @transform_1, window_bounds = array<i64: 10000, 16>}, {pipeline_mode = #tpu.pipeline_mode<synchronous>, transform_indices = @transform_2, window_bounds = array<i64: 10000>}, {pipeline_mode = #tpu.pipeline_mode<synchronous>, transform_indices = @transform_3, window_bounds = array<i64: 16>}, {pipeline_mode = #tpu.pipeline_mode<synchronous>, transform_indices = @transform_4, window_bounds = array<i64: 16, 16>}, {pipeline_mode = #tpu.pipeline_mode<synchronous>, transform_indices = @transform_5, window_bounds = array<i64: 10000, 16>}]} {
    %eq3A = arith.constant 0 : i32
    %eq3A_0 = arith.cmpi eq, %arg0, %eq3A : i32
    %convert_element_type3A = arith.extui %eq3A_0 : i1 to i32
    %cond3A = arith.constant 0 : i32
    %cond3A_1 = arith.cmpi ne, %convert_element_type3A, %cond3A : i32
    scf.if %cond3A_1 {
      %broadcast_in_dim3A = arith.constant 0.000000e+00 : f32
      %broadcast_in_dim3A_16 = vector.broadcast %broadcast_in_dim3A : f32 to vector<10000x16xf32>
      %swap3A_17 = arith.constant 0 : index
      %swap3A_18 = arith.constant 0 : index
      %swap3A_19 = vector.load %arg7[%swap3A_17, %swap3A_18] : memref<10000x16xf32, #tpu.memory_space<vmem>>, vector<10000x16xf32>
      tpu.vector_store %arg7[%swap3A_17, %swap3A_18], %broadcast_in_dim3A_16 {strides = array<i32>} : memref<10000x16xf32, #tpu.memory_space<vmem>>, vector<10000x16xf32>,
    } else {
    }
    %get3A = arith.constant 0 : index
    %get3A_2 = arith.constant 0 : index
    %get3A_3 = vector.load %arg7[%get3A, %get3A_2] : memref<10000x16xf32, #tpu.memory_space<vmem>>, vector<10000x16xf32>
    %get3A_4 = arith.constant 0 : index
    %get3A_5 = arith.constant 0 : index
    %get3A_6 = arith.constant 0 : index
    %get3A_7 = vector.load %arg1[%get3A_4, %get3A_5, %get3A_6] : memref<1x10000x16xf32, #tpu.memory_space<vmem>>, vector<1x10000x16xf32>
    %get3A_8 = vector.shape_cast %get3A_7 : vector<1x10000x16xf32> to vector<10000x16xf32>
    %add3A = arith.addf %get3A_3, %get3A_8 : vector<10000x16xf32>
    %swap3A = arith.constant 0 : index
    %swap3A_9 = arith.constant 0 : index
    %swap3A_10 = vector.load %arg7[%swap3A, %swap3A_9] : memref<10000x16xf32, #tpu.memory_space<vmem>>, vector<10000x16xf32>
    tpu.vector_store %arg7[%swap3A, %swap3A_9], %add3A {strides = array<i32>} : memref<10000x16xf32, #tpu.memory_space<vmem>>, vector<10000x16xf32>,
    %eq3A_11 = arith.constant 1 : i32
    %eq3A_12 = arith.cmpi eq, %arg0, %eq3A_11 : i32
    %convert_element_type3A_13 = arith.extui %eq3A_12 : i1 to i32
    %cond3A_14 = arith.constant 0 : i32
    %cond3A_15 = arith.cmpi ne, %convert_element_type3A_13, %cond3A_14 : i32
    scf.if %cond3A_15 {
      %get3A_16 = arith.constant 0 : index
      %get3A_17 = vector.load %arg3[%get3A_16] : memref<10000xf32, #tpu.memory_space<vmem>>, vector<10000xf32>
      %integer_pow3A = arith.mulf %get3A_17, %get3A_17 : vector<10000xf32>
      %get3A_18 = arith.constant 0 : index
      %get3A_19 = arith.constant 0 : index
      %get3A_20 = vector.load %arg7[%get3A_18, %get3A_19] : memref<10000x16xf32, #tpu.memory_space<vmem>>, vector<10000x16xf32>
      %broadcast_in_dim3A = vector.shape_cast %integer_pow3A : vector<10000xf32> to vector<10000x1xf32>
      %get3A_21 = arith.constant 0 : index
      %get3A_22 = arith.constant 0 : index
      %get3A_23 = vector.load %arg2[%get3A_21, %get3A_22] : memref<10000x16xf32, #tpu.memory_space<vmem>>, vector<10000x16xf32>
      %mul3A = vector.broadcast %broadcast_in_dim3A : vector<10000x1xf32> to vector<10000x16xf32>
      %mul3A_24 = arith.mulf %mul3A, %get3A_23 : vector<10000x16xf32>
      %add3A_25 = arith.addf %get3A_20, %mul3A_24 : vector<10000x16xf32>
      %get3A_26 = arith.constant 0 : index
      %get3A_27 = vector.load %arg4[%get3A_26] : memref<16xf32, #tpu.memory_space<vmem>>, vector<16xf32>
      %broadcast_in_dim3A_28 = vector.shape_cast %get3A_27 : vector<16xf32> to vector<1x16xf32>
      %add3A_29 = vector.broadcast %broadcast_in_dim3A_28 : vector<1x16xf32> to vector<10000x16xf32>
      %add3A_30 = arith.addf %add3A_25, %add3A_29 : vector<10000x16xf32>
      %max3A = arith.constant 0.000000e+00 : f32
      %max3A_31 = vector.broadcast %max3A : f32 to vector<10000x16xf32>
      %max3A_32 = arith.maximumf %add3A_30, %max3A_31 : vector<10000x16xf32>
      %get3A_33 = arith.constant 0 : index
      %get3A_34 = arith.constant 0 : index
      %get3A_35 = vector.load %arg5[%get3A_33, %get3A_34] : memref<16x16xf32, #tpu.memory_space<vmem>>, vector<16x16xf32>
      %dot_general3A = arith.constant dense<0.000000e+00> : vector<10000x16xf32>
      %dot_general3A_36 = tpu.matmul %max3A_32, %get3A_35, %dot_general3A {dimension_numbers = #tpu.dot_dimension_numbers<[1], [0], [0], [1], [0, 0, 1, 1], [], []>, transpose_lhs_hint = false} : vector<10000x16xf32>, vector<16x16xf32>, vector<10000x16xf32> -> vector<10000x16xf32>
      %swap3A_37 = arith.constant 0 : index
      %swap3A_38 = arith.constant 0 : index
      %swap3A_39 = vector.load %arg6[%swap3A_37, %swap3A_38] : memref<10000x16xf32, #tpu.memory_space<vmem>>, vector<10000x16xf32>
      tpu.vector_store %arg6[%swap3A_37, %swap3A_38], %dot_general3A_36 {strides = array<i32>} : memref<10000x16xf32, #tpu.memory_space<vmem>>, vector<10000x16xf32>,
    } else {
    }
    return
  }
  func.func @transform_0(%arg0: i32) -> (i32, i32, i32) {
    %c0_i32 = arith.constant 0 : i32
    %c0_i32_0 = arith.constant 0 : i32
    %c0_i32_1 = arith.constant 0 : i32
    return %arg0, %c0_i32, %c0_i32_0 : i32, i32, i32
  }
  func.func @transform_1(%arg0: i32) -> (i32, i32) {
    %c0_i32 = arith.constant 0 : i32
    %c0_i32_0 = arith.constant 0 : i32
    %c0_i32_1 = arith.constant 0 : i32
    return %c0_i32, %c0_i32_0 : i32, i32
  }
  func.func @transform_2(%arg0: i32) -> i32 {
    %c0_i32 = arith.constant 0 : i32
    %c0_i32_0 = arith.constant 0 : i32
    return %c0_i32 : i32
  }
  func.func @transform_3(%arg0: i32) -> i32 {
    %c0_i32 = arith.constant 0 : i32
    %c0_i32_0 = arith.constant 0 : i32
    return %c0_i32 : i32
  }
  func.func @transform_4(%arg0: i32) -> (i32, i32) {
    %c0_i32 = arith.constant 0 : i32
    %c0_i32_0 = arith.constant 0 : i32
    %c0_i32_1 = arith.constant 0 : i32
    return %c0_i32, %c0_i32_0 : i32, i32
  }
  func.func @transform_5(%arg0: i32) -> (i32, i32) {
    %c0_i32 = arith.constant 0 : i32
    %c0_i32_0 = arith.constant 0 : i32
    %c0_i32_1 = arith.constant 0 : i32
    return %c0_i32, %c0_i32_0 : i32, i32
  }
}

module attributes {stable_mosaic.version = 14 : i64} {
  func.func @_k6_body(%arg0: i32, %arg1: memref<1x10000x16xf32, #tpu.memory_space<vmem>>, %arg2: memref<10000x16xf32, #tpu.memory_space<vmem>>, %arg3: memref<10000xf32, #tpu.memory_space<vmem>>, %arg4: memref<2xf32, #tpu.memory_space<vmem>>, %arg5: memref<10000x2xf32, #tpu.memory_space<vmem>>, %arg6: memref<10000x16xf32, #tpu.memory_space<vmem>>) attributes {dimension_semantics = [#tpu.dimension_semantics<arbitrary>], iteration_bounds = array<i64: 2>, scalar_prefetch = 0 : i64, scratch_operands = 1 : i64, tpu.core_type = #tpu.core_type<tc>, window_params = [{transform_indices = @transform_0, window_bounds = array<i64: 1, 10000, 16>}, {pipeline_mode = #tpu.pipeline_mode<synchronous>, transform_indices = @transform_1, window_bounds = array<i64: 10000, 16>}, {pipeline_mode = #tpu.pipeline_mode<synchronous>, transform_indices = @transform_2, window_bounds = array<i64: 10000>}, {pipeline_mode = #tpu.pipeline_mode<synchronous>, transform_indices = @transform_3, window_bounds = array<i64: 2>}, {pipeline_mode = #tpu.pipeline_mode<synchronous>, transform_indices = @transform_4, window_bounds = array<i64: 10000, 2>}]} {
    %eq3A = arith.constant 0 : i32
    %eq3A_0 = arith.cmpi eq, %arg0, %eq3A : i32
    %convert_element_type3A = arith.extui %eq3A_0 : i1 to i32
    %cond3A = arith.constant 0 : i32
    %cond3A_1 = arith.cmpi ne, %convert_element_type3A, %cond3A : i32
    scf.if %cond3A_1 {
      %broadcast_in_dim3A = arith.constant 0.000000e+00 : f32
      %broadcast_in_dim3A_16 = vector.broadcast %broadcast_in_dim3A : f32 to vector<10000x16xf32>
      %swap3A_17 = arith.constant 0 : index
      %swap3A_18 = arith.constant 0 : index
      %swap3A_19 = vector.load %arg6[%swap3A_17, %swap3A_18] : memref<10000x16xf32, #tpu.memory_space<vmem>>, vector<10000x16xf32>
      tpu.vector_store %arg6[%swap3A_17, %swap3A_18], %broadcast_in_dim3A_16 {strides = array<i32>} : memref<10000x16xf32, #tpu.memory_space<vmem>>, vector<10000x16xf32>,
    } else {
    }
    %get3A = arith.constant 0 : index
    %get3A_2 = arith.constant 0 : index
    %get3A_3 = vector.load %arg6[%get3A, %get3A_2] : memref<10000x16xf32, #tpu.memory_space<vmem>>, vector<10000x16xf32>
    %get3A_4 = arith.constant 0 : index
    %get3A_5 = arith.constant 0 : index
    %get3A_6 = arith.constant 0 : index
    %get3A_7 = vector.load %arg1[%get3A_4, %get3A_5, %get3A_6] : memref<1x10000x16xf32, #tpu.memory_space<vmem>>, vector<1x10000x16xf32>
    %get3A_8 = vector.shape_cast %get3A_7 : vector<1x10000x16xf32> to vector<10000x16xf32>
    %add3A = arith.addf %get3A_3, %get3A_8 : vector<10000x16xf32>
    %swap3A = arith.constant 0 : index
    %swap3A_9 = arith.constant 0 : index
    %swap3A_10 = vector.load %arg6[%swap3A, %swap3A_9] : memref<10000x16xf32, #tpu.memory_space<vmem>>, vector<10000x16xf32>
    tpu.vector_store %arg6[%swap3A, %swap3A_9], %add3A {strides = array<i32>} : memref<10000x16xf32, #tpu.memory_space<vmem>>, vector<10000x16xf32>,
    %eq3A_11 = arith.constant 1 : i32
    %eq3A_12 = arith.cmpi eq, %arg0, %eq3A_11 : i32
    %convert_element_type3A_13 = arith.extui %eq3A_12 : i1 to i32
    %cond3A_14 = arith.constant 0 : i32
    %cond3A_15 = arith.cmpi ne, %convert_element_type3A_13, %cond3A_14 : i32
    scf.if %cond3A_15 {
      %get3A_16 = arith.constant 0 : index
      %get3A_17 = vector.load %arg3[%get3A_16] : memref<10000xf32, #tpu.memory_space<vmem>>, vector<10000xf32>
      %integer_pow3A = arith.mulf %get3A_17, %get3A_17 : vector<10000xf32>
      %get3A_18 = arith.constant 0 : index
      %get3A_19 = arith.constant 0 : index
      %get3A_20 = vector.load %arg6[%get3A_18, %get3A_19] : memref<10000x16xf32, #tpu.memory_space<vmem>>, vector<10000x16xf32>
      %slice3A = vector.extract_strided_slice %get3A_20 {offsets = [0, 0], sizes = [10000, 2], strides = [1, 1]} : vector<10000x16xf32> to vector<10000x2xf32>
      %broadcast_in_dim3A = vector.shape_cast %integer_pow3A : vector<10000xf32> to vector<10000x1xf32>
      %get3A_21 = arith.constant 0 : index
      %get3A_22 = arith.constant 0 : index
      %get3A_23 = vector.load %arg2[%get3A_21, %get3A_22] : memref<10000x16xf32, #tpu.memory_space<vmem>>, vector<10000x16xf32>
      %slice3A_24 = vector.extract_strided_slice %get3A_23 {offsets = [0, 0], sizes = [10000, 2], strides = [1, 1]} : vector<10000x16xf32> to vector<10000x2xf32>
      %mul3A = vector.broadcast %broadcast_in_dim3A : vector<10000x1xf32> to vector<10000x2xf32>
      %mul3A_25 = arith.mulf %mul3A, %slice3A_24 : vector<10000x2xf32>
      %add3A_26 = arith.addf %slice3A, %mul3A_25 : vector<10000x2xf32>
      %get3A_27 = arith.constant 0 : index
      %get3A_28 = vector.load %arg4[%get3A_27] : memref<2xf32, #tpu.memory_space<vmem>>, vector<2xf32>
      %broadcast_in_dim3A_29 = vector.shape_cast %get3A_28 : vector<2xf32> to vector<1x2xf32>
      %add3A_30 = vector.broadcast %broadcast_in_dim3A_29 : vector<1x2xf32> to vector<10000x2xf32>
      %add3A_31 = arith.addf %add3A_26, %add3A_30 : vector<10000x2xf32>
      %reduce_max3A = arith.constant dense<0xFF800000> : vector<10000xf32>
      %reduce_max3A_32 = vector.multi_reduction <maximumf>, %add3A_31, %reduce_max3A [1] : vector<10000x2xf32> to vector<10000xf32>
      %max3A = arith.constant 0xFF800000 : f32
      %max3A_33 = vector.broadcast %max3A : f32 to vector<10000xf32>
      %max3A_34 = arith.maximumf %max3A_33, %reduce_max3A_32 : vector<10000xf32>
      %broadcast_in_dim3A_35 = vector.shape_cast %max3A_34 : vector<10000xf32> to vector<10000x1xf32>
      %sub3A = vector.broadcast %broadcast_in_dim3A_35 : vector<10000x1xf32> to vector<10000x2xf32>
      %sub3A_36 = arith.subf %add3A_31, %sub3A : vector<10000x2xf32>
      %exp3A = math.exp %sub3A_36 : vector<10000x2xf32>
      %reduce_sum3A = arith.constant dense<0.000000e+00> : vector<10000xf32>
      %reduce_sum3A_37 = vector.multi_reduction <add>, %exp3A, %reduce_sum3A [1] : vector<10000x2xf32> to vector<10000xf32>
      %broadcast_in_dim3A_38 = vector.shape_cast %reduce_sum3A_37 : vector<10000xf32> to vector<10000x1xf32>
      %log3A = math.log %broadcast_in_dim3A_38 : vector<10000x1xf32>
      %sub3A_39 = vector.broadcast %log3A : vector<10000x1xf32> to vector<10000x2xf32>
      %sub3A_40 = arith.subf %sub3A_36, %sub3A_39 : vector<10000x2xf32>
      %swap3A_41 = arith.constant 0 : index
      %swap3A_42 = arith.constant 0 : index
      %swap3A_43 = vector.load %arg5[%swap3A_41, %swap3A_42] : memref<10000x2xf32, #tpu.memory_space<vmem>>, vector<10000x2xf32>
      tpu.vector_store %arg5[%swap3A_41, %swap3A_42], %sub3A_40 {strides = array<i32>} : memref<10000x2xf32, #tpu.memory_space<vmem>>, vector<10000x2xf32>,
    } else {
    }
    return
  }
  func.func @transform_0(%arg0: i32) -> (i32, i32, i32) {
    %c0_i32 = arith.constant 0 : i32
    %c0_i32_0 = arith.constant 0 : i32
    %c0_i32_1 = arith.constant 0 : i32
    return %arg0, %c0_i32, %c0_i32_0 : i32, i32, i32
  }
  func.func @transform_1(%arg0: i32) -> (i32, i32) {
    %c0_i32 = arith.constant 0 : i32
    %c0_i32_0 = arith.constant 0 : i32
    %c0_i32_1 = arith.constant 0 : i32
    return %c0_i32, %c0_i32_0 : i32, i32
  }
  func.func @transform_2(%arg0: i32) -> i32 {
    %c0_i32 = arith.constant 0 : i32
    %c0_i32_0 = arith.constant 0 : i32
    return %c0_i32 : i32
  }
  func.func @transform_3(%arg0: i32) -> i32 {
    %c0_i32 = arith.constant 0 : i32
    %c0_i32_0 = arith.constant 0 : i32
    return %c0_i32 : i32
  }
  func.func @transform_4(%arg0: i32) -> (i32, i32) {
    %c0_i32 = arith.constant 0 : i32
    %c0_i32_0 = arith.constant 0 : i32
    %c0_i32_1 = arith.constant 0 : i32
    return %c0_i32, %c0_i32_0 : i32, i32
  }
}

</mosaic_0001>

<sc_bundles>
// kernel: kernel.11.cloned.1.call-start
scs
__scs_entry_jumppad:
0x0: {  	(pc) =	sbr.rel $0x88, $3  }
0x1: {  	(tag) =	ssettag $0x0;
	lr =	simm.s32 $0x1  }
0x2: {  	[smem:$0x3F9A] =	sst lr;
	_ =	strace $0xD0000000  }
0x3: {  	_ = 	snop  }
0x4: {  	_ = 	snop  }
0x5: {  	_ = 	snop  }
0x6: {  	_ = 	snop  }
0x7: {  	_ = 	snop  }
__scs_overlays_trampoline_lowered:
0x8: {  	[smem:$0x3FA9] =	sst s0  }
0x9: {  	[smem:$0x3FAA] =	sst s1  }
0xa: {  	[smem:$0x3FAB] =	sst s2  }
0xb: {  	[smem:$0x3FAC] =	sst s3  }
0xc: {  	[smem:$0x3FAD] =	sst s4  }
0xd: {  	[smem:$0x3FAE] =	sst s5  }
0xe: {  	[smem:$0x3FAF] =	sst s6  }
0xf: {  	[smem:$0x3FB0] =	sst s7  }
0x10: {  	[smem:$0x3FB1] =	sst s8  }
0x11: {  	[smem:$0x3FB2] =	sst s9;
	s0 =	simm.s32 @!p0 $0x0  }
0x12: {  	s1 =	sld [smem:$0x3F98];
	s0 =	simm.s32 @p0 $0x1  }
0x13: {  	[smem:$0x3FB3] =	sst s0;
	s0 =	simm.s32 @!p1 $0x0  }
0x14: {  	s2 =	sld [smem:$0x3F97];
	s0 =	simm.s32 @p1 $0x1  }
0x15: {  	[smem:$0x3FB4] =	sst s0;
	s0 =	simm.s32 @!p2 $0x0  }
0x16: {  	s3 =	sld [smem:$0x3FDB];
	s0 =	simm.s32 @p2 $0x1  }
0x17: {  	s4 =	simm.s32 $0x1BF5;
	[smem:$0x3FB6] =	sst s0  }
0x18: {  	s0 =	sld [smem:$0x3F99];
	_ =	swait.ge [sflag:s4], $0x0  }
0x19: {  	s7 =	sld [smem:$0x3F9A]  }
0x1a: {  	s8 =	sadd.s32 $0xFFFFE003, lr  }
0x1b: {  	s9 =	sadd.s32 $0xFFFFFEF7, lr;
	s5 =	simm.s32 $0xFFFFFFFF;
	p2 =	slt.u32 s8, $0xFFFFF086  }
0x1c: {  	p1 =	slt.u32 s9, $0xF7A;
	s5 =	simm.s32 @!p2 $0x0  }
0x1d: {  	s5 =	simm.s32 @p1 $0x1;
	p0 =	seq.s32 s7, s2  }
0x1e: {  	s7 =	smul.u32 @!p0 $0xF7A, s2;
	p2 =	seq.s32 @!p0 s5, $0x0  }
0x1f: {  	s9 =	smul.u32 $0xF7A, s1;
	s8 =	simm.s32 @!p0 $0x1BF5;
	p2 =	por !p2, p0  }
0x20: {  	[sflag:s8] =	ssyncset.s32 @!p0 $0xFFFFF086;
	s6 =	sadd.s32 @!p0 s3, s7;
	s7 =	simm.s32 @!p0 $0x108  }
0x21: {  	s3 =	sadd.s32 s3, s9;
	s6 =	sadd.s32 @!p0 $0x88, s6;
	s7 =	simm.s32 @p2 $0x1082  }
0x22: {  	[simem:s7], [sflag:s8] =	dma.local @!p0 [hbm:s6], $0xF7A  }
0x23: {  	s9 =	sor.u32 $0xD0000000, s2;
	s6 =	simm.s32 $0x108;
	_ =	swait.ge @!p0 [sflag:s8], $0x0  }
0x24: {  	s3 =	sadd.s32 $0x88, s3;
	s6 =	simm.s32 @!p1 $0x1082;
	[sflag:s4] =	ssyncset.s32 $0xFFFFF086  }
0x25: {  	[simem:s6], [sflag:s4] =	dma.local [hbm:s3], $0xF7A  }
0x26: {  	[smem:$0x3F9A] =	sst s1;
	(tag) =	ssettag s2;
	_ =	strace s9  }
0x27: {  	s1 =	sld [smem:$0x3FAA]  }
0x28: {  	s2 =	sld [smem:$0x3FAB]  }
0x29: {  	s4 =	sld [smem:$0x3FAD]  }
0x2a: {  	p0 =	seq.s32 s5, $0x0;
	s5 =	sld [smem:$0x3FAE]  }
0x2b: {  	s6 =	sld [smem:$0x3FAF]  }
0x2c: {  	s7 =	sld [smem:$0x3FB0]  }
0x2d: {  	s3 =	simm.s32 $0x108;
	s8 =	sld [smem:$0x3FB1]  }
0x2e: {  	s3 =	simm.s32 @!p0 $0x1082;
	s9 =	sld [smem:$0x3FB2]  }
0x2f: {  	lr =	sadd.s32 s0, s3;
	s0 =	sld [smem:$0x3FA9]  }
0x30: {  	s3 =	sld [smem:$0x3FAC]  }
0x31: {  	[smem:$0x3FB5] =	sst s10  }
0x32: {  	s10 =	sld [smem:$0x3FB3];
	_ =	sdelay $0x3  }
0x33: {  	p0 =	seq.s32 s10, $0x1;
	s10 =	sld [smem:$0x3FB5];
	_ =	sdelay $0x3  }
0x34: {  	[smem:$0x3FB5] =	sst s10  }
0x35: {  	s10 =	sld [smem:$0x3FB4];
	_ =	sdelay $0x3  }
0x36: {  	p1 =	seq.s32 s10, $0x1;
	s10 =	sld [smem:$0x3FB5];
	_ =	sdelay $0x3  }
0x37: {  	[smem:$0x3FB5] =	sst s10  }
0x38: {  	s10 =	sld [smem:$0x3FB6]  }
0x39: {  	_ = 	snop;
	(pc) =	sbr.ind lr, $3  }
0x3a: {  	_ = 	snop  }
0x3b: {  	_ = 	snop  }
0x3c: {  	p2 =	seq.s32 s10, $0x1;
	s10 =	sld [smem:$0x3FB5]  }
0x3d: {  	_ =	shalt  }
0x3e: {  	_ =	shalt  }
0x3f: {  	_ =	shalt  }
0x40: {  	_ =	shalt  }
0x41: {  	_ =	shalt  }
0x42: {  	_ =	shalt  }
0x43: {  	_ =	shalt  }
0x44: {  	_ =	shalt  }
0x45: {  	_ =	shalt  }
0x46: {  	_ =	shalt  }
0x47: {  	_ =	shalt  }
0x48: {  	_ =	shalt  }
0x49: {  	_ =	shalt  }
0x4a: {  	_ =	shalt  }
0x4b: {  	_ =	shalt  }
0x4c: {  	_ =	shalt  }
0x4d: {  	_ =	shalt  }
0x4e: {  	_ =	shalt  }
0x4f: {  	_ =	shalt  }
0x50: {  	_ =	shalt  }
0x51: {  	_ =	shalt  }
0x52: {  	_ =	shalt  }
0x53: {  	_ =	shalt  }
0x54: {  	_ =	shalt  }
0x55: {  	_ =	shalt  }
0x56: {  	_ =	shalt  }
0x57: {  	_ =	shalt  }
0x58: {  	_ =	shalt  }
0x59: {  	_ =	shalt  }
0x5a: {  	_ =	shalt  }
0x5b: {  	_ =	shalt  }
0x5c: {  	_ =	shalt  }
0x5d: {  	_ =	shalt  }
0x5e: {  	_ =	shalt  }
0x5f: {  	_ =	shalt  }
0x60: {  	_ =	shalt  }
0x61: {  	_ =	shalt  }
0x62: {  	_ =	shalt  }
0x63: {  	_ =	shalt  }
0x64: {  	_ =	shalt  }
0x65: {  	_ =	shalt  }
0x66: {  	_ =	shalt  }
0x67: {  	_ =	shalt  }
0x68: {  	_ =	shalt  }
0x69: {  	_ =	shalt  }
0x6a: {  	_ =	shalt  }
0x6b: {  	_ =	shalt  }
0x6c: {  	_ =	shalt  }
0x6d: {  	_ =	shalt  }
0x6e: {  	_ =	shalt  }
0x6f: {  	_ =	shalt  }
0x70: {  	_ =	shalt  }
0x71: {  	_ =	shalt  }
0x72: {  	_ =	shalt  }
0x73: {  	_ =	shalt  }
0x74: {  	_ =	shalt  }
0x75: {  	_ =	shalt  }
0x76: {  	_ =	shalt  }
0x77: {  	_ =	shalt  }
0x78: {  	_ =	shalt  }
0x79: {  	_ =	shalt  }
0x7a: {  	_ =	shalt  }
0x7b: {  	_ =	shalt  }
0x7c: {  	_ =	shalt  }
0x7d: {  	_ =	shalt  }
0x7e: {  	_ =	shalt  }
0x7f: {  	_ =	shalt  }
0x80: {  	_ =	shalt  }
0x81: {  	_ =	shalt  }
0x82: {  	_ =	shalt  }
0x83: {  	_ =	shalt  }
0x84: {  	_ =	shalt  }
0x85: {  	_ =	shalt  }
0x86: {  	_ =	shalt  }
0x87: {  	_ =	shalt  }
.Lfunc_end0:
.L_simem_size_0:
called_computation.1_lowered:
.L_overlay_start_0:
0x88: {  	s2 =	sld [smem:$0x3FD9]  }
0x89: {  	s3 =	sld [smem:$0x3FFE];
	_ =	sdelay $0x1  }
0x8a: {  	s1 =	srdreg.scid  }
0x8b: {  	s0 =	sand.u32 $0x1, s1  }
0x8c: {  	s17 =	sshll.u32 s0, $0xA;
	s2 =	sadd.s32 s3, s2  }
0x8d: {  	s2 =	sadd.s32 s2, s17  }
0x8e: {  	[smem:$0x3FC1] =	sst s2  }
0x8f: {  	_ = 	snop  }
0x90: {  	s2 =	sld [smem:$0x3FD0];
	(tm) =	ssettm $0x1  }
0x91: {  	s18 =	sld [smem:$0x3FFB];
	_ =	sdelay $0x3  }
0x92: {  	_ =	strace s18  }
0x93: {  	s3 =	sld [smem:$0x3FFC];
	_ =	sdelay $0x3  }
0x94: {  	_ =	strace s3  }
0x95: {  	s3 =	sld [smem:$0x3FFD];
	_ =	sdelay $0x3  }
0x96: {  	_ =	strace s3  }
0x97: {  	_ =	strace $0x8FFFFFFF  }
0x98: {  	s19 =	sld [smem:$0x3FDB];
	_ =	sdelay $0x1  }
0x99: {  	s4 =	simm.s32 $_scs_section_size  }
0x9a: {  	s5 =	simm.s32 $_size__tile_overlayer_lowered;
	s6 =	simm.s32 $_tile_overlayer_lowered  }
0x9b: {  	s22 =	simm.s32 $0x1BFF;
	s21 =	sshll.u32 s6, $0x1;
	s3 =	sadd.s32 s4, s19  }
0x9c: {  	s7 =	simm.s32 $0x0;
	s20 =	sshll.u32 s5, $0x1;
	s5 =	sadd.s32 s21, s3  }
0x9d: {  	[timem:s7], [sflag:s22] =	dma.local [hbm:s5], s20  }
0x9e: {  	_ =	swait.ge [sflag:s22], s20  }
0x9f: {  	s4 =	ssub.s32 $0x0, s20;
	[sflag:s22] =	ssyncset.done $0x0  }
0xa0: {  	[sflag:s22] =	ssyncadd.s32 s4;
	_ =	sdelay $0x1  }
0xa1: {  	s23 =	simm.s32 $0x1B8B  }
0xa2: {  	_ =	swait.ge [sflag:s23], $0x1  }
0xa3: {  	[sflag:s23] =	ssyncset.done $0x0  }
0xa4: {  	s25 =	simm.s32 $0x1B8E;
	s24 =	sld [smem:$0x3FFE];
	[sflag:s23] =	ssyncadd.s32 $0xFFFFFFFF  }
0xa5: {  	s26 =	simm.s32 $execute0_lowered;
	[smem:$0x3FD2] =	sst s25  }
0xa6: {  	s5 =	sshll.u32 s26, $0x1;
	_ =	strace $0x80000049;
	[dreg:$0x1] =	wrdreg $0xFFFFFFFF  }
0xa7: {  	s28 =	simm.s32 $_size_execute0_lowered;
	s3 =	sadd.s32 s3, s5;
	[dreg:$0x0] =	wrdreg $0x0  }
0xa8: {  	s5 =	sshll.u32 s28, $0x1;
	[dreg:$0x2] =	wrdreg s3  }
0xa9: {  	[dreg:$0x3] =	wrdreg s5  }
0xaa: {  	[dreg:$0x4] =	wrdreg $0xC0  }
0xab: {  	_ =	task [dreg:s7], $0x5FFFF  }
0xac: {  	[dreg:$0x1] =	wrdreg $0xFFFFFFFF  }
0xad: {  	[dreg:$0x0] =	wrdreg $0x60  }
0xae: {  	[dreg:$0x2] =	wrdreg s24  }
0xaf: {  	[dreg:$0x3] =	wrdreg s2  }
0xb0: {  	[dreg:$0x4] =	wrdreg $0xE2200  }
0xb1: {  	[dreg:$0x5] =	wrdreg $0x9  }
0xb2: {  	_ =	task.clear_ibuf [dreg:s7], $0x6FFFF;
	_ =	strace $0x90000049  }
0xb3: {  	s29 =	simm.s32 $0x9;
	_ =	strace $0x8000004B  }
0xb4: {  	_ =	swait.ge [sflag:s29], $0x1  }
0xb5: {  	[sflag:s29] =	ssyncadd.s32 $0xFFFFFFFF  }
0xb6: {  	_ =	strace $0x9000004B  }
0xb7: {  	_ =	sfence  }
0xb8: {  	s30 =	sld [smem:$0x0];
	_ =	sdelay $0x2  }
0xb9: {  	s31 =	sshll.u32 s1, $0xD;
	s1 =	sshrl.u32 s1, $0x2  }
0xba: {  	s3 =	sand.u32 $0x4000, s31;
	s1 =	sadd.s32 s1, s30  }
0xbb: {  	s0 =	sor.u32 s3, s0;
	s1 =	sshll.u32 s1, $0x11  }
0xbc: {  	s0 =	sor.u32 s1, s0  }
0xbd: {  	s0 =	sadd.s32 $0x8F2B, s0  }
0xbe: {  	[sflag:s0] =	ssyncadd.remote.s32 $0x1  }
0xbf: {  	_ =	sfence.sel $0xFFFF  }
0xc0: {  	[dreg:$0x0] =	wrdreg $0xFFFFFFFF;
	(pc) =	sbr.abs _section_cstart, $3  }
0xc1: {  	[dreg:$0x1] =	wrdreg $0xFFFFFFFF  }
0xc2: {  	_ =	task.clear_ibuf [dreg:s7], $0x2FFFF;
	_ =	strace $0x9FFFFFFF  }
0xc3: {  	(tm) =	ssettm $0x7FFFFFFF  }
tec
execute0_lowered:
.L_overlay_start_1:
0x0: {  	(tag) =	ssettag $0x1  }
0x1: {  	s0 =	rddreg [dreg:$0x0]  }
0x2: {  	s3 =	rddreg [dreg:$0x2];
	s4 =	simm.s32 $0x0;
	s1 =	srdreg.scid  }
0x3: {  	s9 =	stileid.u32;
	s10 =	simm.s32 $0xBB10;
	s28 =	simm.s32 $0x3810  }
0x4: {  	s29 =	simm.s32 $0x3890;
	[smem:$0x7FF] =	sst s4;
	s6 =	sadd.s32 $0x63A00, s0  }
0x5: {  	s16 =	sadd.s32 $0x1800, s0;
	_ =	strace $0x8000004A;
	[dreg:$0x4] =	wrdreg s6  }
0x6: {  	s30 =	simm.s32 $0x3910;
	s17 =	sadd.s32 $0xB800, s0;
	[dreg:$0x5] =	wrdreg s16  }
0x7: {  	s31 =	simm.s32 $0x3990;
	s19 =	sadd.s32 $0x1810, s0;
	[dreg:$0x6] =	wrdreg s17  }
0x8: {  	s1 =	sand.u32 $0x1, s1;
	s20 =	sadd.s32 $0x1820, s0;
	[dreg:$0x9] =	wrdreg s19  }
0x9: {  	s2 =	smul.u32 $0x2710, s9;
	s21 =	sadd.s32 $0x1830, s0;
	[dreg:$0xa] =	wrdreg s20  }
0xa: {  	s8 =	sadd.s32 $0x15800, s0;
	s22 =	sadd.s32 $0x1840, s0;
	[dreg:$0xb] =	wrdreg s21  }
0xb: {  	s23 =	sadd.s32 $0x1850, s0;
	s24 =	sadd.s32 $0x1860, s0;
	[dreg:$0xc] =	wrdreg s22  }
0xc: {  	s5 =	smul.u32 $0x27100, s1;
	s18 =	ssub.s32 $0x2, s1;
	[dreg:$0xd] =	wrdreg s23  }
0xd: {  	s1 =	sshll.u32 s1, $0x4;
	[dreg:$0xe] =	wrdreg s24;
	s17 =	sadd.s32 $0x1870, s0  }
0xe: {  	s20 =	simm.s32 $0x3;
	s22 =	simm.s32 $0x2710;
	s19 =	simm.s32 $0x2  }
0xf: {  	s7 =	sshrl.u32 s18, $0x1;
	s1 =	sor.u32 s9, s1;
	s9 =	simm.s32 $0x1  }
0x10: {  	s6 =	ssub.s32 s18, s7;
	s7 =	sadd.s32 s2, s3;
	s1 =	smul.u32 $0x2800, s1  }
0x11: {  	s5 =	sadd.s32 s2, s5;
	s2 =	simm.s32 $0x3A90;
	[dreg:$0x7] =	wrdreg s7  }
0x12: {  	s5 =	sshrl.u32 s5, $0x3;
	s26 =	smax.u32 s6, $0x1;
	[dreg:$0x8] =	wrdreg s1  }
0x13: {  	s6 =	simm.s32 $0x0;
	s5 =	sadd.s32 s5, s0;
	[dreg:$0x10] =	wrdreg s26  }
0x14: {  	s26 =	simm.s32 $0x3790;
	s0 =	simm.s32 $0x3A10;
	s25 =	sadd.s32 $0x1A800, s5  }
0x15: {  	v0 =	vimm.f32 $0.0e+00;
	s1 =	simm.s32 $0x80;
	[dreg:$0xf] =	wrdreg s25;
	s25 =	simm.s32 $0x3710  }
.LBB2_1:
0x16: {  	[dreg:$0x11] =	wrdreg s6  }
0x17: {  	s5 =	rddreg [dreg:$0x1]  }
0x18: {  	[tilespmem:s4], [sflag:$0x3] =	stream.linear.gather [hbm4b:s5+s4], $0x2710, $0x38;
	[tilespmem:$0x10930] =	vst v63  }
0x19: {  	_ =	swait.ge [sflag:s20], $0x2710  }
0x1a: {  	[sflag:s20] =	ssyncset.done $0x0  }
0x1b: {  	s6 =	simm.s32 $0x640;
	s5 =	simm.s32 $0x0;
	[sflag:s20] =	ssyncadd.s32 $0xFFFFD8F0  }
.LBB2_2:
0x1c: {  	p0 =	sne.s32 s6, $0x9600;
	[tilespmem:s5+$0xBC90] =	vst v0  }
0x1d: {  	[tilespmem:s5+$0xBB10] =	vst v0  }
0x1e: {  	[tilespmem:s5+$0xBB20] =	vst v0  }
0x1f: {  	[tilespmem:s5+$0xBB30] =	vst v0  }
0x20: {  	[tilespmem:s5+$0xBB40] =	vst v0  }
0x21: {  	[tilespmem:s5+$0xBB50] =	vst v0  }
0x22: {  	[tilespmem:s5+$0xBB60] =	vst v0  }
0x23: {  	[tilespmem:s5+$0xBB70] =	vst v0  }
0x24: {  	[tilespmem:s5+$0xBB80] =	vst v0  }
0x25: {  	[tilespmem:s5+$0xBB90] =	vst v0  }
0x26: {  	[tilespmem:s5+$0xBBA0] =	vst v0  }
0x27: {  	[tilespmem:s5+$0xBBB0] =	vst v0  }
0x28: {  	[tilespmem:s5+$0xBBC0] =	vst v0  }
0x29: {  	[tilespmem:s5+$0xBBD0] =	vst v0  }
0x2a: {  	[tilespmem:s5+$0xBBE0] =	vst v0  }
0x2b: {  	[tilespmem:s5+$0xBBF0] =	vst v0  }
0x2c: {  	[tilespmem:s5+$0xBC00] =	vst v0  }
0x2d: {  	[tilespmem:s5+$0xBC10] =	vst v0  }
0x2e: {  	[tilespmem:s5+$0xBC20] =	vst v0  }
0x2f: {  	[tilespmem:s5+$0xBC30] =	vst v0  }
.Ltmp0:
0x30: {  	[tilespmem:s5+$0xBC40] =	vst v0;
	(pc) =	sbr.rel @p0 .LBB2_2-.Ltmp0, $4  }
0x31: {  	[tilespmem:s5+$0xBC50] =	vst v0  }
0x32: {  	[tilespmem:s5+$0xBC60] =	vst v0  }
0x33: {  	[tilespmem:s5+$0xBC70] =	vst v0  }
0x34: {  	[tilespmem:s5+$0xBC80] =	vst v0;
	s5 =	sshra.s32 s6, $0x2;
	s6 =	sadd.s32 $0x640, s6  }
0x35: {  	[tilespmem:s5+$0xBC90] =	vst v0  }
0x36: {  	[tilespmem:s5+$0xBB10] =	vst v0  }
0x37: {  	[tilespmem:s5+$0xBB20] =	vst v0  }
0x38: {  	[tilespmem:s5+$0xBB30] =	vst v0  }
0x39: {  	[tilespmem:s5+$0xBB40] =	vst v0  }
0x3a: {  	[tilespmem:s5+$0xBB50] =	vst v0  }
0x3b: {  	[tilespmem:s5+$0xBB60] =	vst v0  }
0x3c: {  	[tilespmem:s5+$0xBB70] =	vst v0  }
0x3d: {  	[tilespmem:s5+$0xBB80] =	vst v0  }
0x3e: {  	[tilespmem:s5+$0xBB90] =	vst v0  }
0x3f: {  	[tilespmem:s5+$0xBBA0] =	vst v0  }
0x40: {  	[tilespmem:s5+$0xBBB0] =	vst v0  }
0x41: {  	[tilespmem:s5+$0xBBC0] =	vst v0  }
0x42: {  	[tilespmem:s5+$0xBBD0] =	vst v0  }
0x43: {  	[tilespmem:s5+$0xBBE0] =	vst v0  }
0x44: {  	[tilespmem:s5+$0xBBF0] =	vst v0  }
0x45: {  	[tilespmem:s5+$0xBC00] =	vst v0  }
0x46: {  	[tilespmem:s5+$0xBC10] =	vst v0  }
0x47: {  	[tilespmem:s5+$0xBC20] =	vst v0  }
0x48: {  	[tilespmem:s5+$0xBC30] =	vst v0  }
0x49: {  	[tilespmem:s5+$0xBC40] =	vst v0  }
0x4a: {  	[tilespmem:s5+$0xBC50] =	vst v0  }
0x4b: {  	[tilespmem:s5+$0xBC60] =	vst v0  }
0x4c: {  	[tilespmem:s5+$0xBC70] =	vst v0  }
0x4d: {  	[tilespmem:s5+$0xBC80] =	vst v0  }
0x4e: {  	[spmem:s7] =	stream.linear.scatter [tilespmem:s10], [sflag:$0x3], $0x2710, $0x38;
	[tilespmem:$0x10930] =	vst v63  }
0x4f: {  	_ =	swait.ge [sflag:s20], $0x2710  }
0x50: {  	[sflag:s20] =	ssyncset.done $0x0  }
0x51: {  	[sflag:s20] =	ssyncadd.s32 $0xFFFFD8F0  }
0x52: {  	s21 =	simm.s32 $0x0;
	[bflag:$0x0] =	sbarrier.arrive $0xFFFF  }
.LBB2_4:
0x53: {  	s5 =	sshll.u32 s21, $0xA;
	s6 =	rddreg [dreg:$0x8]  }
0x54: {  	s5 =	sadd.s32 s6, s5  }
0x55: {  	s18 =	rddreg [dreg:$0x4];
	s5 =	sshrl.u32 s5, $0x3  }
0x56: {  	s6 =	sadd.s32 s18, s5  }
0x57: {  	[tilespmem:s22], [sflag:$0x3] =	stream.linear.gather [hbm4b:s6+s4], $0x400, $0x38;
	[tilespmem:$0x10930] =	vst v63  }
0x58: {  	_ =	swait.ge [sflag:s20], $0x400  }
0x59: {  	[sflag:s20] =	ssyncset.done $0x0;
	s23 =	rddreg [dreg:$0x5]  }
0x5a: {  	s7 =	simm.s32 $0x2B10;
	[sflag:s20] =	ssyncadd.s32 $0xFFFFFC00;
	s6 =	sadd.s32 s23, s5  }
0x5b: {  	[tilespmem:s7], [sflag:$0x3] =	stream.linear.gather [hbm4b:s6+s4], $0x400, $0x38;
	[tilespmem:$0x10930] =	vst v63  }
0x5c: {  	_ =	swait.ge [sflag:s20], $0x400  }
0x5d: {  	[sflag:s20] =	ssyncset.done $0x0;
	s24 =	rddreg [dreg:$0x6]  }
0x5e: {  	s10 =	simm.s32 $0x2F10;
	[sflag:s20] =	ssyncadd.s32 $0xFFFFFC00;
	s7 =	sadd.s32 s24, s5  }
0x5f: {  	[tilespmem:s10], [sflag:$0x3] =	stream.linear.gather [hbm4b:s7+s4], $0x400, $0x38;
	[tilespmem:$0x10930] =	vst v63  }
0x60: {  	_ =	swait.ge [sflag:s20], $0x400  }
0x61: {  	[sflag:s20] =	ssyncset.done $0x0  }
0x62: {  	[sflag:s20] =	ssyncadd.s32 $0xFFFFFC00  }
0x63: {  	[tilespmem:s25], [sflag:$0x3] =	stream.linear.gather [hbm4b:s6+s4], $0x80, $0x38;
	[tilespmem:$0x10930] =	vst v63  }
0x64: {  	_ =	swait.ge [sflag:s20], $0x80  }
0x65: {  	[sflag:s20] =	ssyncset.done $0x0;
	s7 =	rddreg [dreg:$0x9]  }
0x66: {  	[sflag:s20] =	ssyncadd.s32 $0xFFFFFF80;
	s6 =	sadd.s32 s5, s7  }
0x67: {  	[tilespmem:s26], [sflag:$0x3] =	stream.linear.gather [hbm4b:s6+s4], $0x80, $0x38;
	[tilespmem:$0x10930] =	vst v63  }
0x68: {  	_ =	swait.ge [sflag:s20], $0x80  }
0x69: {  	[sflag:s20] =	ssyncset.done $0x0;
	s10 =	rddreg [dreg:$0xa]  }
0x6a: {  	[sflag:s20] =	ssyncadd.s32 $0xFFFFFF80;
	s6 =	sadd.s32 s5, s10  }
0x6b: {  	[tilespmem:s28], [sflag:$0x3] =	stream.linear.gather [hbm4b:s6+s4], $0x80, $0x38;
	[tilespmem:$0x10930] =	vst v63  }
0x6c: {  	_ =	swait.ge [sflag:s20], $0x80  }
0x6d: {  	[sflag:s20] =	ssyncset.done $0x0;
	s11 =	rddreg [dreg:$0xb]  }
0x6e: {  	[sflag:s20] =	ssyncadd.s32 $0xFFFFFF80;
	s6 =	sadd.s32 s5, s11  }
0x6f: {  	[tilespmem:s29], [sflag:$0x3] =	stream.linear.gather [hbm4b:s6+s4], $0x80, $0x38;
	[tilespmem:$0x10930] =	vst v63  }
0x70: {  	_ =	swait.ge [sflag:s20], $0x80  }
0x71: {  	[sflag:s20] =	ssyncset.done $0x0;
	s12 =	rddreg [dreg:$0xc]  }
0x72: {  	[sflag:s20] =	ssyncadd.s32 $0xFFFFFF80;
	s6 =	sadd.s32 s5, s12  }
0x73: {  	[tilespmem:s30], [sflag:$0x3] =	stream.linear.gather [hbm4b:s6+s4], $0x80, $0x38;
	[tilespmem:$0x10930] =	vst v63  }
0x74: {  	_ =	swait.ge [sflag:s20], $0x80  }
0x75: {  	[sflag:s20] =	ssyncset.done $0x0;
	s13 =	rddreg [dreg:$0xd]  }
0x76: {  	[sflag:s20] =	ssyncadd.s32 $0xFFFFFF80;
	s6 =	sadd.s32 s5, s13  }
0x77: {  	[tilespmem:s31], [sflag:$0x3] =	stream.linear.gather [hbm4b:s6+s4], $0x80, $0x38;
	[tilespmem:$0x10930] =	vst v63  }
0x78: {  	_ =	swait.ge [sflag:s20], $0x80  }
0x79: {  	[sflag:s20] =	ssyncset.done $0x0;
	s14 =	rddreg [dreg:$0xe]  }
0x7a: {  	[sflag:s20] =	ssyncadd.s32 $0xFFFFFF80;
	s6 =	sadd.s32 s5, s14  }
0x7b: {  	[tilespmem:s0], [sflag:$0x3] =	stream.linear.gather [hbm4b:s6+s4], $0x80, $0x38;
	[tilespmem:$0x10930] =	vst v63  }
0x7c: {  	_ =	swait.ge [sflag:s20], $0x80  }
0x7d: {  	[sflag:s20] =	ssyncset.done $0x0  }
0x7e: {  	s5 =	sadd.s32 s5, s17;
	[sflag:s20] =	ssyncadd.s32 $0xFFFFFF80  }
0x7f: {  	[tilespmem:s2], [sflag:$0x3] =	stream.linear.gather [hbm4b:s5+s4], $0x80, $0x38;
	[tilespmem:$0x10930] =	vst v63  }
0x80: {  	_ =	swait.ge [sflag:s20], $0x80  }
0x81: {  	[sflag:s20] =	ssyncset.done $0x0  }
0x82: {  	s15 =	simm.s32 $0x3B10;
	[sflag:s20] =	ssyncadd.s32 $0xFFFFFF80  }
0x83: {  	[tilespmem:s15], [sflag:$0x1] =	stream.indirect.gather [hbm4b:s8+s1], $0x10, s22, s1, $0xb8;
	[tilespmem:$0x10930] =	vst v63  }
0x84: {  	s16 =	simm.s32 $0x2790;
	s18 =	simm.s32 $0x4310  }
0x85: {  	[tilespmem:s18], [sflag:$0x1] =	stream.indirect.gather [hbm4b:s8+s1], $0x10, s16, s1, $0xb8;
	[tilespmem:$0x10930] =	vst v63  }
0x86: {  	s23 =	simm.s32 $0x2810;
	s24 =	simm.s32 $0x4B10  }
0x87: {  	[tilespmem:s24], [sflag:$0x1] =	stream.indirect.gather [hbm4b:s8+s1], $0x10, s23, s1, $0xb8;
	[tilespmem:$0x10930] =	vst v63  }
0x88: {  	s7 =	simm.s32 $0x2890;
	s10 =	simm.s32 $0x5310  }
0x89: {  	[tilespmem:s10], [sflag:$0x1] =	stream.indirect.gather [hbm4b:s8+s1], $0x10, s7, s1, $0xb8;
	[tilespmem:$0x10930] =	vst v63  }
0x8a: {  	s11 =	simm.s32 $0x2910;
	s12 =	simm.s32 $0x5B10  }
0x8b: {  	[tilespmem:s12], [sflag:$0x1] =	stream.indirect.gather [hbm4b:s8+s1], $0x10, s11, s1, $0xb8;
	[tilespmem:$0x10930] =	vst v63  }
0x8c: {  	s13 =	simm.s32 $0x2990;
	s14 =	simm.s32 $0x6310  }
0x8d: {  	[tilespmem:s14], [sflag:$0x1] =	stream.indirect.gather [hbm4b:s8+s1], $0x10, s13, s1, $0xb8;
	[tilespmem:$0x10930] =	vst v63  }
0x8e: {  	s15 =	simm.s32 $0x2A10;
	s16 =	simm.s32 $0x6B10  }
0x8f: {  	[tilespmem:s16], [sflag:$0x1] =	stream.indirect.gather [hbm4b:s8+s1], $0x10, s15, s1, $0xb8;
	[tilespmem:$0x10930] =	vst v63  }
0x90: {  	s18 =	simm.s32 $0x2A90;
	s23 =	simm.s32 $0x7310;
	s24 =	simm.s32 $0x2730  }
0x91: {  	[tilespmem:s23], [sflag:$0x1] =	stream.indirect.gather [hbm4b:s8+s1], $0x10, s18, s1, $0xb8;
	[tilespmem:$0x10930] =	vst v63  }
0x92: {  	v0 =	vld [tilespmem:s24+$0x10]  }
0x93: {  	s5 =	simm.s32 $0x2B30;
	v1 =	vld [tilespmem:s24+$0xFFFFFFF0]  }
0x94: {  	v2 =	vld [tilespmem:s5+$0x10]  }
0x95: {  	v3 =	vld [tilespmem:s24+$0x0]  }
0x96: {  	v4 =	vld [tilespmem:s24+$0xFFFFFFE0]  }
0x97: {  	v5 =	vld [tilespmem:s5+$0xFFFFFFE0]  }
0x98: {  	v7 =	vld [tilespmem:s5+$0xFFFFFFF0]  }
0x99: {  	s6 =	simm.s32 $0x2F30;
	v8 =	vld [tilespmem:s5+$0x0]  }
0x9a: {  	v9 =	vld [tilespmem:s6+$0x10]  }
0x9b: {  	v11 =	vld [tilespmem:s6+$0xFFFFFFE0]  }
0x9c: {  	v6 =	vld.idx.msk [tilespmem:v0+s4+$0x0], $0xffff  }
0x9d: {  	v2 =	vld.idx.msk [tilespmem:v2+s4+$0x0], $0xffff  }
0x9e: {  	v0 =	vld.idx.msk [tilespmem:v1+s4+$0x0], $0xffff  }
0x9f: {  	v10 =	vld.idx.msk [tilespmem:v4+s4+$0x0], $0xffff  }
0xa0: {  	v1 =	vld.idx.msk [tilespmem:v3+s4+$0x0], $0xffff  }
0xa1: {  	v3 =	vmul.f32 v6, v9;
	v6 =	vld [tilespmem:s6+$0xFFFFFFF0]  }
0xa2: {  	v4 =	vld [tilespmem:s6+$0x0]  }
0xa3: {  	v9 =	vmul.f32 v2, v3;
	v2 =	vld.idx.msk [tilespmem:v5+s4+$0x0], $0xffff  }
0xa4: {  	s7 =	simm.s32 $0x3330;
	v3 =	vld.idx.msk [tilespmem:v7+s4+$0x0], $0xffff  }
0xa5: {  	s10 =	simm.s32 $0x0;
	s11 =	simm.s32 $0x2770;
	v7 =	vmul.f32 v10, v11;
	v5 =	vld.idx.msk [tilespmem:v8+s4+$0x0], $0xffff;
	[tilespmem:s7+$0x10] =	vst v9  }
.LBB2_5:
0xa6: {  	v8 =	vld [tilespmem:s11+$0x10];
	s10 =	sadd.s32 $0x4, s10;
	v0 =	vmul.f32 v0, v6  }
0xa7: {  	s5 =	sadd.s32 $0x40, s5;
	v6 =	vld [tilespmem:s11+$0xFFFFFFF0];
	p0 =	slt.u32 s10, $0x3C;
	v1 =	vmul.f32 v1, v4  }
0xa8: {  	v4 =	vld [tilespmem:s5+$0x10]  }
0xa9: {  	v2 =	vmul.f32 v2, v7;
	v9 =	vld [tilespmem:s11+$0x0]  }
0xaa: {  	v0 =	vmul.f32 v3, v0;
	v7 =	vld [tilespmem:s11+$0xFFFFFFE0]  }
0xab: {  	v1 =	vmul.f32 v5, v1;
	v3 =	vld [tilespmem:s5+$0xFFFFFFE0];
	[tilespmem:s7+$0xFFFFFFE0] =	vst v2  }
0xac: {  	v5 =	vld [tilespmem:s5+$0xFFFFFFF0];
	[tilespmem:s7+$0xFFFFFFF0] =	vst v0  }
0xad: {  	v10 =	vld [tilespmem:s5+$0x0];
	[tilespmem:s7+$0x0] =	vst v1  }
0xae: {  	s6 =	sadd.s32 $0x40, s6;
	v2 =	vld.idx.msk [tilespmem:v8+s4+$0x0], $0xffff  }
0xaf: {  	v8 =	vld [tilespmem:s6+$0x10]  }
0xb0: {  	v11 =	vld.idx.msk [tilespmem:v4+s4+$0x0], $0xffff  }
0xb1: {  	v0 =	vld.idx.msk [tilespmem:v6+s4+$0x0], $0xffff  }
0xb2: {  	v7 =	vld.idx.msk [tilespmem:v7+s4+$0x0], $0xffff  }
0xb3: {  	v1 =	vld.idx.msk [tilespmem:v9+s4+$0x0], $0xffff  }
0xb4: {  	v9 =	vld [tilespmem:s6+$0xFFFFFFE0];
	v2 =	vmul.f32 v2, v8  }
.Ltmp1:
0xb5: {  	v6 =	vld [tilespmem:s6+$0xFFFFFFF0];
	(pc) =	sbr.rel @p0 .LBB2_5-.Ltmp1, $4  }
0xb6: {  	v4 =	vld [tilespmem:s6+$0x0];
	v8 =	vmul.f32 v11, v2  }
0xb7: {  	s7 =	sadd.s32 $0x40, s7;
	v2 =	vld.idx.msk [tilespmem:v3+s4+$0x0], $0xffff  }
0xb8: {  	v3 =	vld.idx.msk [tilespmem:v5+s4+$0x0], $0xffff;
	[tilespmem:s7+$0x10] =	vst v8  }
0xb9: {  	s11 =	sadd.s32 $0x40, s11;
	v7 =	vmul.f32 v7, v9;
	v5 =	vld.idx.msk [tilespmem:v10+s4+$0x0], $0xffff  }
0xba: {  	_ = 	snop  }
0xbb: {  	v0 =	vmul.f32 v0, v6  }
0xbc: {  	v1 =	vmul.f32 v1, v4;
	v2 =	vmul.f32 v2, v7  }
0xbd: {  	v0 =	vmul.f32 v3, v0  }
0xbe: {  	[tilespmem:s7+$0xFFFFFFE0] =	vst v2;
	v1 =	vmul.f32 v5, v1  }
0xbf: {  	[tilespmem:s7+$0xFFFFFFF0] =	vst v0  }
0xc0: {  	[tilespmem:s7+$0x0] =	vst v1  }
0xc1: {  	_ =	swait.ge [sflag:s9], $0x800  }
0xc2: {  	[sflag:s9] =	ssyncset.done $0x0  }
0xc3: {  	[sflag:s9] =	ssyncadd.s32 $0xFFFFF800  }
0xc4: {  	_ =	swait.ge [sflag:s9], $0x800  }
0xc5: {  	[sflag:s9] =	ssyncset.done $0x0  }
0xc6: {  	[sflag:s9] =	ssyncadd.s32 $0xFFFFF800  }
0xc7: {  	_ =	swait.ge [sflag:s9], $0x800  }
0xc8: {  	[sflag:s9] =	ssyncset.done $0x0  }
0xc9: {  	[sflag:s9] =	ssyncadd.s32 $0xFFFFF800  }
0xca: {  	_ =	swait.ge [sflag:s9], $0x800  }
0xcb: {  	[sflag:s9] =	ssyncset.done $0x0  }
0xcc: {  	[sflag:s9] =	ssyncadd.s32 $0xFFFFF800  }
0xcd: {  	_ =	swait.ge [sflag:s9], $0x800  }
0xce: {  	[sflag:s9] =	ssyncset.done $0x0  }
0xcf: {  	[sflag:s9] =	ssyncadd.s32 $0xFFFFF800  }
0xd0: {  	_ =	swait.ge [sflag:s9], $0x800  }
0xd1: {  	[sflag:s9] =	ssyncset.done $0x0  }
0xd2: {  	[sflag:s9] =	ssyncadd.s32 $0xFFFFF800  }
0xd3: {  	_ =	swait.ge [sflag:s9], $0x800  }
0xd4: {  	[sflag:s9] =	ssyncset.done $0x0  }
0xd5: {  	[sflag:s9] =	ssyncadd.s32 $0xFFFFF800  }
0xd6: {  	_ =	swait.ge [sflag:s9], $0x800  }
0xd7: {  	[sflag:s9] =	ssyncset.done $0x0  }
0xd8: {  	s5 =	simm.s32 $0x3330;
	[sflag:s9] =	ssyncadd.s32 $0xFFFFF800  }
0xd9: {  	v1 =	vld [tilespmem:s5+$0x10]  }
0xda: {  	s15 =	simm.s32 $0x3D10  }
0xdb: {  	v0 =	vld [tilespmem:s15+$0x100];
	_ =	sdelay $0x2  }
0xdc: {  	v2 =	vbroadcast v1, $0x0  }
0xdd: {  	v10 =	vld [tilespmem:s5+$0xFFFFFFF0]  }
0xde: {  	v0 =	vmul.f32 v0, v2  }
0xdf: {  	s23 =	simm.s32 $0x7D10;
	v36 =	vld [tilespmem:s15+$0xFFFFFF00]  }
0xe0: {  	v11 =	vld [tilespmem:s5+$0xFFFFFFE0];
	[tilespmem:s23+$0x100] =	vst v0  }
0xe1: {  	v6 =	vld [tilespmem:s15+$0x110]  }
0xe2: {  	v9 =	vld [tilespmem:s5+$0x0];
	v0 =	vbroadcast v10, $0x0  }
0xe3: {  	v3 =	vld [tilespmem:s15+$0xFFFFFE00]  }
0xe4: {  	v39 =	vbroadcast v1, $0x1;
	v0 =	vmul.f32 v36, v0  }
0xe5: {  	v2 =	vld [tilespmem:s15+$0x0]  }
0xe6: {  	v37 =	vbroadcast v11, $0x0;
	[tilespmem:s23+$0xFFFFFF00] =	vst v0;
	v0 =	vmul.f32 v6, v39  }
0xe7: {  	v40 =	vld [tilespmem:s15+$0xFFFFFF10]  }
0xe8: {  	v38 =	vbroadcast v9, $0x0;
	v3 =	vmul.f32 v3, v37;
	[tilespmem:s23+$0x110] =	vst v0  }
0xe9: {  	v6 =	vld [tilespmem:s15+$0x120]  }
0xea: {  	[tilespmem:s23+$0xFFFFFE00] =	vst v3;
	v2 =	vmul.f32 v2, v38;
	v0 =	vbroadcast v10, $0x1  }
0xeb: {  	v3 =	vld [tilespmem:s15+$0xFFFFFE10]  }
0xec: {  	v42 =	vbroadcast v1, $0x2;
	[tilespmem:s23+$0x0] =	vst v2;
	v0 =	vmul.f32 v40, v0  }
0xed: {  	v41 =	vld [tilespmem:s15+$0x10]  }
0xee: {  	v2 =	vbroadcast v11, $0x1;
	[tilespmem:s23+$0xFFFFFF10] =	vst v0;
	v0 =	vmul.f32 v6, v42  }
0xef: {  	v43 =	vld [tilespmem:s15+$0xFFFFFF20]  }
0xf0: {  	v2 =	vmul.f32 v3, v2;
	v3 =	vbroadcast v9, $0x1;
	[tilespmem:s23+$0x120] =	vst v0  }
0xf1: {  	v6 =	vld [tilespmem:s15+$0x130]  }
0xf2: {  	[tilespmem:s23+$0xFFFFFE10] =	vst v2;
	v2 =	vmul.f32 v41, v3;
	v0 =	vbroadcast v10, $0x2  }
0xf3: {  	v3 =	vld [tilespmem:s15+$0xFFFFFE20]  }
0xf4: {  	v45 =	vbroadcast v1, $0x3;
	[tilespmem:s23+$0x10] =	vst v2;
	v0 =	vmul.f32 v43, v0  }
0xf5: {  	v44 =	vld [tilespmem:s15+$0x20]  }
0xf6: {  	v2 =	vbroadcast v11, $0x2;
	[tilespmem:s23+$0xFFFFFF20] =	vst v0;
	v0 =	vmul.f32 v6, v45  }
0xf7: {  	v46 =	vld [tilespmem:s15+$0xFFFFFF30]  }
0xf8: {  	v2 =	vmul.f32 v3, v2;
	v3 =	vbroadcast v9, $0x2;
	[tilespmem:s23+$0x130] =	vst v0  }
0xf9: {  	v6 =	vld [tilespmem:s15+$0x140]  }
0xfa: {  	[tilespmem:s23+$0xFFFFFE20] =	vst v2;
	v2 =	vmul.f32 v44, v3;
	v0 =	vbroadcast v10, $0x3  }
0xfb: {  	v3 =	vld [tilespmem:s15+$0xFFFFFE30]  }
0xfc: {  	v48 =	vbroadcast v1, $0x4;
	[tilespmem:s23+$0x20] =	vst v2;
	v0 =	vmul.f32 v46, v0  }
0xfd: {  	v47 =	vld [tilespmem:s15+$0x30]  }
0xfe: {  	v2 =	vbroadcast v11, $0x3;
	[tilespmem:s23+$0xFFFFFF30] =	vst v0;
	v0 =	vmul.f32 v6, v48  }
0xff: {  	v49 =	vld [tilespmem:s15+$0xFFFFFF40]  }
0x100: {  	v2 =	vmul.f32 v3, v2;
	v3 =	vbroadcast v9, $0x3;
	[tilespmem:s23+$0x140] =	vst v0  }
0x101: {  	v6 =	vld [tilespmem:s15+$0x150]  }
0x102: {  	[tilespmem:s23+$0xFFFFFE30] =	vst v2;
	v2 =	vmul.f32 v47, v3;
	v0 =	vbroadcast v10, $0x4  }
0x103: {  	v3 =	vld [tilespmem:s15+$0xFFFFFE40]  }
0x104: {  	v51 =	vbroadcast v1, $0x5;
	[tilespmem:s23+$0x30] =	vst v2;
	v0 =	vmul.f32 v49, v0  }
0x105: {  	v50 =	vld [tilespmem:s15+$0x40]  }
0x106: {  	v2 =	vbroadcast v11, $0x4;
	[tilespmem:s23+$0xFFFFFF40] =	vst v0;
	v0 =	vmul.f32 v6, v51  }
0x107: {  	v52 =	vld [tilespmem:s15+$0xFFFFFF50]  }
0x108: {  	v2 =	vmul.f32 v3, v2;
	v3 =	vbroadcast v9, $0x4;
	[tilespmem:s23+$0x150] =	vst v0  }
0x109: {  	v6 =	vld [tilespmem:s15+$0x160]  }
0x10a: {  	[tilespmem:s23+$0xFFFFFE40] =	vst v2;
	v2 =	vmul.f32 v50, v3;
	v0 =	vbroadcast v10, $0x5  }
0x10b: {  	v3 =	vld [tilespmem:s15+$0xFFFFFE50]  }
0x10c: {  	v54 =	vbroadcast v1, $0x6;
	[tilespmem:s23+$0x40] =	vst v2;
	v0 =	vmul.f32 v52, v0  }
0x10d: {  	v53 =	vld [tilespmem:s15+$0x50]  }
0x10e: {  	v2 =	vbroadcast v11, $0x5;
	[tilespmem:s23+$0xFFFFFF50] =	vst v0;
	v0 =	vmul.f32 v6, v54;
	_ =	sdelay $0x1  }
0x10f: {  	v2 =	vmul.f32 v3, v2;
	v3 =	vbroadcast v9, $0x5;
	[tilespmem:s23+$0x160] =	vst v0  }
0x110: {  	v0 =	vld [tilespmem:s15+$0x170]  }
0x111: {  	[tilespmem:s23+$0xFFFFFE50] =	vst v2;
	v2 =	vmul.f32 v53, v3  }
0x112: {  	s16 =	simm.s32 $0x3370  }
0x113: {  	v5 =	vld [tilespmem:s16+$0x10];
	[tilespmem:s23+$0x50] =	vst v2;
	v2 =	vbroadcast v1, $0x7  }
0x114: {  	s18 =	simm.s32 $0x4110  }
0x115: {  	v0 =	vmul.f32 v0, v2;
	v2 =	vld [tilespmem:s18+$0x100];
	_ =	sdelay $0x2  }
0x116: {  	v6 =	vbroadcast v5, $0x0  }
0x117: {  	[tilespmem:s23+$0x170] =	vst v0  }
0x118: {  	v0 =	vld [tilespmem:s15+$0x180];
	v6 =	vmul.f32 v2, v6  }
0x119: {  	s24 =	simm.s32 $0x8110;
	v7 =	vld [tilespmem:s16+$0x0]  }
0x11a: {  	v17 =	vld [tilespmem:s16+$0xFFFFFFE0];
	[tilespmem:s24+$0x100] =	vst v6  }
0x11b: {  	v8 =	vbroadcast v1, $0x8;
	v13 =	vld [tilespmem:s18+$0x110]  }
0x11c: {  	v2 =	vld [tilespmem:s16+$0xFFFFFFF0]  }
0x11d: {  	v16 =	vld [tilespmem:s18+$0xFFFFFE00];
	v0 =	vmul.f32 v0, v8  }
0x11e: {  	v23 =	vld [tilespmem:s18+$0xFFFFFF00];
	v15 =	vbroadcast v5, $0x1  }
0x11f: {  	v3 =	vld [tilespmem:s15+$0xFFFFFE60];
	[tilespmem:s23+$0x180] =	vst v0  }
0x120: {  	v29 =	vbroadcast v17, $0x0;
	v0 =	vld [tilespmem:s15+$0x190];
	v13 =	vmul.f32 v13, v15  }
0x121: {  	v55 =	vld [tilespmem:s15+$0xFFFFFF60];
	v30 =	vbroadcast v2, $0x0  }
0x122: {  	v25 =	vld [tilespmem:s18+$0x0];
	v12 =	vbroadcast v11, $0x6;
	v29 =	vmul.f32 v16, v29;
	[tilespmem:s24+$0x110] =	vst v13  }
0x123: {  	v18 =	vbroadcast v1, $0x9;
	v23 =	vmul.f32 v23, v30;
	v31 =	vld [tilespmem:s18+$0x120]  }
0x124: {  	v14 =	vbroadcast v10, $0x6;
	v3 =	vmul.f32 v3, v12;
	v32 =	vld [tilespmem:s15+$0x60];
	[tilespmem:s24+$0xFFFFFE00] =	vst v29  }
0x125: {  	v13 =	vbroadcast v7, $0x0;
	v0 =	vmul.f32 v0, v18;
	[tilespmem:s24+$0xFFFFFF00] =	vst v23;
	v12 =	vld [tilespmem:s18+$0xFFFFFE10]  }
0x126: {  	v19 =	vbroadcast v9, $0x6;
	v4 =	vmul.f32 v55, v14;
	[tilespmem:s23+$0xFFFFFE60] =	vst v3;
	v14 =	vld [tilespmem:s18+$0xFFFFFF10]  }
0x127: {  	v23 =	vbroadcast v5, $0x2;
	v29 =	vld [tilespmem:s15+$0xFFFFFE70];
	[tilespmem:s23+$0x190] =	vst v0;
	v0 =	vmul.f32 v25, v13  }
0x128: {  	v20 =	vbroadcast v10, $0x7;
	v56 =	vbroadcast v17, $0x1;
	[tilespmem:s23+$0xFFFFFF60] =	vst v4;
	v25 =	vld [tilespmem:s15+$0x1A0]  }
0x129: {  	v6 =	vbroadcast v11, $0x7;
	v30 =	vld [tilespmem:s15+$0xFFFFFF70];
	[tilespmem:s24+$0x0] =	vst v0;
	v23 =	vmul.f32 v31, v23  }
0x12a: {  	v0 =	vbroadcast v1, $0xA;
	v3 =	vld [tilespmem:s18+$0x10];
	v19 =	vmul.f32 v32, v19  }
0x12b: {  	v31 =	vbroadcast v2, $0x1;
	v4 =	vmul.f32 v12, v56;
	[tilespmem:s24+$0x120] =	vst v23  }
0x12c: {  	v6 =	vmul.f32 v29, v6;
	[tilespmem:s23+$0x60] =	vst v19;
	v23 =	vbroadcast v7, $0x1;
	v12 =	vld [tilespmem:s18+$0x130]  }
0x12d: {  	v14 =	vmul.f32 v14, v31;
	v0 =	vmul.f32 v25, v0;
	v25 =	vld [tilespmem:s15+$0x70];
	[tilespmem:s24+$0xFFFFFE10] =	vst v4  }
0x12e: {  	[tilespmem:s23+$0xFFFFFE70] =	vst v6  }
0x12f: {  	v20 =	vmul.f32 v30, v20;
	[tilespmem:s24+$0xFFFFFF10] =	vst v14;
	v3 =	vmul.f32 v3, v23;
	v23 =	vld [tilespmem:s18+$0xFFFFFE20]  }
0x130: {  	v21 =	vbroadcast v9, $0x7;
	v29 =	vbroadcast v5, $0x3;
	[tilespmem:s23+$0x1A0] =	vst v0;
	v30 =	vld [tilespmem:s18+$0xFFFFFF20]  }
0x131: {  	[tilespmem:s23+$0xFFFFFF70] =	vst v20;
	v57 =	vld [tilespmem:s15+$0x1B0]  }
0x132: {  	v20 =	vld [tilespmem:s15+$0xFFFFFE80];
	[tilespmem:s24+$0x10] =	vst v3;
	v12 =	vmul.f32 v12, v29;
	v21 =	vmul.f32 v25, v21  }
0x133: {  	v3 =	vld [tilespmem:s18+$0x20];
	v25 =	vbroadcast v17, $0x2;
	v29 =	vbroadcast v2, $0x2  }
0x134: {  	v22 =	vbroadcast v11, $0x8;
	v6 =	vbroadcast v1, $0xB;
	v31 =	vld [tilespmem:s15+$0xFFFFFF80]  }
0x135: {  	[tilespmem:s24+$0x130] =	vst v12;
	v12 =	vmul.f32 v23, v25;
	v25 =	vmul.f32 v30, v29  }
0x136: {  	[tilespmem:s23+$0x70] =	vst v21;
	v4 =	vmul.f32 v57, v6;
	v6 =	vbroadcast v7, $0x2;
	v58 =	vld [tilespmem:s18+$0x140]  }
0x137: {  	v24 =	vbroadcast v10, $0x8;
	v33 =	vld [tilespmem:s15+$0x80];
	[tilespmem:s24+$0xFFFFFE20] =	vst v12  }
0x138: {  	[tilespmem:s24+$0xFFFFFF20] =	vst v25;
	v3 =	vmul.f32 v3, v6;
	v6 =	vmul.f32 v20, v22;
	v12 =	vld [tilespmem:s18+$0xFFFFFE30]  }
0x139: {  	[tilespmem:s23+$0x1B0] =	vst v4;
	v20 =	vbroadcast v5, $0x4;
	v22 =	vmul.f32 v31, v24;
	v24 =	vld [tilespmem:s18+$0xFFFFFF30]  }
0x13a: {  	v26 =	vbroadcast v9, $0x8;
	v4 =	vld [tilespmem:s15+$0x1C0];
	[tilespmem:s24+$0x20] =	vst v3  }
0x13b: {  	v27 =	vbroadcast v11, $0x9;
	[tilespmem:s23+$0xFFFFFE80] =	vst v6;
	v6 =	vmul.f32 v58, v20  }
0x13c: {  	[tilespmem:s23+$0xFFFFFF80] =	vst v22;
	v29 =	vld [tilespmem:s18+$0x30];
	v20 =	vbroadcast v17, $0x3;
	v26 =	vmul.f32 v33, v26  }
0x13d: {  	v3 =	vbroadcast v1, $0xC;
	v22 =	vbroadcast v2, $0x3;
	v30 =	vld [tilespmem:s15+$0xFFFFFE90];
	[tilespmem:s24+$0x140] =	vst v6  }
0x13e: {  	v31 =	vld [tilespmem:s15+$0xFFFFFF90];
	v6 =	vbroadcast v7, $0x3;
	v12 =	vmul.f32 v12, v20;
	[tilespmem:s23+$0x80] =	vst v26  }
0x13f: {  	v22 =	vmul.f32 v24, v22;
	v4 =	vmul.f32 v4, v3;
	v24 =	vld [tilespmem:s15+$0x90]  }
0x140: {  	v28 =	vbroadcast v10, $0x9;
	v34 =	vbroadcast v17, $0xA;
	v20 =	vld [tilespmem:s18+$0x150];
	[tilespmem:s24+$0xFFFFFE30] =	vst v12  }
0x141: {  	v16 =	vbroadcast v9, $0xA;
	[tilespmem:s23+$0x1C0] =	vst v4;
	v12 =	vmul.f32 v29, v6  }
0x142: {  	v8 =	vbroadcast v9, $0x9;
	[tilespmem:s24+$0xFFFFFF30] =	vst v22;
	v22 =	vmul.f32 v30, v27;
	v26 =	vld [tilespmem:s15+$0x1D0]  }
0x143: {  	v29 =	vld [tilespmem:s18+$0xFFFFFE40];
	v27 =	vbroadcast v5, $0x5;
	[tilespmem:s24+$0x30] =	vst v12;
	v12 =	vmul.f32 v31, v28  }
0x144: {  	v37 =	vbroadcast v17, $0x9;
	v30 =	vld [tilespmem:s18+$0xFFFFFF40];
	[tilespmem:s23+$0xFFFFFE90] =	vst v22;
	v8 =	vmul.f32 v24, v8  }
0x145: {  	v31 =	vbroadcast v1, $0xD;
	v28 =	vld [tilespmem:s18+$0x40];
	v20 =	vmul.f32 v20, v27;
	[tilespmem:s23+$0xFFFFFF90] =	vst v12  }
0x146: {  	v22 =	vbroadcast v17, $0x4;
	v24 =	vld [tilespmem:s15+$0xFFFFFEA0];
	[tilespmem:s23+$0x90] =	vst v8;
	v8 =	vbroadcast v10, $0xE  }
0x147: {  	v12 =	vbroadcast v2, $0x4;
	v27 =	vld [tilespmem:s15+$0xFFFFFFA0];
	[tilespmem:s24+$0x150] =	vst v20;
	v26 =	vmul.f32 v26, v31  }
0x148: {  	v20 =	vbroadcast v7, $0x4;
	v22 =	vmul.f32 v29, v22;
	v29 =	vld [tilespmem:s18+$0x160];
	[tilespmem:$0x1FF60] =	vst v8  }
0x149: {  	v15 =	vbroadcast v11, $0xA;
	v30 =	vmul.f32 v30, v12;
	v31 =	vld [tilespmem:s15+$0xA0];
	[tilespmem:s23+$0x1D0] =	vst v26  }
0x14a: {  	v18 =	vbroadcast v10, $0xA;
	[tilespmem:s24+$0xFFFFFE40] =	vst v22;
	v20 =	vmul.f32 v28, v20;
	v22 =	vld [tilespmem:s15+$0x1E0]  }
0x14b: {  	[tilespmem:s24+$0xFFFFFF40] =	vst v30;
	v15 =	vmul.f32 v24, v15;
	v24 =	vbroadcast v5, $0x6  }
0x14c: {  	v36 =	vbroadcast v7, $0x9;
	v26 =	vld [tilespmem:s18+$0xFFFFFE50];
	[tilespmem:s24+$0x40] =	vst v20;
	v18 =	vmul.f32 v27, v18  }
0x14d: {  	v28 =	vld [tilespmem:s18+$0xFFFFFF50];
	v27 =	vbroadcast v1, $0xE;
	[tilespmem:s23+$0xFFFFFEA0] =	vst v15;
	v15 =	vmul.f32 v29, v24  }
0x14e: {  	v40 =	vbroadcast v17, $0x8;
	v20 =	vld [tilespmem:s18+$0x50];
	[tilespmem:s23+$0xFFFFFFA0] =	vst v18;
	v16 =	vmul.f32 v31, v16  }
0x14f: {  	v24 =	vbroadcast v17, $0x5;
	v29 =	vld [tilespmem:s15+$0xFFFFFEB0];
	[tilespmem:s24+$0x160] =	vst v15;
	v22 =	vmul.f32 v22, v27  }
0x150: {  	v8 =	vbroadcast v9, $0xF;
	v18 =	vbroadcast v2, $0x5;
	v27 =	vld [tilespmem:s15+$0xFFFFFFB0];
	[tilespmem:s23+$0xA0] =	vst v16  }
0x151: {  	v44 =	vbroadcast v17, $0x7;
	v24 =	vmul.f32 v26, v24;
	v16 =	vld [tilespmem:s18+$0x170];
	[tilespmem:s23+$0x1E0] =	vst v22  }
0x152: {  	v13 =	vbroadcast v11, $0xB;
	v18 =	vmul.f32 v28, v18;
	v26 =	vld [tilespmem:s15+$0xB0];
	[tilespmem:$0x1FFF0] =	vst v8  }
0x153: {  	v48 =	vbroadcast v7, $0x7;
	v15 =	vbroadcast v7, $0x5;
	[tilespmem:s24+$0xFFFFFE50] =	vst v24  }
0x154: {  	v13 =	vmul.f32 v29, v13;
	v39 =	vld [tilespmem:s15+$0x1F0];
	[tilespmem:s24+$0xFFFFFF50] =	vst v18;
	v18 =	vbroadcast v5, $0x7  }
0x155: {  	s6 =	simm.s32 $0x33B0;
	v19 =	vbroadcast v10, $0xB;
	v15 =	vmul.f32 v20, v15;
	v20 =	vld [tilespmem:s18+$0xFFFFFE60]  }
0x156: {  	s5 =	simm.s32 $0x4510;
	v42 =	vbroadcast v2, $0x6;
	[tilespmem:s23+$0xFFFFFEB0] =	vst v13;
	v30 =	vld [tilespmem:s6+$0xFFFFFFE0];
	v13 =	vmul.f32 v16, v18  }
0x157: {  	v46 =	vbroadcast v2, $0x7;
	[tilespmem:s24+$0x50] =	vst v15;
	v50 =	vld [tilespmem:s5+$0xFFFFFE00];
	v15 =	vmul.f32 v27, v19  }
0x158: {  	v41 =	vbroadcast v2, $0x8;
	v22 =	vbroadcast v17, $0x6;
	v59 =	vld [tilespmem:s5+$0xFFFFFF00];
	[tilespmem:s24+$0x170] =	vst v13  }
0x159: {  	v38 =	vbroadcast v2, $0x9;
	v32 =	vbroadcast v2, $0xC;
	[tilespmem:s23+$0xFFFFFFB0] =	vst v15;
	v15 =	vld [tilespmem:s18+$0x180]  }
0x15a: {  	v14 =	vbroadcast v11, $0xC;
	v13 =	vld [tilespmem:s6+$0x10];
	v18 =	vmul.f32 v20, v22  }
0x15b: {  	v0 =	vbroadcast v9, $0xB;
	v21 =	vbroadcast v10, $0xC;
	v43 =	vld [tilespmem:s18+$0x60]  }
0x15c: {  	v23 =	vbroadcast v9, $0xC;
	v20 =	vld [tilespmem:s5+$0x100];
	[tilespmem:s24+$0xFFFFFE60] =	vst v18;
	v18 =	vbroadcast v5, $0x8  }
0x15d: {  	v25 =	vbroadcast v11, $0xD;
	v33 =	vbroadcast v7, $0xC;
	v19 =	vld [tilespmem:s6+$0xFFFFFFF0]  }
0x15e: {  	v45 =	vld [tilespmem:s15+$0xFFFFFEC0];
	v16 =	vbroadcast v7, $0x6;
	v15 =	vmul.f32 v15, v18  }
0x15f: {  	v1 =	vbroadcast v1, $0xF;
	v35 =	vld [tilespmem:s18+$0xFFFFFF60];
	v24 =	vbroadcast v13, $0x0  }
0x160: {  	v31 =	vbroadcast v2, $0xA;
	v16 =	vmul.f32 v43, v16;
	v22 =	vld [tilespmem:s18+$0xFFFFFE70];
	[tilespmem:s24+$0x180] =	vst v15  }
0x161: {  	v28 =	vbroadcast v17, $0xB;
	v20 =	vmul.f32 v20, v24;
	v15 =	vld [tilespmem:s18+$0x190]  }
0x162: {  	v0 =	vmul.f32 v26, v0;
	[tilespmem:s24+$0x60] =	vst v16;
	v16 =	vbroadcast v19, $0x0;
	v18 =	vld [tilespmem:s6+$0x0];
	s6 =	simm.s32 $0x8510  }
0x163: {  	v47 =	vld [tilespmem:s15+$0xFFFFFFC0];
	v62 =	vbroadcast v30, $0x0;
	v14 =	vmul.f32 v45, v14;
	[tilespmem:s6+$0x100] =	vst v20  }
0x164: {  	[tilespmem:s23+$0xB0] =	vst v0;
	v16 =	vmul.f32 v59, v16;
	v20 =	vbroadcast v5, $0x9;
	v60 =	vld [tilespmem:s5+$0x110]  }
0x165: {  	v29 =	vbroadcast v7, $0xA;
	v61 =	vld [tilespmem:s5+$0x0];
	v35 =	vmul.f32 v35, v42;
	[tilespmem:s23+$0xFFFFFEC0] =	vst v14  }
0x166: {  	v49 =	vld [tilespmem:s15+$0xC0];
	v14 =	vmul.f32 v50, v62;
	[tilespmem:s6+$0xFFFFFF00] =	vst v16;
	v15 =	vmul.f32 v15, v20  }
0x167: {  	[tilespmem:s24+$0xFFFFFF60] =	vst v35;
	v63 =	vbroadcast v13, $0x1;
	v16 =	vmul.f32 v22, v44;
	v22 =	vld [tilespmem:s5+$0xFFFFFF10]  }
0x168: {  	v27 =	vbroadcast v7, $0xB;
	v21 =	vmul.f32 v47, v21;
	v20 =	vld [tilespmem:s18+$0x70];
	[tilespmem:s24+$0x190] =	vst v15  }
0x169: {  	[tilespmem:s6+$0xFFFFFE00] =	vst v14;
	v53 =	vbroadcast v18, $0x0;
	v43 =	vmul.f32 v60, v63;
	v56 =	vld [tilespmem:s18+$0x1A0]  }
0x16a: {  	v26 =	vbroadcast v2, $0xB;
	v62 =	vbroadcast v19, $0x1;
	[tilespmem:s23+$0xFFFFFFC0] =	vst v21;
	v57 =	vld [tilespmem:s5+$0xFFFFFE10]  }
0x16b: {  	v51 =	vld [tilespmem:s18+$0xFFFFFF70];
	v59 =	vbroadcast v5, $0xA;
	v45 =	vmul.f32 v61, v53;
	[tilespmem:s6+$0x110] =	vst v43  }
0x16c: {  	v23 =	vmul.f32 v49, v23;
	[tilespmem:s24+$0xFFFFFE70] =	vst v16;
	v43 =	vmul.f32 v22, v62;
	v60 =	vld [tilespmem:s5+$0x120]  }
0x16d: {  	v52 =	vld [tilespmem:s15+$0xFFFFFED0];
	[tilespmem:s6+$0x0] =	vst v45;
	v16 =	vmul.f32 v20, v48;
	v20 =	vbroadcast v30, $0x1  }
0x16e: {  	v0 =	vbroadcast v7, $0x8;
	[tilespmem:s23+$0xC0] =	vst v23;
	v61 =	vld [tilespmem:s5+$0x10];
	v42 =	vmul.f32 v56, v59  }
0x16f: {  	v49 =	vld [tilespmem:s15+$0xD0];
	v63 =	vbroadcast v13, $0x2;
	[tilespmem:s6+$0xFFFFFF10] =	vst v43;
	v20 =	vmul.f32 v57, v20  }
0x170: {  	v55 =	vbroadcast v30, $0x3;
	v58 =	vmul.f32 v51, v46;
	v43 =	vld [tilespmem:s5+$0xFFFFFF20];
	[tilespmem:s24+$0x1A0] =	vst v42  }
0x171: {  	v56 =	vbroadcast v18, $0x1;
	[tilespmem:s6+$0xFFFFFE10] =	vst v20;
	v45 =	vmul.f32 v60, v63;
	v42 =	vld [tilespmem:s18+$0x1B0]  }
0x172: {  	v35 =	vbroadcast v17, $0xD;
	v21 =	vmul.f32 v52, v25;
	[tilespmem:s24+$0xFFFFFF70] =	vst v58;
	v58 =	vld [tilespmem:s5+$0xFFFFFE20]  }
0x173: {  	v23 =	vbroadcast v19, $0x2;
	v51 =	vld [tilespmem:s18+$0xFFFFFE80];
	v46 =	vmul.f32 v61, v56;
	[tilespmem:s6+$0x120] =	vst v45  }
0x174: {  	v24 =	vbroadcast v17, $0xC;
	[tilespmem:s23+$0xFFFFFED0] =	vst v21;
	v59 =	vbroadcast v5, $0xB;
	v60 =	vld [tilespmem:s5+$0x130]  }
0x175: {  	v25 =	vbroadcast v30, $0x2;
	v44 =	vld [tilespmem:s18+$0xFFFFFF80];
	v23 =	vmul.f32 v43, v23;
	[tilespmem:s6+$0x10] =	vst v46  }
0x176: {  	v14 =	vbroadcast v2, $0xD;
	[tilespmem:s24+$0x70] =	vst v16;
	v61 =	vld [tilespmem:s5+$0x20];
	v42 =	vmul.f32 v42, v59  }
0x177: {  	v48 =	vld [tilespmem:s15+$0xFFFFFFD0];
	[tilespmem:s6+$0xFFFFFF20] =	vst v23;
	v21 =	vmul.f32 v58, v25;
	v25 =	vbroadcast v13, $0x3  }
0x178: {  	v62 =	vbroadcast v18, $0x2;
	v16 =	vbroadcast v17, $0xE;
	v57 =	vld [tilespmem:s18+$0x80];
	[tilespmem:s24+$0x1B0] =	vst v42  }
0x179: {  	[tilespmem:s6+$0xFFFFFE20] =	vst v21;
	v25 =	vmul.f32 v60, v25;
	v21 =	vbroadcast v17, $0xF;
	v42 =	vld [tilespmem:s18+$0x1C0]  }
0x17a: {  	v23 =	vld [tilespmem:s5+$0xFFFFFF30];
	v17 =	vmul.f32 v39, v1;
	v1 =	vmul.f32 v51, v40  }
0x17b: {  	v52 =	vbroadcast v5, $0xC;
	v63 =	vmul.f32 v61, v62;
	v50 =	vld [tilespmem:s5+$0xFFFFFE30];
	[tilespmem:s6+$0x130] =	vst v25  }
0x17c: {  	v15 =	vbroadcast v7, $0xD;
	v46 =	vld [tilespmem:s15+$0xFFFFFEE0];
	v25 =	vmul.f32 v44, v41;
	[tilespmem:s24+$0xFFFFFE80] =	vst v1  }
0x17d: {  	v22 =	vbroadcast v2, $0xE;
	v0 =	vmul.f32 v57, v0;
	[tilespmem:s6+$0x20] =	vst v63;
	v54 =	vld [tilespmem:s5+$0x140]  }
0x17e: {  	v1 =	vbroadcast v19, $0x3;
	v56 =	vld [tilespmem:s18+$0xFFFFFE90];
	[tilespmem:s24+$0xFFFFFF80] =	vst v25;
	v25 =	vmul.f32 v42, v52  }
0x17f: {  	v2 =	vbroadcast v2, $0xF;
	v20 =	vbroadcast v7, $0xE;
	[tilespmem:s24+$0x80] =	vst v0;
	v43 =	vld [tilespmem:s5+$0x30]  }
0x180: {  	v1 =	vmul.f32 v23, v1;
	v23 =	vld [tilespmem:s18+$0x90];
	v57 =	vmul.f32 v50, v55;
	[tilespmem:s24+$0x1C0] =	vst v25  }
0x181: {  	v7 =	vbroadcast v7, $0xF;
	v0 =	vbroadcast v13, $0x4;
	v58 =	vld [tilespmem:s18+$0xFFFFFF90];
	[tilespmem:$0x1FEF0] =	vst v2  }
0x182: {  	[tilespmem:s6+$0xFFFFFE30] =	vst v57  }
0x183: {  	v59 =	vbroadcast v18, $0x3;
	v0 =	vmul.f32 v54, v0;
	v2 =	vld [tilespmem:s18+$0x1D0];
	[tilespmem:$0x1FF00] =	vst v7  }
0x184: {  	v37 =	vmul.f32 v56, v37;
	[tilespmem:s6+$0xFFFFFF30] =	vst v1  }
0x185: {  	v7 =	vmul.f32 v43, v59;
	v25 =	vld [tilespmem:s5+$0xFFFFFE40];
	[tilespmem:s6+$0x140] =	vst v0  }
0x186: {  	[tilespmem:s24+$0xFFFFFE90] =	vst v37;
	v60 =	vld [tilespmem:s5+$0xFFFFFF40]  }
0x187: {  	v0 =	vmul.f32 v58, v38;
	[tilespmem:s6+$0x30] =	vst v7;
	v7 =	vbroadcast v5, $0xD;
	v61 =	vld [tilespmem:s5+$0x150]  }
0x188: {  	v23 =	vmul.f32 v23, v36;
	v1 =	vbroadcast v30, $0x4;
	v37 =	vld [tilespmem:s18+$0xFFFFFEA0]  }
0x189: {  	v62 =	vbroadcast v19, $0x4;
	v63 =	vld [tilespmem:s5+$0x40];
	[tilespmem:s24+$0xFFFFFF90] =	vst v0;
	v0 =	vmul.f32 v2, v7  }
0x18a: {  	[tilespmem:s24+$0x90] =	vst v23;
	v2 =	vld [tilespmem:s18+$0xFFFFFFA0];
	v7 =	vbroadcast v13, $0x5;
	v1 =	vmul.f32 v25, v1  }
0x18b: {  	v45 =	vld [tilespmem:s18+$0xA0];
	[tilespmem:s24+$0x1D0] =	vst v0;
	v25 =	vmul.f32 v60, v62  }
0x18c: {  	v44 =	vbroadcast v18, $0x4;
	v7 =	vmul.f32 v61, v7;
	[tilespmem:s6+$0xFFFFFE40] =	vst v1;
	v1 =	vld [tilespmem:s18+$0x1E0]  }
0x18d: {  	v34 =	vmul.f32 v37, v34;
	v56 =	vld [tilespmem:s5+$0xFFFFFE50];
	[tilespmem:s6+$0xFFFFFF40] =	vst v25  }
0x18e: {  	v3 =	vbroadcast v10, $0xD;
	v36 =	vmul.f32 v63, v44;
	[tilespmem:s6+$0x150] =	vst v7;
	v57 =	vld [tilespmem:s5+$0xFFFFFF50]  }
0x18f: {  	v2 =	vmul.f32 v2, v31;
	v7 =	vbroadcast v5, $0xE;
	[tilespmem:s24+$0xFFFFFEA0] =	vst v34;
	v31 =	vld [tilespmem:s5+$0x160]  }
0x190: {  	v23 =	vbroadcast v30, $0x5;
	v29 =	vmul.f32 v45, v29;
	[tilespmem:s6+$0x40] =	vst v36;
	v61 =	vld [tilespmem:s18+$0xFFFFFEB0]  }
0x191: {  	v0 =	vbroadcast v19, $0x5;
	v59 =	vld [tilespmem:s5+$0x50];
	[tilespmem:s24+$0xFFFFFFA0] =	vst v2;
	v1 =	vmul.f32 v1, v7  }
0x192: {  	[tilespmem:s24+$0xA0] =	vst v29;
	v7 =	vld [tilespmem:s18+$0xFFFFFFB0];
	v2 =	vmul.f32 v56, v23;
	v23 =	vbroadcast v13, $0x6  }
0x193: {  	v4 =	vbroadcast v9, $0xD;
	v29 =	vld [tilespmem:s18+$0xB0];
	v0 =	vmul.f32 v57, v0;
	[tilespmem:s24+$0x1E0] =	vst v1  }
0x194: {  	v47 =	vbroadcast v18, $0x5;
	[tilespmem:s6+$0xFFFFFE50] =	vst v2;
	v2 =	vld [tilespmem:s18+$0x1F0];
	v23 =	vmul.f32 v31, v23  }
0x195: {  	v6 =	vbroadcast v11, $0xE;
	v53 =	vbroadcast v30, $0x7;
	v31 =	vld [tilespmem:s5+$0xFFFFFE60];
	[tilespmem:s6+$0xFFFFFF50] =	vst v0  }
0x196: {  	v49 =	vmul.f32 v49, v4;
	v0 =	vmul.f32 v59, v47;
	v62 =	vld [tilespmem:s5+$0xFFFFFF60];
	[tilespmem:s6+$0x160] =	vst v23  }
0x197: {  	s12 =	simm.s32 $0x33F0;
	v51 =	vbroadcast v18, $0x8;
	v7 =	vmul.f32 v7, v26;
	v63 =	vld [tilespmem:s5+$0x170]  }
0x198: {  	v40 =	vbroadcast v30, $0xB;
	v23 =	vld [tilespmem:s12+$0x10];
	[tilespmem:s6+$0x50] =	vst v0;
	v0 =	vmul.f32 v61, v28  }
0x199: {  	s10 =	simm.s32 $0x4910;
	v39 =	vbroadcast v18, $0xB;
	v25 =	vbroadcast v30, $0x6;
	v28 =	vld [tilespmem:s5+$0x60];
	[tilespmem:s24+$0xFFFFFFB0] =	vst v7  }
0x19a: {  	v26 =	vbroadcast v13, $0x7;
	[tilespmem:s24+$0xFFFFFEB0] =	vst v0;
	v0 =	vmul.f32 v29, v27;
	v27 =	vld [tilespmem:s10+$0x100]  }
0x19b: {  	v41 =	vbroadcast v19, $0xA;
	v55 =	vld [tilespmem:s18+$0xFFFFFFC0];
	v7 =	vmul.f32 v31, v25  }
0x19c: {  	v50 =	vbroadcast v19, $0x8;
	v29 =	vld [tilespmem:s18+$0xFFFFFEC0];
	[tilespmem:s24+$0xB0] =	vst v0;
	v0 =	vmul.f32 v63, v26  }
0x19d: {  	v52 =	vbroadcast v30, $0x8;
	v58 =	vbroadcast v19, $0x6;
	v31 =	vld [tilespmem:s12+$0xFFFFFFE0];
	[tilespmem:s6+$0xFFFFFE60] =	vst v7  }
0x19e: {  	v42 =	vbroadcast v30, $0xA;
	v56 =	vld [tilespmem:s18+$0xC0];
	v7 =	vbroadcast v23, $0x0;
	[tilespmem:s6+$0x170] =	vst v0  }
0x19f: {  	v60 =	vbroadcast v18, $0x6;
	v25 =	vmul.f32 v62, v58;
	v0 =	vld [tilespmem:s5+$0x180]  }
0x1a0: {  	v54 =	vbroadcast v18, $0x7;
	v57 =	vld [tilespmem:s5+$0xFFFFFE70];
	v7 =	vmul.f32 v27, v7  }
0x1a1: {  	s11 =	simm.s32 $0x8910;
	v43 =	vbroadcast v18, $0xA;
	v26 =	vmul.f32 v28, v60;
	[tilespmem:s6+$0xFFFFFF60] =	vst v25;
	v28 =	vld [tilespmem:s12+$0xFFFFFFF0]  }
0x1a2: {  	v38 =	vbroadcast v19, $0xB;
	v58 =	vld [tilespmem:s5+$0xFFFFFF70];
	[tilespmem:s11+$0x100] =	vst v7;
	v7 =	vbroadcast v13, $0x8  }
0x1a3: {  	v45 =	vbroadcast v19, $0x9;
	v24 =	vmul.f32 v29, v24;
	v60 =	vld [tilespmem:s10+$0x110]  }
0x1a4: {  	v37 =	vbroadcast v30, $0xC;
	[tilespmem:s6+$0x60] =	vst v26;
	v29 =	vld [tilespmem:s12+$0x0];
	v0 =	vmul.f32 v0, v7  }
0x1a5: {  	v62 =	vmul.f32 v48, v3;
	v3 =	vbroadcast v19, $0xE;
	v59 =	vld [tilespmem:s5+$0x70];
	[tilespmem:s24+$0xFFFFFEC0] =	vst v24  }
0x1a6: {  	v44 =	vbroadcast v18, $0x9;
	v61 =	vld [tilespmem:s18+$0xFFFFFED0];
	v7 =	vbroadcast v23, $0x1;
	[tilespmem:s6+$0x180] =	vst v0  }
0x1a7: {  	v1 =	vbroadcast v19, $0x7;
	v0 =	vld [tilespmem:s5+$0x190];
	[tilespmem:$0x1FF10] =	vst v3;
	v3 =	vbroadcast v18, $0xE  }
0x1a8: {  	v7 =	vmul.f32 v60, v7;
	v60 =	vmul.f32 v46, v6;
	v6 =	vld [tilespmem:s10+$0xFFFFFE00]  }
0x1a9: {  	v47 =	vbroadcast v30, $0x9;
	v57 =	vmul.f32 v57, v53;
	[tilespmem:$0x1FF20] =	vst v3  }
0x1aa: {  	v1 =	vmul.f32 v58, v1;
	v48 =	vld [tilespmem:s10+$0xFFFFFF00];
	[tilespmem:s11+$0x110] =	vst v7;
	v7 =	vbroadcast v13, $0x9  }
0x1ab: {  	v4 =	vbroadcast v31, $0x0;
	v46 =	vmul.f32 v59, v54;
	[tilespmem:s6+$0xFFFFFE70] =	vst v57;
	v53 =	vld [tilespmem:s10+$0x120]  }
0x1ac: {  	v27 =	vbroadcast v30, $0xD;
	v63 =	vld [tilespmem:s10+$0x0];
	[tilespmem:s6+$0xFFFFFF70] =	vst v1;
	v0 =	vmul.f32 v0, v7  }
0x1ad: {  	v1 =	vbroadcast v28, $0x0;
	[tilespmem:s6+$0x70] =	vst v46;
	v58 =	vld [tilespmem:s5+$0xFFFFFE80];
	v6 =	vmul.f32 v6, v4  }
0x1ae: {  	v3 =	vbroadcast v30, $0xF;
	v57 =	vld [tilespmem:s5+$0xFFFFFF80];
	v7 =	vbroadcast v23, $0x2;
	[tilespmem:s6+$0x190] =	vst v0  }
0x1af: {  	v59 =	vld [tilespmem:s5+$0x80];
	v0 =	vbroadcast v5, $0xF;
	v1 =	vmul.f32 v48, v1;
	[tilespmem:s11+$0xFFFFFE00] =	vst v6  }
0x1b0: {  	v48 =	vbroadcast v29, $0x0;
	v6 =	vld [tilespmem:s5+$0x1A0];
	v7 =	vmul.f32 v53, v7;
	[tilespmem:$0x1FF30] =	vst v3  }
0x1b1: {  	v46 =	vmul.f32 v2, v0;
	v0 =	vmul.f32 v55, v32;
	[tilespmem:s11+$0xFFFFFF00] =	vst v1  }
0x1b2: {  	v24 =	vbroadcast v30, $0xE;
	v30 =	vmul.f32 v63, v48;
	v54 =	vld [tilespmem:s10+$0xFFFFFE10];
	[tilespmem:s11+$0x120] =	vst v7  }
0x1b3: {  	v2 =	vmul.f32 v56, v33;
	v1 =	vld [tilespmem:s10+$0xFFFFFF10];
	v7 =	vbroadcast v13, $0xA;
	[tilespmem:s24+$0xFFFFFFC0] =	vst v0  }
0x1b4: {  	v34 =	vbroadcast v18, $0xC;
	[tilespmem:s11+$0x0] =	vst v30;
	v32 =	vld [tilespmem:s10+$0x130];
	v30 =	vmul.f32 v61, v35  }
0x1b5: {  	v56 =	vbroadcast v31, $0x1;
	[tilespmem:s24+$0xC0] =	vst v2;
	v8 =	vld [tilespmem:s18+$0xFFFFFFD0];
	v6 =	vmul.f32 v6, v7  }
0x1b6: {  	v36 =	vbroadcast v19, $0xC;
	v0 =	vbroadcast v19, $0xF;
	v61 =	vld [tilespmem:s10+$0x10];
	[tilespmem:s24+$0xFFFFFED0] =	vst v30  }
0x1b7: {  	v2 =	vbroadcast v28, $0x1;
	v30 =	vld [tilespmem:s18+$0xD0];
	v33 =	vmul.f32 v54, v56;
	[tilespmem:s6+$0x1A0] =	vst v6  }
0x1b8: {  	v63 =	vbroadcast v23, $0x3;
	v48 =	vld [tilespmem:s18+$0xFFFFFEE0];
	[tilespmem:$0x1FF40] =	vst v0;
	v0 =	vbroadcast v18, $0xF  }
0x1b9: {  	v4 =	vbroadcast v29, $0x1;
	v1 =	vmul.f32 v1, v2;
	[tilespmem:s11+$0xFFFFFE10] =	vst v33  }
0x1ba: {  	v26 =	vbroadcast v19, $0xD;
	v2 =	vld [tilespmem:s5+$0x1B0];
	v19 =	vmul.f32 v32, v63;
	[tilespmem:$0x1FF50] =	vst v0  }
0x1bb: {  	v25 =	vbroadcast v18, $0xD;
	v18 =	vmul.f32 v61, v4;
	v32 =	vld [tilespmem:s10+$0xFFFFFE20];
	[tilespmem:s11+$0xFFFFFF10] =	vst v1  }
0x1bc: {  	[tilespmem:s11+$0x130] =	vst v19;
	v35 =	vld [tilespmem:s10+$0xFFFFFF20]  }
0x1bd: {  	v12 =	vbroadcast v9, $0xE;
	[tilespmem:s11+$0x10] =	vst v18;
	v18 =	vbroadcast v13, $0xB;
	v53 =	vld [tilespmem:s10+$0x140]  }
0x1be: {  	v5 =	vbroadcast v31, $0x2;
	v50 =	vmul.f32 v57, v50;
	[tilespmem:s23+$0xFFFFFFD0] =	vst v62;
	v4 =	vld [tilespmem:s10+$0x20]  }
0x1bf: {  	v1 =	vbroadcast v28, $0x2;
	[tilespmem:s23+$0xFFFFFEE0] =	vst v60;
	v63 =	vld [tilespmem:s15+$0xFFFFFFE0];
	v2 =	vmul.f32 v2, v18  }
0x1c0: {  	[tilespmem:s6+$0xFFFFFF80] =	vst v50;
	v9 =	vld [tilespmem:s15+$0xFFFFFEF0];
	v32 =	vmul.f32 v32, v5;
	v5 =	vbroadcast v23, $0x4  }
0x1c1: {  	v19 =	vbroadcast v29, $0x2;
	v50 =	vld [tilespmem:s5+$0xFFFFFF90];
	[tilespmem:s6+$0x1B0] =	vst v2;
	v35 =	vmul.f32 v35, v1  }
0x1c2: {  	v62 =	vld [tilespmem:s5+$0x1C0];
	[tilespmem:s11+$0xFFFFFE20] =	vst v32;
	v2 =	vmul.f32 v53, v5  }
0x1c3: {  	v19 =	vmul.f32 v4, v19;
	[tilespmem:s11+$0xFFFFFF20] =	vst v35;
	v5 =	vld [tilespmem:s10+$0xFFFFFE30]  }
0x1c4: {  	v52 =	vmul.f32 v58, v52;
	[tilespmem:s11+$0x140] =	vst v2;
	v2 =	vld [tilespmem:s10+$0xFFFFFF30]  }
0x1c5: {  	[tilespmem:s11+$0x20] =	vst v19;
	v19 =	vbroadcast v13, $0xC;
	v4 =	vld [tilespmem:s10+$0x150]  }
0x1c6: {  	v51 =	vmul.f32 v59, v51;
	v54 =	vbroadcast v31, $0x3;
	[tilespmem:s6+$0xFFFFFE80] =	vst v52;
	v61 =	vld [tilespmem:s10+$0x30]  }
0x1c7: {  	v55 =	vbroadcast v28, $0x3;
	[tilespmem:s23+$0xD0] =	vst v49;
	v19 =	vmul.f32 v62, v19;
	v62 =	vld [tilespmem:s5+$0xFFFFFE90]  }
0x1c8: {  	[tilespmem:s6+$0x80] =	vst v51;
	v18 =	vld [tilespmem:s15+$0xE0];
	v35 =	vmul.f32 v5, v54;
	v5 =	vbroadcast v23, $0x5  }
0x1c9: {  	v49 =	vbroadcast v29, $0x3;
	[tilespmem:s6+$0x1C0] =	vst v19;
	v19 =	vld [tilespmem:s5+$0x90];
	v2 =	vmul.f32 v2, v55  }
0x1ca: {  	v59 =	vld [tilespmem:s5+$0x1D0];
	[tilespmem:s11+$0xFFFFFE30] =	vst v35;
	v57 =	vmul.f32 v4, v5  }
0x1cb: {  	v49 =	vmul.f32 v61, v49;
	[tilespmem:s11+$0xFFFFFF30] =	vst v2;
	v4 =	vld [tilespmem:s10+$0xFFFFFE40]  }
0x1cc: {  	v11 =	vbroadcast v11, $0xF;
	v33 =	vmul.f32 v62, v47;
	[tilespmem:s11+$0x150] =	vst v57;
	v35 =	vld [tilespmem:s10+$0xFFFFFF40]  }
0x1cd: {  	v45 =	vmul.f32 v50, v45;
	v5 =	vbroadcast v13, $0xD;
	[tilespmem:s11+$0x30] =	vst v49;
	v49 =	vld [tilespmem:s10+$0x160]  }
0x1ce: {  	v60 =	vbroadcast v31, $0x4;
	[tilespmem:s6+$0xFFFFFE90] =	vst v33;
	v19 =	vmul.f32 v19, v44;
	v57 =	vld [tilespmem:s10+$0x40]  }
0x1cf: {  	v32 =	vbroadcast v28, $0x4;
	[tilespmem:s6+$0xFFFFFF90] =	vst v45;
	v59 =	vmul.f32 v59, v5;
	v47 =	vld [tilespmem:s5+$0xFFFFFEA0]  }
0x1d0: {  	v5 =	vld [tilespmem:s5+$0xFFFFFFA0];
	[tilespmem:s6+$0x90] =	vst v19;
	v19 =	vbroadcast v23, $0x6;
	v4 =	vmul.f32 v4, v60  }
0x1d1: {  	v53 =	vbroadcast v29, $0x4;
	[tilespmem:s6+$0x1D0] =	vst v59;
	v32 =	vmul.f32 v35, v32;
	v35 =	vld [tilespmem:s5+$0xA0]  }
0x1d2: {  	v58 =	vbroadcast v28, $0x5;
	v45 =	vld [tilespmem:s5+$0x1E0];
	[tilespmem:s11+$0xFFFFFE40] =	vst v4;
	v19 =	vmul.f32 v49, v19  }
0x1d3: {  	v56 =	vbroadcast v31, $0x5;
	v55 =	vmul.f32 v57, v53;
	[tilespmem:s11+$0xFFFFFF40] =	vst v32;
	v60 =	vld [tilespmem:s10+$0xFFFFFE50]  }
0x1d4: {  	v0 =	vbroadcast v29, $0x5;
	v42 =	vmul.f32 v47, v42;
	[tilespmem:s11+$0x160] =	vst v19;
	v19 =	vld [tilespmem:s10+$0xFFFFFF50]  }
0x1d5: {  	v4 =	vbroadcast v13, $0xE;
	v41 =	vmul.f32 v5, v41;
	[tilespmem:s11+$0x40] =	vst v55;
	v5 =	vld [tilespmem:s10+$0x170]  }
0x1d6: {  	v52 =	vbroadcast v29, $0x6;
	[tilespmem:s6+$0xFFFFFEA0] =	vst v42;
	v51 =	vld [tilespmem:s10+$0x50];
	v35 =	vmul.f32 v35, v43  }
0x1d7: {  	v1 =	vbroadcast v28, $0x6;
	[tilespmem:s6+$0xFFFFFFA0] =	vst v41;
	v57 =	vmul.f32 v45, v4;
	v45 =	vld [tilespmem:s5+$0xFFFFFEB0]  }
0x1d8: {  	v50 =	vbroadcast v28, $0x8;
	v54 =	vbroadcast v31, $0x6;
	v53 =	vld [tilespmem:s5+$0xFFFFFFB0];
	[tilespmem:s6+$0xA0] =	vst v35  }
0x1d9: {  	v4 =	vbroadcast v23, $0x7;
	v60 =	vmul.f32 v60, v56;
	[tilespmem:s6+$0x1E0] =	vst v57;
	v57 =	vld [tilespmem:s5+$0xB0]  }
0x1da: {  	s13 =	simm.s32 $0x3430;
	v61 =	vbroadcast v28, $0x7;
	v19 =	vmul.f32 v19, v58;
	v49 =	vld [tilespmem:s5+$0x1F0]  }
0x1db: {  	[tilespmem:s11+$0xFFFFFE50] =	vst v60;
	v5 =	vmul.f32 v5, v4;
	v60 =	vmul.f32 v8, v14;
	v8 =	vld [tilespmem:s13+$0x10]  }
0x1dc: {  	v2 =	vbroadcast v31, $0x7;
	v0 =	vmul.f32 v51, v0;
	[tilespmem:s11+$0xFFFFFF50] =	vst v19;
	v19 =	vld [tilespmem:s10+$0xFFFFFE60]  }
0x1dd: {  	v62 =	vbroadcast v29, $0x7;
	v40 =	vmul.f32 v45, v40;
	[tilespmem:s11+$0x170] =	vst v5;
	v58 =	vld [tilespmem:s10+$0xFFFFFF60]  }
0x1de: {  	v44 =	vbroadcast v31, $0x8;
	v33 =	vbroadcast v31, $0x9;
	[tilespmem:s11+$0x50] =	vst v0;
	v0 =	vld [tilespmem:s10+$0x180]  }
0x1df: {  	v59 =	vbroadcast v29, $0x8;
	v13 =	vbroadcast v13, $0xF;
	[tilespmem:s6+$0xFFFFFEB0] =	vst v40;
	v14 =	vld [tilespmem:s10+$0x60]  }
0x1e0: {  	v32 =	vbroadcast v31, $0xA;
	v47 =	vbroadcast v28, $0xB;
	v3 =	vld [tilespmem:$0x1FF60]  }
0x1e1: {  	s12 =	simm.s32 $0x4D10;
	v45 =	vmul.f32 v30, v15;
	v40 =	vmul.f32 v48, v16;
	v48 =	vld [tilespmem:s13+$0xFFFFFFF0]  }
0x1e2: {  	v16 =	vmul.f32 v53, v38;
	v53 =	vbroadcast v23, $0x8;
	v38 =	vld [tilespmem:s12+$0xFFFFFE00]  }
0x1e3: {  	v39 =	vmul.f32 v57, v39;
	v57 =	vmul.f32 v18, v12;
	v12 =	vld [tilespmem:s12+$0x100];
	[tilespmem:s23+$0x1F0] =	vst v17  }
0x1e4: {  	v15 =	vld [tilespmem:s5+$0xFFFFFEC0];
	v13 =	vmul.f32 v49, v13;
	[tilespmem:s24+$0x1F0] =	vst v46;
	v18 =	vmul.f32 v0, v53  }
0x1e5: {  	v49 =	vld [tilespmem:s13+$0x0];
	[tilespmem:s6+$0xFFFFFFB0] =	vst v16;
	v30 =	vmul.f32 v63, v3;
	v3 =	vbroadcast v31, $0xD  }
0x1e6: {  	v19 =	vmul.f32 v19, v54;
	v54 =	vbroadcast v8, $0x0;
	v53 =	vld [tilespmem:s13+$0xFFFFFFE0];
	[tilespmem:s11+$0x180] =	vst v18  }
0x1e7: {  	v55 =	vbroadcast v29, $0xB;
	v42 =	vbroadcast v28, $0x9;
	v17 =	vld [tilespmem:s10+$0x190];
	[tilespmem:$0x1FF70] =	vst v3  }
0x1e8: {  	v41 =	vbroadcast v29, $0xA;
	v12 =	vmul.f32 v12, v54;
	[tilespmem:s6+$0xB0] =	vst v39  }
0x1e9: {  	v1 =	vmul.f32 v58, v1;
	v58 =	vmul.f32 v9, v11;
	s13 =	simm.s32 $0x8D10;
	v9 =	vld [tilespmem:s12+$0xFFFFFF00];
	[tilespmem:s6+$0x1F0] =	vst v13  }
0x1ea: {  	v16 =	vbroadcast v23, $0x9;
	v3 =	vbroadcast v28, $0xD;
	v11 =	vld [tilespmem:s5+$0xFFFFFFC0];
	[tilespmem:s13+$0x100] =	vst v12  }
0x1eb: {  	v43 =	vbroadcast v29, $0x9;
	v18 =	vmul.f32 v14, v52;
	v46 =	vld [tilespmem:s12+$0x0];
	[tilespmem:s11+$0xFFFFFE60] =	vst v19  }
0x1ec: {  	v52 =	vbroadcast v53, $0x0;
	v12 =	vld [tilespmem:s5+$0xC0];
	[tilespmem:$0x1FF80] =	vst v3;
	v16 =	vmul.f32 v17, v16  }
0x1ed: {  	v3 =	vbroadcast v29, $0xD;
	v39 =	vld [tilespmem:s10+$0xFFFFFE70];
	v17 =	vbroadcast v48, $0x0  }
0x1ee: {  	v35 =	vbroadcast v28, $0xA;
	v19 =	vmul.f32 v38, v52;
	[tilespmem:s11+$0x190] =	vst v16  }
0x1ef: {  	v56 =	vbroadcast v31, $0xB;
	v54 =	vld [tilespmem:s12+$0x110];
	v9 =	vmul.f32 v9, v17;
	[tilespmem:$0x1FF90] =	vst v3  }
0x1f0: {  	v51 =	vbroadcast v29, $0xC;
	v0 =	vbroadcast v31, $0xC;
	[tilespmem:s13+$0xFFFFFE00] =	vst v19  }
0x1f1: {  	v63 =	vbroadcast v28, $0xC;
	v17 =	vbroadcast v49, $0x0;
	[tilespmem:s13+$0xFFFFFF00] =	vst v9  }
0x1f2: {  	v11 =	vmul.f32 v11, v36;
	v2 =	vmul.f32 v39, v2;
	v19 =	vld [tilespmem:s10+$0x1A0];
	[tilespmem:s11+$0xFFFFFF60] =	vst v1  }
0x1f3: {  	v5 =	vmul.f32 v46, v17;
	v46 =	vbroadcast v8, $0x1;
	[tilespmem:s11+$0x60] =	vst v18;
	v9 =	vld [tilespmem:s12+$0xFFFFFE10]  }
0x1f4: {  	v13 =	vmul.f32 v15, v37;
	v1 =	vmul.f32 v12, v34;
	[tilespmem:s6+$0xFFFFFFC0] =	vst v11;
	v37 =	vld [tilespmem:s10+$0xFFFFFF70]  }
0x1f5: {  	v12 =	vld [tilespmem:s12+$0xFFFFFF10];
	[tilespmem:s11+$0xFFFFFE70] =	vst v2;
	v52 =	vmul.f32 v54, v46;
	v54 =	vbroadcast v23, $0xA  }
0x1f6: {  	v14 =	vbroadcast v31, $0xF;
	v18 =	vbroadcast v53, $0x1;
	[tilespmem:s13+$0x0] =	vst v5  }
0x1f7: {  	v15 =	vbroadcast v31, $0xE;
	v38 =	vld [tilespmem:s12+$0x10];
	[tilespmem:s13+$0x110] =	vst v52;
	v36 =	vmul.f32 v19, v54  }
0x1f8: {  	v39 =	vbroadcast v48, $0x1;
	[tilespmem:s6+$0xC0] =	vst v1;
	v4 =	vld [tilespmem:s12+$0x120];
	v9 =	vmul.f32 v9, v18  }
0x1f9: {  	v16 =	vbroadcast v29, $0xE;
	v34 =	vld [tilespmem:s10+$0x70];
	v1 =	vmul.f32 v37, v61;
	[tilespmem:s11+$0x1A0] =	vst v36  }
0x1fa: {  	v11 =	vbroadcast v49, $0x1;
	v39 =	vmul.f32 v12, v39;
	[tilespmem:s13+$0xFFFFFE10] =	vst v9;
	v36 =	vld [tilespmem:s10+$0x1B0]  }
0x1fb: {  	v19 =	vbroadcast v28, $0xE;
	v9 =	vbroadcast v8, $0x2;
	[tilespmem:s11+$0xFFFFFF70] =	vst v1;
	v1 =	vld [tilespmem:s10+$0xFFFFFE80]  }
0x1fc: {  	v12 =	vbroadcast v28, $0xF;
	v31 =	vmul.f32 v38, v11;
	[tilespmem:s13+$0xFFFFFF10] =	vst v39;
	v28 =	vld [tilespmem:s12+$0xFFFFFE20]  }
0x1fd: {  	[tilespmem:s6+$0xFFFFFEC0] =	vst v13;
	v11 =	vbroadcast v29, $0xF;
	v29 =	vld [tilespmem:s12+$0xFFFFFF20];
	v9 =	vmul.f32 v4, v9  }
0x1fe: {  	v2 =	vbroadcast v53, $0x2;
	v5 =	vld [tilespmem:s5+$0xFFFFFED0];
	[tilespmem:s13+$0x10] =	vst v31  }
0x1ff: {  	v34 =	vmul.f32 v34, v62;
	v46 =	vld [tilespmem:s12+$0x20];
	[tilespmem:s13+$0x120] =	vst v9;
	v9 =	vbroadcast v23, $0xB  }
0x200: {  	[tilespmem:s24+$0xFFFFFFD0] =	vst v60;
	v31 =	vbroadcast v48, $0x2;
	v54 =	vld [tilespmem:s12+$0x130];
	v1 =	vmul.f32 v1, v44  }
0x201: {  	v52 =	vbroadcast v49, $0x2;
	[tilespmem:s11+$0x70] =	vst v34;
	v61 =	vld [tilespmem:s10+$0xFFFFFF80];
	v9 =	vmul.f32 v36, v9  }
0x202: {  	v2 =	vmul.f32 v28, v2;
	v28 =	vmul.f32 v29, v31;
	v29 =	vld [tilespmem:s10+$0x80];
	[tilespmem:s11+$0xFFFFFE80] =	vst v1  }
0x203: {  	[tilespmem:s11+$0x1B0] =	vst v9;
	v9 =	vbroadcast v8, $0x3  }
0x204: {  	[tilespmem:s13+$0xFFFFFE20] =	vst v2;
	v37 =	vmul.f32 v46, v52;
	v62 =	vld [tilespmem:s10+$0x1C0]  }
0x205: {  	[tilespmem:s13+$0xFFFFFF20] =	vst v28;
	v4 =	vld [tilespmem:s12+$0xFFFFFE30];
	v9 =	vmul.f32 v54, v9  }
0x206: {  	v27 =	vmul.f32 v5, v27;
	v34 =	vmul.f32 v61, v50;
	v5 =	vld [tilespmem:s12+$0xFFFFFF30];
	[tilespmem:s13+$0x20] =	vst v37  }
0x207: {  	v61 =	vld [tilespmem:s12+$0x30];
	v29 =	vmul.f32 v29, v59;
	[tilespmem:s13+$0x130] =	vst v9;
	v9 =	vbroadcast v23, $0xC  }
0x208: {  	v36 =	vbroadcast v53, $0x3;
	[tilespmem:s11+$0xFFFFFF80] =	vst v34;
	v1 =	vld [tilespmem:s12+$0x140]  }
0x209: {  	v31 =	vbroadcast v48, $0x3;
	[tilespmem:s11+$0x80] =	vst v29;
	v29 =	vld [tilespmem:s10+$0xFFFFFF90];
	v9 =	vmul.f32 v62, v9  }
0x20a: {  	[tilespmem:s6+$0xFFFFFED0] =	vst v27;
	v2 =	vbroadcast v49, $0x3;
	v62 =	vld [tilespmem:s10+$0xFFFFFE90];
	v36 =	vmul.f32 v4, v36  }
0x20b: {  	v31 =	vmul.f32 v5, v31;
	v4 =	vbroadcast v8, $0x4;
	[tilespmem:s11+$0x1C0] =	vst v9;
	v9 =	vld [tilespmem:s10+$0x90]  }
0x20c: {  	[tilespmem:s13+$0xFFFFFE30] =	vst v36;
	v2 =	vmul.f32 v61, v2;
	v38 =	vld [tilespmem:s10+$0x1D0]  }
0x20d: {  	[tilespmem:s13+$0xFFFFFF30] =	vst v31;
	v31 =	vld [tilespmem:s12+$0xFFFFFE40];
	v1 =	vmul.f32 v1, v4  }
0x20e: {  	v39 =	vld [tilespmem:s5+$0xD0];
	[tilespmem:s13+$0x30] =	vst v2;
	v29 =	vmul.f32 v29, v42  }
0x20f: {  	v5 =	vbroadcast v23, $0xD;
	v34 =	vld [tilespmem:s12+$0xFFFFFF40];
	v33 =	vmul.f32 v62, v33;
	[tilespmem:s13+$0x140] =	vst v1  }
0x210: {  	v28 =	vbroadcast v53, $0x4;
	v1 =	vld [tilespmem:s12+$0x40];
	[tilespmem:s11+$0xFFFFFF90] =	vst v29;
	v9 =	vmul.f32 v9, v43  }
0x211: {  	v29 =	vld [tilespmem:s5+$0xFFFFFFD0];
	[tilespmem:s11+$0xFFFFFE90] =	vst v33;
	v37 =	vmul.f32 v38, v5  }
0x212: {  	v46 =	vbroadcast v48, $0x4;
	v4 =	vld [tilespmem:s12+$0x150];
	v28 =	vmul.f32 v31, v28;
	[tilespmem:s11+$0x90] =	vst v9  }
0x213: {  	v3 =	vbroadcast v48, $0x8;
	v62 =	vld [tilespmem:s10+$0xFFFFFEA0];
	[tilespmem:s11+$0x1D0] =	vst v37  }
0x214: {  	v50 =	vbroadcast v49, $0x4;
	v31 =	vmul.f32 v34, v46;
	v9 =	vld [tilespmem:s10+$0xFFFFFFA0];
	[tilespmem:s13+$0xFFFFFE40] =	vst v28  }
0x215: {  	v27 =	vld [tilespmem:s10+$0xA0];
	[tilespmem:$0x1FFA0] =	vst v3;
	v3 =	vbroadcast v49, $0x8  }
0x216: {  	v1 =	vmul.f32 v1, v50;
	[tilespmem:s13+$0xFFFFFF40] =	vst v31  }
0x217: {  	v5 =	vbroadcast v8, $0x5;
	v34 =	vld [tilespmem:s10+$0x1E0];
	[tilespmem:$0x1FFB0] =	vst v3  }
0x218: {  	[tilespmem:s13+$0x40] =	vst v1;
	v1 =	vbroadcast v53, $0x9  }
0x219: {  	v33 =	vmul.f32 v4, v5  }
0x21a: {  	v46 =	vmul.f32 v29, v26;
	v26 =	vld [tilespmem:s12+$0xFFFFFE50];
	[tilespmem:$0x1FFC0] =	vst v1  }
0x21b: {  	v28 =	vmul.f32 v62, v32;
	[tilespmem:s13+$0x150] =	vst v33  }
0x21c: {  	v1 =	vmul.f32 v9, v35;
	v9 =	vld [tilespmem:s12+$0xFFFFFF50];
	[tilespmem:s24+$0xD0] =	vst v45  }
0x21d: {  	v27 =	vmul.f32 v27, v41;
	v29 =	vld [tilespmem:s12+$0x50];
	[tilespmem:s11+$0xFFFFFEA0] =	vst v28  }
0x21e: {  	v10 =	vbroadcast v10, $0xF;
	v17 =	vbroadcast v53, $0xF;
	v28 =	vld [tilespmem:s5+$0xFFFFFEE0];
	[tilespmem:s24+$0xFFFFFEE0] =	vst v40  }
0x21f: {  	v52 =	vbroadcast v53, $0x5;
	v45 =	vmul.f32 v39, v25;
	[tilespmem:s11+$0xA0] =	vst v27;
	v25 =	vld [tilespmem:s12+$0x160]  }
0x220: {  	v44 =	vbroadcast v53, $0x7;
	v31 =	vbroadcast v23, $0xE;
	[tilespmem:s11+$0xFFFFFFA0] =	vst v1;
	v1 =	vld [tilespmem:s18+$0xFFFFFFE0]  }
0x221: {  	v54 =	vbroadcast v48, $0x5;
	[tilespmem:s23+$0xFFFFFFE0] =	vst v30;
	v26 =	vmul.f32 v26, v52;
	v52 =	vld [tilespmem:s10+$0xFFFFFEB0]  }
0x222: {  	v36 =	vbroadcast v49, $0x5;
	v31 =	vmul.f32 v34, v31;
	[tilespmem:s23+$0xE0] =	vst v57;
	v4 =	vld [tilespmem:s10+$0xB0]  }
0x223: {  	v59 =	vbroadcast v53, $0x6;
	v62 =	vbroadcast v8, $0x6;
	[tilespmem:s23+$0xFFFFFEF0] =	vst v58;
	v5 =	vld [tilespmem:s18+$0xE0]  }
0x224: {  	[tilespmem:s11+$0x1E0] =	vst v31;
	v9 =	vmul.f32 v9, v54;
	v27 =	vmul.f32 v29, v36;
	v54 =	vld [tilespmem:s10+$0xFFFFFFB0]  }
0x225: {  	[tilespmem:s13+$0xFFFFFE50] =	vst v26;
	v26 =	vld [tilespmem:s10+$0x1F0];
	v50 =	vmul.f32 v28, v24;
	v25 =	vmul.f32 v25, v62  }
0x226: {  	v24 =	vmul.f32 v52, v56;
	[tilespmem:s13+$0xFFFFFF50] =	vst v9;
	v56 =	vmul.f32 v1, v22;
	v1 =	vld [tilespmem:s12+$0xFFFFFE60]  }
0x227: {  	v61 =	vbroadcast v49, $0x6;
	v2 =	vbroadcast v48, $0x6;
	[tilespmem:s13+$0x50] =	vst v27;
	v22 =	vld [tilespmem:s12+$0xFFFFFF60]  }
0x228: {  	v23 =	vbroadcast v23, $0xF;
	[tilespmem:s13+$0x160] =	vst v25;
	v25 =	vmul.f32 v4, v55;
	v60 =	vld [tilespmem:s12+$0x60]  }
0x229: {  	v55 =	vmul.f32 v5, v20;
	v20 =	vld [tilespmem:s12+$0x170];
	[tilespmem:s11+$0xFFFFFEB0] =	vst v24;
	v9 =	vmul.f32 v54, v47  }
0x22a: {  	v42 =	vbroadcast v48, $0x7;
	v3 =	vbroadcast v48, $0xD;
	v24 =	vld [tilespmem:s18+$0xFFFFFEF0];
	[tilespmem:s11+$0xB0] =	vst v25  }
0x22b: {  	v43 =	vbroadcast v49, $0x7;
	v23 =	vmul.f32 v26, v23;
	v54 =	vld [tilespmem:s10+$0xFFFFFEC0];
	[tilespmem:s11+$0xFFFFFFB0] =	vst v9  }
0x22c: {  	v38 =	vbroadcast v48, $0x9;
	v9 =	vld [tilespmem:s15+$0xFFFFFFF0];
	[tilespmem:$0x1FFD0] =	vst v3;
	v3 =	vbroadcast v49, $0xD  }
0x22d: {  	v37 =	vbroadcast v53, $0x8;
	v1 =	vmul.f32 v1, v59;
	v57 =	vld [tilespmem:s10+$0xFFFFFFC0];
	[tilespmem:s11+$0x1F0] =	vst v23  }
0x22e: {  	v2 =	vmul.f32 v22, v2;
	v22 =	vbroadcast v8, $0x7;
	[tilespmem:$0x1FFE0] =	vst v3  }
0x22f: {  	v32 =	vbroadcast v49, $0xC;
	v52 =	vmul.f32 v60, v61;
	[tilespmem:s13+$0xFFFFFE60] =	vst v1  }
0x230: {  	v41 =	vbroadcast v49, $0x9;
	v20 =	vmul.f32 v20, v22;
	[tilespmem:s13+$0xFFFFFF60] =	vst v2  }
0x231: {  	v35 =	vbroadcast v48, $0xA;
	v0 =	vmul.f32 v54, v0;
	[tilespmem:s13+$0x60] =	vst v52  }
0x232: {  	v54 =	vmul.f32 v9, v10;
	[tilespmem:s13+$0x170] =	vst v20;
	v9 =	vmul.f32 v57, v63  }
0x233: {  	v39 =	vbroadcast v53, $0xA;
	v40 =	vbroadcast v49, $0xA;
	v5 =	vld [tilespmem:s10+$0xC0];
	[tilespmem:s11+$0xFFFFFEC0] =	vst v0  }
0x234: {  	v34 =	vbroadcast v49, $0xB;
	v33 =	vbroadcast v53, $0xC;
	v1 =	vld [tilespmem:s15+$0xF0];
	[tilespmem:s11+$0xFFFFFFC0] =	vst v9  }
0x235: {  	v31 =	vbroadcast v48, $0xC;
	v36 =	vbroadcast v53, $0xB;
	v0 =	vld [tilespmem:$0x1FFF0]  }
0x236: {  	v29 =	vbroadcast v48, $0xB;
	v62 =	vbroadcast v53, $0xE;
	v59 =	vld [tilespmem:s12+$0xFFFFFE70]  }
0x237: {  	v27 =	vbroadcast v48, $0xF;
	v47 =	vbroadcast v53, $0xD;
	v60 =	vld [tilespmem:s12+$0xFFFFFF70]  }
0x238: {  	v25 =	vbroadcast v49, $0xF;
	v58 =	vmul.f32 v24, v21;
	v53 =	vld [tilespmem:s12+$0x70]  }
0x239: {  	s14 =	simm.s32 $0x4D10;
	v24 =	vbroadcast v48, $0xE;
	v2 =	vmul.f32 v5, v51;
	v51 =	vld [tilespmem:s12+$0x180]  }
0x23a: {  	s7 =	simm.s32 $0x8D10;
	s16 =	simm.s32 $0x3470;
	v22 =	vbroadcast v49, $0xE;
	s15 =	simm.s32 $0x10;
	v52 =	vmul.f32 v1, v0;
	v0 =	vld [tilespmem:s10+$0xFFFFFED0]  }
.LBB2_7:
0x23b: {  	v49 =	vld [tilespmem:s16+$0x10];
	v1 =	vmul.f32 v59, v44  }
0x23c: {  	[tilespmem:s11+$0xC0] =	vst v2;
	v9 =	vld [tilespmem:s16+$0xFFFFFFF0];
	s12 =	sadd.s32 $0x400, s12  }
0x23d: {  	v5 =	vld [tilespmem:s12+$0x100];
	[tilespmem:s13+$0xFFFFFE70] =	vst v1;
	v1 =	vmul.f32 v53, v43  }
0x23e: {  	[tilespmem:s6+$0xFFFFFFD0] =	vst v46;
	v48 =	vld [tilespmem:s16+$0x0]  }
0x23f: {  	v4 =	vbroadcast v8, $0x8;
	v2 =	vmul.f32 v60, v42;
	[tilespmem:s13+$0x70] =	vst v1;
	v1 =	vld [tilespmem:$0x1FF70]  }
0x240: {  	[tilespmem:s6+$0xD0] =	vst v45;
	v53 =	vbroadcast v49, $0x0  }
0x241: {  	[tilespmem:s13+$0xFFFFFF70] =	vst v2;
	v2 =	vmul.f32 v51, v4  }
0x242: {  	v42 =	vmul.f32 v5, v53;
	v44 =	vld [tilespmem:s12+$0x0];
	[tilespmem:s24+$0xE0] =	vst v55  }
0x243: {  	v51 =	vld [tilespmem:s16+$0xFFFFFFE0];
	[tilespmem:s13+$0x180] =	vst v2;
	s13 =	sadd.s32 $0x400, s13  }
0x244: {  	v46 =	vld [tilespmem:s14+$0x190];
	[tilespmem:s13+$0x100] =	vst v42;
	v0 =	vmul.f32 v0, v1;
	v1 =	vmov v47  }
0x245: {  	v5 =	vld [tilespmem:s14+$0x80];
	[tilespmem:$0x1FF70] =	vst v1  }
0x246: {  	v45 =	vbroadcast v48, $0x0;
	v1 =	vld [tilespmem:s12+$0xFFFFFE00];
	[tilespmem:s11+$0xFFFFFED0] =	vst v0  }
0x247: {  	v0 =	vld [tilespmem:s12+$0xFFFFFF00];
	[tilespmem:s24+$0xFFFFFFE0] =	vst v56  }
0x248: {  	v59 =	vbroadcast v8, $0x9;
	v44 =	vmul.f32 v44, v45;
	[tilespmem:s6+$0xFFFFFEE0] =	vst v50;
	v50 =	vld [tilespmem:s12+$0x110]  }
0x249: {  	v47 =	vbroadcast v51, $0x0;
	v4 =	vld [tilespmem:s14+$0xFFFFFF80]  }
0x24a: {  	v2 =	vbroadcast v9, $0x0;
	v42 =	vmul.f32 v46, v59;
	v45 =	vld [tilespmem:s10+$0xFFFFFFD0];
	[tilespmem:s13+$0x0] =	vst v44  }
0x24b: {  	v63 =	vld [tilespmem:s14+$0xFFFFFE80];
	[tilespmem:s24+$0xFFFFFEF0] =	vst v58;
	v1 =	vmul.f32 v1, v47  }
0x24c: {  	v60 =	vbroadcast v49, $0x1;
	v44 =	vld [tilespmem:s12+$0x10];
	[tilespmem:s7+$0x190] =	vst v42;
	v0 =	vmul.f32 v0, v2  }
0x24d: {  	v42 =	vld [tilespmem:s14+$0x1A0];
	[tilespmem:s13+$0xFFFFFE00] =	vst v1  }
0x24e: {  	v50 =	vmul.f32 v50, v60;
	v56 =	vld [tilespmem:s12+$0xFFFFFE10];
	[tilespmem:s13+$0xFFFFFF00] =	vst v0  }
0x24f: {  	[tilespmem:$0x1FEE0] =	vst v11;
	v61 =	vbroadcast v48, $0x1;
	v58 =	vld [tilespmem:s12+$0xFFFFFF10]  }
0x250: {  	v20 =	vmov v29;
	v29 =	vmov v62;
	v53 =	vbroadcast v51, $0x1;
	v62 =	vld [tilespmem:s10+$0xD0];
	[tilespmem:s13+$0x110] =	vst v50  }
0x251: {  	v59 =	vbroadcast v8, $0xA;
	[tilespmem:s23+$0xF0] =	vst v52;
	v61 =	vmul.f32 v44, v61;
	v11 =	vld [tilespmem:s12+$0x120]  }
0x252: {  	v43 =	vbroadcast v9, $0x1;
	[tilespmem:s23+$0xFFFFFFF0] =	vst v54  }
0x253: {  	v42 =	vmul.f32 v42, v59;
	v59 =	vld [tilespmem:s5+$0xFFFFFFE0];
	[tilespmem:s13+$0x10] =	vst v61;
	v53 =	vmul.f32 v56, v53  }
0x254: {  	[tilespmem:$0x1FED0] =	vst v12;
	v28 =	vmovc v22;
	v22 =	vmov v15;
	v15 =	vld [tilespmem:s12+$0x20];
	v43 =	vmul.f32 v58, v43;
	v58 =	vbroadcast v49, $0x2  }
0x255: {  	s23 =	smov.u32 s24;
	v56 =	vld [tilespmem:s10+$0xFFFFFEE0];
	[tilespmem:s13+$0xFFFFFE10] =	vst v53  }
0x256: {  	s24 =	smov.u32 s6;
	s6 =	smov.u32 s11;
	s11 =	smov.u32 s7;
	v13 =	vld [tilespmem:s12+$0xFFFFFE20];
	[tilespmem:s13+$0xFFFFFF10] =	vst v43;
	v11 =	vmul.f32 v11, v58  }
0x257: {  	v21 =	vmov v14;
	[tilespmem:s11+$0x1A0] =	vst v42;
	v14 =	vld [tilespmem:s12+$0xFFFFFF20]  }
0x258: {  	v12 =	vld [tilespmem:s14+$0x1B0];
	[tilespmem:s13+$0x120] =	vst v11  }
0x259: {  	v57 =	vbroadcast v9, $0x2;
	v3 =	vbroadcast v51, $0x2;
	v18 =	vld [tilespmem:s12+$0x130]  }
0x25a: {  	v26 =	vmov v17;
	v17 =	vbroadcast v9, $0x8;
	v11 =	vbroadcast v8, $0xB  }
0x25b: {  	v2 =	vbroadcast v48, $0x2;
	v58 =	vld [tilespmem:s5+$0xFFFFFEF0];
	v3 =	vmul.f32 v13, v3  }
0x25c: {  	v13 =	vmul.f32 v14, v57;
	v14 =	vbroadcast v49, $0x3;
	v57 =	vld [tilespmem:s18+$0xFFFFFFF0]  }
0x25d: {  	v2 =	vmul.f32 v15, v2;
	[tilespmem:s13+$0xFFFFFE20] =	vst v3;
	v3 =	vld [tilespmem:$0x1FFA0]  }
0x25e: {  	v10 =	vmul.f32 v12, v11;
	v11 =	vmov v17;
	[tilespmem:s13+$0xFFFFFF20] =	vst v13;
	v13 =	vmul.f32 v18, v14;
	v14 =	vld [tilespmem:$0x1FFB0]  }
0x25f: {  	[tilespmem:$0x1FFA0] =	vst v11;
	v11 =	vld [tilespmem:s12+$0xFFFFFE30]  }
0x260: {  	v61 =	vld [tilespmem:s5+$0xE0];
	[tilespmem:s13+$0x20] =	vst v2  }
0x261: {  	v2 =	vld [tilespmem:s12+$0x30];
	v12 =	vmul.f32 v63, v37;
	[tilespmem:s11+$0x1B0] =	vst v10  }
0x262: {  	v1 =	vbroadcast v51, $0x3;
	v3 =	vmul.f32 v4, v3;
	v4 =	vld [tilespmem:s14+$0x1C0]  }
0x263: {  	[tilespmem:s11+$0xFFFFFE80] =	vst v12;
	v5 =	vmul.f32 v5, v14  }
0x264: {  	v7 =	vbroadcast v48, $0x3;
	[tilespmem:s13+$0x130] =	vst v13;
	v1 =	vmul.f32 v11, v1  }
0x265: {  	v15 =	vld [tilespmem:s12+$0xFFFFFF30];
	v13 =	vbroadcast v8, $0xC;
	[tilespmem:s11+$0x80] =	vst v5  }
0x266: {  	v10 =	vld [tilespmem:s14+$0xFFFFFE90];
	[tilespmem:s13+$0xFFFFFE30] =	vst v1;
	v1 =	vmul.f32 v2, v7  }
0x267: {  	[tilespmem:s11+$0xFFFFFF80] =	vst v3;
	v3 =	vmul.f32 v4, v13;
	v13 =	vld [tilespmem:s14+$0x90]  }
0x268: {  	v30 =	vmovc v24;
	v24 =	vmov v19;
	v6 =	vbroadcast v9, $0x3;
	v19 =	vbroadcast v48, $0x8;
	[tilespmem:s13+$0x30] =	vst v1;
	v1 =	vld [tilespmem:$0x1FFC0]  }
0x269: {  	v63 =	vld [tilespmem:s12+$0x140]  }
0x26a: {  	v14 =	vmov v19;
	v5 =	vmul.f32 v15, v6  }
0x26b: {  	[tilespmem:$0x1FFB0] =	vst v14;
	v14 =	vbroadcast v51, $0x9;
	v11 =	vld [tilespmem:s14+$0xFFFFFF90]  }
0x26c: {  	v6 =	vbroadcast v49, $0x4;
	[tilespmem:s13+$0xFFFFFF30] =	vst v5  }
0x26d: {  	v15 =	vld [tilespmem:s12+$0xFFFFFE40];
	[tilespmem:s11+$0x1C0] =	vst v3;
	v1 =	vmul.f32 v10, v1;
	v10 =	vmov v14  }
0x26e: {  	v17 =	vbroadcast v48, $0x9;
	v2 =	vmul.f32 v63, v6;
	[tilespmem:$0x1FFC0] =	vst v10;
	v10 =	vld [tilespmem:s12+$0x40]  }
0x26f: {  	v23 =	vmov v16;
	v16 =	vbroadcast v51, $0x8;
	v7 =	vld [tilespmem:s14+$0x1D0];
	v13 =	vmul.f32 v13, v41;
	[tilespmem:s11+$0xFFFFFE90] =	vst v1  }
0x270: {  	v47 =	vbroadcast v51, $0x4;
	[tilespmem:s13+$0x140] =	vst v2;
	v11 =	vmul.f32 v11, v38;
	v41 =	vmov v17;
	v17 =	vld [tilespmem:s14+$0xFFFFFEA0]  }
0x271: {  	v46 =	vbroadcast v48, $0x4;
	v37 =	vmov v16;
	v16 =	vbroadcast v9, $0x9;
	v6 =	vld [tilespmem:s12+$0xFFFFFF40];
	[tilespmem:s11+$0x90] =	vst v13  }
0x272: {  	v14 =	vbroadcast v8, $0xD;
	[tilespmem:s11+$0xFFFFFF90] =	vst v11;
	v11 =	vmul.f32 v15, v47;
	v13 =	vld [tilespmem:s14+$0xA0]  }
0x273: {  	v38 =	vmov v16;
	v16 =	vld [tilespmem:s12+$0x150];
	v10 =	vmul.f32 v10, v46  }
0x274: {  	v0 =	vbroadcast v9, $0x4;
	v7 =	vmul.f32 v7, v14;
	v14 =	vld [tilespmem:s14+$0xFFFFFFA0];
	[tilespmem:s13+$0xFFFFFE40] =	vst v11  }
0x275: {  	v15 =	vld [tilespmem:s12+$0xFFFFFE50];
	[tilespmem:s13+$0x40] =	vst v10;
	v10 =	vmul.f32 v17, v39  }
0x276: {  	v0 =	vmul.f32 v6, v0;
	[tilespmem:s11+$0x1D0] =	vst v7;
	v17 =	vld [tilespmem:$0x1FF80]  }
0x277: {  	v6 =	vbroadcast v49, $0x5;
	[tilespmem:s11+$0xFFFFFEA0] =	vst v10;
	v10 =	vmul.f32 v13, v40;
	v13 =	vld [tilespmem:$0x1FF90]  }
0x278: {  	v18 =	vbroadcast v51, $0xA;
	v11 =	vld [tilespmem:s14+$0x1E0]  }
0x279: {  	v6 =	vmul.f32 v16, v6  }
0x27a: {  	v12 =	vbroadcast v48, $0xA;
	v39 =	vmov v18;
	v18 =	vld [tilespmem:$0x1FFD0]  }
0x27b: {  	[tilespmem:s13+$0x150] =	vst v6;
	v6 =	vmul.f32 v14, v35;
	v14 =	vbroadcast v8, $0xE  }
0x27c: {  	[tilespmem:s13+$0xFFFFFF40] =	vst v0;
	v46 =	vmul.f32 v45, v17;
	v45 =	vmul.f32 v62, v13;
	v13 =	vld [tilespmem:$0x1FFE0]  }
0x27d: {  	v16 =	vld [tilespmem:s12+$0xFFFFFF50];
	v7 =	vbroadcast v9, $0xD;
	[tilespmem:s11+$0xFFFFFFA0] =	vst v6;
	v6 =	vmul.f32 v11, v14;
	_ =	sdelay $0x1  }
0x27e: {  	v19 =	vbroadcast v9, $0xA;
	v17 =	vmov v18;
	v18 =	vmov v7;
	v7 =	vld [tilespmem:s12+$0x160];
	[tilespmem:s11+$0x1E0] =	vst v6  }
0x27f: {  	v55 =	vbroadcast v9, $0x5;
	v60 =	vbroadcast v51, $0x5;
	[tilespmem:$0x1FF80] =	vst v17;
	v17 =	vld [tilespmem:s12+$0x50]  }
0x280: {  	v0 =	vbroadcast v48, $0xD;
	v35 =	vmovc v19;
	v19 =	vbroadcast v49, $0x6;
	v40 =	vmovc v12;
	v14 =	vld [tilespmem:s14+$0xFFFFFFB0];
	[tilespmem:s11+$0xA0] =	vst v10;
	v12 =	vmov v13  }
0x281: {  	v10 =	vmul.f32 v16, v55;
	v13 =	vld [tilespmem:s14+$0xFFFFFEB0];
	[tilespmem:$0x1FF90] =	vst v12;
	v12 =	vbroadcast v51, $0xE  }
0x282: {  	v50 =	vbroadcast v48, $0x5;
	v11 =	vmov v0;
	v0 =	vmul.f32 v15, v60;
	[tilespmem:$0x1FFD0] =	vst v18;
	v16 =	vld [tilespmem:s14+$0xB0]  }
0x283: {  	[tilespmem:s13+$0xFFFFFF50] =	vst v10;
	v7 =	vmul.f32 v7, v19;
	v62 =	vmov v12;
	v12 =	vld [tilespmem:$0x1FF10]  }
0x284: {  	v10 =	vld [tilespmem:s12+$0xFFFFFF60];
	[tilespmem:s13+$0xFFFFFE50] =	vst v0;
	v0 =	vmul.f32 v17, v50  }
0x285: {  	v3 =	vbroadcast v9, $0xB;
	v17 =	vld [tilespmem:s14+$0x1F0];
	[tilespmem:s13+$0x160] =	vst v7;
	v7 =	vmul.f32 v14, v20  }
0x286: {  	v18 =	vld [tilespmem:s12+$0xFFFFFE60];
	[tilespmem:s13+$0x50] =	vst v0;
	v0 =	vmul.f32 v13, v36  }
0x287: {  	v53 =	vbroadcast v9, $0x6;
	v15 =	vmovc v29;
	v29 =	vmov v3;
	v50 =	vmul.f32 v56, v22;
	v3 =	vld [tilespmem:s12+$0x170];
	[tilespmem:s11+$0xFFFFFFB0] =	vst v7  }
0x288: {  	v13 =	vld [tilespmem:$0x1FF20];
	[tilespmem:s11+$0xFFFFFEB0] =	vst v0;
	v0 =	vmul.f32 v16, v34;
	v56 =	vmul.f32 v59, v12;
	v12 =	vmov v23  }
0x289: {  	v52 =	vbroadcast v51, $0x6;
	v14 =	vbroadcast v8, $0xF;
	v8 =	vmov v49;
	[tilespmem:$0x1FF20] =	vst v12;
	v12 =	vld [tilespmem:s14+$0xFFFFFFC0]  }
0x28a: {  	v60 =	vld [tilespmem:s12+$0x60];
	[tilespmem:s11+$0xB0] =	vst v0;
	v0 =	vmul.f32 v10, v53;
	v10 =	vbroadcast v8, $0x7  }
0x28b: {  	v2 =	vbroadcast v9, $0xC;
	[tilespmem:$0x1FFE0] =	vst v11;
	v11 =	vbroadcast v9, $0xE  }
0x28c: {  	v6 =	vbroadcast v48, $0xE;
	v10 =	vmul.f32 v3, v10;
	v3 =	vld [tilespmem:$0x1FF30]  }
0x28d: {  	v59 =	vmov v24;
	v24 =	vmov v11;
	v11 =	vld [tilespmem:s14+$0xFFFFFEC0]  }
0x28e: {  	v22 =	vmovc v6;
	v6 =	vmul.f32 v18, v52;
	[tilespmem:s13+$0x170] =	vst v10;
	v10 =	vmul.f32 v12, v31;
	v31 =	vmov v2;
	v2 =	vld [tilespmem:$0x1FF40];
	_ =	sdelay $0x1  }
0x28f: {  	[tilespmem:s13+$0xFFFFFE60] =	vst v6  }
0x290: {  	[tilespmem:$0x1FF10] =	vst v59;
	v59 =	vld [tilespmem:s12+$0xFFFFFE70];
	v58 =	vmul.f32 v58, v3;
	v3 =	vmov v21  }
0x291: {  	v55 =	vmul.f32 v61, v13;
	v13 =	vld [tilespmem:s14+$0xC0];
	[tilespmem:$0x1FF30] =	vst v3;
	v3 =	vmul.f32 v11, v33  }
0x292: {  	v61 =	vmov v2;
	v2 =	vld [tilespmem:$0x1FED0]  }
0x293: {  	v4 =	vbroadcast v51, $0xB;
	[tilespmem:s11+$0xFFFFFEC0] =	vst v3;
	v3 =	vld [tilespmem:$0x1FF50]  }
0x294: {  	v63 =	vbroadcast v51, $0xC;
	v7 =	vmul.f32 v17, v14  }
0x295: {  	v54 =	vbroadcast v48, $0x6;
	v1 =	vbroadcast v48, $0xC  }
0x296: {  	v36 =	vmov v4;
	[tilespmem:s11+$0x1F0] =	vst v7;
	v7 =	vld [tilespmem:s18+$0xF0]  }
0x297: {  	v4 =	vmul.f32 v60, v54;
	[tilespmem:s13+$0xFFFFFF60] =	vst v0;
	v0 =	vmovc v2;
	v2 =	vmul.f32 v13, v32;
	v32 =	vmov v1;
	v1 =	vld [tilespmem:$0x1FF00]  }
0x298: {  	s15 =	sadd.s32 $0x4, s15;
	v33 =	vmov v63;
	v63 =	vmov v3;
	v3 =	vld [tilespmem:$0x1FEE0]  }
0x299: {  	p0 =	slt.u32 s15, $0x3C;
	v44 =	vbroadcast v51, $0x7;
	v42 =	vbroadcast v9, $0x7;
	v54 =	vld [tilespmem:$0x1FEF0];
	[tilespmem:s13+$0x60] =	vst v4  }
.Ltmp2:
0x29a: {  	v43 =	vbroadcast v48, $0x7;
	v5 =	vbroadcast v48, $0xB;
	v60 =	vld [tilespmem:s12+$0xFFFFFF70];
	[tilespmem:s11+$0xFFFFFFC0] =	vst v10;
	(pc) =	sbr.rel @p0 .LBB2_7-.Ltmp2, $4  }
0x29b: {  	v47 =	vbroadcast v51, $0xD;
	v51 =	vbroadcast v51, $0xF;
	[tilespmem:$0x1FEF0] =	vst v61  }
0x29c: {  	v9 =	vbroadcast v9, $0xF;
	v19 =	vmovc v30;
	v14 =	vmov v26;
	v6 =	vbroadcast v48, $0xF;
	v53 =	vld [tilespmem:s12+$0x70];
	[tilespmem:$0x1FF40] =	vst v0  }
0x29d: {  	v17 =	vmovc v51;
	v34 =	vmovc v5;
	v16 =	vmov v28;
	s18 =	smov.u32 s5;
	s5 =	smov.u32 s10;
	s10 =	smov.u32 s14;
	v51 =	vld [tilespmem:s12+$0x180];
	[tilespmem:$0x1FF00] =	vst v63;
	v52 =	vmul.f32 v7, v1;
	v1 =	vmov v3  }
0x29e: {  	s16 =	sadd.s32 $0x40, s16;
	s7 =	smov.u32 s13;
	s14 =	smov.u32 s12;
	v54 =	vmul.f32 v57, v54;
	v12 =	vmovc v27;
	v27 =	vmovc v9;
	v11 =	vmov v25;
	v25 =	vmov v6;
	v0 =	vld [tilespmem:s10+$0xFFFFFED0];
	[tilespmem:$0x1FF50] =	vst v1  }
0x29f: {  	_ = 	snop  }
0x2a0: {  	v1 =	vbroadcast v8, $0x8  }
0x2a1: {  	v3 =	vmul.f32 v59, v44  }
0x2a2: {  	v1 =	vmul.f32 v51, v1  }
0x2a3: {  	[tilespmem:s13+$0xFFFFFE70] =	vst v3  }
0x2a4: {  	v3 =	vld [tilespmem:s14+$0xFFFFFE80];
	[tilespmem:s13+$0x180] =	vst v1  }
0x2a5: {  	v1 =	vld [tilespmem:s14+$0x190];
	_ =	sdelay $0x1  }
0x2a6: {  	v4 =	vmul.f32 v60, v42  }
0x2a7: {  	v5 =	vbroadcast v8, $0x9;
	v6 =	vmul.f32 v53, v43  }
0x2a8: {  	[tilespmem:s13+$0xFFFFFF70] =	vst v4;
	v44 =	vmul.f32 v3, v37  }
0x2a9: {  	[tilespmem:s13+$0x70] =	vst v6;
	v1 =	vmul.f32 v1, v5  }
0x2aa: {  	v4 =	vld [tilespmem:s14+$0xFFFFFF80];
	[tilespmem:s7+$0xFFFFFE80] =	vst v44  }
0x2ab: {  	v43 =	vld [tilespmem:s14+$0x80];
	[tilespmem:s7+$0x190] =	vst v1  }
0x2ac: {  	v7 =	vld [tilespmem:$0x1FFA0]  }
0x2ad: {  	v51 =	vld [tilespmem:$0x1FFB0]  }
0x2ae: {  	v48 =	vld [tilespmem:s14+$0x1A0];
	_ =	sdelay $0x2  }
0x2af: {  	v49 =	vbroadcast v8, $0xA;
	v4 =	vmul.f32 v4, v7  }
0x2b0: {  	v5 =	vmul.f32 v43, v51  }
0x2b1: {  	v3 =	vmul.f32 v48, v49;
	[tilespmem:s7+$0xFFFFFF80] =	vst v4  }
0x2b2: {  	[tilespmem:s7+$0x80] =	vst v5  }
0x2b3: {  	v1 =	vld [tilespmem:s14+$0xFFFFFE90];
	[tilespmem:s7+$0x1A0] =	vst v3  }
0x2b4: {  	v5 =	vld [tilespmem:$0x1FFC0];
	_ =	sdelay $0x1  }
0x2b5: {  	v4 =	vld [tilespmem:s14+$0xFFFFFF90]  }
0x2b6: {  	v53 =	vld [tilespmem:s14+$0x90]  }
0x2b7: {  	v57 =	vld [tilespmem:s14+$0x1B0]  }
0x2b8: {  	v1 =	vmul.f32 v1, v5;
	_ =	sdelay $0x1  }
0x2b9: {  	v59 =	vbroadcast v8, $0xB;
	v4 =	vmul.f32 v4, v38;
	[tilespmem:s7+$0xFFFFFE90] =	vst v1  }
0x2ba: {  	[tilespmem:s24+$0xFFFFFFE0] =	vst v56;
	v3 =	vmul.f32 v53, v41;
	v1 =	vld [tilespmem:s14+$0xFFFFFEA0]  }
0x2bb: {  	v5 =	vmul.f32 v57, v59;
	[tilespmem:s7+$0xFFFFFF90] =	vst v4  }
0x2bc: {  	[tilespmem:s7+$0x90] =	vst v3;
	v4 =	vld [tilespmem:s14+$0xFFFFFFA0]  }
0x2bd: {  	[tilespmem:s7+$0x1B0] =	vst v5;
	v3 =	vld [tilespmem:s14+$0xA0]  }
0x2be: {  	[tilespmem:s24+$0xE0] =	vst v55;
	v5 =	vld [tilespmem:s14+$0x1C0]  }
0x2bf: {  	[tilespmem:s23+$0xFFFFFFF0] =	vst v54;
	v1 =	vmul.f32 v1, v39  }
0x2c0: {  	[tilespmem:s23+$0xF0] =	vst v52  }
0x2c1: {  	v61 =	vbroadcast v8, $0xC;
	v4 =	vmul.f32 v4, v35;
	[tilespmem:s7+$0xFFFFFEA0] =	vst v1  }
0x2c2: {  	[tilespmem:s24+$0xFFFFFEF0] =	vst v58;
	v3 =	vmul.f32 v3, v40;
	v1 =	vld [tilespmem:s14+$0xFFFFFEB0]  }
0x2c3: {  	v5 =	vmul.f32 v5, v61;
	[tilespmem:s7+$0xFFFFFFA0] =	vst v4  }
0x2c4: {  	[tilespmem:s7+$0xA0] =	vst v3  }
0x2c5: {  	v60 =	vld [tilespmem:s18+$0xFFFFFFF0];
	[tilespmem:s7+$0x1C0] =	vst v5  }
0x2c6: {  	v63 =	vld [tilespmem:$0x1FEF0]  }
0x2c7: {  	v9 =	vld [tilespmem:s18+$0xF0];
	v1 =	vmul.f32 v1, v36  }
0x2c8: {  	v4 =	vld [tilespmem:s14+$0xFFFFFFB0]  }
0x2c9: {  	v3 =	vld [tilespmem:s14+$0xB0];
	[tilespmem:s7+$0xFFFFFEB0] =	vst v1  }
0x2ca: {  	v1 =	vld [tilespmem:$0x1FF00]  }
0x2cb: {  	v6 =	vmul.f32 v60, v63  }
0x2cc: {  	v5 =	vld [tilespmem:s14+$0x1D0]  }
0x2cd: {  	v4 =	vmul.f32 v4, v29;
	[tilespmem:s24+$0xFFFFFFF0] =	vst v6  }
0x2ce: {  	v13 =	vmul.f32 v3, v34;
	[tilespmem:s11+$0xC0] =	vst v2  }
0x2cf: {  	v10 =	vbroadcast v8, $0xD;
	[tilespmem:s7+$0xFFFFFFB0] =	vst v4;
	v1 =	vmul.f32 v9, v1  }
0x2d0: {  	[tilespmem:s7+$0xB0] =	vst v13  }
0x2d1: {  	[tilespmem:s24+$0xF0] =	vst v1;
	v1 =	vmul.f32 v5, v10  }
0x2d2: {  	[tilespmem:s6+$0xFFFFFFD0] =	vst v46;
	v18 =	vld [tilespmem:s14+$0xFFFFFFC0]  }
0x2d3: {  	v9 =	vld [tilespmem:s14+$0xFFFFFEC0];
	[tilespmem:s7+$0x1D0] =	vst v1  }
0x2d4: {  	v4 =	vld [tilespmem:$0x1FF70]  }
0x2d5: {  	v20 =	vld [tilespmem:s14+$0xC0]  }
0x2d6: {  	v23 =	vld [tilespmem:s14+$0x1E0]  }
0x2d7: {  	v3 =	vmul.f32 v18, v31;
	[tilespmem:s6+$0xD0] =	vst v45  }
0x2d8: {  	v21 =	vmul.f32 v9, v33;
	[tilespmem:s6+$0xFFFFFEE0] =	vst v50  }
0x2d9: {  	v30 =	vbroadcast v8, $0xE;
	[tilespmem:s7+$0xFFFFFFC0] =	vst v3;
	v0 =	vmul.f32 v0, v4  }
0x2da: {  	v26 =	vld [tilespmem:s10+$0xFFFFFFD0];
	v1 =	vmul.f32 v20, v32;
	[tilespmem:s7+$0xFFFFFEC0] =	vst v21  }
0x2db: {  	v28 =	vld [tilespmem:s14+$0xFFFFFED0];
	v4 =	vmul.f32 v23, v30;
	[tilespmem:s11+$0xFFFFFED0] =	vst v0  }
0x2dc: {  	v3 =	vld [tilespmem:$0x1FF80];
	[tilespmem:s7+$0xC0] =	vst v1  }
0x2dd: {  	v29 =	vld [tilespmem:s10+$0xD0];
	[tilespmem:s7+$0x1E0] =	vst v4  }
0x2de: {  	v36 =	vld [tilespmem:$0x1FF90]  }
0x2df: {  	v31 =	vld [tilespmem:s10+$0xFFFFFEE0];
	_ =	sdelay $0x1  }
0x2e0: {  	v0 =	vmul.f32 v28, v47  }
0x2e1: {  	v3 =	vmul.f32 v26, v3  }
0x2e2: {  	[tilespmem:s7+$0xFFFFFED0] =	vst v0;
	v2 =	vmul.f32 v29, v36  }
0x2e3: {  	v32 =	vld [tilespmem:s5+$0xFFFFFFE0];
	v38 =	vmul.f32 v31, v15;
	[tilespmem:s11+$0xFFFFFFD0] =	vst v3  }
0x2e4: {  	v0 =	vld [tilespmem:$0x1FF10];
	[tilespmem:s11+$0xD0] =	vst v2  }
0x2e5: {  	v33 =	vld [tilespmem:s14+$0xFFFFFFD0];
	[tilespmem:s11+$0xFFFFFEE0] =	vst v38  }
0x2e6: {  	v41 =	vld [tilespmem:$0x1FFD0];
	_ =	sdelay $0x1  }
0x2e7: {  	v35 =	vld [tilespmem:s5+$0xE0]  }
0x2e8: {  	v37 =	vld [tilespmem:s5+$0xFFFFFEF0];
	v0 =	vmul.f32 v32, v0  }
0x2e9: {  	v34 =	vld [tilespmem:s14+$0xD0]  }
0x2ea: {  	v39 =	vld [tilespmem:s10+$0xFFFFFFE0];
	v1 =	vmul.f32 v33, v41;
	[tilespmem:s6+$0xFFFFFFE0] =	vst v0  }
0x2eb: {  	v43 =	vld [tilespmem:$0x1FFE0]  }
0x2ec: {  	v44 =	vld [tilespmem:$0x1FF20];
	[tilespmem:s7+$0xFFFFFFD0] =	vst v1  }
0x2ed: {  	v1 =	vld [tilespmem:$0x1FF30];
	_ =	sdelay $0x1  }
0x2ee: {  	v2 =	vmul.f32 v39, v19  }
0x2ef: {  	v4 =	vmul.f32 v34, v43  }
0x2f0: {  	v52 =	vld [tilespmem:s14+$0x1F0];
	[tilespmem:s11+$0xFFFFFFE0] =	vst v2;
	v5 =	vmul.f32 v35, v44  }
0x2f1: {  	v40 =	vld [tilespmem:s10+$0xE0];
	v1 =	vmul.f32 v37, v1;
	[tilespmem:s7+$0xD0] =	vst v4  }
0x2f2: {  	v42 =	vld [tilespmem:s14+$0xFFFFFEE0];
	[tilespmem:s6+$0xE0] =	vst v5  }
0x2f3: {  	v45 =	vld [tilespmem:s5+$0xFFFFFFF0];
	[tilespmem:s6+$0xFFFFFEF0] =	vst v1  }
0x2f4: {  	v2 =	vld [tilespmem:$0x1FF40]  }
0x2f5: {  	v46 =	vld [tilespmem:s14+$0xFFFFFFE0]  }
0x2f6: {  	v47 =	vmul.f32 v40, v16;
	v4 =	vld [tilespmem:s14+$0xE0]  }
0x2f7: {  	v48 =	vld [tilespmem:s10+$0xFFFFFEF0]  }
0x2f8: {  	v0 =	vmul.f32 v42, v62;
	v49 =	vld [tilespmem:s10+$0xFFFFFFF0];
	[tilespmem:s11+$0xE0] =	vst v47  }
0x2f9: {  	v50 =	vld [tilespmem:s10+$0xF0];
	v2 =	vmul.f32 v45, v2  }
0x2fa: {  	v51 =	vmul.f32 v46, v24;
	v5 =	vld [tilespmem:s5+$0xF0];
	[tilespmem:s7+$0xFFFFFEE0] =	vst v0  }
0x2fb: {  	v55 =	vld [tilespmem:s14+$0xFFFFFEF0];
	v53 =	vmul.f32 v4, v22;
	[tilespmem:s6+$0xFFFFFFF0] =	vst v2  }
0x2fc: {  	v56 =	vmul.f32 v48, v14;
	v54 =	vld [tilespmem:$0x1FF50];
	[tilespmem:s7+$0xFFFFFFE0] =	vst v51  }
0x2fd: {  	v59 =	vbroadcast v8, $0xF;
	v1 =	vmul.f32 v49, v12;
	[tilespmem:s7+$0xE0] =	vst v53;
	v57 =	vld [tilespmem:s14+$0xFFFFFFF0]  }
0x2fe: {  	v60 =	vmul.f32 v50, v11;
	[tilespmem:s11+$0xFFFFFEF0] =	vst v56;
	v58 =	vld [tilespmem:s14+$0xF0]  }
0x2ff: {  	v3 =	vmul.f32 v52, v59;
	[tilespmem:s11+$0xFFFFFFF0] =	vst v1  }
0x300: {  	v61 =	vmul.f32 v55, v17;
	[tilespmem:s11+$0xF0] =	vst v60  }
0x301: {  	[tilespmem:s7+$0x1F0] =	vst v3;
	v4 =	vmul.f32 v5, v54  }
0x302: {  	[tilespmem:s7+$0xFFFFFEF0] =	vst v61;
	v62 =	vmul.f32 v57, v27  }
0x303: {  	v63 =	vmul.f32 v58, v25;
	[tilespmem:s6+$0xF0] =	vst v4  }
0x304: {  	[tilespmem:s7+$0xFFFFFFF0] =	vst v62  }
0x305: {  	s12 =	simm.s32 $0x7B10;
	[tilespmem:s7+$0xF0] =	vst v63  }
0x306: {  	[spmem:s3] =	stream.indirect.scatter.add.f32 [tilespmem:s12], [sflag:$0x2], $0x10, s25, s1, $0xb8;
	[tilespmem:$0x10930] =	vst v63  }
0x307: {  	s13 =	simm.s32 $0x8310  }
0x308: {  	[spmem:s3] =	stream.indirect.scatter.add.f32 [tilespmem:s13], [sflag:$0x2], $0x10, s26, s1, $0xb8;
	[tilespmem:$0x10930] =	vst v63  }
0x309: {  	s14 =	simm.s32 $0x8B10  }
0x30a: {  	[spmem:s3] =	stream.indirect.scatter.add.f32 [tilespmem:s14], [sflag:$0x2], $0x10, s28, s1, $0xb8;
	[tilespmem:$0x10930] =	vst v63  }
0x30b: {  	s15 =	simm.s32 $0x9310  }
0x30c: {  	[spmem:s3] =	stream.indirect.scatter.add.f32 [tilespmem:s15], [sflag:$0x2], $0x10, s29, s1, $0xb8;
	[tilespmem:$0x10930] =	vst v63  }
0x30d: {  	s16 =	simm.s32 $0x9B10  }
0x30e: {  	[spmem:s3] =	stream.indirect.scatter.add.f32 [tilespmem:s16], [sflag:$0x2], $0x10, s30, s1, $0xb8;
	[tilespmem:$0x10930] =	vst v63  }
0x30f: {  	s18 =	simm.s32 $0xA310  }
0x310: {  	[spmem:s3] =	stream.indirect.scatter.add.f32 [tilespmem:s18], [sflag:$0x2], $0x10, s31, s1, $0xb8;
	[tilespmem:$0x10930] =	vst v63  }
0x311: {  	s23 =	simm.s32 $0xAB10  }
0x312: {  	[spmem:s3] =	stream.indirect.scatter.add.f32 [tilespmem:s23], [sflag:$0x2], $0x10, s0, s1, $0xb8;
	[tilespmem:$0x10930] =	vst v63  }
0x313: {  	s24 =	simm.s32 $0xB310  }
0x314: {  	[spmem:s3] =	stream.indirect.scatter.add.f32 [tilespmem:s24], [sflag:$0x2], $0x10, s2, s1, $0xb8;
	[tilespmem:$0x10930] =	vst v63  }
0x315: {  	_ =	swait.ge [sflag:s19], $0x800  }
0x316: {  	[sflag:s19] =	ssyncset.done $0x0  }
0x317: {  	[sflag:s19] =	ssyncadd.s32 $0xFFFFF800  }
0x318: {  	_ =	swait.ge [sflag:s19], $0x800  }
0x319: {  	[sflag:s19] =	ssyncset.done $0x0  }
0x31a: {  	[sflag:s19] =	ssyncadd.s32 $0xFFFFF800  }
0x31b: {  	_ =	swait.ge [sflag:s19], $0x800  }
0x31c: {  	[sflag:s19] =	ssyncset.done $0x0  }
0x31d: {  	[sflag:s19] =	ssyncadd.s32 $0xFFFFF800  }
0x31e: {  	_ =	swait.ge [sflag:s19], $0x800  }
0x31f: {  	[sflag:s19] =	ssyncset.done $0x0  }
0x320: {  	[sflag:s19] =	ssyncadd.s32 $0xFFFFF800  }
0x321: {  	_ =	swait.ge [sflag:s19], $0x800  }
0x322: {  	[sflag:s19] =	ssyncset.done $0x0  }
0x323: {  	[sflag:s19] =	ssyncadd.s32 $0xFFFFF800  }
0x324: {  	_ =	swait.ge [sflag:s19], $0x800  }
0x325: {  	[sflag:s19] =	ssyncset.done $0x0  }
0x326: {  	s21 =	sadd.s32 $0x1, s21;
	[sflag:s19] =	ssyncadd.s32 $0xFFFFF800  }
0x327: {  	p0 =	sne.s32 s21, $0xA;
	_ =	swait.ge [sflag:s19], $0x800  }
.Ltmp3:
0x328: {  	[sflag:s19] =	ssyncset.done $0x0;
	(pc) =	sbr.rel @p0 .LBB2_4-.Ltmp3, $4  }
0x329: {  	[sflag:s19] =	ssyncadd.s32 $0xFFFFF800  }
0x32a: {  	_ =	swait.ge [sflag:s19], $0x800  }
0x32b: {  	[sflag:s19] =	ssyncset.done $0x0  }
0x32c: {  	[sflag:s19] =	ssyncadd.s32 $0xFFFFF800  }
0x32d: {  	[bflag:$0x0] =	sbarrier.arrive $0xFFFF  }
0x32e: {  	s10 =	simm.s32 $0xBB10;
	s7 =	rddreg [dreg:$0x7]  }
0x32f: {  	[tilespmem:s10], [sflag:$0x3] =	stream.linear.gather [spmem:s7], $0x2710, $0x38;
	[tilespmem:$0x10930] =	vst v63  }
0x330: {  	_ =	swait.ge [sflag:s20], $0x2710  }
0x331: {  	[sflag:s20] =	ssyncset.done $0x0  }
0x332: {  	s5 =	rddreg [dreg:$0xf];
	[sflag:s20] =	ssyncadd.s32 $0xFFFFD8F0  }
0x333: {  	[hbm4b:s5+s4] =	stream.linear.scatter [tilespmem:s10], [sflag:$0x3], $0x2710, $0x38;
	[tilespmem:$0x10930] =	vst v63  }
0x334: {  	_ =	swait.ge [sflag:s20], $0x2710  }
0x335: {  	s6 =	rddreg [dreg:$0x11]  }
0x336: {  	s24 =	rddreg [dreg:$0x10];
	s6 =	sadd.s32 $0x1, s6  }
0x337: {  	p0 =	sne.s32 s6, s24  }
.Ltmp4:
0x338: {  	_ = 	snop;
	(pc) =	sbr.rel @p0 .LBB2_1-.Ltmp4, $3  }
0x339: {  	_ =	sdelay $0x1  }
0x33a: {  	[sflag:s20] =	ssyncset.done $0x0  }
0x33b: {  	v0 =	vimm.f32 $0.0e+00;
	[sflag:s20] =	ssyncadd.s32 $0xFFFFD8F0  }
0x33c: {  	_ =	sfence.sel $0x180000  }
0x33d: {  	[bflag:$0x0] =	sbarrier.arrive $0xFFFF  }
0x33e: {  	_ =	strace $0x9000004A  }
0x33f: {  	s0 =	stileid.u32;
	[bflag:$0x2] =	sbarrier.arrive $0xFFFF  }
0x340: {  	p0 =	sne.s32 s0, $0x0;
	s0 =	rddreg [dreg:$0x3]  }
0x341: {  	s0 =	sadd.s32 @!p0 $0x100000, s0  }
0x342: {  	[sflag:s0] =	ssyncadd.tile.s32 @!p0 $0x1;
	_ =	shalt  }
.Lfunc_end2:
_tile_overlayer_lowered:
.L_overlay_start_2:
0x343: {  	(tag) =	ssettag $0x2  }
0x344: {  	s0 =	rddreg [dreg:$0x0];
	s2 =	stileid.u32  }
0x345: {  	s1 =	rddreg [dreg:$0x1];
	p0 =	sne.s32 s2, $0x0  }
0x346: {  	s3 =	rddreg [dreg:$0x2];
	[bflag:$0x3] =	sbarrier.arrive $0xFFFF;
	s2 =	simm.s32 @!p0 $0x1C03  }
0x347: {  	[timem:s3], [sflag:s2] =	dma.local @!p0 [hbm:s0], s1  }
0x348: {  	s0 =	simm.s32 @!p0 $0x3  }
0x349: {  	_ =	swait.ge @!p0 [sflag:s0], s1  }
0x34a: {  	s1 =	ssub.s32 @!p0 $0x0, s1;
	[sflag:s0] =	ssyncset.done @!p0 $0x0  }
0x34b: {  	[sflag:s0] =	ssyncadd.s32 @!p0 s1  }
0x34c: {  	[bflag:$0x3] =	sbarrier.arrive $0xFFFF  }
0x34d: {  	_ =	shalt  }

// kernel: kernel.14.cloned.1.call-start
scs
__scs_entry_jumppad:
0x0: {  	(pc) =	sbr.rel $0x88, $3  }
0x1: {  	(tag) =	ssettag $0x0;
	lr =	simm.s32 $0x1  }
0x2: {  	[smem:$0x3F9A] =	sst lr;
	_ =	strace $0xD0000000  }
0x3: {  	_ = 	snop  }
0x4: {  	_ = 	snop  }
0x5: {  	_ = 	snop  }
0x6: {  	_ = 	snop  }
0x7: {  	_ = 	snop  }
__scs_overlays_trampoline_lowered:
0x8: {  	[smem:$0x3FA9] =	sst s0  }
0x9: {  	[smem:$0x3FAA] =	sst s1  }
0xa: {  	[smem:$0x3FAB] =	sst s2  }
0xb: {  	[smem:$0x3FAC] =	sst s3  }
0xc: {  	[smem:$0x3FAD] =	sst s4  }
0xd: {  	[smem:$0x3FAE] =	sst s5  }
0xe: {  	[smem:$0x3FAF] =	sst s6  }
0xf: {  	[smem:$0x3FB0] =	sst s7  }
0x10: {  	[smem:$0x3FB1] =	sst s8  }
0x11: {  	[smem:$0x3FB2] =	sst s9;
	s0 =	simm.s32 @!p0 $0x0  }
0x12: {  	s1 =	sld [smem:$0x3F98];
	s0 =	simm.s32 @p0 $0x1  }
0x13: {  	[smem:$0x3FB3] =	sst s0;
	s0 =	simm.s32 @!p1 $0x0  }
0x14: {  	s2 =	sld [smem:$0x3F97];
	s0 =	simm.s32 @p1 $0x1  }
0x15: {  	[smem:$0x3FB4] =	sst s0;
	s0 =	simm.s32 @!p2 $0x0  }
0x16: {  	s3 =	sld [smem:$0x3FDB];
	s0 =	simm.s32 @p2 $0x1  }
0x17: {  	s4 =	simm.s32 $0x1BF5;
	[smem:$0x3FB6] =	sst s0  }
0x18: {  	s0 =	sld [smem:$0x3F99];
	_ =	swait.ge [sflag:s4], $0x0  }
0x19: {  	s7 =	sld [smem:$0x3F9A]  }
0x1a: {  	s8 =	sadd.s32 $0xFFFFE003, lr  }
0x1b: {  	s9 =	sadd.s32 $0xFFFFFEF7, lr;
	s5 =	simm.s32 $0xFFFFFFFF;
	p2 =	slt.u32 s8, $0xFFFFF086  }
0x1c: {  	p1 =	slt.u32 s9, $0xF7A;
	s5 =	simm.s32 @!p2 $0x0  }
0x1d: {  	s5 =	simm.s32 @p1 $0x1;
	p0 =	seq.s32 s7, s2  }
0x1e: {  	s7 =	smul.u32 @!p0 $0xF7A, s2;
	p2 =	seq.s32 @!p0 s5, $0x0  }
0x1f: {  	s9 =	smul.u32 $0xF7A, s1;
	s8 =	simm.s32 @!p0 $0x1BF5;
	p2 =	por !p2, p0  }
0x20: {  	[sflag:s8] =	ssyncset.s32 @!p0 $0xFFFFF086;
	s6 =	sadd.s32 @!p0 s3, s7;
	s7 =	simm.s32 @!p0 $0x108  }
0x21: {  	s3 =	sadd.s32 s3, s9;
	s6 =	sadd.s32 @!p0 $0x88, s6;
	s7 =	simm.s32 @p2 $0x1082  }
0x22: {  	[simem:s7], [sflag:s8] =	dma.local @!p0 [hbm:s6], $0xF7A  }
0x23: {  	s9 =	sor.u32 $0xD0000000, s2;
	s6 =	simm.s32 $0x108;
	_ =	swait.ge @!p0 [sflag:s8], $0x0  }
0x24: {  	s3 =	sadd.s32 $0x88, s3;
	s6 =	simm.s32 @!p1 $0x1082;
	[sflag:s4] =	ssyncset.s32 $0xFFFFF086  }
0x25: {  	[simem:s6], [sflag:s4] =	dma.local [hbm:s3], $0xF7A  }
0x26: {  	[smem:$0x3F9A] =	sst s1;
	(tag) =	ssettag s2;
	_ =	strace s9  }
0x27: {  	s1 =	sld [smem:$0x3FAA]  }
0x28: {  	s2 =	sld [smem:$0x3FAB]  }
0x29: {  	s4 =	sld [smem:$0x3FAD]  }
0x2a: {  	p0 =	seq.s32 s5, $0x0;
	s5 =	sld [smem:$0x3FAE]  }
0x2b: {  	s6 =	sld [smem:$0x3FAF]  }
0x2c: {  	s7 =	sld [smem:$0x3FB0]  }
0x2d: {  	s3 =	simm.s32 $0x108;
	s8 =	sld [smem:$0x3FB1]  }
0x2e: {  	s3 =	simm.s32 @!p0 $0x1082;
	s9 =	sld [smem:$0x3FB2]  }
0x2f: {  	lr =	sadd.s32 s0, s3;
	s0 =	sld [smem:$0x3FA9]  }
0x30: {  	s3 =	sld [smem:$0x3FAC]  }
0x31: {  	[smem:$0x3FB5] =	sst s10  }
0x32: {  	s10 =	sld [smem:$0x3FB3];
	_ =	sdelay $0x3  }
0x33: {  	p0 =	seq.s32 s10, $0x1;
	s10 =	sld [smem:$0x3FB5];
	_ =	sdelay $0x3  }
0x34: {  	[smem:$0x3FB5] =	sst s10  }
0x35: {  	s10 =	sld [smem:$0x3FB4];
	_ =	sdelay $0x3  }
0x36: {  	p1 =	seq.s32 s10, $0x1;
	s10 =	sld [smem:$0x3FB5];
	_ =	sdelay $0x3  }
0x37: {  	[smem:$0x3FB5] =	sst s10  }
0x38: {  	s10 =	sld [smem:$0x3FB6]  }
0x39: {  	_ = 	snop;
	(pc) =	sbr.ind lr, $3  }
0x3a: {  	_ = 	snop  }
0x3b: {  	_ = 	snop  }
0x3c: {  	p2 =	seq.s32 s10, $0x1;
	s10 =	sld [smem:$0x3FB5]  }
0x3d: {  	_ =	shalt  }
0x3e: {  	_ =	shalt  }
0x3f: {  	_ =	shalt  }
0x40: {  	_ =	shalt  }
0x41: {  	_ =	shalt  }
0x42: {  	_ =	shalt  }
0x43: {  	_ =	shalt  }
0x44: {  	_ =	shalt  }
0x45: {  	_ =	shalt  }
0x46: {  	_ =	shalt  }
0x47: {  	_ =	shalt  }
0x48: {  	_ =	shalt  }
0x49: {  	_ =	shalt  }
0x4a: {  	_ =	shalt  }
0x4b: {  	_ =	shalt  }
0x4c: {  	_ =	shalt  }
0x4d: {  	_ =	shalt  }
0x4e: {  	_ =	shalt  }
0x4f: {  	_ =	shalt  }
0x50: {  	_ =	shalt  }
0x51: {  	_ =	shalt  }
0x52: {  	_ =	shalt  }
0x53: {  	_ =	shalt  }
0x54: {  	_ =	shalt  }
0x55: {  	_ =	shalt  }
0x56: {  	_ =	shalt  }
0x57: {  	_ =	shalt  }
0x58: {  	_ =	shalt  }
0x59: {  	_ =	shalt  }
0x5a: {  	_ =	shalt  }
0x5b: {  	_ =	shalt  }
0x5c: {  	_ =	shalt  }
0x5d: {  	_ =	shalt  }
0x5e: {  	_ =	shalt  }
0x5f: {  	_ =	shalt  }
0x60: {  	_ =	shalt  }
0x61: {  	_ =	shalt  }
0x62: {  	_ =	shalt  }
0x63: {  	_ =	shalt  }
0x64: {  	_ =	shalt  }
0x65: {  	_ =	shalt  }
0x66: {  	_ =	shalt  }
0x67: {  	_ =	shalt  }
0x68: {  	_ =	shalt  }
0x69: {  	_ =	shalt  }
0x6a: {  	_ =	shalt  }
0x6b: {  	_ =	shalt  }
0x6c: {  	_ =	shalt  }
0x6d: {  	_ =	shalt  }
0x6e: {  	_ =	shalt  }
0x6f: {  	_ =	shalt  }
0x70: {  	_ =	shalt  }
0x71: {  	_ =	shalt  }
0x72: {  	_ =	shalt  }
0x73: {  	_ =	shalt  }
0x74: {  	_ =	shalt  }
0x75: {  	_ =	shalt  }
0x76: {  	_ =	shalt  }
0x77: {  	_ =	shalt  }
0x78: {  	_ =	shalt  }
0x79: {  	_ =	shalt  }
0x7a: {  	_ =	shalt  }
0x7b: {  	_ =	shalt  }
0x7c: {  	_ =	shalt  }
0x7d: {  	_ =	shalt  }
0x7e: {  	_ =	shalt  }
0x7f: {  	_ =	shalt  }
0x80: {  	_ =	shalt  }
0x81: {  	_ =	shalt  }
0x82: {  	_ =	shalt  }
0x83: {  	_ =	shalt  }
0x84: {  	_ =	shalt  }
0x85: {  	_ =	shalt  }
0x86: {  	_ =	shalt  }
0x87: {  	_ =	shalt  }
.Lfunc_end0:
.L_simem_size_0:
called_computation.2_lowered:
.L_overlay_start_0:
0x88: {  	s2 =	sld [smem:$0x3FD9]  }
0x89: {  	s3 =	sld [smem:$0x3FFE];
	_ =	sdelay $0x1  }
0x8a: {  	s1 =	srdreg.scid  }
0x8b: {  	s0 =	sand.u32 $0x1, s1  }
0x8c: {  	s17 =	sshll.u32 s0, $0xA;
	s2 =	sadd.s32 s3, s2  }
0x8d: {  	s2 =	sadd.s32 s2, s17  }
0x8e: {  	[smem:$0x3FC1] =	sst s2  }
0x8f: {  	_ = 	snop  }
0x90: {  	s2 =	sld [smem:$0x3FD0];
	(tm) =	ssettm $0x1  }
0x91: {  	s18 =	sld [smem:$0x3FFB];
	_ =	sdelay $0x3  }
0x92: {  	_ =	strace s18  }
0x93: {  	s3 =	sld [smem:$0x3FFC];
	_ =	sdelay $0x3  }
0x94: {  	_ =	strace s3  }
0x95: {  	s3 =	sld [smem:$0x3FFD];
	_ =	sdelay $0x3  }
0x96: {  	_ =	strace s3  }
0x97: {  	_ =	strace $0x8FFFFFFF  }
0x98: {  	s19 =	sld [smem:$0x3FDB];
	_ =	sdelay $0x1  }
0x99: {  	s4 =	simm.s32 $_scs_section_size  }
0x9a: {  	s5 =	simm.s32 $_size__tile_overlayer_lowered;
	s6 =	simm.s32 $_tile_overlayer_lowered  }
0x9b: {  	s22 =	simm.s32 $0x1BFF;
	s21 =	sshll.u32 s6, $0x1;
	s3 =	sadd.s32 s4, s19  }
0x9c: {  	s7 =	simm.s32 $0x0;
	s20 =	sshll.u32 s5, $0x1;
	s5 =	sadd.s32 s21, s3  }
0x9d: {  	[timem:s7], [sflag:s22] =	dma.local [hbm:s5], s20  }
0x9e: {  	_ =	swait.ge [sflag:s22], s20  }
0x9f: {  	s4 =	ssub.s32 $0x0, s20;
	[sflag:s22] =	ssyncset.done $0x0  }
0xa0: {  	[sflag:s22] =	ssyncadd.s32 s4;
	_ =	sdelay $0x1  }
0xa1: {  	s23 =	simm.s32 $0x1B8B  }
0xa2: {  	_ =	swait.ge [sflag:s23], $0x1  }
0xa3: {  	[sflag:s23] =	ssyncset.done $0x0  }
0xa4: {  	s25 =	simm.s32 $0x1B8E;
	s24 =	sld [smem:$0x3FFE];
	[sflag:s23] =	ssyncadd.s32 $0xFFFFFFFF  }
0xa5: {  	s26 =	simm.s32 $execute0_lowered;
	[smem:$0x3FD2] =	sst s25  }
0xa6: {  	s5 =	sshll.u32 s26, $0x1;
	_ =	strace $0x8000004C;
	[dreg:$0x1] =	wrdreg $0xFFFFFFFF  }
0xa7: {  	s28 =	simm.s32 $_size_execute0_lowered;
	s3 =	sadd.s32 s3, s5;
	[dreg:$0x0] =	wrdreg $0x0  }
0xa8: {  	s5 =	sshll.u32 s28, $0x1;
	[dreg:$0x2] =	wrdreg s3  }
0xa9: {  	[dreg:$0x3] =	wrdreg s5  }
0xaa: {  	[dreg:$0x4] =	wrdreg $0xC0  }
0xab: {  	_ =	task [dreg:s7], $0x5FFFF  }
0xac: {  	[dreg:$0x1] =	wrdreg $0xFFFFFFFF  }
0xad: {  	[dreg:$0x0] =	wrdreg $0x60  }
0xae: {  	[dreg:$0x2] =	wrdreg s24  }
0xaf: {  	[dreg:$0x3] =	wrdreg s2  }
0xb0: {  	[dreg:$0x4] =	wrdreg $0xE2200  }
0xb1: {  	[dreg:$0x5] =	wrdreg $0x9  }
0xb2: {  	_ =	task.clear_ibuf [dreg:s7], $0x6FFFF;
	_ =	strace $0x9000004C  }
0xb3: {  	s29 =	simm.s32 $0x9;
	_ =	strace $0x8000004E  }
0xb4: {  	_ =	swait.ge [sflag:s29], $0x1  }
0xb5: {  	[sflag:s29] =	ssyncadd.s32 $0xFFFFFFFF  }
0xb6: {  	_ =	strace $0x9000004E  }
0xb7: {  	_ =	sfence  }
0xb8: {  	s30 =	sld [smem:$0x0];
	_ =	sdelay $0x2  }
0xb9: {  	s31 =	sshll.u32 s1, $0xD;
	s1 =	sshrl.u32 s1, $0x2  }
0xba: {  	s3 =	sand.u32 $0x4000, s31;
	s1 =	sadd.s32 s1, s30  }
0xbb: {  	s0 =	sor.u32 s3, s0;
	s1 =	sshll.u32 s1, $0x11  }
0xbc: {  	s0 =	sor.u32 s1, s0  }
0xbd: {  	s0 =	sadd.s32 $0x8F2B, s0  }
0xbe: {  	[sflag:s0] =	ssyncadd.remote.s32 $0x1  }
0xbf: {  	_ =	sfence.sel $0xFFFF  }
0xc0: {  	[dreg:$0x0] =	wrdreg $0xFFFFFFFF;
	(pc) =	sbr.abs _section_cstart, $3  }
0xc1: {  	[dreg:$0x1] =	wrdreg $0xFFFFFFFF  }
0xc2: {  	_ =	task.clear_ibuf [dreg:s7], $0x2FFFF;
	_ =	strace $0x9FFFFFFF  }
0xc3: {  	(tm) =	ssettm $0x7FFFFFFF  }
tec
execute0_lowered:
.L_overlay_start_1:
0x0: {  	(tag) =	ssettag $0x1  }
0x1: {  	s0 =	rddreg [dreg:$0x0]  }
0x2: {  	s3 =	rddreg [dreg:$0x2];
	s4 =	simm.s32 $0x0;
	s1 =	srdreg.scid  }
0x3: {  	s9 =	stileid.u32;
	s10 =	simm.s32 $0xBB10;
	s28 =	simm.s32 $0x3810  }
0x4: {  	s29 =	simm.s32 $0x3890;
	[smem:$0x7FF] =	sst s4;
	s6 =	sadd.s32 $0x63A00, s0  }
0x5: {  	s16 =	sadd.s32 $0x1800, s0;
	_ =	strace $0x8000004D;
	[dreg:$0x4] =	wrdreg s6  }
0x6: {  	s30 =	simm.s32 $0x3910;
	s17 =	sadd.s32 $0xB800, s0;
	[dreg:$0x5] =	wrdreg s16  }
0x7: {  	s31 =	simm.s32 $0x3990;
	s19 =	sadd.s32 $0x1810, s0;
	[dreg:$0x6] =	wrdreg s17  }
0x8: {  	s1 =	sand.u32 $0x1, s1;
	s20 =	sadd.s32 $0x1820, s0;
	[dreg:$0x9] =	wrdreg s19  }
0x9: {  	s2 =	smul.u32 $0x2710, s9;
	s21 =	sadd.s32 $0x1830, s0;
	[dreg:$0xa] =	wrdreg s20  }
0xa: {  	s8 =	sadd.s32 $0x15800, s0;
	s22 =	sadd.s32 $0x1840, s0;
	[dreg:$0xb] =	wrdreg s21  }
0xb: {  	s23 =	sadd.s32 $0x1850, s0;
	s24 =	sadd.s32 $0x1860, s0;
	[dreg:$0xc] =	wrdreg s22  }
0xc: {  	s5 =	smul.u32 $0x27100, s1;
	s18 =	ssub.s32 $0x2, s1;
	[dreg:$0xd] =	wrdreg s23  }
0xd: {  	s1 =	sshll.u32 s1, $0x4;
	[dreg:$0xe] =	wrdreg s24;
	s17 =	sadd.s32 $0x1870, s0  }
0xe: {  	s20 =	simm.s32 $0x3;
	s22 =	simm.s32 $0x2710;
	s19 =	simm.s32 $0x2  }
0xf: {  	s7 =	sshrl.u32 s18, $0x1;
	s1 =	sor.u32 s9, s1;
	s9 =	simm.s32 $0x1  }
0x10: {  	s6 =	ssub.s32 s18, s7;
	s7 =	sadd.s32 s2, s3;
	s1 =	smul.u32 $0x2800, s1  }
0x11: {  	s5 =	sadd.s32 s2, s5;
	s2 =	simm.s32 $0x3A90;
	[dreg:$0x7] =	wrdreg s7  }
0x12: {  	s5 =	sshrl.u32 s5, $0x3;
	s26 =	smax.u32 s6, $0x1;
	[dreg:$0x8] =	wrdreg s1  }
0x13: {  	s6 =	simm.s32 $0x0;
	s5 =	sadd.s32 s5, s0;
	[dreg:$0x10] =	wrdreg s26  }
0x14: {  	s26 =	simm.s32 $0x3790;
	s0 =	simm.s32 $0x3A10;
	s25 =	sadd.s32 $0x1A800, s5  }
0x15: {  	v0 =	vimm.f32 $0.0e+00;
	s1 =	simm.s32 $0x80;
	[dreg:$0xf] =	wrdreg s25;
	s25 =	simm.s32 $0x3710  }
.LBB2_1:
0x16: {  	[dreg:$0x11] =	wrdreg s6  }
0x17: {  	s5 =	rddreg [dreg:$0x1]  }
0x18: {  	[tilespmem:s4], [sflag:$0x3] =	stream.linear.gather [hbm4b:s5+s4], $0x2710, $0x38;
	[tilespmem:$0x10930] =	vst v63  }
0x19: {  	_ =	swait.ge [sflag:s20], $0x2710  }
0x1a: {  	[sflag:s20] =	ssyncset.done $0x0  }
0x1b: {  	s6 =	simm.s32 $0x640;
	s5 =	simm.s32 $0x0;
	[sflag:s20] =	ssyncadd.s32 $0xFFFFD8F0  }
.LBB2_2:
0x1c: {  	p0 =	sne.s32 s6, $0x9600;
	[tilespmem:s5+$0xBC90] =	vst v0  }
0x1d: {  	[tilespmem:s5+$0xBB10] =	vst v0  }
0x1e: {  	[tilespmem:s5+$0xBB20] =	vst v0  }
0x1f: {  	[tilespmem:s5+$0xBB30] =	vst v0  }
0x20: {  	[tilespmem:s5+$0xBB40] =	vst v0  }
0x21: {  	[tilespmem:s5+$0xBB50] =	vst v0  }
0x22: {  	[tilespmem:s5+$0xBB60] =	vst v0  }
0x23: {  	[tilespmem:s5+$0xBB70] =	vst v0  }
0x24: {  	[tilespmem:s5+$0xBB80] =	vst v0  }
0x25: {  	[tilespmem:s5+$0xBB90] =	vst v0  }
0x26: {  	[tilespmem:s5+$0xBBA0] =	vst v0  }
0x27: {  	[tilespmem:s5+$0xBBB0] =	vst v0  }
0x28: {  	[tilespmem:s5+$0xBBC0] =	vst v0  }
0x29: {  	[tilespmem:s5+$0xBBD0] =	vst v0  }
0x2a: {  	[tilespmem:s5+$0xBBE0] =	vst v0  }
0x2b: {  	[tilespmem:s5+$0xBBF0] =	vst v0  }
0x2c: {  	[tilespmem:s5+$0xBC00] =	vst v0  }
0x2d: {  	[tilespmem:s5+$0xBC10] =	vst v0  }
0x2e: {  	[tilespmem:s5+$0xBC20] =	vst v0  }
0x2f: {  	[tilespmem:s5+$0xBC30] =	vst v0  }
.Ltmp0:
0x30: {  	[tilespmem:s5+$0xBC40] =	vst v0;
	(pc) =	sbr.rel @p0 .LBB2_2-.Ltmp0, $4  }
0x31: {  	[tilespmem:s5+$0xBC50] =	vst v0  }
0x32: {  	[tilespmem:s5+$0xBC60] =	vst v0  }
0x33: {  	[tilespmem:s5+$0xBC70] =	vst v0  }
0x34: {  	[tilespmem:s5+$0xBC80] =	vst v0;
	s5 =	sshra.s32 s6, $0x2;
	s6 =	sadd.s32 $0x640, s6  }
0x35: {  	[tilespmem:s5+$0xBC90] =	vst v0  }
0x36: {  	[tilespmem:s5+$0xBB10] =	vst v0  }
0x37: {  	[tilespmem:s5+$0xBB20] =	vst v0  }
0x38: {  	[tilespmem:s5+$0xBB30] =	vst v0  }
0x39: {  	[tilespmem:s5+$0xBB40] =	vst v0  }
0x3a: {  	[tilespmem:s5+$0xBB50] =	vst v0  }
0x3b: {  	[tilespmem:s5+$0xBB60] =	vst v0  }
0x3c: {  	[tilespmem:s5+$0xBB70] =	vst v0  }
0x3d: {  	[tilespmem:s5+$0xBB80] =	vst v0  }
0x3e: {  	[tilespmem:s5+$0xBB90] =	vst v0  }
0x3f: {  	[tilespmem:s5+$0xBBA0] =	vst v0  }
0x40: {  	[tilespmem:s5+$0xBBB0] =	vst v0  }
0x41: {  	[tilespmem:s5+$0xBBC0] =	vst v0  }
0x42: {  	[tilespmem:s5+$0xBBD0] =	vst v0  }
0x43: {  	[tilespmem:s5+$0xBBE0] =	vst v0  }
0x44: {  	[tilespmem:s5+$0xBBF0] =	vst v0  }
0x45: {  	[tilespmem:s5+$0xBC00] =	vst v0  }
0x46: {  	[tilespmem:s5+$0xBC10] =	vst v0  }
0x47: {  	[tilespmem:s5+$0xBC20] =	vst v0  }
0x48: {  	[tilespmem:s5+$0xBC30] =	vst v0  }
0x49: {  	[tilespmem:s5+$0xBC40] =	vst v0  }
0x4a: {  	[tilespmem:s5+$0xBC50] =	vst v0  }
0x4b: {  	[tilespmem:s5+$0xBC60] =	vst v0  }
0x4c: {  	[tilespmem:s5+$0xBC70] =	vst v0  }
0x4d: {  	[tilespmem:s5+$0xBC80] =	vst v0  }
0x4e: {  	[spmem:s7] =	stream.linear.scatter [tilespmem:s10], [sflag:$0x3], $0x2710, $0x38;
	[tilespmem:$0x10930] =	vst v63  }
0x4f: {  	_ =	swait.ge [sflag:s20], $0x2710  }
0x50: {  	[sflag:s20] =	ssyncset.done $0x0  }
0x51: {  	[sflag:s20] =	ssyncadd.s32 $0xFFFFD8F0  }
0x52: {  	s21 =	simm.s32 $0x0;
	[bflag:$0x0] =	sbarrier.arrive $0xFFFF  }
.LBB2_4:
0x53: {  	s5 =	sshll.u32 s21, $0xA;
	s6 =	rddreg [dreg:$0x8]  }
0x54: {  	s5 =	sadd.s32 s6, s5  }
0x55: {  	s18 =	rddreg [dreg:$0x4];
	s5 =	sshrl.u32 s5, $0x3  }
0x56: {  	s6 =	sadd.s32 s18, s5  }
0x57: {  	[tilespmem:s22], [sflag:$0x3] =	stream.linear.gather [hbm4b:s6+s4], $0x400, $0x38;
	[tilespmem:$0x10930] =	vst v63  }
0x58: {  	_ =	swait.ge [sflag:s20], $0x400  }
0x59: {  	[sflag:s20] =	ssyncset.done $0x0;
	s23 =	rddreg [dreg:$0x5]  }
0x5a: {  	s7 =	simm.s32 $0x2B10;
	[sflag:s20] =	ssyncadd.s32 $0xFFFFFC00;
	s6 =	sadd.s32 s23, s5  }
0x5b: {  	[tilespmem:s7], [sflag:$0x3] =	stream.linear.gather [hbm4b:s6+s4], $0x400, $0x38;
	[tilespmem:$0x10930] =	vst v63  }
0x5c: {  	_ =	swait.ge [sflag:s20], $0x400  }
0x5d: {  	[sflag:s20] =	ssyncset.done $0x0;
	s24 =	rddreg [dreg:$0x6]  }
0x5e: {  	s10 =	simm.s32 $0x2F10;
	[sflag:s20] =	ssyncadd.s32 $0xFFFFFC00;
	s7 =	sadd.s32 s24, s5  }
0x5f: {  	[tilespmem:s10], [sflag:$0x3] =	stream.linear.gather [hbm4b:s7+s4], $0x400, $0x38;
	[tilespmem:$0x10930] =	vst v63  }
0x60: {  	_ =	swait.ge [sflag:s20], $0x400  }
0x61: {  	[sflag:s20] =	ssyncset.done $0x0  }
0x62: {  	[sflag:s20] =	ssyncadd.s32 $0xFFFFFC00  }
0x63: {  	[tilespmem:s25], [sflag:$0x3] =	stream.linear.gather [hbm4b:s6+s4], $0x80, $0x38;
	[tilespmem:$0x10930] =	vst v63  }
0x64: {  	_ =	swait.ge [sflag:s20], $0x80  }
0x65: {  	[sflag:s20] =	ssyncset.done $0x0;
	s7 =	rddreg [dreg:$0x9]  }
0x66: {  	[sflag:s20] =	ssyncadd.s32 $0xFFFFFF80;
	s6 =	sadd.s32 s5, s7  }
0x67: {  	[tilespmem:s26], [sflag:$0x3] =	stream.linear.gather [hbm4b:s6+s4], $0x80, $0x38;
	[tilespmem:$0x10930] =	vst v63  }
0x68: {  	_ =	swait.ge [sflag:s20], $0x80  }
0x69: {  	[sflag:s20] =	ssyncset.done $0x0;
	s10 =	rddreg [dreg:$0xa]  }
0x6a: {  	[sflag:s20] =	ssyncadd.s32 $0xFFFFFF80;
	s6 =	sadd.s32 s5, s10  }
0x6b: {  	[tilespmem:s28], [sflag:$0x3] =	stream.linear.gather [hbm4b:s6+s4], $0x80, $0x38;
	[tilespmem:$0x10930] =	vst v63  }
0x6c: {  	_ =	swait.ge [sflag:s20], $0x80  }
0x6d: {  	[sflag:s20] =	ssyncset.done $0x0;
	s11 =	rddreg [dreg:$0xb]  }
0x6e: {  	[sflag:s20] =	ssyncadd.s32 $0xFFFFFF80;
	s6 =	sadd.s32 s5, s11  }
0x6f: {  	[tilespmem:s29], [sflag:$0x3] =	stream.linear.gather [hbm4b:s6+s4], $0x80, $0x38;
	[tilespmem:$0x10930] =	vst v63  }
0x70: {  	_ =	swait.ge [sflag:s20], $0x80  }
0x71: {  	[sflag:s20] =	ssyncset.done $0x0;
	s12 =	rddreg [dreg:$0xc]  }
0x72: {  	[sflag:s20] =	ssyncadd.s32 $0xFFFFFF80;
	s6 =	sadd.s32 s5, s12  }
0x73: {  	[tilespmem:s30], [sflag:$0x3] =	stream.linear.gather [hbm4b:s6+s4], $0x80, $0x38;
	[tilespmem:$0x10930] =	vst v63  }
0x74: {  	_ =	swait.ge [sflag:s20], $0x80  }
0x75: {  	[sflag:s20] =	ssyncset.done $0x0;
	s13 =	rddreg [dreg:$0xd]  }
0x76: {  	[sflag:s20] =	ssyncadd.s32 $0xFFFFFF80;
	s6 =	sadd.s32 s5, s13  }
0x77: {  	[tilespmem:s31], [sflag:$0x3] =	stream.linear.gather [hbm4b:s6+s4], $0x80, $0x38;
	[tilespmem:$0x10930] =	vst v63  }
0x78: {  	_ =	swait.ge [sflag:s20], $0x80  }
0x79: {  	[sflag:s20] =	ssyncset.done $0x0;
	s14 =	rddreg [dreg:$0xe]  }
0x7a: {  	[sflag:s20] =	ssyncadd.s32 $0xFFFFFF80;
	s6 =	sadd.s32 s5, s14  }
0x7b: {  	[tilespmem:s0], [sflag:$0x3] =	stream.linear.gather [hbm4b:s6+s4], $0x80, $0x38;
	[tilespmem:$0x10930] =	vst v63  }
0x7c: {  	_ =	swait.ge [sflag:s20], $0x80  }
0x7d: {  	[sflag:s20] =	ssyncset.done $0x0  }
0x7e: {  	s5 =	sadd.s32 s5, s17;
	[sflag:s20] =	ssyncadd.s32 $0xFFFFFF80  }
0x7f: {  	[tilespmem:s2], [sflag:$0x3] =	stream.linear.gather [hbm4b:s5+s4], $0x80, $0x38;
	[tilespmem:$0x10930] =	vst v63  }
0x80: {  	_ =	swait.ge [sflag:s20], $0x80  }
0x81: {  	[sflag:s20] =	ssyncset.done $0x0  }
0x82: {  	s15 =	simm.s32 $0x3B10;
	[sflag:s20] =	ssyncadd.s32 $0xFFFFFF80  }
0x83: {  	[tilespmem:s15], [sflag:$0x1] =	stream.indirect.gather [hbm4b:s8+s1], $0x10, s22, s1, $0xb8;
	[tilespmem:$0x10930] =	vst v63  }
0x84: {  	s16 =	simm.s32 $0x2790;
	s18 =	simm.s32 $0x4310  }
0x85: {  	[tilespmem:s18], [sflag:$0x1] =	stream.indirect.gather [hbm4b:s8+s1], $0x10, s16, s1, $0xb8;
	[tilespmem:$0x10930] =	vst v63  }
0x86: {  	s23 =	simm.s32 $0x2810;
	s24 =	simm.s32 $0x4B10  }
0x87: {  	[tilespmem:s24], [sflag:$0x1] =	stream.indirect.gather [hbm4b:s8+s1], $0x10, s23, s1, $0xb8;
	[tilespmem:$0x10930] =	vst v63  }
0x88: {  	s7 =	simm.s32 $0x2890;
	s10 =	simm.s32 $0x5310  }
0x89: {  	[tilespmem:s10], [sflag:$0x1] =	stream.indirect.gather [hbm4b:s8+s1], $0x10, s7, s1, $0xb8;
	[tilespmem:$0x10930] =	vst v63  }
0x8a: {  	s11 =	simm.s32 $0x2910;
	s12 =	simm.s32 $0x5B10  }
0x8b: {  	[tilespmem:s12], [sflag:$0x1] =	stream.indirect.gather [hbm4b:s8+s1], $0x10, s11, s1, $0xb8;
	[tilespmem:$0x10930] =	vst v63  }
0x8c: {  	s13 =	simm.s32 $0x2990;
	s14 =	simm.s32 $0x6310  }
0x8d: {  	[tilespmem:s14], [sflag:$0x1] =	stream.indirect.gather [hbm4b:s8+s1], $0x10, s13, s1, $0xb8;
	[tilespmem:$0x10930] =	vst v63  }
0x8e: {  	s15 =	simm.s32 $0x2A10;
	s16 =	simm.s32 $0x6B10  }
0x8f: {  	[tilespmem:s16], [sflag:$0x1] =	stream.indirect.gather [hbm4b:s8+s1], $0x10, s15, s1, $0xb8;
	[tilespmem:$0x10930] =	vst v63  }
0x90: {  	s18 =	simm.s32 $0x2A90;
	s23 =	simm.s32 $0x7310;
	s24 =	simm.s32 $0x2730  }
0x91: {  	[tilespmem:s23], [sflag:$0x1] =	stream.indirect.gather [hbm4b:s8+s1], $0x10, s18, s1, $0xb8;
	[tilespmem:$0x10930] =	vst v63  }
0x92: {  	v0 =	vld [tilespmem:s24+$0x10]  }
0x93: {  	s5 =	simm.s32 $0x2B30;
	v1 =	vld [tilespmem:s24+$0xFFFFFFF0]  }
0x94: {  	v2 =	vld [tilespmem:s5+$0x10]  }
0x95: {  	v3 =	vld [tilespmem:s24+$0x0]  }
0x96: {  	v4 =	vld [tilespmem:s24+$0xFFFFFFE0]  }
0x97: {  	v5 =	vld [tilespmem:s5+$0xFFFFFFE0]  }
0x98: {  	v7 =	vld [tilespmem:s5+$0xFFFFFFF0]  }
0x99: {  	s6 =	simm.s32 $0x2F30;
	v8 =	vld [tilespmem:s5+$0x0]  }
0x9a: {  	v9 =	vld [tilespmem:s6+$0x10]  }
0x9b: {  	v11 =	vld [tilespmem:s6+$0xFFFFFFE0]  }
0x9c: {  	v6 =	vld.idx.msk [tilespmem:v0+s4+$0x0], $0xffff  }
0x9d: {  	v2 =	vld.idx.msk [tilespmem:v2+s4+$0x0], $0xffff  }
0x9e: {  	v0 =	vld.idx.msk [tilespmem:v1+s4+$0x0], $0xffff  }
0x9f: {  	v10 =	vld.idx.msk [tilespmem:v4+s4+$0x0], $0xffff  }
0xa0: {  	v1 =	vld.idx.msk [tilespmem:v3+s4+$0x0], $0xffff  }
0xa1: {  	v3 =	vmul.f32 v6, v9;
	v6 =	vld [tilespmem:s6+$0xFFFFFFF0]  }
0xa2: {  	v4 =	vld [tilespmem:s6+$0x0]  }
0xa3: {  	v9 =	vmul.f32 v2, v3;
	v2 =	vld.idx.msk [tilespmem:v5+s4+$0x0], $0xffff  }
0xa4: {  	s7 =	simm.s32 $0x3330;
	v3 =	vld.idx.msk [tilespmem:v7+s4+$0x0], $0xffff  }
0xa5: {  	s10 =	simm.s32 $0x0;
	s11 =	simm.s32 $0x2770;
	v7 =	vmul.f32 v10, v11;
	v5 =	vld.idx.msk [tilespmem:v8+s4+$0x0], $0xffff;
	[tilespmem:s7+$0x10] =	vst v9  }
.LBB2_5:
0xa6: {  	v8 =	vld [tilespmem:s11+$0x10];
	s10 =	sadd.s32 $0x4, s10;
	v0 =	vmul.f32 v0, v6  }
0xa7: {  	s5 =	sadd.s32 $0x40, s5;
	v6 =	vld [tilespmem:s11+$0xFFFFFFF0];
	p0 =	slt.u32 s10, $0x3C;
	v1 =	vmul.f32 v1, v4  }
0xa8: {  	v4 =	vld [tilespmem:s5+$0x10]  }
0xa9: {  	v2 =	vmul.f32 v2, v7;
	v9 =	vld [tilespmem:s11+$0x0]  }
0xaa: {  	v0 =	vmul.f32 v3, v0;
	v7 =	vld [tilespmem:s11+$0xFFFFFFE0]  }
0xab: {  	v1 =	vmul.f32 v5, v1;
	v3 =	vld [tilespmem:s5+$0xFFFFFFE0];
	[tilespmem:s7+$0xFFFFFFE0] =	vst v2  }
0xac: {  	v5 =	vld [tilespmem:s5+$0xFFFFFFF0];
	[tilespmem:s7+$0xFFFFFFF0] =	vst v0  }
0xad: {  	v10 =	vld [tilespmem:s5+$0x0];
	[tilespmem:s7+$0x0] =	vst v1  }
0xae: {  	s6 =	sadd.s32 $0x40, s6;
	v2 =	vld.idx.msk [tilespmem:v8+s4+$0x0], $0xffff  }
0xaf: {  	v8 =	vld [tilespmem:s6+$0x10]  }
0xb0: {  	v11 =	vld.idx.msk [tilespmem:v4+s4+$0x0], $0xffff  }
0xb1: {  	v0 =	vld.idx.msk [tilespmem:v6+s4+$0x0], $0xffff  }
0xb2: {  	v7 =	vld.idx.msk [tilespmem:v7+s4+$0x0], $0xffff  }
0xb3: {  	v1 =	vld.idx.msk [tilespmem:v9+s4+$0x0], $0xffff  }
0xb4: {  	v9 =	vld [tilespmem:s6+$0xFFFFFFE0];
	v2 =	vmul.f32 v2, v8  }
.Ltmp1:
0xb5: {  	v6 =	vld [tilespmem:s6+$0xFFFFFFF0];
	(pc) =	sbr.rel @p0 .LBB2_5-.Ltmp1, $4  }
0xb6: {  	v4 =	vld [tilespmem:s6+$0x0];
	v8 =	vmul.f32 v11, v2  }
0xb7: {  	s7 =	sadd.s32 $0x40, s7;
	v2 =	vld.idx.msk [tilespmem:v3+s4+$0x0], $0xffff  }
0xb8: {  	v3 =	vld.idx.msk [tilespmem:v5+s4+$0x0], $0xffff;
	[tilespmem:s7+$0x10] =	vst v8  }
0xb9: {  	s11 =	sadd.s32 $0x40, s11;
	v7 =	vmul.f32 v7, v9;
	v5 =	vld.idx.msk [tilespmem:v10+s4+$0x0], $0xffff  }
0xba: {  	_ = 	snop  }
0xbb: {  	v0 =	vmul.f32 v0, v6  }
0xbc: {  	v1 =	vmul.f32 v1, v4;
	v2 =	vmul.f32 v2, v7  }
0xbd: {  	v0 =	vmul.f32 v3, v0  }
0xbe: {  	[tilespmem:s7+$0xFFFFFFE0] =	vst v2;
	v1 =	vmul.f32 v5, v1  }
0xbf: {  	[tilespmem:s7+$0xFFFFFFF0] =	vst v0  }
0xc0: {  	[tilespmem:s7+$0x0] =	vst v1  }
0xc1: {  	_ =	swait.ge [sflag:s9], $0x800  }
0xc2: {  	[sflag:s9] =	ssyncset.done $0x0  }
0xc3: {  	[sflag:s9] =	ssyncadd.s32 $0xFFFFF800  }
0xc4: {  	_ =	swait.ge [sflag:s9], $0x800  }
0xc5: {  	[sflag:s9] =	ssyncset.done $0x0  }
0xc6: {  	[sflag:s9] =	ssyncadd.s32 $0xFFFFF800  }
0xc7: {  	_ =	swait.ge [sflag:s9], $0x800  }
0xc8: {  	[sflag:s9] =	ssyncset.done $0x0  }
0xc9: {  	[sflag:s9] =	ssyncadd.s32 $0xFFFFF800  }
0xca: {  	_ =	swait.ge [sflag:s9], $0x800  }
0xcb: {  	[sflag:s9] =	ssyncset.done $0x0  }
0xcc: {  	[sflag:s9] =	ssyncadd.s32 $0xFFFFF800  }
0xcd: {  	_ =	swait.ge [sflag:s9], $0x800  }
0xce: {  	[sflag:s9] =	ssyncset.done $0x0  }
0xcf: {  	[sflag:s9] =	ssyncadd.s32 $0xFFFFF800  }
0xd0: {  	_ =	swait.ge [sflag:s9], $0x800  }
0xd1: {  	[sflag:s9] =	ssyncset.done $0x0  }
0xd2: {  	[sflag:s9] =	ssyncadd.s32 $0xFFFFF800  }
0xd3: {  	_ =	swait.ge [sflag:s9], $0x800  }
0xd4: {  	[sflag:s9] =	ssyncset.done $0x0  }
0xd5: {  	[sflag:s9] =	ssyncadd.s32 $0xFFFFF800  }
0xd6: {  	_ =	swait.ge [sflag:s9], $0x800  }
0xd7: {  	[sflag:s9] =	ssyncset.done $0x0  }
0xd8: {  	s5 =	simm.s32 $0x3330;
	[sflag:s9] =	ssyncadd.s32 $0xFFFFF800  }
0xd9: {  	v1 =	vld [tilespmem:s5+$0x10]  }
0xda: {  	s15 =	simm.s32 $0x3D10  }
0xdb: {  	v0 =	vld [tilespmem:s15+$0x100];
	_ =	sdelay $0x2  }
0xdc: {  	v2 =	vbroadcast v1, $0x0  }
0xdd: {  	v10 =	vld [tilespmem:s5+$0xFFFFFFF0]  }
0xde: {  	v0 =	vmul.f32 v0, v2  }
0xdf: {  	s23 =	simm.s32 $0x7D10;
	v36 =	vld [tilespmem:s15+$0xFFFFFF00]  }
0xe0: {  	v11 =	vld [tilespmem:s5+$0xFFFFFFE0];
	[tilespmem:s23+$0x100] =	vst v0  }
0xe1: {  	v6 =	vld [tilespmem:s15+$0x110]  }
0xe2: {  	v9 =	vld [tilespmem:s5+$0x0];
	v0 =	vbroadcast v10, $0x0  }
0xe3: {  	v3 =	vld [tilespmem:s15+$0xFFFFFE00]  }
0xe4: {  	v39 =	vbroadcast v1, $0x1;
	v0 =	vmul.f32 v36, v0  }
0xe5: {  	v2 =	vld [tilespmem:s15+$0x0]  }
0xe6: {  	v37 =	vbroadcast v11, $0x0;
	[tilespmem:s23+$0xFFFFFF00] =	vst v0;
	v0 =	vmul.f32 v6, v39  }
0xe7: {  	v40 =	vld [tilespmem:s15+$0xFFFFFF10]  }
0xe8: {  	v38 =	vbroadcast v9, $0x0;
	v3 =	vmul.f32 v3, v37;
	[tilespmem:s23+$0x110] =	vst v0  }
0xe9: {  	v6 =	vld [tilespmem:s15+$0x120]  }
0xea: {  	[tilespmem:s23+$0xFFFFFE00] =	vst v3;
	v2 =	vmul.f32 v2, v38;
	v0 =	vbroadcast v10, $0x1  }
0xeb: {  	v3 =	vld [tilespmem:s15+$0xFFFFFE10]  }
0xec: {  	v42 =	vbroadcast v1, $0x2;
	[tilespmem:s23+$0x0] =	vst v2;
	v0 =	vmul.f32 v40, v0  }
0xed: {  	v41 =	vld [tilespmem:s15+$0x10]  }
0xee: {  	v2 =	vbroadcast v11, $0x1;
	[tilespmem:s23+$0xFFFFFF10] =	vst v0;
	v0 =	vmul.f32 v6, v42  }
0xef: {  	v43 =	vld [tilespmem:s15+$0xFFFFFF20]  }
0xf0: {  	v2 =	vmul.f32 v3, v2;
	v3 =	vbroadcast v9, $0x1;
	[tilespmem:s23+$0x120] =	vst v0  }
0xf1: {  	v6 =	vld [tilespmem:s15+$0x130]  }
0xf2: {  	[tilespmem:s23+$0xFFFFFE10] =	vst v2;
	v2 =	vmul.f32 v41, v3;
	v0 =	vbroadcast v10, $0x2  }
0xf3: {  	v3 =	vld [tilespmem:s15+$0xFFFFFE20]  }
0xf4: {  	v45 =	vbroadcast v1, $0x3;
	[tilespmem:s23+$0x10] =	vst v2;
	v0 =	vmul.f32 v43, v0  }
0xf5: {  	v44 =	vld [tilespmem:s15+$0x20]  }
0xf6: {  	v2 =	vbroadcast v11, $0x2;
	[tilespmem:s23+$0xFFFFFF20] =	vst v0;
	v0 =	vmul.f32 v6, v45  }
0xf7: {  	v46 =	vld [tilespmem:s15+$0xFFFFFF30]  }
0xf8: {  	v2 =	vmul.f32 v3, v2;
	v3 =	vbroadcast v9, $0x2;
	[tilespmem:s23+$0x130] =	vst v0  }
0xf9: {  	v6 =	vld [tilespmem:s15+$0x140]  }
0xfa: {  	[tilespmem:s23+$0xFFFFFE20] =	vst v2;
	v2 =	vmul.f32 v44, v3;
	v0 =	vbroadcast v10, $0x3  }
0xfb: {  	v3 =	vld [tilespmem:s15+$0xFFFFFE30]  }
0xfc: {  	v48 =	vbroadcast v1, $0x4;
	[tilespmem:s23+$0x20] =	vst v2;
	v0 =	vmul.f32 v46, v0  }
0xfd: {  	v47 =	vld [tilespmem:s15+$0x30]  }
0xfe: {  	v2 =	vbroadcast v11, $0x3;
	[tilespmem:s23+$0xFFFFFF30] =	vst v0;
	v0 =	vmul.f32 v6, v48  }
0xff: {  	v49 =	vld [tilespmem:s15+$0xFFFFFF40]  }
0x100: {  	v2 =	vmul.f32 v3, v2;
	v3 =	vbroadcast v9, $0x3;
	[tilespmem:s23+$0x140] =	vst v0  }
0x101: {  	v6 =	vld [tilespmem:s15+$0x150]  }
0x102: {  	[tilespmem:s23+$0xFFFFFE30] =	vst v2;
	v2 =	vmul.f32 v47, v3;
	v0 =	vbroadcast v10, $0x4  }
0x103: {  	v3 =	vld [tilespmem:s15+$0xFFFFFE40]  }
0x104: {  	v51 =	vbroadcast v1, $0x5;
	[tilespmem:s23+$0x30] =	vst v2;
	v0 =	vmul.f32 v49, v0  }
0x105: {  	v50 =	vld [tilespmem:s15+$0x40]  }
0x106: {  	v2 =	vbroadcast v11, $0x4;
	[tilespmem:s23+$0xFFFFFF40] =	vst v0;
	v0 =	vmul.f32 v6, v51  }
0x107: {  	v52 =	vld [tilespmem:s15+$0xFFFFFF50]  }
0x108: {  	v2 =	vmul.f32 v3, v2;
	v3 =	vbroadcast v9, $0x4;
	[tilespmem:s23+$0x150] =	vst v0  }
0x109: {  	v6 =	vld [tilespmem:s15+$0x160]  }
0x10a: {  	[tilespmem:s23+$0xFFFFFE40] =	vst v2;
	v2 =	vmul.f32 v50, v3;
	v0 =	vbroadcast v10, $0x5  }
0x10b: {  	v3 =	vld [tilespmem:s15+$0xFFFFFE50]  }
0x10c: {  	v54 =	vbroadcast v1, $0x6;
	[tilespmem:s23+$0x40] =	vst v2;
	v0 =	vmul.f32 v52, v0  }
0x10d: {  	v53 =	vld [tilespmem:s15+$0x50]  }
0x10e: {  	v2 =	vbroadcast v11, $0x5;
	[tilespmem:s23+$0xFFFFFF50] =	vst v0;
	v0 =	vmul.f32 v6, v54;
	_ =	sdelay $0x1  }
0x10f: {  	v2 =	vmul.f32 v3, v2;
	v3 =	vbroadcast v9, $0x5;
	[tilespmem:s23+$0x160] =	vst v0  }
0x110: {  	v0 =	vld [tilespmem:s15+$0x170]  }
0x111: {  	[tilespmem:s23+$0xFFFFFE50] =	vst v2;
	v2 =	vmul.f32 v53, v3  }
0x112: {  	s16 =	simm.s32 $0x3370  }
0x113: {  	v5 =	vld [tilespmem:s16+$0x10];
	[tilespmem:s23+$0x50] =	vst v2;
	v2 =	vbroadcast v1, $0x7  }
0x114: {  	s18 =	simm.s32 $0x4110  }
0x115: {  	v0 =	vmul.f32 v0, v2;
	v2 =	vld [tilespmem:s18+$0x100];
	_ =	sdelay $0x2  }
0x116: {  	v6 =	vbroadcast v5, $0x0  }
0x117: {  	[tilespmem:s23+$0x170] =	vst v0  }
0x118: {  	v0 =	vld [tilespmem:s15+$0x180];
	v6 =	vmul.f32 v2, v6  }
0x119: {  	s24 =	simm.s32 $0x8110;
	v7 =	vld [tilespmem:s16+$0x0]  }
0x11a: {  	v17 =	vld [tilespmem:s16+$0xFFFFFFE0];
	[tilespmem:s24+$0x100] =	vst v6  }
0x11b: {  	v8 =	vbroadcast v1, $0x8;
	v13 =	vld [tilespmem:s18+$0x110]  }
0x11c: {  	v2 =	vld [tilespmem:s16+$0xFFFFFFF0]  }
0x11d: {  	v16 =	vld [tilespmem:s18+$0xFFFFFE00];
	v0 =	vmul.f32 v0, v8  }
0x11e: {  	v23 =	vld [tilespmem:s18+$0xFFFFFF00];
	v15 =	vbroadcast v5, $0x1  }
0x11f: {  	v3 =	vld [tilespmem:s15+$0xFFFFFE60];
	[tilespmem:s23+$0x180] =	vst v0  }
0x120: {  	v29 =	vbroadcast v17, $0x0;
	v0 =	vld [tilespmem:s15+$0x190];
	v13 =	vmul.f32 v13, v15  }
0x121: {  	v55 =	vld [tilespmem:s15+$0xFFFFFF60];
	v30 =	vbroadcast v2, $0x0  }
0x122: {  	v25 =	vld [tilespmem:s18+$0x0];
	v12 =	vbroadcast v11, $0x6;
	v29 =	vmul.f32 v16, v29;
	[tilespmem:s24+$0x110] =	vst v13  }
0x123: {  	v18 =	vbroadcast v1, $0x9;
	v23 =	vmul.f32 v23, v30;
	v31 =	vld [tilespmem:s18+$0x120]  }
0x124: {  	v14 =	vbroadcast v10, $0x6;
	v3 =	vmul.f32 v3, v12;
	v32 =	vld [tilespmem:s15+$0x60];
	[tilespmem:s24+$0xFFFFFE00] =	vst v29  }
0x125: {  	v13 =	vbroadcast v7, $0x0;
	v0 =	vmul.f32 v0, v18;
	[tilespmem:s24+$0xFFFFFF00] =	vst v23;
	v12 =	vld [tilespmem:s18+$0xFFFFFE10]  }
0x126: {  	v19 =	vbroadcast v9, $0x6;
	v4 =	vmul.f32 v55, v14;
	[tilespmem:s23+$0xFFFFFE60] =	vst v3;
	v14 =	vld [tilespmem:s18+$0xFFFFFF10]  }
0x127: {  	v23 =	vbroadcast v5, $0x2;
	v29 =	vld [tilespmem:s15+$0xFFFFFE70];
	[tilespmem:s23+$0x190] =	vst v0;
	v0 =	vmul.f32 v25, v13  }
0x128: {  	v20 =	vbroadcast v10, $0x7;
	v56 =	vbroadcast v17, $0x1;
	[tilespmem:s23+$0xFFFFFF60] =	vst v4;
	v25 =	vld [tilespmem:s15+$0x1A0]  }
0x129: {  	v6 =	vbroadcast v11, $0x7;
	v30 =	vld [tilespmem:s15+$0xFFFFFF70];
	[tilespmem:s24+$0x0] =	vst v0;
	v23 =	vmul.f32 v31, v23  }
0x12a: {  	v0 =	vbroadcast v1, $0xA;
	v3 =	vld [tilespmem:s18+$0x10];
	v19 =	vmul.f32 v32, v19  }
0x12b: {  	v31 =	vbroadcast v2, $0x1;
	v4 =	vmul.f32 v12, v56;
	[tilespmem:s24+$0x120] =	vst v23  }
0x12c: {  	v6 =	vmul.f32 v29, v6;
	[tilespmem:s23+$0x60] =	vst v19;
	v23 =	vbroadcast v7, $0x1;
	v12 =	vld [tilespmem:s18+$0x130]  }
0x12d: {  	v14 =	vmul.f32 v14, v31;
	v0 =	vmul.f32 v25, v0;
	v25 =	vld [tilespmem:s15+$0x70];
	[tilespmem:s24+$0xFFFFFE10] =	vst v4  }
0x12e: {  	[tilespmem:s23+$0xFFFFFE70] =	vst v6  }
0x12f: {  	v20 =	vmul.f32 v30, v20;
	[tilespmem:s24+$0xFFFFFF10] =	vst v14;
	v3 =	vmul.f32 v3, v23;
	v23 =	vld [tilespmem:s18+$0xFFFFFE20]  }
0x130: {  	v21 =	vbroadcast v9, $0x7;
	v29 =	vbroadcast v5, $0x3;
	[tilespmem:s23+$0x1A0] =	vst v0;
	v30 =	vld [tilespmem:s18+$0xFFFFFF20]  }
0x131: {  	[tilespmem:s23+$0xFFFFFF70] =	vst v20;
	v57 =	vld [tilespmem:s15+$0x1B0]  }
0x132: {  	v20 =	vld [tilespmem:s15+$0xFFFFFE80];
	[tilespmem:s24+$0x10] =	vst v3;
	v12 =	vmul.f32 v12, v29;
	v21 =	vmul.f32 v25, v21  }
0x133: {  	v3 =	vld [tilespmem:s18+$0x20];
	v25 =	vbroadcast v17, $0x2;
	v29 =	vbroadcast v2, $0x2  }
0x134: {  	v22 =	vbroadcast v11, $0x8;
	v6 =	vbroadcast v1, $0xB;
	v31 =	vld [tilespmem:s15+$0xFFFFFF80]  }
0x135: {  	[tilespmem:s24+$0x130] =	vst v12;
	v12 =	vmul.f32 v23, v25;
	v25 =	vmul.f32 v30, v29  }
0x136: {  	[tilespmem:s23+$0x70] =	vst v21;
	v4 =	vmul.f32 v57, v6;
	v6 =	vbroadcast v7, $0x2;
	v58 =	vld [tilespmem:s18+$0x140]  }
0x137: {  	v24 =	vbroadcast v10, $0x8;
	v33 =	vld [tilespmem:s15+$0x80];
	[tilespmem:s24+$0xFFFFFE20] =	vst v12  }
0x138: {  	[tilespmem:s24+$0xFFFFFF20] =	vst v25;
	v3 =	vmul.f32 v3, v6;
	v6 =	vmul.f32 v20, v22;
	v12 =	vld [tilespmem:s18+$0xFFFFFE30]  }
0x139: {  	[tilespmem:s23+$0x1B0] =	vst v4;
	v20 =	vbroadcast v5, $0x4;
	v22 =	vmul.f32 v31, v24;
	v24 =	vld [tilespmem:s18+$0xFFFFFF30]  }
0x13a: {  	v26 =	vbroadcast v9, $0x8;
	v4 =	vld [tilespmem:s15+$0x1C0];
	[tilespmem:s24+$0x20] =	vst v3  }
0x13b: {  	v27 =	vbroadcast v11, $0x9;
	[tilespmem:s23+$0xFFFFFE80] =	vst v6;
	v6 =	vmul.f32 v58, v20  }
0x13c: {  	[tilespmem:s23+$0xFFFFFF80] =	vst v22;
	v29 =	vld [tilespmem:s18+$0x30];
	v20 =	vbroadcast v17, $0x3;
	v26 =	vmul.f32 v33, v26  }
0x13d: {  	v3 =	vbroadcast v1, $0xC;
	v22 =	vbroadcast v2, $0x3;
	v30 =	vld [tilespmem:s15+$0xFFFFFE90];
	[tilespmem:s24+$0x140] =	vst v6  }
0x13e: {  	v31 =	vld [tilespmem:s15+$0xFFFFFF90];
	v6 =	vbroadcast v7, $0x3;
	v12 =	vmul.f32 v12, v20;
	[tilespmem:s23+$0x80] =	vst v26  }
0x13f: {  	v22 =	vmul.f32 v24, v22;
	v4 =	vmul.f32 v4, v3;
	v24 =	vld [tilespmem:s15+$0x90]  }
0x140: {  	v28 =	vbroadcast v10, $0x9;
	v34 =	vbroadcast v17, $0xA;
	v20 =	vld [tilespmem:s18+$0x150];
	[tilespmem:s24+$0xFFFFFE30] =	vst v12  }
0x141: {  	v16 =	vbroadcast v9, $0xA;
	[tilespmem:s23+$0x1C0] =	vst v4;
	v12 =	vmul.f32 v29, v6  }
0x142: {  	v8 =	vbroadcast v9, $0x9;
	[tilespmem:s24+$0xFFFFFF30] =	vst v22;
	v22 =	vmul.f32 v30, v27;
	v26 =	vld [tilespmem:s15+$0x1D0]  }
0x143: {  	v29 =	vld [tilespmem:s18+$0xFFFFFE40];
	v27 =	vbroadcast v5, $0x5;
	[tilespmem:s24+$0x30] =	vst v12;
	v12 =	vmul.f32 v31, v28  }
0x144: {  	v37 =	vbroadcast v17, $0x9;
	v30 =	vld [tilespmem:s18+$0xFFFFFF40];
	[tilespmem:s23+$0xFFFFFE90] =	vst v22;
	v8 =	vmul.f32 v24, v8  }
0x145: {  	v31 =	vbroadcast v1, $0xD;
	v28 =	vld [tilespmem:s18+$0x40];
	v20 =	vmul.f32 v20, v27;
	[tilespmem:s23+$0xFFFFFF90] =	vst v12  }
0x146: {  	v22 =	vbroadcast v17, $0x4;
	v24 =	vld [tilespmem:s15+$0xFFFFFEA0];
	[tilespmem:s23+$0x90] =	vst v8;
	v8 =	vbroadcast v10, $0xE  }
0x147: {  	v12 =	vbroadcast v2, $0x4;
	v27 =	vld [tilespmem:s15+$0xFFFFFFA0];
	[tilespmem:s24+$0x150] =	vst v20;
	v26 =	vmul.f32 v26, v31  }
0x148: {  	v20 =	vbroadcast v7, $0x4;
	v22 =	vmul.f32 v29, v22;
	v29 =	vld [tilespmem:s18+$0x160];
	[tilespmem:$0x1FF60] =	vst v8  }
0x149: {  	v15 =	vbroadcast v11, $0xA;
	v30 =	vmul.f32 v30, v12;
	v31 =	vld [tilespmem:s15+$0xA0];
	[tilespmem:s23+$0x1D0] =	vst v26  }
0x14a: {  	v18 =	vbroadcast v10, $0xA;
	[tilespmem:s24+$0xFFFFFE40] =	vst v22;
	v20 =	vmul.f32 v28, v20;
	v22 =	vld [tilespmem:s15+$0x1E0]  }
0x14b: {  	[tilespmem:s24+$0xFFFFFF40] =	vst v30;
	v15 =	vmul.f32 v24, v15;
	v24 =	vbroadcast v5, $0x6  }
0x14c: {  	v36 =	vbroadcast v7, $0x9;
	v26 =	vld [tilespmem:s18+$0xFFFFFE50];
	[tilespmem:s24+$0x40] =	vst v20;
	v18 =	vmul.f32 v27, v18  }
0x14d: {  	v28 =	vld [tilespmem:s18+$0xFFFFFF50];
	v27 =	vbroadcast v1, $0xE;
	[tilespmem:s23+$0xFFFFFEA0] =	vst v15;
	v15 =	vmul.f32 v29, v24  }
0x14e: {  	v40 =	vbroadcast v17, $0x8;
	v20 =	vld [tilespmem:s18+$0x50];
	[tilespmem:s23+$0xFFFFFFA0] =	vst v18;
	v16 =	vmul.f32 v31, v16  }
0x14f: {  	v24 =	vbroadcast v17, $0x5;
	v29 =	vld [tilespmem:s15+$0xFFFFFEB0];
	[tilespmem:s24+$0x160] =	vst v15;
	v22 =	vmul.f32 v22, v27  }
0x150: {  	v8 =	vbroadcast v9, $0xF;
	v18 =	vbroadcast v2, $0x5;
	v27 =	vld [tilespmem:s15+$0xFFFFFFB0];
	[tilespmem:s23+$0xA0] =	vst v16  }
0x151: {  	v44 =	vbroadcast v17, $0x7;
	v24 =	vmul.f32 v26, v24;
	v16 =	vld [tilespmem:s18+$0x170];
	[tilespmem:s23+$0x1E0] =	vst v22  }
0x152: {  	v13 =	vbroadcast v11, $0xB;
	v18 =	vmul.f32 v28, v18;
	v26 =	vld [tilespmem:s15+$0xB0];
	[tilespmem:$0x1FFF0] =	vst v8  }
0x153: {  	v48 =	vbroadcast v7, $0x7;
	v15 =	vbroadcast v7, $0x5;
	[tilespmem:s24+$0xFFFFFE50] =	vst v24  }
0x154: {  	v13 =	vmul.f32 v29, v13;
	v39 =	vld [tilespmem:s15+$0x1F0];
	[tilespmem:s24+$0xFFFFFF50] =	vst v18;
	v18 =	vbroadcast v5, $0x7  }
0x155: {  	s6 =	simm.s32 $0x33B0;
	v19 =	vbroadcast v10, $0xB;
	v15 =	vmul.f32 v20, v15;
	v20 =	vld [tilespmem:s18+$0xFFFFFE60]  }
0x156: {  	s5 =	simm.s32 $0x4510;
	v42 =	vbroadcast v2, $0x6;
	[tilespmem:s23+$0xFFFFFEB0] =	vst v13;
	v30 =	vld [tilespmem:s6+$0xFFFFFFE0];
	v13 =	vmul.f32 v16, v18  }
0x157: {  	v46 =	vbroadcast v2, $0x7;
	[tilespmem:s24+$0x50] =	vst v15;
	v50 =	vld [tilespmem:s5+$0xFFFFFE00];
	v15 =	vmul.f32 v27, v19  }
0x158: {  	v41 =	vbroadcast v2, $0x8;
	v22 =	vbroadcast v17, $0x6;
	v59 =	vld [tilespmem:s5+$0xFFFFFF00];
	[tilespmem:s24+$0x170] =	vst v13  }
0x159: {  	v38 =	vbroadcast v2, $0x9;
	v32 =	vbroadcast v2, $0xC;
	[tilespmem:s23+$0xFFFFFFB0] =	vst v15;
	v15 =	vld [tilespmem:s18+$0x180]  }
0x15a: {  	v14 =	vbroadcast v11, $0xC;
	v13 =	vld [tilespmem:s6+$0x10];
	v18 =	vmul.f32 v20, v22  }
0x15b: {  	v0 =	vbroadcast v9, $0xB;
	v21 =	vbroadcast v10, $0xC;
	v43 =	vld [tilespmem:s18+$0x60]  }
0x15c: {  	v23 =	vbroadcast v9, $0xC;
	v20 =	vld [tilespmem:s5+$0x100];
	[tilespmem:s24+$0xFFFFFE60] =	vst v18;
	v18 =	vbroadcast v5, $0x8  }
0x15d: {  	v25 =	vbroadcast v11, $0xD;
	v33 =	vbroadcast v7, $0xC;
	v19 =	vld [tilespmem:s6+$0xFFFFFFF0]  }
0x15e: {  	v45 =	vld [tilespmem:s15+$0xFFFFFEC0];
	v16 =	vbroadcast v7, $0x6;
	v15 =	vmul.f32 v15, v18  }
0x15f: {  	v1 =	vbroadcast v1, $0xF;
	v35 =	vld [tilespmem:s18+$0xFFFFFF60];
	v24 =	vbroadcast v13, $0x0  }
0x160: {  	v31 =	vbroadcast v2, $0xA;
	v16 =	vmul.f32 v43, v16;
	v22 =	vld [tilespmem:s18+$0xFFFFFE70];
	[tilespmem:s24+$0x180] =	vst v15  }
0x161: {  	v28 =	vbroadcast v17, $0xB;
	v20 =	vmul.f32 v20, v24;
	v15 =	vld [tilespmem:s18+$0x190]  }
0x162: {  	v0 =	vmul.f32 v26, v0;
	[tilespmem:s24+$0x60] =	vst v16;
	v16 =	vbroadcast v19, $0x0;
	v18 =	vld [tilespmem:s6+$0x0];
	s6 =	simm.s32 $0x8510  }
0x163: {  	v47 =	vld [tilespmem:s15+$0xFFFFFFC0];
	v62 =	vbroadcast v30, $0x0;
	v14 =	vmul.f32 v45, v14;
	[tilespmem:s6+$0x100] =	vst v20  }
0x164: {  	[tilespmem:s23+$0xB0] =	vst v0;
	v16 =	vmul.f32 v59, v16;
	v20 =	vbroadcast v5, $0x9;
	v60 =	vld [tilespmem:s5+$0x110]  }
0x165: {  	v29 =	vbroadcast v7, $0xA;
	v61 =	vld [tilespmem:s5+$0x0];
	v35 =	vmul.f32 v35, v42;
	[tilespmem:s23+$0xFFFFFEC0] =	vst v14  }
0x166: {  	v49 =	vld [tilespmem:s15+$0xC0];
	v14 =	vmul.f32 v50, v62;
	[tilespmem:s6+$0xFFFFFF00] =	vst v16;
	v15 =	vmul.f32 v15, v20  }
0x167: {  	[tilespmem:s24+$0xFFFFFF60] =	vst v35;
	v63 =	vbroadcast v13, $0x1;
	v16 =	vmul.f32 v22, v44;
	v22 =	vld [tilespmem:s5+$0xFFFFFF10]  }
0x168: {  	v27 =	vbroadcast v7, $0xB;
	v21 =	vmul.f32 v47, v21;
	v20 =	vld [tilespmem:s18+$0x70];
	[tilespmem:s24+$0x190] =	vst v15  }
0x169: {  	[tilespmem:s6+$0xFFFFFE00] =	vst v14;
	v53 =	vbroadcast v18, $0x0;
	v43 =	vmul.f32 v60, v63;
	v56 =	vld [tilespmem:s18+$0x1A0]  }
0x16a: {  	v26 =	vbroadcast v2, $0xB;
	v62 =	vbroadcast v19, $0x1;
	[tilespmem:s23+$0xFFFFFFC0] =	vst v21;
	v57 =	vld [tilespmem:s5+$0xFFFFFE10]  }
0x16b: {  	v51 =	vld [tilespmem:s18+$0xFFFFFF70];
	v59 =	vbroadcast v5, $0xA;
	v45 =	vmul.f32 v61, v53;
	[tilespmem:s6+$0x110] =	vst v43  }
0x16c: {  	v23 =	vmul.f32 v49, v23;
	[tilespmem:s24+$0xFFFFFE70] =	vst v16;
	v43 =	vmul.f32 v22, v62;
	v60 =	vld [tilespmem:s5+$0x120]  }
0x16d: {  	v52 =	vld [tilespmem:s15+$0xFFFFFED0];
	[tilespmem:s6+$0x0] =	vst v45;
	v16 =	vmul.f32 v20, v48;
	v20 =	vbroadcast v30, $0x1  }
0x16e: {  	v0 =	vbroadcast v7, $0x8;
	[tilespmem:s23+$0xC0] =	vst v23;
	v61 =	vld [tilespmem:s5+$0x10];
	v42 =	vmul.f32 v56, v59  }
0x16f: {  	v49 =	vld [tilespmem:s15+$0xD0];
	v63 =	vbroadcast v13, $0x2;
	[tilespmem:s6+$0xFFFFFF10] =	vst v43;
	v20 =	vmul.f32 v57, v20  }
0x170: {  	v55 =	vbroadcast v30, $0x3;
	v58 =	vmul.f32 v51, v46;
	v43 =	vld [tilespmem:s5+$0xFFFFFF20];
	[tilespmem:s24+$0x1A0] =	vst v42  }
0x171: {  	v56 =	vbroadcast v18, $0x1;
	[tilespmem:s6+$0xFFFFFE10] =	vst v20;
	v45 =	vmul.f32 v60, v63;
	v42 =	vld [tilespmem:s18+$0x1B0]  }
0x172: {  	v35 =	vbroadcast v17, $0xD;
	v21 =	vmul.f32 v52, v25;
	[tilespmem:s24+$0xFFFFFF70] =	vst v58;
	v58 =	vld [tilespmem:s5+$0xFFFFFE20]  }
0x173: {  	v23 =	vbroadcast v19, $0x2;
	v51 =	vld [tilespmem:s18+$0xFFFFFE80];
	v46 =	vmul.f32 v61, v56;
	[tilespmem:s6+$0x120] =	vst v45  }
0x174: {  	v24 =	vbroadcast v17, $0xC;
	[tilespmem:s23+$0xFFFFFED0] =	vst v21;
	v59 =	vbroadcast v5, $0xB;
	v60 =	vld [tilespmem:s5+$0x130]  }
0x175: {  	v25 =	vbroadcast v30, $0x2;
	v44 =	vld [tilespmem:s18+$0xFFFFFF80];
	v23 =	vmul.f32 v43, v23;
	[tilespmem:s6+$0x10] =	vst v46  }
0x176: {  	v14 =	vbroadcast v2, $0xD;
	[tilespmem:s24+$0x70] =	vst v16;
	v61 =	vld [tilespmem:s5+$0x20];
	v42 =	vmul.f32 v42, v59  }
0x177: {  	v48 =	vld [tilespmem:s15+$0xFFFFFFD0];
	[tilespmem:s6+$0xFFFFFF20] =	vst v23;
	v21 =	vmul.f32 v58, v25;
	v25 =	vbroadcast v13, $0x3  }
0x178: {  	v62 =	vbroadcast v18, $0x2;
	v16 =	vbroadcast v17, $0xE;
	v57 =	vld [tilespmem:s18+$0x80];
	[tilespmem:s24+$0x1B0] =	vst v42  }
0x179: {  	[tilespmem:s6+$0xFFFFFE20] =	vst v21;
	v25 =	vmul.f32 v60, v25;
	v21 =	vbroadcast v17, $0xF;
	v42 =	vld [tilespmem:s18+$0x1C0]  }
0x17a: {  	v23 =	vld [tilespmem:s5+$0xFFFFFF30];
	v17 =	vmul.f32 v39, v1;
	v1 =	vmul.f32 v51, v40  }
0x17b: {  	v52 =	vbroadcast v5, $0xC;
	v63 =	vmul.f32 v61, v62;
	v50 =	vld [tilespmem:s5+$0xFFFFFE30];
	[tilespmem:s6+$0x130] =	vst v25  }
0x17c: {  	v15 =	vbroadcast v7, $0xD;
	v46 =	vld [tilespmem:s15+$0xFFFFFEE0];
	v25 =	vmul.f32 v44, v41;
	[tilespmem:s24+$0xFFFFFE80] =	vst v1  }
0x17d: {  	v22 =	vbroadcast v2, $0xE;
	v0 =	vmul.f32 v57, v0;
	[tilespmem:s6+$0x20] =	vst v63;
	v54 =	vld [tilespmem:s5+$0x140]  }
0x17e: {  	v1 =	vbroadcast v19, $0x3;
	v56 =	vld [tilespmem:s18+$0xFFFFFE90];
	[tilespmem:s24+$0xFFFFFF80] =	vst v25;
	v25 =	vmul.f32 v42, v52  }
0x17f: {  	v2 =	vbroadcast v2, $0xF;
	v20 =	vbroadcast v7, $0xE;
	[tilespmem:s24+$0x80] =	vst v0;
	v43 =	vld [tilespmem:s5+$0x30]  }
0x180: {  	v1 =	vmul.f32 v23, v1;
	v23 =	vld [tilespmem:s18+$0x90];
	v57 =	vmul.f32 v50, v55;
	[tilespmem:s24+$0x1C0] =	vst v25  }
0x181: {  	v7 =	vbroadcast v7, $0xF;
	v0 =	vbroadcast v13, $0x4;
	v58 =	vld [tilespmem:s18+$0xFFFFFF90];
	[tilespmem:$0x1FEF0] =	vst v2  }
0x182: {  	[tilespmem:s6+$0xFFFFFE30] =	vst v57  }
0x183: {  	v59 =	vbroadcast v18, $0x3;
	v0 =	vmul.f32 v54, v0;
	v2 =	vld [tilespmem:s18+$0x1D0];
	[tilespmem:$0x1FF00] =	vst v7  }
0x184: {  	v37 =	vmul.f32 v56, v37;
	[tilespmem:s6+$0xFFFFFF30] =	vst v1  }
0x185: {  	v7 =	vmul.f32 v43, v59;
	v25 =	vld [tilespmem:s5+$0xFFFFFE40];
	[tilespmem:s6+$0x140] =	vst v0  }
0x186: {  	[tilespmem:s24+$0xFFFFFE90] =	vst v37;
	v60 =	vld [tilespmem:s5+$0xFFFFFF40]  }
0x187: {  	v0 =	vmul.f32 v58, v38;
	[tilespmem:s6+$0x30] =	vst v7;
	v7 =	vbroadcast v5, $0xD;
	v61 =	vld [tilespmem:s5+$0x150]  }
0x188: {  	v23 =	vmul.f32 v23, v36;
	v1 =	vbroadcast v30, $0x4;
	v37 =	vld [tilespmem:s18+$0xFFFFFEA0]  }
0x189: {  	v62 =	vbroadcast v19, $0x4;
	v63 =	vld [tilespmem:s5+$0x40];
	[tilespmem:s24+$0xFFFFFF90] =	vst v0;
	v0 =	vmul.f32 v2, v7  }
0x18a: {  	[tilespmem:s24+$0x90] =	vst v23;
	v2 =	vld [tilespmem:s18+$0xFFFFFFA0];
	v7 =	vbroadcast v13, $0x5;
	v1 =	vmul.f32 v25, v1  }
0x18b: {  	v45 =	vld [tilespmem:s18+$0xA0];
	[tilespmem:s24+$0x1D0] =	vst v0;
	v25 =	vmul.f32 v60, v62  }
0x18c: {  	v44 =	vbroadcast v18, $0x4;
	v7 =	vmul.f32 v61, v7;
	[tilespmem:s6+$0xFFFFFE40] =	vst v1;
	v1 =	vld [tilespmem:s18+$0x1E0]  }
0x18d: {  	v34 =	vmul.f32 v37, v34;
	v56 =	vld [tilespmem:s5+$0xFFFFFE50];
	[tilespmem:s6+$0xFFFFFF40] =	vst v25  }
0x18e: {  	v3 =	vbroadcast v10, $0xD;
	v36 =	vmul.f32 v63, v44;
	[tilespmem:s6+$0x150] =	vst v7;
	v57 =	vld [tilespmem:s5+$0xFFFFFF50]  }
0x18f: {  	v2 =	vmul.f32 v2, v31;
	v7 =	vbroadcast v5, $0xE;
	[tilespmem:s24+$0xFFFFFEA0] =	vst v34;
	v31 =	vld [tilespmem:s5+$0x160]  }
0x190: {  	v23 =	vbroadcast v30, $0x5;
	v29 =	vmul.f32 v45, v29;
	[tilespmem:s6+$0x40] =	vst v36;
	v61 =	vld [tilespmem:s18+$0xFFFFFEB0]  }
0x191: {  	v0 =	vbroadcast v19, $0x5;
	v59 =	vld [tilespmem:s5+$0x50];
	[tilespmem:s24+$0xFFFFFFA0] =	vst v2;
	v1 =	vmul.f32 v1, v7  }
0x192: {  	[tilespmem:s24+$0xA0] =	vst v29;
	v7 =	vld [tilespmem:s18+$0xFFFFFFB0];
	v2 =	vmul.f32 v56, v23;
	v23 =	vbroadcast v13, $0x6  }
0x193: {  	v4 =	vbroadcast v9, $0xD;
	v29 =	vld [tilespmem:s18+$0xB0];
	v0 =	vmul.f32 v57, v0;
	[tilespmem:s24+$0x1E0] =	vst v1  }
0x194: {  	v47 =	vbroadcast v18, $0x5;
	[tilespmem:s6+$0xFFFFFE50] =	vst v2;
	v2 =	vld [tilespmem:s18+$0x1F0];
	v23 =	vmul.f32 v31, v23  }
0x195: {  	v6 =	vbroadcast v11, $0xE;
	v53 =	vbroadcast v30, $0x7;
	v31 =	vld [tilespmem:s5+$0xFFFFFE60];
	[tilespmem:s6+$0xFFFFFF50] =	vst v0  }
0x196: {  	v49 =	vmul.f32 v49, v4;
	v0 =	vmul.f32 v59, v47;
	v62 =	vld [tilespmem:s5+$0xFFFFFF60];
	[tilespmem:s6+$0x160] =	vst v23  }
0x197: {  	s12 =	simm.s32 $0x33F0;
	v51 =	vbroadcast v18, $0x8;
	v7 =	vmul.f32 v7, v26;
	v63 =	vld [tilespmem:s5+$0x170]  }
0x198: {  	v40 =	vbroadcast v30, $0xB;
	v23 =	vld [tilespmem:s12+$0x10];
	[tilespmem:s6+$0x50] =	vst v0;
	v0 =	vmul.f32 v61, v28  }
0x199: {  	s10 =	simm.s32 $0x4910;
	v39 =	vbroadcast v18, $0xB;
	v25 =	vbroadcast v30, $0x6;
	v28 =	vld [tilespmem:s5+$0x60];
	[tilespmem:s24+$0xFFFFFFB0] =	vst v7  }
0x19a: {  	v26 =	vbroadcast v13, $0x7;
	[tilespmem:s24+$0xFFFFFEB0] =	vst v0;
	v0 =	vmul.f32 v29, v27;
	v27 =	vld [tilespmem:s10+$0x100]  }
0x19b: {  	v41 =	vbroadcast v19, $0xA;
	v55 =	vld [tilespmem:s18+$0xFFFFFFC0];
	v7 =	vmul.f32 v31, v25  }
0x19c: {  	v50 =	vbroadcast v19, $0x8;
	v29 =	vld [tilespmem:s18+$0xFFFFFEC0];
	[tilespmem:s24+$0xB0] =	vst v0;
	v0 =	vmul.f32 v63, v26  }
0x19d: {  	v52 =	vbroadcast v30, $0x8;
	v58 =	vbroadcast v19, $0x6;
	v31 =	vld [tilespmem:s12+$0xFFFFFFE0];
	[tilespmem:s6+$0xFFFFFE60] =	vst v7  }
0x19e: {  	v42 =	vbroadcast v30, $0xA;
	v56 =	vld [tilespmem:s18+$0xC0];
	v7 =	vbroadcast v23, $0x0;
	[tilespmem:s6+$0x170] =	vst v0  }
0x19f: {  	v60 =	vbroadcast v18, $0x6;
	v25 =	vmul.f32 v62, v58;
	v0 =	vld [tilespmem:s5+$0x180]  }
0x1a0: {  	v54 =	vbroadcast v18, $0x7;
	v57 =	vld [tilespmem:s5+$0xFFFFFE70];
	v7 =	vmul.f32 v27, v7  }
0x1a1: {  	s11 =	simm.s32 $0x8910;
	v43 =	vbroadcast v18, $0xA;
	v26 =	vmul.f32 v28, v60;
	[tilespmem:s6+$0xFFFFFF60] =	vst v25;
	v28 =	vld [tilespmem:s12+$0xFFFFFFF0]  }
0x1a2: {  	v38 =	vbroadcast v19, $0xB;
	v58 =	vld [tilespmem:s5+$0xFFFFFF70];
	[tilespmem:s11+$0x100] =	vst v7;
	v7 =	vbroadcast v13, $0x8  }
0x1a3: {  	v45 =	vbroadcast v19, $0x9;
	v24 =	vmul.f32 v29, v24;
	v60 =	vld [tilespmem:s10+$0x110]  }
0x1a4: {  	v37 =	vbroadcast v30, $0xC;
	[tilespmem:s6+$0x60] =	vst v26;
	v29 =	vld [tilespmem:s12+$0x0];
	v0 =	vmul.f32 v0, v7  }
0x1a5: {  	v62 =	vmul.f32 v48, v3;
	v3 =	vbroadcast v19, $0xE;
	v59 =	vld [tilespmem:s5+$0x70];
	[tilespmem:s24+$0xFFFFFEC0] =	vst v24  }
0x1a6: {  	v44 =	vbroadcast v18, $0x9;
	v61 =	vld [tilespmem:s18+$0xFFFFFED0];
	v7 =	vbroadcast v23, $0x1;
	[tilespmem:s6+$0x180] =	vst v0  }
0x1a7: {  	v1 =	vbroadcast v19, $0x7;
	v0 =	vld [tilespmem:s5+$0x190];
	[tilespmem:$0x1FF10] =	vst v3;
	v3 =	vbroadcast v18, $0xE  }
0x1a8: {  	v7 =	vmul.f32 v60, v7;
	v60 =	vmul.f32 v46, v6;
	v6 =	vld [tilespmem:s10+$0xFFFFFE00]  }
0x1a9: {  	v47 =	vbroadcast v30, $0x9;
	v57 =	vmul.f32 v57, v53;
	[tilespmem:$0x1FF20] =	vst v3  }
0x1aa: {  	v1 =	vmul.f32 v58, v1;
	v48 =	vld [tilespmem:s10+$0xFFFFFF00];
	[tilespmem:s11+$0x110] =	vst v7;
	v7 =	vbroadcast v13, $0x9  }
0x1ab: {  	v4 =	vbroadcast v31, $0x0;
	v46 =	vmul.f32 v59, v54;
	[tilespmem:s6+$0xFFFFFE70] =	vst v57;
	v53 =	vld [tilespmem:s10+$0x120]  }
0x1ac: {  	v27 =	vbroadcast v30, $0xD;
	v63 =	vld [tilespmem:s10+$0x0];
	[tilespmem:s6+$0xFFFFFF70] =	vst v1;
	v0 =	vmul.f32 v0, v7  }
0x1ad: {  	v1 =	vbroadcast v28, $0x0;
	[tilespmem:s6+$0x70] =	vst v46;
	v58 =	vld [tilespmem:s5+$0xFFFFFE80];
	v6 =	vmul.f32 v6, v4  }
0x1ae: {  	v3 =	vbroadcast v30, $0xF;
	v57 =	vld [tilespmem:s5+$0xFFFFFF80];
	v7 =	vbroadcast v23, $0x2;
	[tilespmem:s6+$0x190] =	vst v0  }
0x1af: {  	v59 =	vld [tilespmem:s5+$0x80];
	v0 =	vbroadcast v5, $0xF;
	v1 =	vmul.f32 v48, v1;
	[tilespmem:s11+$0xFFFFFE00] =	vst v6  }
0x1b0: {  	v48 =	vbroadcast v29, $0x0;
	v6 =	vld [tilespmem:s5+$0x1A0];
	v7 =	vmul.f32 v53, v7;
	[tilespmem:$0x1FF30] =	vst v3  }
0x1b1: {  	v46 =	vmul.f32 v2, v0;
	v0 =	vmul.f32 v55, v32;
	[tilespmem:s11+$0xFFFFFF00] =	vst v1  }
0x1b2: {  	v24 =	vbroadcast v30, $0xE;
	v30 =	vmul.f32 v63, v48;
	v54 =	vld [tilespmem:s10+$0xFFFFFE10];
	[tilespmem:s11+$0x120] =	vst v7  }
0x1b3: {  	v2 =	vmul.f32 v56, v33;
	v1 =	vld [tilespmem:s10+$0xFFFFFF10];
	v7 =	vbroadcast v13, $0xA;
	[tilespmem:s24+$0xFFFFFFC0] =	vst v0  }
0x1b4: {  	v34 =	vbroadcast v18, $0xC;
	[tilespmem:s11+$0x0] =	vst v30;
	v32 =	vld [tilespmem:s10+$0x130];
	v30 =	vmul.f32 v61, v35  }
0x1b5: {  	v56 =	vbroadcast v31, $0x1;
	[tilespmem:s24+$0xC0] =	vst v2;
	v8 =	vld [tilespmem:s18+$0xFFFFFFD0];
	v6 =	vmul.f32 v6, v7  }
0x1b6: {  	v36 =	vbroadcast v19, $0xC;
	v0 =	vbroadcast v19, $0xF;
	v61 =	vld [tilespmem:s10+$0x10];
	[tilespmem:s24+$0xFFFFFED0] =	vst v30  }
0x1b7: {  	v2 =	vbroadcast v28, $0x1;
	v30 =	vld [tilespmem:s18+$0xD0];
	v33 =	vmul.f32 v54, v56;
	[tilespmem:s6+$0x1A0] =	vst v6  }
0x1b8: {  	v63 =	vbroadcast v23, $0x3;
	v48 =	vld [tilespmem:s18+$0xFFFFFEE0];
	[tilespmem:$0x1FF40] =	vst v0;
	v0 =	vbroadcast v18, $0xF  }
0x1b9: {  	v4 =	vbroadcast v29, $0x1;
	v1 =	vmul.f32 v1, v2;
	[tilespmem:s11+$0xFFFFFE10] =	vst v33  }
0x1ba: {  	v26 =	vbroadcast v19, $0xD;
	v2 =	vld [tilespmem:s5+$0x1B0];
	v19 =	vmul.f32 v32, v63;
	[tilespmem:$0x1FF50] =	vst v0  }
0x1bb: {  	v25 =	vbroadcast v18, $0xD;
	v18 =	vmul.f32 v61, v4;
	v32 =	vld [tilespmem:s10+$0xFFFFFE20];
	[tilespmem:s11+$0xFFFFFF10] =	vst v1  }
0x1bc: {  	[tilespmem:s11+$0x130] =	vst v19;
	v35 =	vld [tilespmem:s10+$0xFFFFFF20]  }
0x1bd: {  	v12 =	vbroadcast v9, $0xE;
	[tilespmem:s11+$0x10] =	vst v18;
	v18 =	vbroadcast v13, $0xB;
	v53 =	vld [tilespmem:s10+$0x140]  }
0x1be: {  	v5 =	vbroadcast v31, $0x2;
	v50 =	vmul.f32 v57, v50;
	[tilespmem:s23+$0xFFFFFFD0] =	vst v62;
	v4 =	vld [tilespmem:s10+$0x20]  }
0x1bf: {  	v1 =	vbroadcast v28, $0x2;
	[tilespmem:s23+$0xFFFFFEE0] =	vst v60;
	v63 =	vld [tilespmem:s15+$0xFFFFFFE0];
	v2 =	vmul.f32 v2, v18  }
0x1c0: {  	[tilespmem:s6+$0xFFFFFF80] =	vst v50;
	v9 =	vld [tilespmem:s15+$0xFFFFFEF0];
	v32 =	vmul.f32 v32, v5;
	v5 =	vbroadcast v23, $0x4  }
0x1c1: {  	v19 =	vbroadcast v29, $0x2;
	v50 =	vld [tilespmem:s5+$0xFFFFFF90];
	[tilespmem:s6+$0x1B0] =	vst v2;
	v35 =	vmul.f32 v35, v1  }
0x1c2: {  	v62 =	vld [tilespmem:s5+$0x1C0];
	[tilespmem:s11+$0xFFFFFE20] =	vst v32;
	v2 =	vmul.f32 v53, v5  }
0x1c3: {  	v19 =	vmul.f32 v4, v19;
	[tilespmem:s11+$0xFFFFFF20] =	vst v35;
	v5 =	vld [tilespmem:s10+$0xFFFFFE30]  }
0x1c4: {  	v52 =	vmul.f32 v58, v52;
	[tilespmem:s11+$0x140] =	vst v2;
	v2 =	vld [tilespmem:s10+$0xFFFFFF30]  }
0x1c5: {  	[tilespmem:s11+$0x20] =	vst v19;
	v19 =	vbroadcast v13, $0xC;
	v4 =	vld [tilespmem:s10+$0x150]  }
0x1c6: {  	v51 =	vmul.f32 v59, v51;
	v54 =	vbroadcast v31, $0x3;
	[tilespmem:s6+$0xFFFFFE80] =	vst v52;
	v61 =	vld [tilespmem:s10+$0x30]  }
0x1c7: {  	v55 =	vbroadcast v28, $0x3;
	[tilespmem:s23+$0xD0] =	vst v49;
	v19 =	vmul.f32 v62, v19;
	v62 =	vld [tilespmem:s5+$0xFFFFFE90]  }
0x1c8: {  	[tilespmem:s6+$0x80] =	vst v51;
	v18 =	vld [tilespmem:s15+$0xE0];
	v35 =	vmul.f32 v5, v54;
	v5 =	vbroadcast v23, $0x5  }
0x1c9: {  	v49 =	vbroadcast v29, $0x3;
	[tilespmem:s6+$0x1C0] =	vst v19;
	v19 =	vld [tilespmem:s5+$0x90];
	v2 =	vmul.f32 v2, v55  }
0x1ca: {  	v59 =	vld [tilespmem:s5+$0x1D0];
	[tilespmem:s11+$0xFFFFFE30] =	vst v35;
	v57 =	vmul.f32 v4, v5  }
0x1cb: {  	v49 =	vmul.f32 v61, v49;
	[tilespmem:s11+$0xFFFFFF30] =	vst v2;
	v4 =	vld [tilespmem:s10+$0xFFFFFE40]  }
0x1cc: {  	v11 =	vbroadcast v11, $0xF;
	v33 =	vmul.f32 v62, v47;
	[tilespmem:s11+$0x150] =	vst v57;
	v35 =	vld [tilespmem:s10+$0xFFFFFF40]  }
0x1cd: {  	v45 =	vmul.f32 v50, v45;
	v5 =	vbroadcast v13, $0xD;
	[tilespmem:s11+$0x30] =	vst v49;
	v49 =	vld [tilespmem:s10+$0x160]  }
0x1ce: {  	v60 =	vbroadcast v31, $0x4;
	[tilespmem:s6+$0xFFFFFE90] =	vst v33;
	v19 =	vmul.f32 v19, v44;
	v57 =	vld [tilespmem:s10+$0x40]  }
0x1cf: {  	v32 =	vbroadcast v28, $0x4;
	[tilespmem:s6+$0xFFFFFF90] =	vst v45;
	v59 =	vmul.f32 v59, v5;
	v47 =	vld [tilespmem:s5+$0xFFFFFEA0]  }
0x1d0: {  	v5 =	vld [tilespmem:s5+$0xFFFFFFA0];
	[tilespmem:s6+$0x90] =	vst v19;
	v19 =	vbroadcast v23, $0x6;
	v4 =	vmul.f32 v4, v60  }
0x1d1: {  	v53 =	vbroadcast v29, $0x4;
	[tilespmem:s6+$0x1D0] =	vst v59;
	v32 =	vmul.f32 v35, v32;
	v35 =	vld [tilespmem:s5+$0xA0]  }
0x1d2: {  	v58 =	vbroadcast v28, $0x5;
	v45 =	vld [tilespmem:s5+$0x1E0];
	[tilespmem:s11+$0xFFFFFE40] =	vst v4;
	v19 =	vmul.f32 v49, v19  }
0x1d3: {  	v56 =	vbroadcast v31, $0x5;
	v55 =	vmul.f32 v57, v53;
	[tilespmem:s11+$0xFFFFFF40] =	vst v32;
	v60 =	vld [tilespmem:s10+$0xFFFFFE50]  }
0x1d4: {  	v0 =	vbroadcast v29, $0x5;
	v42 =	vmul.f32 v47, v42;
	[tilespmem:s11+$0x160] =	vst v19;
	v19 =	vld [tilespmem:s10+$0xFFFFFF50]  }
0x1d5: {  	v4 =	vbroadcast v13, $0xE;
	v41 =	vmul.f32 v5, v41;
	[tilespmem:s11+$0x40] =	vst v55;
	v5 =	vld [tilespmem:s10+$0x170]  }
0x1d6: {  	v52 =	vbroadcast v29, $0x6;
	[tilespmem:s6+$0xFFFFFEA0] =	vst v42;
	v51 =	vld [tilespmem:s10+$0x50];
	v35 =	vmul.f32 v35, v43  }
0x1d7: {  	v1 =	vbroadcast v28, $0x6;
	[tilespmem:s6+$0xFFFFFFA0] =	vst v41;
	v57 =	vmul.f32 v45, v4;
	v45 =	vld [tilespmem:s5+$0xFFFFFEB0]  }
0x1d8: {  	v50 =	vbroadcast v28, $0x8;
	v54 =	vbroadcast v31, $0x6;
	v53 =	vld [tilespmem:s5+$0xFFFFFFB0];
	[tilespmem:s6+$0xA0] =	vst v35  }
0x1d9: {  	v4 =	vbroadcast v23, $0x7;
	v60 =	vmul.f32 v60, v56;
	[tilespmem:s6+$0x1E0] =	vst v57;
	v57 =	vld [tilespmem:s5+$0xB0]  }
0x1da: {  	s13 =	simm.s32 $0x3430;
	v61 =	vbroadcast v28, $0x7;
	v19 =	vmul.f32 v19, v58;
	v49 =	vld [tilespmem:s5+$0x1F0]  }
0x1db: {  	[tilespmem:s11+$0xFFFFFE50] =	vst v60;
	v5 =	vmul.f32 v5, v4;
	v60 =	vmul.f32 v8, v14;
	v8 =	vld [tilespmem:s13+$0x10]  }
0x1dc: {  	v2 =	vbroadcast v31, $0x7;
	v0 =	vmul.f32 v51, v0;
	[tilespmem:s11+$0xFFFFFF50] =	vst v19;
	v19 =	vld [tilespmem:s10+$0xFFFFFE60]  }
0x1dd: {  	v62 =	vbroadcast v29, $0x7;
	v40 =	vmul.f32 v45, v40;
	[tilespmem:s11+$0x170] =	vst v5;
	v58 =	vld [tilespmem:s10+$0xFFFFFF60]  }
0x1de: {  	v44 =	vbroadcast v31, $0x8;
	v33 =	vbroadcast v31, $0x9;
	[tilespmem:s11+$0x50] =	vst v0;
	v0 =	vld [tilespmem:s10+$0x180]  }
0x1df: {  	v59 =	vbroadcast v29, $0x8;
	v13 =	vbroadcast v13, $0xF;
	[tilespmem:s6+$0xFFFFFEB0] =	vst v40;
	v14 =	vld [tilespmem:s10+$0x60]  }
0x1e0: {  	v32 =	vbroadcast v31, $0xA;
	v47 =	vbroadcast v28, $0xB;
	v3 =	vld [tilespmem:$0x1FF60]  }
0x1e1: {  	s12 =	simm.s32 $0x4D10;
	v45 =	vmul.f32 v30, v15;
	v40 =	vmul.f32 v48, v16;
	v48 =	vld [tilespmem:s13+$0xFFFFFFF0]  }
0x1e2: {  	v16 =	vmul.f32 v53, v38;
	v53 =	vbroadcast v23, $0x8;
	v38 =	vld [tilespmem:s12+$0xFFFFFE00]  }
0x1e3: {  	v39 =	vmul.f32 v57, v39;
	v57 =	vmul.f32 v18, v12;
	v12 =	vld [tilespmem:s12+$0x100];
	[tilespmem:s23+$0x1F0] =	vst v17  }
0x1e4: {  	v15 =	vld [tilespmem:s5+$0xFFFFFEC0];
	v13 =	vmul.f32 v49, v13;
	[tilespmem:s24+$0x1F0] =	vst v46;
	v18 =	vmul.f32 v0, v53  }
0x1e5: {  	v49 =	vld [tilespmem:s13+$0x0];
	[tilespmem:s6+$0xFFFFFFB0] =	vst v16;
	v30 =	vmul.f32 v63, v3;
	v3 =	vbroadcast v31, $0xD  }
0x1e6: {  	v19 =	vmul.f32 v19, v54;
	v54 =	vbroadcast v8, $0x0;
	v53 =	vld [tilespmem:s13+$0xFFFFFFE0];
	[tilespmem:s11+$0x180] =	vst v18  }
0x1e7: {  	v55 =	vbroadcast v29, $0xB;
	v42 =	vbroadcast v28, $0x9;
	v17 =	vld [tilespmem:s10+$0x190];
	[tilespmem:$0x1FF70] =	vst v3  }
0x1e8: {  	v41 =	vbroadcast v29, $0xA;
	v12 =	vmul.f32 v12, v54;
	[tilespmem:s6+$0xB0] =	vst v39  }
0x1e9: {  	v1 =	vmul.f32 v58, v1;
	v58 =	vmul.f32 v9, v11;
	s13 =	simm.s32 $0x8D10;
	v9 =	vld [tilespmem:s12+$0xFFFFFF00];
	[tilespmem:s6+$0x1F0] =	vst v13  }
0x1ea: {  	v16 =	vbroadcast v23, $0x9;
	v3 =	vbroadcast v28, $0xD;
	v11 =	vld [tilespmem:s5+$0xFFFFFFC0];
	[tilespmem:s13+$0x100] =	vst v12  }
0x1eb: {  	v43 =	vbroadcast v29, $0x9;
	v18 =	vmul.f32 v14, v52;
	v46 =	vld [tilespmem:s12+$0x0];
	[tilespmem:s11+$0xFFFFFE60] =	vst v19  }
0x1ec: {  	v52 =	vbroadcast v53, $0x0;
	v12 =	vld [tilespmem:s5+$0xC0];
	[tilespmem:$0x1FF80] =	vst v3;
	v16 =	vmul.f32 v17, v16  }
0x1ed: {  	v3 =	vbroadcast v29, $0xD;
	v39 =	vld [tilespmem:s10+$0xFFFFFE70];
	v17 =	vbroadcast v48, $0x0  }
0x1ee: {  	v35 =	vbroadcast v28, $0xA;
	v19 =	vmul.f32 v38, v52;
	[tilespmem:s11+$0x190] =	vst v16  }
0x1ef: {  	v56 =	vbroadcast v31, $0xB;
	v54 =	vld [tilespmem:s12+$0x110];
	v9 =	vmul.f32 v9, v17;
	[tilespmem:$0x1FF90] =	vst v3  }
0x1f0: {  	v51 =	vbroadcast v29, $0xC;
	v0 =	vbroadcast v31, $0xC;
	[tilespmem:s13+$0xFFFFFE00] =	vst v19  }
0x1f1: {  	v63 =	vbroadcast v28, $0xC;
	v17 =	vbroadcast v49, $0x0;
	[tilespmem:s13+$0xFFFFFF00] =	vst v9  }
0x1f2: {  	v11 =	vmul.f32 v11, v36;
	v2 =	vmul.f32 v39, v2;
	v19 =	vld [tilespmem:s10+$0x1A0];
	[tilespmem:s11+$0xFFFFFF60] =	vst v1  }
0x1f3: {  	v5 =	vmul.f32 v46, v17;
	v46 =	vbroadcast v8, $0x1;
	[tilespmem:s11+$0x60] =	vst v18;
	v9 =	vld [tilespmem:s12+$0xFFFFFE10]  }
0x1f4: {  	v13 =	vmul.f32 v15, v37;
	v1 =	vmul.f32 v12, v34;
	[tilespmem:s6+$0xFFFFFFC0] =	vst v11;
	v37 =	vld [tilespmem:s10+$0xFFFFFF70]  }
0x1f5: {  	v12 =	vld [tilespmem:s12+$0xFFFFFF10];
	[tilespmem:s11+$0xFFFFFE70] =	vst v2;
	v52 =	vmul.f32 v54, v46;
	v54 =	vbroadcast v23, $0xA  }
0x1f6: {  	v14 =	vbroadcast v31, $0xF;
	v18 =	vbroadcast v53, $0x1;
	[tilespmem:s13+$0x0] =	vst v5  }
0x1f7: {  	v15 =	vbroadcast v31, $0xE;
	v38 =	vld [tilespmem:s12+$0x10];
	[tilespmem:s13+$0x110] =	vst v52;
	v36 =	vmul.f32 v19, v54  }
0x1f8: {  	v39 =	vbroadcast v48, $0x1;
	[tilespmem:s6+$0xC0] =	vst v1;
	v4 =	vld [tilespmem:s12+$0x120];
	v9 =	vmul.f32 v9, v18  }
0x1f9: {  	v16 =	vbroadcast v29, $0xE;
	v34 =	vld [tilespmem:s10+$0x70];
	v1 =	vmul.f32 v37, v61;
	[tilespmem:s11+$0x1A0] =	vst v36  }
0x1fa: {  	v11 =	vbroadcast v49, $0x1;
	v39 =	vmul.f32 v12, v39;
	[tilespmem:s13+$0xFFFFFE10] =	vst v9;
	v36 =	vld [tilespmem:s10+$0x1B0]  }
0x1fb: {  	v19 =	vbroadcast v28, $0xE;
	v9 =	vbroadcast v8, $0x2;
	[tilespmem:s11+$0xFFFFFF70] =	vst v1;
	v1 =	vld [tilespmem:s10+$0xFFFFFE80]  }
0x1fc: {  	v12 =	vbroadcast v28, $0xF;
	v31 =	vmul.f32 v38, v11;
	[tilespmem:s13+$0xFFFFFF10] =	vst v39;
	v28 =	vld [tilespmem:s12+$0xFFFFFE20]  }
0x1fd: {  	[tilespmem:s6+$0xFFFFFEC0] =	vst v13;
	v11 =	vbroadcast v29, $0xF;
	v29 =	vld [tilespmem:s12+$0xFFFFFF20];
	v9 =	vmul.f32 v4, v9  }
0x1fe: {  	v2 =	vbroadcast v53, $0x2;
	v5 =	vld [tilespmem:s5+$0xFFFFFED0];
	[tilespmem:s13+$0x10] =	vst v31  }
0x1ff: {  	v34 =	vmul.f32 v34, v62;
	v46 =	vld [tilespmem:s12+$0x20];
	[tilespmem:s13+$0x120] =	vst v9;
	v9 =	vbroadcast v23, $0xB  }
0x200: {  	[tilespmem:s24+$0xFFFFFFD0] =	vst v60;
	v31 =	vbroadcast v48, $0x2;
	v54 =	vld [tilespmem:s12+$0x130];
	v1 =	vmul.f32 v1, v44  }
0x201: {  	v52 =	vbroadcast v49, $0x2;
	[tilespmem:s11+$0x70] =	vst v34;
	v61 =	vld [tilespmem:s10+$0xFFFFFF80];
	v9 =	vmul.f32 v36, v9  }
0x202: {  	v2 =	vmul.f32 v28, v2;
	v28 =	vmul.f32 v29, v31;
	v29 =	vld [tilespmem:s10+$0x80];
	[tilespmem:s11+$0xFFFFFE80] =	vst v1  }
0x203: {  	[tilespmem:s11+$0x1B0] =	vst v9;
	v9 =	vbroadcast v8, $0x3  }
0x204: {  	[tilespmem:s13+$0xFFFFFE20] =	vst v2;
	v37 =	vmul.f32 v46, v52;
	v62 =	vld [tilespmem:s10+$0x1C0]  }
0x205: {  	[tilespmem:s13+$0xFFFFFF20] =	vst v28;
	v4 =	vld [tilespmem:s12+$0xFFFFFE30];
	v9 =	vmul.f32 v54, v9  }
0x206: {  	v27 =	vmul.f32 v5, v27;
	v34 =	vmul.f32 v61, v50;
	v5 =	vld [tilespmem:s12+$0xFFFFFF30];
	[tilespmem:s13+$0x20] =	vst v37  }
0x207: {  	v61 =	vld [tilespmem:s12+$0x30];
	v29 =	vmul.f32 v29, v59;
	[tilespmem:s13+$0x130] =	vst v9;
	v9 =	vbroadcast v23, $0xC  }
0x208: {  	v36 =	vbroadcast v53, $0x3;
	[tilespmem:s11+$0xFFFFFF80] =	vst v34;
	v1 =	vld [tilespmem:s12+$0x140]  }
0x209: {  	v31 =	vbroadcast v48, $0x3;
	[tilespmem:s11+$0x80] =	vst v29;
	v29 =	vld [tilespmem:s10+$0xFFFFFF90];
	v9 =	vmul.f32 v62, v9  }
0x20a: {  	[tilespmem:s6+$0xFFFFFED0] =	vst v27;
	v2 =	vbroadcast v49, $0x3;
	v62 =	vld [tilespmem:s10+$0xFFFFFE90];
	v36 =	vmul.f32 v4, v36  }
0x20b: {  	v31 =	vmul.f32 v5, v31;
	v4 =	vbroadcast v8, $0x4;
	[tilespmem:s11+$0x1C0] =	vst v9;
	v9 =	vld [tilespmem:s10+$0x90]  }
0x20c: {  	[tilespmem:s13+$0xFFFFFE30] =	vst v36;
	v2 =	vmul.f32 v61, v2;
	v38 =	vld [tilespmem:s10+$0x1D0]  }
0x20d: {  	[tilespmem:s13+$0xFFFFFF30] =	vst v31;
	v31 =	vld [tilespmem:s12+$0xFFFFFE40];
	v1 =	vmul.f32 v1, v4  }
0x20e: {  	v39 =	vld [tilespmem:s5+$0xD0];
	[tilespmem:s13+$0x30] =	vst v2;
	v29 =	vmul.f32 v29, v42  }
0x20f: {  	v5 =	vbroadcast v23, $0xD;
	v34 =	vld [tilespmem:s12+$0xFFFFFF40];
	v33 =	vmul.f32 v62, v33;
	[tilespmem:s13+$0x140] =	vst v1  }
0x210: {  	v28 =	vbroadcast v53, $0x4;
	v1 =	vld [tilespmem:s12+$0x40];
	[tilespmem:s11+$0xFFFFFF90] =	vst v29;
	v9 =	vmul.f32 v9, v43  }
0x211: {  	v29 =	vld [tilespmem:s5+$0xFFFFFFD0];
	[tilespmem:s11+$0xFFFFFE90] =	vst v33;
	v37 =	vmul.f32 v38, v5  }
0x212: {  	v46 =	vbroadcast v48, $0x4;
	v4 =	vld [tilespmem:s12+$0x150];
	v28 =	vmul.f32 v31, v28;
	[tilespmem:s11+$0x90] =	vst v9  }
0x213: {  	v3 =	vbroadcast v48, $0x8;
	v62 =	vld [tilespmem:s10+$0xFFFFFEA0];
	[tilespmem:s11+$0x1D0] =	vst v37  }
0x214: {  	v50 =	vbroadcast v49, $0x4;
	v31 =	vmul.f32 v34, v46;
	v9 =	vld [tilespmem:s10+$0xFFFFFFA0];
	[tilespmem:s13+$0xFFFFFE40] =	vst v28  }
0x215: {  	v27 =	vld [tilespmem:s10+$0xA0];
	[tilespmem:$0x1FFA0] =	vst v3;
	v3 =	vbroadcast v49, $0x8  }
0x216: {  	v1 =	vmul.f32 v1, v50;
	[tilespmem:s13+$0xFFFFFF40] =	vst v31  }
0x217: {  	v5 =	vbroadcast v8, $0x5;
	v34 =	vld [tilespmem:s10+$0x1E0];
	[tilespmem:$0x1FFB0] =	vst v3  }
0x218: {  	[tilespmem:s13+$0x40] =	vst v1;
	v1 =	vbroadcast v53, $0x9  }
0x219: {  	v33 =	vmul.f32 v4, v5  }
0x21a: {  	v46 =	vmul.f32 v29, v26;
	v26 =	vld [tilespmem:s12+$0xFFFFFE50];
	[tilespmem:$0x1FFC0] =	vst v1  }
0x21b: {  	v28 =	vmul.f32 v62, v32;
	[tilespmem:s13+$0x150] =	vst v33  }
0x21c: {  	v1 =	vmul.f32 v9, v35;
	v9 =	vld [tilespmem:s12+$0xFFFFFF50];
	[tilespmem:s24+$0xD0] =	vst v45  }
0x21d: {  	v27 =	vmul.f32 v27, v41;
	v29 =	vld [tilespmem:s12+$0x50];
	[tilespmem:s11+$0xFFFFFEA0] =	vst v28  }
0x21e: {  	v10 =	vbroadcast v10, $0xF;
	v17 =	vbroadcast v53, $0xF;
	v28 =	vld [tilespmem:s5+$0xFFFFFEE0];
	[tilespmem:s24+$0xFFFFFEE0] =	vst v40  }
0x21f: {  	v52 =	vbroadcast v53, $0x5;
	v45 =	vmul.f32 v39, v25;
	[tilespmem:s11+$0xA0] =	vst v27;
	v25 =	vld [tilespmem:s12+$0x160]  }
0x220: {  	v44 =	vbroadcast v53, $0x7;
	v31 =	vbroadcast v23, $0xE;
	[tilespmem:s11+$0xFFFFFFA0] =	vst v1;
	v1 =	vld [tilespmem:s18+$0xFFFFFFE0]  }
0x221: {  	v54 =	vbroadcast v48, $0x5;
	[tilespmem:s23+$0xFFFFFFE0] =	vst v30;
	v26 =	vmul.f32 v26, v52;
	v52 =	vld [tilespmem:s10+$0xFFFFFEB0]  }
0x222: {  	v36 =	vbroadcast v49, $0x5;
	v31 =	vmul.f32 v34, v31;
	[tilespmem:s23+$0xE0] =	vst v57;
	v4 =	vld [tilespmem:s10+$0xB0]  }
0x223: {  	v59 =	vbroadcast v53, $0x6;
	v62 =	vbroadcast v8, $0x6;
	[tilespmem:s23+$0xFFFFFEF0] =	vst v58;
	v5 =	vld [tilespmem:s18+$0xE0]  }
0x224: {  	[tilespmem:s11+$0x1E0] =	vst v31;
	v9 =	vmul.f32 v9, v54;
	v27 =	vmul.f32 v29, v36;
	v54 =	vld [tilespmem:s10+$0xFFFFFFB0]  }
0x225: {  	[tilespmem:s13+$0xFFFFFE50] =	vst v26;
	v26 =	vld [tilespmem:s10+$0x1F0];
	v50 =	vmul.f32 v28, v24;
	v25 =	vmul.f32 v25, v62  }
0x226: {  	v24 =	vmul.f32 v52, v56;
	[tilespmem:s13+$0xFFFFFF50] =	vst v9;
	v56 =	vmul.f32 v1, v22;
	v1 =	vld [tilespmem:s12+$0xFFFFFE60]  }
0x227: {  	v61 =	vbroadcast v49, $0x6;
	v2 =	vbroadcast v48, $0x6;
	[tilespmem:s13+$0x50] =	vst v27;
	v22 =	vld [tilespmem:s12+$0xFFFFFF60]  }
0x228: {  	v23 =	vbroadcast v23, $0xF;
	[tilespmem:s13+$0x160] =	vst v25;
	v25 =	vmul.f32 v4, v55;
	v60 =	vld [tilespmem:s12+$0x60]  }
0x229: {  	v55 =	vmul.f32 v5, v20;
	v20 =	vld [tilespmem:s12+$0x170];
	[tilespmem:s11+$0xFFFFFEB0] =	vst v24;
	v9 =	vmul.f32 v54, v47  }
0x22a: {  	v42 =	vbroadcast v48, $0x7;
	v3 =	vbroadcast v48, $0xD;
	v24 =	vld [tilespmem:s18+$0xFFFFFEF0];
	[tilespmem:s11+$0xB0] =	vst v25  }
0x22b: {  	v43 =	vbroadcast v49, $0x7;
	v23 =	vmul.f32 v26, v23;
	v54 =	vld [tilespmem:s10+$0xFFFFFEC0];
	[tilespmem:s11+$0xFFFFFFB0] =	vst v9  }
0x22c: {  	v38 =	vbroadcast v48, $0x9;
	v9 =	vld [tilespmem:s15+$0xFFFFFFF0];
	[tilespmem:$0x1FFD0] =	vst v3;
	v3 =	vbroadcast v49, $0xD  }
0x22d: {  	v37 =	vbroadcast v53, $0x8;
	v1 =	vmul.f32 v1, v59;
	v57 =	vld [tilespmem:s10+$0xFFFFFFC0];
	[tilespmem:s11+$0x1F0] =	vst v23  }
0x22e: {  	v2 =	vmul.f32 v22, v2;
	v22 =	vbroadcast v8, $0x7;
	[tilespmem:$0x1FFE0] =	vst v3  }
0x22f: {  	v32 =	vbroadcast v49, $0xC;
	v52 =	vmul.f32 v60, v61;
	[tilespmem:s13+$0xFFFFFE60] =	vst v1  }
0x230: {  	v41 =	vbroadcast v49, $0x9;
	v20 =	vmul.f32 v20, v22;
	[tilespmem:s13+$0xFFFFFF60] =	vst v2  }
0x231: {  	v35 =	vbroadcast v48, $0xA;
	v0 =	vmul.f32 v54, v0;
	[tilespmem:s13+$0x60] =	vst v52  }
0x232: {  	v54 =	vmul.f32 v9, v10;
	[tilespmem:s13+$0x170] =	vst v20;
	v9 =	vmul.f32 v57, v63  }
0x233: {  	v39 =	vbroadcast v53, $0xA;
	v40 =	vbroadcast v49, $0xA;
	v5 =	vld [tilespmem:s10+$0xC0];
	[tilespmem:s11+$0xFFFFFEC0] =	vst v0  }
0x234: {  	v34 =	vbroadcast v49, $0xB;
	v33 =	vbroadcast v53, $0xC;
	v1 =	vld [tilespmem:s15+$0xF0];
	[tilespmem:s11+$0xFFFFFFC0] =	vst v9  }
0x235: {  	v31 =	vbroadcast v48, $0xC;
	v36 =	vbroadcast v53, $0xB;
	v0 =	vld [tilespmem:$0x1FFF0]  }
0x236: {  	v29 =	vbroadcast v48, $0xB;
	v62 =	vbroadcast v53, $0xE;
	v59 =	vld [tilespmem:s12+$0xFFFFFE70]  }
0x237: {  	v27 =	vbroadcast v48, $0xF;
	v47 =	vbroadcast v53, $0xD;
	v60 =	vld [tilespmem:s12+$0xFFFFFF70]  }
0x238: {  	v25 =	vbroadcast v49, $0xF;
	v58 =	vmul.f32 v24, v21;
	v53 =	vld [tilespmem:s12+$0x70]  }
0x239: {  	s14 =	simm.s32 $0x4D10;
	v24 =	vbroadcast v48, $0xE;
	v2 =	vmul.f32 v5, v51;
	v51 =	vld [tilespmem:s12+$0x180]  }
0x23a: {  	s7 =	simm.s32 $0x8D10;
	s16 =	simm.s32 $0x3470;
	v22 =	vbroadcast v49, $0xE;
	s15 =	simm.s32 $0x10;
	v52 =	vmul.f32 v1, v0;
	v0 =	vld [tilespmem:s10+$0xFFFFFED0]  }
.LBB2_7:
0x23b: {  	v49 =	vld [tilespmem:s16+$0x10];
	v1 =	vmul.f32 v59, v44  }
0x23c: {  	[tilespmem:s11+$0xC0] =	vst v2;
	v9 =	vld [tilespmem:s16+$0xFFFFFFF0];
	s12 =	sadd.s32 $0x400, s12  }
0x23d: {  	v5 =	vld [tilespmem:s12+$0x100];
	[tilespmem:s13+$0xFFFFFE70] =	vst v1;
	v1 =	vmul.f32 v53, v43  }
0x23e: {  	[tilespmem:s6+$0xFFFFFFD0] =	vst v46;
	v48 =	vld [tilespmem:s16+$0x0]  }
0x23f: {  	v4 =	vbroadcast v8, $0x8;
	v2 =	vmul.f32 v60, v42;
	[tilespmem:s13+$0x70] =	vst v1;
	v1 =	vld [tilespmem:$0x1FF70]  }
0x240: {  	[tilespmem:s6+$0xD0] =	vst v45;
	v53 =	vbroadcast v49, $0x0  }
0x241: {  	[tilespmem:s13+$0xFFFFFF70] =	vst v2;
	v2 =	vmul.f32 v51, v4  }
0x242: {  	v42 =	vmul.f32 v5, v53;
	v44 =	vld [tilespmem:s12+$0x0];
	[tilespmem:s24+$0xE0] =	vst v55  }
0x243: {  	v51 =	vld [tilespmem:s16+$0xFFFFFFE0];
	[tilespmem:s13+$0x180] =	vst v2;
	s13 =	sadd.s32 $0x400, s13  }
0x244: {  	v46 =	vld [tilespmem:s14+$0x190];
	[tilespmem:s13+$0x100] =	vst v42;
	v0 =	vmul.f32 v0, v1;
	v1 =	vmov v47  }
0x245: {  	v5 =	vld [tilespmem:s14+$0x80];
	[tilespmem:$0x1FF70] =	vst v1  }
0x246: {  	v45 =	vbroadcast v48, $0x0;
	v1 =	vld [tilespmem:s12+$0xFFFFFE00];
	[tilespmem:s11+$0xFFFFFED0] =	vst v0  }
0x247: {  	v0 =	vld [tilespmem:s12+$0xFFFFFF00];
	[tilespmem:s24+$0xFFFFFFE0] =	vst v56  }
0x248: {  	v59 =	vbroadcast v8, $0x9;
	v44 =	vmul.f32 v44, v45;
	[tilespmem:s6+$0xFFFFFEE0] =	vst v50;
	v50 =	vld [tilespmem:s12+$0x110]  }
0x249: {  	v47 =	vbroadcast v51, $0x0;
	v4 =	vld [tilespmem:s14+$0xFFFFFF80]  }
0x24a: {  	v2 =	vbroadcast v9, $0x0;
	v42 =	vmul.f32 v46, v59;
	v45 =	vld [tilespmem:s10+$0xFFFFFFD0];
	[tilespmem:s13+$0x0] =	vst v44  }
0x24b: {  	v63 =	vld [tilespmem:s14+$0xFFFFFE80];
	[tilespmem:s24+$0xFFFFFEF0] =	vst v58;
	v1 =	vmul.f32 v1, v47  }
0x24c: {  	v60 =	vbroadcast v49, $0x1;
	v44 =	vld [tilespmem:s12+$0x10];
	[tilespmem:s7+$0x190] =	vst v42;
	v0 =	vmul.f32 v0, v2  }
0x24d: {  	v42 =	vld [tilespmem:s14+$0x1A0];
	[tilespmem:s13+$0xFFFFFE00] =	vst v1  }
0x24e: {  	v50 =	vmul.f32 v50, v60;
	v56 =	vld [tilespmem:s12+$0xFFFFFE10];
	[tilespmem:s13+$0xFFFFFF00] =	vst v0  }
0x24f: {  	[tilespmem:$0x1FEE0] =	vst v11;
	v61 =	vbroadcast v48, $0x1;
	v58 =	vld [tilespmem:s12+$0xFFFFFF10]  }
0x250: {  	v20 =	vmov v29;
	v29 =	vmov v62;
	v53 =	vbroadcast v51, $0x1;
	v62 =	vld [tilespmem:s10+$0xD0];
	[tilespmem:s13+$0x110] =	vst v50  }
0x251: {  	v59 =	vbroadcast v8, $0xA;
	[tilespmem:s23+$0xF0] =	vst v52;
	v61 =	vmul.f32 v44, v61;
	v11 =	vld [tilespmem:s12+$0x120]  }
0x252: {  	v43 =	vbroadcast v9, $0x1;
	[tilespmem:s23+$0xFFFFFFF0] =	vst v54  }
0x253: {  	v42 =	vmul.f32 v42, v59;
	v59 =	vld [tilespmem:s5+$0xFFFFFFE0];
	[tilespmem:s13+$0x10] =	vst v61;
	v53 =	vmul.f32 v56, v53  }
0x254: {  	[tilespmem:$0x1FED0] =	vst v12;
	v28 =	vmovc v22;
	v22 =	vmov v15;
	v15 =	vld [tilespmem:s12+$0x20];
	v43 =	vmul.f32 v58, v43;
	v58 =	vbroadcast v49, $0x2  }
0x255: {  	s23 =	smov.u32 s24;
	v56 =	vld [tilespmem:s10+$0xFFFFFEE0];
	[tilespmem:s13+$0xFFFFFE10] =	vst v53  }
0x256: {  	s24 =	smov.u32 s6;
	s6 =	smov.u32 s11;
	s11 =	smov.u32 s7;
	v13 =	vld [tilespmem:s12+$0xFFFFFE20];
	[tilespmem:s13+$0xFFFFFF10] =	vst v43;
	v11 =	vmul.f32 v11, v58  }
0x257: {  	v21 =	vmov v14;
	[tilespmem:s11+$0x1A0] =	vst v42;
	v14 =	vld [tilespmem:s12+$0xFFFFFF20]  }
0x258: {  	v12 =	vld [tilespmem:s14+$0x1B0];
	[tilespmem:s13+$0x120] =	vst v11  }
0x259: {  	v57 =	vbroadcast v9, $0x2;
	v3 =	vbroadcast v51, $0x2;
	v18 =	vld [tilespmem:s12+$0x130]  }
0x25a: {  	v26 =	vmov v17;
	v17 =	vbroadcast v9, $0x8;
	v11 =	vbroadcast v8, $0xB  }
0x25b: {  	v2 =	vbroadcast v48, $0x2;
	v58 =	vld [tilespmem:s5+$0xFFFFFEF0];
	v3 =	vmul.f32 v13, v3  }
0x25c: {  	v13 =	vmul.f32 v14, v57;
	v14 =	vbroadcast v49, $0x3;
	v57 =	vld [tilespmem:s18+$0xFFFFFFF0]  }
0x25d: {  	v2 =	vmul.f32 v15, v2;
	[tilespmem:s13+$0xFFFFFE20] =	vst v3;
	v3 =	vld [tilespmem:$0x1FFA0]  }
0x25e: {  	v10 =	vmul.f32 v12, v11;
	v11 =	vmov v17;
	[tilespmem:s13+$0xFFFFFF20] =	vst v13;
	v13 =	vmul.f32 v18, v14;
	v14 =	vld [tilespmem:$0x1FFB0]  }
0x25f: {  	[tilespmem:$0x1FFA0] =	vst v11;
	v11 =	vld [tilespmem:s12+$0xFFFFFE30]  }
0x260: {  	v61 =	vld [tilespmem:s5+$0xE0];
	[tilespmem:s13+$0x20] =	vst v2  }
0x261: {  	v2 =	vld [tilespmem:s12+$0x30];
	v12 =	vmul.f32 v63, v37;
	[tilespmem:s11+$0x1B0] =	vst v10  }
0x262: {  	v1 =	vbroadcast v51, $0x3;
	v3 =	vmul.f32 v4, v3;
	v4 =	vld [tilespmem:s14+$0x1C0]  }
0x263: {  	[tilespmem:s11+$0xFFFFFE80] =	vst v12;
	v5 =	vmul.f32 v5, v14  }
0x264: {  	v7 =	vbroadcast v48, $0x3;
	[tilespmem:s13+$0x130] =	vst v13;
	v1 =	vmul.f32 v11, v1  }
0x265: {  	v15 =	vld [tilespmem:s12+$0xFFFFFF30];
	v13 =	vbroadcast v8, $0xC;
	[tilespmem:s11+$0x80] =	vst v5  }
0x266: {  	v10 =	vld [tilespmem:s14+$0xFFFFFE90];
	[tilespmem:s13+$0xFFFFFE30] =	vst v1;
	v1 =	vmul.f32 v2, v7  }
0x267: {  	[tilespmem:s11+$0xFFFFFF80] =	vst v3;
	v3 =	vmul.f32 v4, v13;
	v13 =	vld [tilespmem:s14+$0x90]  }
0x268: {  	v30 =	vmovc v24;
	v24 =	vmov v19;
	v6 =	vbroadcast v9, $0x3;
	v19 =	vbroadcast v48, $0x8;
	[tilespmem:s13+$0x30] =	vst v1;
	v1 =	vld [tilespmem:$0x1FFC0]  }
0x269: {  	v63 =	vld [tilespmem:s12+$0x140]  }
0x26a: {  	v14 =	vmov v19;
	v5 =	vmul.f32 v15, v6  }
0x26b: {  	[tilespmem:$0x1FFB0] =	vst v14;
	v14 =	vbroadcast v51, $0x9;
	v11 =	vld [tilespmem:s14+$0xFFFFFF90]  }
0x26c: {  	v6 =	vbroadcast v49, $0x4;
	[tilespmem:s13+$0xFFFFFF30] =	vst v5  }
0x26d: {  	v15 =	vld [tilespmem:s12+$0xFFFFFE40];
	[tilespmem:s11+$0x1C0] =	vst v3;
	v1 =	vmul.f32 v10, v1;
	v10 =	vmov v14  }
0x26e: {  	v17 =	vbroadcast v48, $0x9;
	v2 =	vmul.f32 v63, v6;
	[tilespmem:$0x1FFC0] =	vst v10;
	v10 =	vld [tilespmem:s12+$0x40]  }
0x26f: {  	v23 =	vmov v16;
	v16 =	vbroadcast v51, $0x8;
	v7 =	vld [tilespmem:s14+$0x1D0];
	v13 =	vmul.f32 v13, v41;
	[tilespmem:s11+$0xFFFFFE90] =	vst v1  }
0x270: {  	v47 =	vbroadcast v51, $0x4;
	[tilespmem:s13+$0x140] =	vst v2;
	v11 =	vmul.f32 v11, v38;
	v41 =	vmov v17;
	v17 =	vld [tilespmem:s14+$0xFFFFFEA0]  }
0x271: {  	v46 =	vbroadcast v48, $0x4;
	v37 =	vmov v16;
	v16 =	vbroadcast v9, $0x9;
	v6 =	vld [tilespmem:s12+$0xFFFFFF40];
	[tilespmem:s11+$0x90] =	vst v13  }
0x272: {  	v14 =	vbroadcast v8, $0xD;
	[tilespmem:s11+$0xFFFFFF90] =	vst v11;
	v11 =	vmul.f32 v15, v47;
	v13 =	vld [tilespmem:s14+$0xA0]  }
0x273: {  	v38 =	vmov v16;
	v16 =	vld [tilespmem:s12+$0x150];
	v10 =	vmul.f32 v10, v46  }
0x274: {  	v0 =	vbroadcast v9, $0x4;
	v7 =	vmul.f32 v7, v14;
	v14 =	vld [tilespmem:s14+$0xFFFFFFA0];
	[tilespmem:s13+$0xFFFFFE40] =	vst v11  }
0x275: {  	v15 =	vld [tilespmem:s12+$0xFFFFFE50];
	[tilespmem:s13+$0x40] =	vst v10;
	v10 =	vmul.f32 v17, v39  }
0x276: {  	v0 =	vmul.f32 v6, v0;
	[tilespmem:s11+$0x1D0] =	vst v7;
	v17 =	vld [tilespmem:$0x1FF80]  }
0x277: {  	v6 =	vbroadcast v49, $0x5;
	[tilespmem:s11+$0xFFFFFEA0] =	vst v10;
	v10 =	vmul.f32 v13, v40;
	v13 =	vld [tilespmem:$0x1FF90]  }
0x278: {  	v18 =	vbroadcast v51, $0xA;
	v11 =	vld [tilespmem:s14+$0x1E0]  }
0x279: {  	v6 =	vmul.f32 v16, v6  }
0x27a: {  	v12 =	vbroadcast v48, $0xA;
	v39 =	vmov v18;
	v18 =	vld [tilespmem:$0x1FFD0]  }
0x27b: {  	[tilespmem:s13+$0x150] =	vst v6;
	v6 =	vmul.f32 v14, v35;
	v14 =	vbroadcast v8, $0xE  }
0x27c: {  	[tilespmem:s13+$0xFFFFFF40] =	vst v0;
	v46 =	vmul.f32 v45, v17;
	v45 =	vmul.f32 v62, v13;
	v13 =	vld [tilespmem:$0x1FFE0]  }
0x27d: {  	v16 =	vld [tilespmem:s12+$0xFFFFFF50];
	v7 =	vbroadcast v9, $0xD;
	[tilespmem:s11+$0xFFFFFFA0] =	vst v6;
	v6 =	vmul.f32 v11, v14;
	_ =	sdelay $0x1  }
0x27e: {  	v19 =	vbroadcast v9, $0xA;
	v17 =	vmov v18;
	v18 =	vmov v7;
	v7 =	vld [tilespmem:s12+$0x160];
	[tilespmem:s11+$0x1E0] =	vst v6  }
0x27f: {  	v55 =	vbroadcast v9, $0x5;
	v60 =	vbroadcast v51, $0x5;
	[tilespmem:$0x1FF80] =	vst v17;
	v17 =	vld [tilespmem:s12+$0x50]  }
0x280: {  	v0 =	vbroadcast v48, $0xD;
	v35 =	vmovc v19;
	v19 =	vbroadcast v49, $0x6;
	v40 =	vmovc v12;
	v14 =	vld [tilespmem:s14+$0xFFFFFFB0];
	[tilespmem:s11+$0xA0] =	vst v10;
	v12 =	vmov v13  }
0x281: {  	v10 =	vmul.f32 v16, v55;
	v13 =	vld [tilespmem:s14+$0xFFFFFEB0];
	[tilespmem:$0x1FF90] =	vst v12;
	v12 =	vbroadcast v51, $0xE  }
0x282: {  	v50 =	vbroadcast v48, $0x5;
	v11 =	vmov v0;
	v0 =	vmul.f32 v15, v60;
	[tilespmem:$0x1FFD0] =	vst v18;
	v16 =	vld [tilespmem:s14+$0xB0]  }
0x283: {  	[tilespmem:s13+$0xFFFFFF50] =	vst v10;
	v7 =	vmul.f32 v7, v19;
	v62 =	vmov v12;
	v12 =	vld [tilespmem:$0x1FF10]  }
0x284: {  	v10 =	vld [tilespmem:s12+$0xFFFFFF60];
	[tilespmem:s13+$0xFFFFFE50] =	vst v0;
	v0 =	vmul.f32 v17, v50  }
0x285: {  	v3 =	vbroadcast v9, $0xB;
	v17 =	vld [tilespmem:s14+$0x1F0];
	[tilespmem:s13+$0x160] =	vst v7;
	v7 =	vmul.f32 v14, v20  }
0x286: {  	v18 =	vld [tilespmem:s12+$0xFFFFFE60];
	[tilespmem:s13+$0x50] =	vst v0;
	v0 =	vmul.f32 v13, v36  }
0x287: {  	v53 =	vbroadcast v9, $0x6;
	v15 =	vmovc v29;
	v29 =	vmov v3;
	v50 =	vmul.f32 v56, v22;
	v3 =	vld [tilespmem:s12+$0x170];
	[tilespmem:s11+$0xFFFFFFB0] =	vst v7  }
0x288: {  	v13 =	vld [tilespmem:$0x1FF20];
	[tilespmem:s11+$0xFFFFFEB0] =	vst v0;
	v0 =	vmul.f32 v16, v34;
	v56 =	vmul.f32 v59, v12;
	v12 =	vmov v23  }
0x289: {  	v52 =	vbroadcast v51, $0x6;
	v14 =	vbroadcast v8, $0xF;
	v8 =	vmov v49;
	[tilespmem:$0x1FF20] =	vst v12;
	v12 =	vld [tilespmem:s14+$0xFFFFFFC0]  }
0x28a: {  	v60 =	vld [tilespmem:s12+$0x60];
	[tilespmem:s11+$0xB0] =	vst v0;
	v0 =	vmul.f32 v10, v53;
	v10 =	vbroadcast v8, $0x7  }
0x28b: {  	v2 =	vbroadcast v9, $0xC;
	[tilespmem:$0x1FFE0] =	vst v11;
	v11 =	vbroadcast v9, $0xE  }
0x28c: {  	v6 =	vbroadcast v48, $0xE;
	v10 =	vmul.f32 v3, v10;
	v3 =	vld [tilespmem:$0x1FF30]  }
0x28d: {  	v59 =	vmov v24;
	v24 =	vmov v11;
	v11 =	vld [tilespmem:s14+$0xFFFFFEC0]  }
0x28e: {  	v22 =	vmovc v6;
	v6 =	vmul.f32 v18, v52;
	[tilespmem:s13+$0x170] =	vst v10;
	v10 =	vmul.f32 v12, v31;
	v31 =	vmov v2;
	v2 =	vld [tilespmem:$0x1FF40];
	_ =	sdelay $0x1  }
0x28f: {  	[tilespmem:s13+$0xFFFFFE60] =	vst v6  }
0x290: {  	[tilespmem:$0x1FF10] =	vst v59;
	v59 =	vld [tilespmem:s12+$0xFFFFFE70];
	v58 =	vmul.f32 v58, v3;
	v3 =	vmov v21  }
0x291: {  	v55 =	vmul.f32 v61, v13;
	v13 =	vld [tilespmem:s14+$0xC0];
	[tilespmem:$0x1FF30] =	vst v3;
	v3 =	vmul.f32 v11, v33  }
0x292: {  	v61 =	vmov v2;
	v2 =	vld [tilespmem:$0x1FED0]  }
0x293: {  	v4 =	vbroadcast v51, $0xB;
	[tilespmem:s11+$0xFFFFFEC0] =	vst v3;
	v3 =	vld [tilespmem:$0x1FF50]  }
0x294: {  	v63 =	vbroadcast v51, $0xC;
	v7 =	vmul.f32 v17, v14  }
0x295: {  	v54 =	vbroadcast v48, $0x6;
	v1 =	vbroadcast v48, $0xC  }
0x296: {  	v36 =	vmov v4;
	[tilespmem:s11+$0x1F0] =	vst v7;
	v7 =	vld [tilespmem:s18+$0xF0]  }
0x297: {  	v4 =	vmul.f32 v60, v54;
	[tilespmem:s13+$0xFFFFFF60] =	vst v0;
	v0 =	vmovc v2;
	v2 =	vmul.f32 v13, v32;
	v32 =	vmov v1;
	v1 =	vld [tilespmem:$0x1FF00]  }
0x298: {  	s15 =	sadd.s32 $0x4, s15;
	v33 =	vmov v63;
	v63 =	vmov v3;
	v3 =	vld [tilespmem:$0x1FEE0]  }
0x299: {  	p0 =	slt.u32 s15, $0x3C;
	v44 =	vbroadcast v51, $0x7;
	v42 =	vbroadcast v9, $0x7;
	v54 =	vld [tilespmem:$0x1FEF0];
	[tilespmem:s13+$0x60] =	vst v4  }
.Ltmp2:
0x29a: {  	v43 =	vbroadcast v48, $0x7;
	v5 =	vbroadcast v48, $0xB;
	v60 =	vld [tilespmem:s12+$0xFFFFFF70];
	[tilespmem:s11+$0xFFFFFFC0] =	vst v10;
	(pc) =	sbr.rel @p0 .LBB2_7-.Ltmp2, $4  }
0x29b: {  	v47 =	vbroadcast v51, $0xD;
	v51 =	vbroadcast v51, $0xF;
	[tilespmem:$0x1FEF0] =	vst v61  }
0x29c: {  	v9 =	vbroadcast v9, $0xF;
	v19 =	vmovc v30;
	v14 =	vmov v26;
	v6 =	vbroadcast v48, $0xF;
	v53 =	vld [tilespmem:s12+$0x70];
	[tilespmem:$0x1FF40] =	vst v0  }
0x29d: {  	v17 =	vmovc v51;
	v34 =	vmovc v5;
	v16 =	vmov v28;
	s18 =	smov.u32 s5;
	s5 =	smov.u32 s10;
	s10 =	smov.u32 s14;
	v51 =	vld [tilespmem:s12+$0x180];
	[tilespmem:$0x1FF00] =	vst v63;
	v52 =	vmul.f32 v7, v1;
	v1 =	vmov v3  }
0x29e: {  	s16 =	sadd.s32 $0x40, s16;
	s7 =	smov.u32 s13;
	s14 =	smov.u32 s12;
	v54 =	vmul.f32 v57, v54;
	v12 =	vmovc v27;
	v27 =	vmovc v9;
	v11 =	vmov v25;
	v25 =	vmov v6;
	v0 =	vld [tilespmem:s10+$0xFFFFFED0];
	[tilespmem:$0x1FF50] =	vst v1  }
0x29f: {  	_ = 	snop  }
0x2a0: {  	v1 =	vbroadcast v8, $0x8  }
0x2a1: {  	v3 =	vmul.f32 v59, v44  }
0x2a2: {  	v1 =	vmul.f32 v51, v1  }
0x2a3: {  	[tilespmem:s13+$0xFFFFFE70] =	vst v3  }
0x2a4: {  	v3 =	vld [tilespmem:s14+$0xFFFFFE80];
	[tilespmem:s13+$0x180] =	vst v1  }
0x2a5: {  	v1 =	vld [tilespmem:s14+$0x190];
	_ =	sdelay $0x1  }
0x2a6: {  	v4 =	vmul.f32 v60, v42  }
0x2a7: {  	v5 =	vbroadcast v8, $0x9;
	v6 =	vmul.f32 v53, v43  }
0x2a8: {  	[tilespmem:s13+$0xFFFFFF70] =	vst v4;
	v44 =	vmul.f32 v3, v37  }
0x2a9: {  	[tilespmem:s13+$0x70] =	vst v6;
	v1 =	vmul.f32 v1, v5  }
0x2aa: {  	v4 =	vld [tilespmem:s14+$0xFFFFFF80];
	[tilespmem:s7+$0xFFFFFE80] =	vst v44  }
0x2ab: {  	v43 =	vld [tilespmem:s14+$0x80];
	[tilespmem:s7+$0x190] =	vst v1  }
0x2ac: {  	v7 =	vld [tilespmem:$0x1FFA0]  }
0x2ad: {  	v51 =	vld [tilespmem:$0x1FFB0]  }
0x2ae: {  	v48 =	vld [tilespmem:s14+$0x1A0];
	_ =	sdelay $0x2  }
0x2af: {  	v49 =	vbroadcast v8, $0xA;
	v4 =	vmul.f32 v4, v7  }
0x2b0: {  	v5 =	vmul.f32 v43, v51  }
0x2b1: {  	v3 =	vmul.f32 v48, v49;
	[tilespmem:s7+$0xFFFFFF80] =	vst v4  }
0x2b2: {  	[tilespmem:s7+$0x80] =	vst v5  }
0x2b3: {  	v1 =	vld [tilespmem:s14+$0xFFFFFE90];
	[tilespmem:s7+$0x1A0] =	vst v3  }
0x2b4: {  	v5 =	vld [tilespmem:$0x1FFC0];
	_ =	sdelay $0x1  }
0x2b5: {  	v4 =	vld [tilespmem:s14+$0xFFFFFF90]  }
0x2b6: {  	v53 =	vld [tilespmem:s14+$0x90]  }
0x2b7: {  	v57 =	vld [tilespmem:s14+$0x1B0]  }
0x2b8: {  	v1 =	vmul.f32 v1, v5;
	_ =	sdelay $0x1  }
0x2b9: {  	v59 =	vbroadcast v8, $0xB;
	v4 =	vmul.f32 v4, v38;
	[tilespmem:s7+$0xFFFFFE90] =	vst v1  }
0x2ba: {  	[tilespmem:s24+$0xFFFFFFE0] =	vst v56;
	v3 =	vmul.f32 v53, v41;
	v1 =	vld [tilespmem:s14+$0xFFFFFEA0]  }
0x2bb: {  	v5 =	vmul.f32 v57, v59;
	[tilespmem:s7+$0xFFFFFF90] =	vst v4  }
0x2bc: {  	[tilespmem:s7+$0x90] =	vst v3;
	v4 =	vld [tilespmem:s14+$0xFFFFFFA0]  }
0x2bd: {  	[tilespmem:s7+$0x1B0] =	vst v5;
	v3 =	vld [tilespmem:s14+$0xA0]  }
0x2be: {  	[tilespmem:s24+$0xE0] =	vst v55;
	v5 =	vld [tilespmem:s14+$0x1C0]  }
0x2bf: {  	[tilespmem:s23+$0xFFFFFFF0] =	vst v54;
	v1 =	vmul.f32 v1, v39  }
0x2c0: {  	[tilespmem:s23+$0xF0] =	vst v52  }
0x2c1: {  	v61 =	vbroadcast v8, $0xC;
	v4 =	vmul.f32 v4, v35;
	[tilespmem:s7+$0xFFFFFEA0] =	vst v1  }
0x2c2: {  	[tilespmem:s24+$0xFFFFFEF0] =	vst v58;
	v3 =	vmul.f32 v3, v40;
	v1 =	vld [tilespmem:s14+$0xFFFFFEB0]  }
0x2c3: {  	v5 =	vmul.f32 v5, v61;
	[tilespmem:s7+$0xFFFFFFA0] =	vst v4  }
0x2c4: {  	[tilespmem:s7+$0xA0] =	vst v3  }
0x2c5: {  	v60 =	vld [tilespmem:s18+$0xFFFFFFF0];
	[tilespmem:s7+$0x1C0] =	vst v5  }
0x2c6: {  	v63 =	vld [tilespmem:$0x1FEF0]  }
0x2c7: {  	v9 =	vld [tilespmem:s18+$0xF0];
	v1 =	vmul.f32 v1, v36  }
0x2c8: {  	v4 =	vld [tilespmem:s14+$0xFFFFFFB0]  }
0x2c9: {  	v3 =	vld [tilespmem:s14+$0xB0];
	[tilespmem:s7+$0xFFFFFEB0] =	vst v1  }
0x2ca: {  	v1 =	vld [tilespmem:$0x1FF00]  }
0x2cb: {  	v6 =	vmul.f32 v60, v63  }
0x2cc: {  	v5 =	vld [tilespmem:s14+$0x1D0]  }
0x2cd: {  	v4 =	vmul.f32 v4, v29;
	[tilespmem:s24+$0xFFFFFFF0] =	vst v6  }
0x2ce: {  	v13 =	vmul.f32 v3, v34;
	[tilespmem:s11+$0xC0] =	vst v2  }
0x2cf: {  	v10 =	vbroadcast v8, $0xD;
	[tilespmem:s7+$0xFFFFFFB0] =	vst v4;
	v1 =	vmul.f32 v9, v1  }
0x2d0: {  	[tilespmem:s7+$0xB0] =	vst v13  }
0x2d1: {  	[tilespmem:s24+$0xF0] =	vst v1;
	v1 =	vmul.f32 v5, v10  }
0x2d2: {  	[tilespmem:s6+$0xFFFFFFD0] =	vst v46;
	v18 =	vld [tilespmem:s14+$0xFFFFFFC0]  }
0x2d3: {  	v9 =	vld [tilespmem:s14+$0xFFFFFEC0];
	[tilespmem:s7+$0x1D0] =	vst v1  }
0x2d4: {  	v4 =	vld [tilespmem:$0x1FF70]  }
0x2d5: {  	v20 =	vld [tilespmem:s14+$0xC0]  }
0x2d6: {  	v23 =	vld [tilespmem:s14+$0x1E0]  }
0x2d7: {  	v3 =	vmul.f32 v18, v31;
	[tilespmem:s6+$0xD0] =	vst v45  }
0x2d8: {  	v21 =	vmul.f32 v9, v33;
	[tilespmem:s6+$0xFFFFFEE0] =	vst v50  }
0x2d9: {  	v30 =	vbroadcast v8, $0xE;
	[tilespmem:s7+$0xFFFFFFC0] =	vst v3;
	v0 =	vmul.f32 v0, v4  }
0x2da: {  	v26 =	vld [tilespmem:s10+$0xFFFFFFD0];
	v1 =	vmul.f32 v20, v32;
	[tilespmem:s7+$0xFFFFFEC0] =	vst v21  }
0x2db: {  	v28 =	vld [tilespmem:s14+$0xFFFFFED0];
	v4 =	vmul.f32 v23, v30;
	[tilespmem:s11+$0xFFFFFED0] =	vst v0  }
0x2dc: {  	v3 =	vld [tilespmem:$0x1FF80];
	[tilespmem:s7+$0xC0] =	vst v1  }
0x2dd: {  	v29 =	vld [tilespmem:s10+$0xD0];
	[tilespmem:s7+$0x1E0] =	vst v4  }
0x2de: {  	v36 =	vld [tilespmem:$0x1FF90]  }
0x2df: {  	v31 =	vld [tilespmem:s10+$0xFFFFFEE0];
	_ =	sdelay $0x1  }
0x2e0: {  	v0 =	vmul.f32 v28, v47  }
0x2e1: {  	v3 =	vmul.f32 v26, v3  }
0x2e2: {  	[tilespmem:s7+$0xFFFFFED0] =	vst v0;
	v2 =	vmul.f32 v29, v36  }
0x2e3: {  	v32 =	vld [tilespmem:s5+$0xFFFFFFE0];
	v38 =	vmul.f32 v31, v15;
	[tilespmem:s11+$0xFFFFFFD0] =	vst v3  }
0x2e4: {  	v0 =	vld [tilespmem:$0x1FF10];
	[tilespmem:s11+$0xD0] =	vst v2  }
0x2e5: {  	v33 =	vld [tilespmem:s14+$0xFFFFFFD0];
	[tilespmem:s11+$0xFFFFFEE0] =	vst v38  }
0x2e6: {  	v41 =	vld [tilespmem:$0x1FFD0];
	_ =	sdelay $0x1  }
0x2e7: {  	v35 =	vld [tilespmem:s5+$0xE0]  }
0x2e8: {  	v37 =	vld [tilespmem:s5+$0xFFFFFEF0];
	v0 =	vmul.f32 v32, v0  }
0x2e9: {  	v34 =	vld [tilespmem:s14+$0xD0]  }
0x2ea: {  	v39 =	vld [tilespmem:s10+$0xFFFFFFE0];
	v1 =	vmul.f32 v33, v41;
	[tilespmem:s6+$0xFFFFFFE0] =	vst v0  }
0x2eb: {  	v43 =	vld [tilespmem:$0x1FFE0]  }
0x2ec: {  	v44 =	vld [tilespmem:$0x1FF20];
	[tilespmem:s7+$0xFFFFFFD0] =	vst v1  }
0x2ed: {  	v1 =	vld [tilespmem:$0x1FF30];
	_ =	sdelay $0x1  }
0x2ee: {  	v2 =	vmul.f32 v39, v19  }
0x2ef: {  	v4 =	vmul.f32 v34, v43  }
0x2f0: {  	v52 =	vld [tilespmem:s14+$0x1F0];
	[tilespmem:s11+$0xFFFFFFE0] =	vst v2;
	v5 =	vmul.f32 v35, v44  }
0x2f1: {  	v40 =	vld [tilespmem:s10+$0xE0];
	v1 =	vmul.f32 v37, v1;
	[tilespmem:s7+$0xD0] =	vst v4  }
0x2f2: {  	v42 =	vld [tilespmem:s14+$0xFFFFFEE0];
	[tilespmem:s6+$0xE0] =	vst v5  }
0x2f3: {  	v45 =	vld [tilespmem:s5+$0xFFFFFFF0];
	[tilespmem:s6+$0xFFFFFEF0] =	vst v1  }
0x2f4: {  	v2 =	vld [tilespmem:$0x1FF40]  }
0x2f5: {  	v46 =	vld [tilespmem:s14+$0xFFFFFFE0]  }
0x2f6: {  	v47 =	vmul.f32 v40, v16;
	v4 =	vld [tilespmem:s14+$0xE0]  }
0x2f7: {  	v48 =	vld [tilespmem:s10+$0xFFFFFEF0]  }
0x2f8: {  	v0 =	vmul.f32 v42, v62;
	v49 =	vld [tilespmem:s10+$0xFFFFFFF0];
	[tilespmem:s11+$0xE0] =	vst v47  }
0x2f9: {  	v50 =	vld [tilespmem:s10+$0xF0];
	v2 =	vmul.f32 v45, v2  }
0x2fa: {  	v51 =	vmul.f32 v46, v24;
	v5 =	vld [tilespmem:s5+$0xF0];
	[tilespmem:s7+$0xFFFFFEE0] =	vst v0  }
0x2fb: {  	v55 =	vld [tilespmem:s14+$0xFFFFFEF0];
	v53 =	vmul.f32 v4, v22;
	[tilespmem:s6+$0xFFFFFFF0] =	vst v2  }
0x2fc: {  	v56 =	vmul.f32 v48, v14;
	v54 =	vld [tilespmem:$0x1FF50];
	[tilespmem:s7+$0xFFFFFFE0] =	vst v51  }
0x2fd: {  	v59 =	vbroadcast v8, $0xF;
	v1 =	vmul.f32 v49, v12;
	[tilespmem:s7+$0xE0] =	vst v53;
	v57 =	vld [tilespmem:s14+$0xFFFFFFF0]  }
0x2fe: {  	v60 =	vmul.f32 v50, v11;
	[tilespmem:s11+$0xFFFFFEF0] =	vst v56;
	v58 =	vld [tilespmem:s14+$0xF0]  }
0x2ff: {  	v3 =	vmul.f32 v52, v59;
	[tilespmem:s11+$0xFFFFFFF0] =	vst v1  }
0x300: {  	v61 =	vmul.f32 v55, v17;
	[tilespmem:s11+$0xF0] =	vst v60  }
0x301: {  	[tilespmem:s7+$0x1F0] =	vst v3;
	v4 =	vmul.f32 v5, v54  }
0x302: {  	[tilespmem:s7+$0xFFFFFEF0] =	vst v61;
	v62 =	vmul.f32 v57, v27  }
0x303: {  	v63 =	vmul.f32 v58, v25;
	[tilespmem:s6+$0xF0] =	vst v4  }
0x304: {  	[tilespmem:s7+$0xFFFFFFF0] =	vst v62  }
0x305: {  	s12 =	simm.s32 $0x7B10;
	[tilespmem:s7+$0xF0] =	vst v63  }
0x306: {  	[spmem:s3] =	stream.indirect.scatter.add.f32 [tilespmem:s12], [sflag:$0x2], $0x10, s25, s1, $0xb8;
	[tilespmem:$0x10930] =	vst v63  }
0x307: {  	s13 =	simm.s32 $0x8310  }
0x308: {  	[spmem:s3] =	stream.indirect.scatter.add.f32 [tilespmem:s13], [sflag:$0x2], $0x10, s26, s1, $0xb8;
	[tilespmem:$0x10930] =	vst v63  }
0x309: {  	s14 =	simm.s32 $0x8B10  }
0x30a: {  	[spmem:s3] =	stream.indirect.scatter.add.f32 [tilespmem:s14], [sflag:$0x2], $0x10, s28, s1, $0xb8;
	[tilespmem:$0x10930] =	vst v63  }
0x30b: {  	s15 =	simm.s32 $0x9310  }
0x30c: {  	[spmem:s3] =	stream.indirect.scatter.add.f32 [tilespmem:s15], [sflag:$0x2], $0x10, s29, s1, $0xb8;
	[tilespmem:$0x10930] =	vst v63  }
0x30d: {  	s16 =	simm.s32 $0x9B10  }
0x30e: {  	[spmem:s3] =	stream.indirect.scatter.add.f32 [tilespmem:s16], [sflag:$0x2], $0x10, s30, s1, $0xb8;
	[tilespmem:$0x10930] =	vst v63  }
0x30f: {  	s18 =	simm.s32 $0xA310  }
0x310: {  	[spmem:s3] =	stream.indirect.scatter.add.f32 [tilespmem:s18], [sflag:$0x2], $0x10, s31, s1, $0xb8;
	[tilespmem:$0x10930] =	vst v63  }
0x311: {  	s23 =	simm.s32 $0xAB10  }
0x312: {  	[spmem:s3] =	stream.indirect.scatter.add.f32 [tilespmem:s23], [sflag:$0x2], $0x10, s0, s1, $0xb8;
	[tilespmem:$0x10930] =	vst v63  }
0x313: {  	s24 =	simm.s32 $0xB310  }
0x314: {  	[spmem:s3] =	stream.indirect.scatter.add.f32 [tilespmem:s24], [sflag:$0x2], $0x10, s2, s1, $0xb8;
	[tilespmem:$0x10930] =	vst v63  }
0x315: {  	_ =	swait.ge [sflag:s19], $0x800  }
0x316: {  	[sflag:s19] =	ssyncset.done $0x0  }
0x317: {  	[sflag:s19] =	ssyncadd.s32 $0xFFFFF800  }
0x318: {  	_ =	swait.ge [sflag:s19], $0x800  }
0x319: {  	[sflag:s19] =	ssyncset.done $0x0  }
0x31a: {  	[sflag:s19] =	ssyncadd.s32 $0xFFFFF800  }
0x31b: {  	_ =	swait.ge [sflag:s19], $0x800  }
0x31c: {  	[sflag:s19] =	ssyncset.done $0x0  }
0x31d: {  	[sflag:s19] =	ssyncadd.s32 $0xFFFFF800  }
0x31e: {  	_ =	swait.ge [sflag:s19], $0x800  }
0x31f: {  	[sflag:s19] =	ssyncset.done $0x0  }
0x320: {  	[sflag:s19] =	ssyncadd.s32 $0xFFFFF800  }
0x321: {  	_ =	swait.ge [sflag:s19], $0x800  }
0x322: {  	[sflag:s19] =	ssyncset.done $0x0  }
0x323: {  	[sflag:s19] =	ssyncadd.s32 $0xFFFFF800  }
0x324: {  	_ =	swait.ge [sflag:s19], $0x800  }
0x325: {  	[sflag:s19] =	ssyncset.done $0x0  }
0x326: {  	s21 =	sadd.s32 $0x1, s21;
	[sflag:s19] =	ssyncadd.s32 $0xFFFFF800  }
0x327: {  	p0 =	sne.s32 s21, $0xA;
	_ =	swait.ge [sflag:s19], $0x800  }
.Ltmp3:
0x328: {  	[sflag:s19] =	ssyncset.done $0x0;
	(pc) =	sbr.rel @p0 .LBB2_4-.Ltmp3, $4  }
0x329: {  	[sflag:s19] =	ssyncadd.s32 $0xFFFFF800  }
0x32a: {  	_ =	swait.ge [sflag:s19], $0x800  }
0x32b: {  	[sflag:s19] =	ssyncset.done $0x0  }
0x32c: {  	[sflag:s19] =	ssyncadd.s32 $0xFFFFF800  }
0x32d: {  	[bflag:$0x0] =	sbarrier.arrive $0xFFFF  }
0x32e: {  	s10 =	simm.s32 $0xBB10;
	s7 =	rddreg [dreg:$0x7]  }
0x32f: {  	[tilespmem:s10], [sflag:$0x3] =	stream.linear.gather [spmem:s7], $0x2710, $0x38;
	[tilespmem:$0x10930] =	vst v63  }
0x330: {  	_ =	swait.ge [sflag:s20], $0x2710  }
0x331: {  	[sflag:s20] =	ssyncset.done $0x0  }
0x332: {  	s5 =	rddreg [dreg:$0xf];
	[sflag:s20] =	ssyncadd.s32 $0xFFFFD8F0  }
0x333: {  	[hbm4b:s5+s4] =	stream.linear.scatter [tilespmem:s10], [sflag:$0x3], $0x2710, $0x38;
	[tilespmem:$0x10930] =	vst v63  }
0x334: {  	_ =	swait.ge [sflag:s20], $0x2710  }
0x335: {  	s6 =	rddreg [dreg:$0x11]  }
0x336: {  	s24 =	rddreg [dreg:$0x10];
	s6 =	sadd.s32 $0x1, s6  }
0x337: {  	p0 =	sne.s32 s6, s24  }
.Ltmp4:
0x338: {  	_ = 	snop;
	(pc) =	sbr.rel @p0 .LBB2_1-.Ltmp4, $3  }
0x339: {  	_ =	sdelay $0x1  }
0x33a: {  	[sflag:s20] =	ssyncset.done $0x0  }
0x33b: {  	v0 =	vimm.f32 $0.0e+00;
	[sflag:s20] =	ssyncadd.s32 $0xFFFFD8F0  }
0x33c: {  	_ =	sfence.sel $0x180000  }
0x33d: {  	[bflag:$0x0] =	sbarrier.arrive $0xFFFF  }
0x33e: {  	_ =	strace $0x9000004D  }
0x33f: {  	s0 =	stileid.u32;
	[bflag:$0x2] =	sbarrier.arrive $0xFFFF  }
0x340: {  	p0 =	sne.s32 s0, $0x0;
	s0 =	rddreg [dreg:$0x3]  }
0x341: {  	s0 =	sadd.s32 @!p0 $0x100000, s0  }
0x342: {  	[sflag:s0] =	ssyncadd.tile.s32 @!p0 $0x1;
	_ =	shalt  }
.Lfunc_end2:
_tile_overlayer_lowered:
.L_overlay_start_2:
0x343: {  	(tag) =	ssettag $0x2  }
0x344: {  	s0 =	rddreg [dreg:$0x0];
	s2 =	stileid.u32  }
0x345: {  	s1 =	rddreg [dreg:$0x1];
	p0 =	sne.s32 s2, $0x0  }
0x346: {  	s3 =	rddreg [dreg:$0x2];
	[bflag:$0x3] =	sbarrier.arrive $0xFFFF;
	s2 =	simm.s32 @!p0 $0x1C03  }
0x347: {  	[timem:s3], [sflag:s2] =	dma.local @!p0 [hbm:s0], s1  }
0x348: {  	s0 =	simm.s32 @!p0 $0x3  }
0x349: {  	_ =	swait.ge @!p0 [sflag:s0], s1  }
0x34a: {  	s1 =	ssub.s32 @!p0 $0x0, s1;
	[sflag:s0] =	ssyncset.done @!p0 $0x0  }
0x34b: {  	[sflag:s0] =	ssyncadd.s32 @!p0 s1  }
0x34c: {  	[bflag:$0x3] =	sbarrier.arrive $0xFFFF  }
0x34d: {  	_ =	shalt  }

// kernel: kernel.8.cloned.1.call-start
scs
__scs_entry_jumppad:
0x0: {  	(pc) =	sbr.rel $0x88, $3  }
0x1: {  	(tag) =	ssettag $0x0;
	lr =	simm.s32 $0x1  }
0x2: {  	[smem:$0x3F9A] =	sst lr;
	_ =	strace $0xD0000000  }
0x3: {  	_ = 	snop  }
0x4: {  	_ = 	snop  }
0x5: {  	_ = 	snop  }
0x6: {  	_ = 	snop  }
0x7: {  	_ = 	snop  }
__scs_overlays_trampoline_lowered:
0x8: {  	[smem:$0x3FA9] =	sst s0  }
0x9: {  	[smem:$0x3FAA] =	sst s1  }
0xa: {  	[smem:$0x3FAB] =	sst s2  }
0xb: {  	[smem:$0x3FAC] =	sst s3  }
0xc: {  	[smem:$0x3FAD] =	sst s4  }
0xd: {  	[smem:$0x3FAE] =	sst s5  }
0xe: {  	[smem:$0x3FAF] =	sst s6  }
0xf: {  	[smem:$0x3FB0] =	sst s7  }
0x10: {  	[smem:$0x3FB1] =	sst s8  }
0x11: {  	[smem:$0x3FB2] =	sst s9;
	s0 =	simm.s32 @!p0 $0x0  }
0x12: {  	s1 =	sld [smem:$0x3F98];
	s0 =	simm.s32 @p0 $0x1  }
0x13: {  	[smem:$0x3FB3] =	sst s0;
	s0 =	simm.s32 @!p1 $0x0  }
0x14: {  	s2 =	sld [smem:$0x3F97];
	s0 =	simm.s32 @p1 $0x1  }
0x15: {  	[smem:$0x3FB4] =	sst s0;
	s0 =	simm.s32 @!p2 $0x0  }
0x16: {  	s3 =	sld [smem:$0x3FDB];
	s0 =	simm.s32 @p2 $0x1  }
0x17: {  	s4 =	simm.s32 $0x1BF5;
	[smem:$0x3FB6] =	sst s0  }
0x18: {  	s0 =	sld [smem:$0x3F99];
	_ =	swait.ge [sflag:s4], $0x0  }
0x19: {  	s7 =	sld [smem:$0x3F9A]  }
0x1a: {  	s8 =	sadd.s32 $0xFFFFE003, lr  }
0x1b: {  	s9 =	sadd.s32 $0xFFFFFEF7, lr;
	s5 =	simm.s32 $0xFFFFFFFF;
	p2 =	slt.u32 s8, $0xFFFFF086  }
0x1c: {  	p1 =	slt.u32 s9, $0xF7A;
	s5 =	simm.s32 @!p2 $0x0  }
0x1d: {  	s5 =	simm.s32 @p1 $0x1;
	p0 =	seq.s32 s7, s2  }
0x1e: {  	s7 =	smul.u32 @!p0 $0xF7A, s2;
	p2 =	seq.s32 @!p0 s5, $0x0  }
0x1f: {  	s9 =	smul.u32 $0xF7A, s1;
	s8 =	simm.s32 @!p0 $0x1BF5;
	p2 =	por !p2, p0  }
0x20: {  	[sflag:s8] =	ssyncset.s32 @!p0 $0xFFFFF086;
	s6 =	sadd.s32 @!p0 s3, s7;
	s7 =	simm.s32 @!p0 $0x108  }
0x21: {  	s3 =	sadd.s32 s3, s9;
	s6 =	sadd.s32 @!p0 $0x88, s6;
	s7 =	simm.s32 @p2 $0x1082  }
0x22: {  	[simem:s7], [sflag:s8] =	dma.local @!p0 [hbm:s6], $0xF7A  }
0x23: {  	s9 =	sor.u32 $0xD0000000, s2;
	s6 =	simm.s32 $0x108;
	_ =	swait.ge @!p0 [sflag:s8], $0x0  }
0x24: {  	s3 =	sadd.s32 $0x88, s3;
	s6 =	simm.s32 @!p1 $0x1082;
	[sflag:s4] =	ssyncset.s32 $0xFFFFF086  }
0x25: {  	[simem:s6], [sflag:s4] =	dma.local [hbm:s3], $0xF7A  }
0x26: {  	[smem:$0x3F9A] =	sst s1;
	(tag) =	ssettag s2;
	_ =	strace s9  }
0x27: {  	s1 =	sld [smem:$0x3FAA]  }
0x28: {  	s2 =	sld [smem:$0x3FAB]  }
0x29: {  	s4 =	sld [smem:$0x3FAD]  }
0x2a: {  	p0 =	seq.s32 s5, $0x0;
	s5 =	sld [smem:$0x3FAE]  }
0x2b: {  	s6 =	sld [smem:$0x3FAF]  }
0x2c: {  	s7 =	sld [smem:$0x3FB0]  }
0x2d: {  	s3 =	simm.s32 $0x108;
	s8 =	sld [smem:$0x3FB1]  }
0x2e: {  	s3 =	simm.s32 @!p0 $0x1082;
	s9 =	sld [smem:$0x3FB2]  }
0x2f: {  	lr =	sadd.s32 s0, s3;
	s0 =	sld [smem:$0x3FA9]  }
0x30: {  	s3 =	sld [smem:$0x3FAC]  }
0x31: {  	[smem:$0x3FB5] =	sst s10  }
0x32: {  	s10 =	sld [smem:$0x3FB3];
	_ =	sdelay $0x3  }
0x33: {  	p0 =	seq.s32 s10, $0x1;
	s10 =	sld [smem:$0x3FB5];
	_ =	sdelay $0x3  }
0x34: {  	[smem:$0x3FB5] =	sst s10  }
0x35: {  	s10 =	sld [smem:$0x3FB4];
	_ =	sdelay $0x3  }
0x36: {  	p1 =	seq.s32 s10, $0x1;
	s10 =	sld [smem:$0x3FB5];
	_ =	sdelay $0x3  }
0x37: {  	[smem:$0x3FB5] =	sst s10  }
0x38: {  	s10 =	sld [smem:$0x3FB6]  }
0x39: {  	_ = 	snop;
	(pc) =	sbr.ind lr, $3  }
0x3a: {  	_ = 	snop  }
0x3b: {  	_ = 	snop  }
0x3c: {  	p2 =	seq.s32 s10, $0x1;
	s10 =	sld [smem:$0x3FB5]  }
0x3d: {  	_ =	shalt  }
0x3e: {  	_ =	shalt  }
0x3f: {  	_ =	shalt  }
0x40: {  	_ =	shalt  }
0x41: {  	_ =	shalt  }
0x42: {  	_ =	shalt  }
0x43: {  	_ =	shalt  }
0x44: {  	_ =	shalt  }
0x45: {  	_ =	shalt  }
0x46: {  	_ =	shalt  }
0x47: {  	_ =	shalt  }
0x48: {  	_ =	shalt  }
0x49: {  	_ =	shalt  }
0x4a: {  	_ =	shalt  }
0x4b: {  	_ =	shalt  }
0x4c: {  	_ =	shalt  }
0x4d: {  	_ =	shalt  }
0x4e: {  	_ =	shalt  }
0x4f: {  	_ =	shalt  }
0x50: {  	_ =	shalt  }
0x51: {  	_ =	shalt  }
0x52: {  	_ =	shalt  }
0x53: {  	_ =	shalt  }
0x54: {  	_ =	shalt  }
0x55: {  	_ =	shalt  }
0x56: {  	_ =	shalt  }
0x57: {  	_ =	shalt  }
0x58: {  	_ =	shalt  }
0x59: {  	_ =	shalt  }
0x5a: {  	_ =	shalt  }
0x5b: {  	_ =	shalt  }
0x5c: {  	_ =	shalt  }
0x5d: {  	_ =	shalt  }
0x5e: {  	_ =	shalt  }
0x5f: {  	_ =	shalt  }
0x60: {  	_ =	shalt  }
0x61: {  	_ =	shalt  }
0x62: {  	_ =	shalt  }
0x63: {  	_ =	shalt  }
0x64: {  	_ =	shalt  }
0x65: {  	_ =	shalt  }
0x66: {  	_ =	shalt  }
0x67: {  	_ =	shalt  }
0x68: {  	_ =	shalt  }
0x69: {  	_ =	shalt  }
0x6a: {  	_ =	shalt  }
0x6b: {  	_ =	shalt  }
0x6c: {  	_ =	shalt  }
0x6d: {  	_ =	shalt  }
0x6e: {  	_ =	shalt  }
0x6f: {  	_ =	shalt  }
0x70: {  	_ =	shalt  }
0x71: {  	_ =	shalt  }
0x72: {  	_ =	shalt  }
0x73: {  	_ =	shalt  }
0x74: {  	_ =	shalt  }
0x75: {  	_ =	shalt  }
0x76: {  	_ =	shalt  }
0x77: {  	_ =	shalt  }
0x78: {  	_ =	shalt  }
0x79: {  	_ =	shalt  }
0x7a: {  	_ =	shalt  }
0x7b: {  	_ =	shalt  }
0x7c: {  	_ =	shalt  }
0x7d: {  	_ =	shalt  }
0x7e: {  	_ =	shalt  }
0x7f: {  	_ =	shalt  }
0x80: {  	_ =	shalt  }
0x81: {  	_ =	shalt  }
0x82: {  	_ =	shalt  }
0x83: {  	_ =	shalt  }
0x84: {  	_ =	shalt  }
0x85: {  	_ =	shalt  }
0x86: {  	_ =	shalt  }
0x87: {  	_ =	shalt  }
.Lfunc_end0:
.L_simem_size_0:
called_computation_lowered:
.L_overlay_start_0:
0x88: {  	s2 =	sld [smem:$0x3FD9]  }
0x89: {  	s3 =	sld [smem:$0x3FFE];
	_ =	sdelay $0x1  }
0x8a: {  	s1 =	srdreg.scid  }
0x8b: {  	s0 =	sand.u32 $0x1, s1  }
0x8c: {  	s16 =	sshll.u32 s0, $0xA;
	s2 =	sadd.s32 s3, s2  }
0x8d: {  	s2 =	sadd.s32 s2, s16  }
0x8e: {  	[smem:$0x3FC1] =	sst s2  }
0x8f: {  	_ = 	snop  }
0x90: {  	(tm) =	ssettm $0x1  }
0x91: {  	s17 =	sld [smem:$0x3FFB];
	_ =	sdelay $0x3  }
0x92: {  	_ =	strace s17  }
0x93: {  	s2 =	sld [smem:$0x3FFC];
	_ =	sdelay $0x3  }
0x94: {  	_ =	strace s2  }
0x95: {  	s2 =	sld [smem:$0x3FFD];
	_ =	sdelay $0x3  }
0x96: {  	_ =	strace s2  }
0x97: {  	_ =	strace $0x8FFFFFFF  }
0x98: {  	s18 =	sld [smem:$0x3FDB];
	_ =	sdelay $0x1  }
0x99: {  	s19 =	simm.s32 $_scs_section_size  }
0x9a: {  	s4 =	simm.s32 $_size__tile_overlayer_lowered;
	s5 =	simm.s32 $_tile_overlayer_lowered  }
0x9b: {  	s22 =	simm.s32 $0x1BFF;
	s21 =	sshll.u32 s5, $0x1;
	s2 =	sadd.s32 s19, s18  }
0x9c: {  	s6 =	simm.s32 $0x0;
	s20 =	sshll.u32 s4, $0x1;
	s4 =	sadd.s32 s21, s2  }
0x9d: {  	[timem:s6], [sflag:s22] =	dma.local [hbm:s4], s20  }
0x9e: {  	_ =	swait.ge [sflag:s22], s20  }
0x9f: {  	s3 =	ssub.s32 $0x0, s20;
	[sflag:s22] =	ssyncset.done $0x0  }
0xa0: {  	[sflag:s22] =	ssyncadd.s32 s3;
	_ =	sdelay $0x1  }
0xa1: {  	s23 =	simm.s32 $0x1B8B  }
0xa2: {  	_ =	swait.ge [sflag:s23], $0x1  }
0xa3: {  	[sflag:s23] =	ssyncset.done $0x0  }
0xa4: {  	s25 =	simm.s32 $0x1B8E;
	s24 =	sld [smem:$0x3FFE];
	[sflag:s23] =	ssyncadd.s32 $0xFFFFFFFF  }
0xa5: {  	s26 =	simm.s32 $execute0_lowered;
	[smem:$0x3FD2] =	sst s25  }
0xa6: {  	s4 =	sshll.u32 s26, $0x1;
	_ =	strace $0x80000046;
	[dreg:$0x1] =	wrdreg $0xFFFFFFFF  }
0xa7: {  	s28 =	simm.s32 $_size_execute0_lowered;
	s2 =	sadd.s32 s2, s4;
	[dreg:$0x0] =	wrdreg $0x0  }
0xa8: {  	s4 =	sshll.u32 s28, $0x1;
	[dreg:$0x2] =	wrdreg s2  }
0xa9: {  	[dreg:$0x3] =	wrdreg s4  }
0xaa: {  	[dreg:$0x4] =	wrdreg $0xC0  }
0xab: {  	_ =	task [dreg:s6], $0x5FFFF  }
0xac: {  	[dreg:$0x1] =	wrdreg $0xFFFFFFFF  }
0xad: {  	[dreg:$0x0] =	wrdreg $0x60  }
0xae: {  	[dreg:$0x2] =	wrdreg s24  }
0xaf: {  	[dreg:$0x3] =	wrdreg $0x9  }
0xb0: {  	_ =	task.clear_ibuf [dreg:s6], $0x4FFFF;
	_ =	strace $0x90000046  }
0xb1: {  	s29 =	simm.s32 $0x9;
	_ =	strace $0x80000048  }
0xb2: {  	_ =	swait.ge [sflag:s29], $0x1  }
0xb3: {  	[sflag:s29] =	ssyncadd.s32 $0xFFFFFFFF  }
0xb4: {  	_ =	strace $0x90000048  }
0xb5: {  	_ =	sfence  }
0xb6: {  	s30 =	sld [smem:$0x0];
	_ =	sdelay $0x2  }
0xb7: {  	s31 =	sshll.u32 s1, $0xD;
	s1 =	sshrl.u32 s1, $0x2  }
0xb8: {  	s3 =	sand.u32 $0x4000, s31;
	s1 =	sadd.s32 s1, s30  }
0xb9: {  	s0 =	sor.u32 s3, s0;
	s1 =	sshll.u32 s1, $0x11  }
0xba: {  	s0 =	sor.u32 s1, s0  }
0xbb: {  	s0 =	sadd.s32 $0x8F2B, s0  }
0xbc: {  	[sflag:s0] =	ssyncadd.remote.s32 $0x1  }
0xbd: {  	_ =	sfence.sel $0xFFFF  }
0xbe: {  	[dreg:$0x0] =	wrdreg $0xFFFFFFFF;
	(pc) =	sbr.abs _section_cstart, $3  }
0xbf: {  	[dreg:$0x1] =	wrdreg $0xFFFFFFFF  }
0xc0: {  	_ =	task.clear_ibuf [dreg:s6], $0x2FFFF;
	_ =	strace $0x9FFFFFFF  }
0xc1: {  	(tm) =	ssettm $0x7FFFFFFF  }
tec
execute0_lowered:
.L_overlay_start_1:
0x0: {  	(tag) =	ssettag $0x1  }
0x1: {  	s6 =	rddreg [dreg:$0x0]  }
0x2: {  	s0 =	rddreg [dreg:$0x1]  }
0x3: {  	s3 =	srdreg.scid;
	s1 =	stileid.u32;
	s2 =	simm.s32 $0x0  }
0x4: {  	s11 =	simm.s32 $0x0;
	s7 =	sand.u32 $0x1, s3;
	s5 =	smul.u32 $0x27100, s1  }
0x5: {  	[smem:$0x7FF] =	sst s2;
	s3 =	sadd.s32 $0x1800, s6;
	s8 =	smul.u32 $0x13880, s7  }
0x6: {  	s4 =	sadd.s32 $0xB800, s6;
	_ =	strace $0x80000047;
	s30 =	ssub.s32 $0x2, s7  }
0x7: {  	s31 =	smul.u32 $0x1388, s7;
	s10 =	sshrl.u32 s30, $0x1;
	s5 =	sadd.s32 s8, s5  }
0x8: {  	s8 =	ssub.s32 s30, s10;
	s10 =	simm.s32 $0x800;
	s9 =	sshrl.u32 s5, $0x3  }
0x9: {  	s5 =	smul.u32 $0x5000, s1;
	s7 =	smax.u32 s8, $0x1;
	s6 =	sadd.s32 s9, s6  }
0xa: {  	v1 =	vimm.f32 $0.0e+00;
	v2 =	vlaneseq.u32;
	v0 =	vmov s31;
	s8 =	simm.s32 $0x1;
	s9 =	simm.s32 $0x400;
	s6 =	sadd.s32 $0x15800, s6  }
.LBB2_1:
0xb: {  	s12 =	simm.s32 $0x0;
	s13 =	simm.s32 $0x500  }
.LBB2_2:
0xc: {  	p0 =	sne.s32 s13, $0x4DD00;
	[tilespmem:s12+$0x930] =	vst v1  }
0xd: {  	[tilespmem:s12+$0x800] =	vst v1  }
0xe: {  	[tilespmem:s12+$0x810] =	vst v1  }
0xf: {  	[tilespmem:s12+$0x820] =	vst v1  }
0x10: {  	[tilespmem:s12+$0x830] =	vst v1  }
0x11: {  	[tilespmem:s12+$0x840] =	vst v1  }
0x12: {  	[tilespmem:s12+$0x850] =	vst v1  }
0x13: {  	[tilespmem:s12+$0x860] =	vst v1  }
0x14: {  	[tilespmem:s12+$0x870] =	vst v1  }
0x15: {  	[tilespmem:s12+$0x880] =	vst v1  }
0x16: {  	[tilespmem:s12+$0x890] =	vst v1  }
0x17: {  	[tilespmem:s12+$0x8A0] =	vst v1  }
0x18: {  	[tilespmem:s12+$0x8B0] =	vst v1  }
0x19: {  	[tilespmem:s12+$0x8C0] =	vst v1  }
0x1a: {  	[tilespmem:s12+$0x8D0] =	vst v1  }
.Ltmp0:
0x1b: {  	[tilespmem:s12+$0x8E0] =	vst v1;
	(pc) =	sbr.rel @p0 .LBB2_2-.Ltmp0, $4  }
0x1c: {  	[tilespmem:s12+$0x8F0] =	vst v1  }
0x1d: {  	[tilespmem:s12+$0x900] =	vst v1  }
0x1e: {  	[tilespmem:s12+$0x910] =	vst v1  }
0x1f: {  	[tilespmem:s12+$0x920] =	vst v1;
	s12 =	sshra.s32 s13, $0x2;
	s13 =	sadd.s32 $0x500, s13  }
0x20: {  	[tilespmem:s12+$0x930] =	vst v1  }
0x21: {  	[tilespmem:s12+$0x800] =	vst v1  }
0x22: {  	[tilespmem:s12+$0x810] =	vst v1  }
0x23: {  	[tilespmem:s12+$0x820] =	vst v1  }
0x24: {  	[tilespmem:s12+$0x830] =	vst v1  }
0x25: {  	[tilespmem:s12+$0x840] =	vst v1  }
0x26: {  	[tilespmem:s12+$0x850] =	vst v1  }
0x27: {  	[tilespmem:s12+$0x860] =	vst v1  }
0x28: {  	[tilespmem:s12+$0x870] =	vst v1  }
0x29: {  	[tilespmem:s12+$0x880] =	vst v1  }
0x2a: {  	[tilespmem:s12+$0x890] =	vst v1  }
0x2b: {  	[tilespmem:s12+$0x8A0] =	vst v1  }
0x2c: {  	[tilespmem:s12+$0x8B0] =	vst v1  }
0x2d: {  	[tilespmem:s12+$0x8C0] =	vst v1  }
0x2e: {  	[tilespmem:s12+$0x8D0] =	vst v1  }
0x2f: {  	[tilespmem:s12+$0x8E0] =	vst v1  }
0x30: {  	[tilespmem:s12+$0x8F0] =	vst v1  }
0x31: {  	[tilespmem:s12+$0x900] =	vst v1  }
0x32: {  	[tilespmem:s12+$0x910] =	vst v1  }
0x33: {  	[tilespmem:s12+$0x920] =	vst v1;
	s12 =	simm.s32 $0x0  }
.LBB2_4:
0x34: {  	s13 =	sshll.u32 s12, $0xA  }
0x35: {  	s13 =	sadd.s32 s5, s13  }
0x36: {  	s13 =	sshrl.u32 s13, $0x3  }
0x37: {  	s14 =	sadd.s32 s3, s13  }
0x38: {  	[tilespmem:s2], [sflag:$0x1] =	stream.linear.gather [hbm4b:s14+s2], $0x400, $0x38;
	[tilespmem:$0x14080] =	vst v63  }
0x39: {  	_ =	swait.ge [sflag:s8], $0x400  }
0x3a: {  	[sflag:s8] =	ssyncset.done $0x0  }
0x3b: {  	s13 =	sadd.s32 s4, s13;
	[sflag:s8] =	ssyncadd.s32 $0xFFFFFC00  }
0x3c: {  	[tilespmem:s9], [sflag:$0x1] =	stream.linear.gather [hbm4b:s13+s2], $0x400, $0x38;
	[tilespmem:$0x14080] =	vst v63  }
0x3d: {  	_ =	swait.ge [sflag:s8], $0x400  }
0x3e: {  	[sflag:s8] =	ssyncset.done $0x0  }
0x3f: {  	s31 =	simm.s32 $0x20;
	[sflag:s8] =	ssyncadd.s32 $0xFFFFFC00  }
0x40: {  	v3 =	vld [tilespmem:s31+$0x10];
	_ =	sdelay $0x1  }
0x41: {  	v4 =	vld [tilespmem:s31+$0xFFFFFFF0]  }
0x42: {  	v5 =	vld [tilespmem:s31+$0x0]  }
0x43: {  	v6 =	vld [tilespmem:s31+$0xFFFFFFE0]  }
0x44: {  	v3 =	vsub.s32 v3, v0  }
0x45: {  	s13 =	simm.s32 $0x420;
	v7 =	vshll.u32 v3, $0x4  }
0x46: {  	v11 =	vsub.s32 v4, v0;
	vm0 =	vlt.u32 v3, $0x1388;
	v3 =	vld [tilespmem:s13+$0x10];
	v4 =	vor.u32 v2, v7  }
0x47: {  	v12 =	vsub.s32 v5, v0;
	v5 =	vld [tilespmem:s13+$0xFFFFFFE0];
	v7 =	vshll.u32 v11, $0x4;
	v4 =	vsel vm0, v4, v2  }
0x48: {  	v9 =	vsub.s32 v6, v0;
	v6 =	vld [tilespmem:s13+$0xFFFFFFF0];
	v8 =	vor.u32 v2, v7;
	v7 =	vshll.u32 v12, $0x4  }
0x49: {  	vm1 =	vlt.u32 v9, $0x1388;
	v10 =	vshll.u32 v9, $0x4;
	v9 =	vor.u32 v2, v7;
	v7 =	vld [tilespmem:s13+$0x0]  }
0x4a: {  	s15 =	simm.s32 $0x60;
	s14 =	simm.s32 $0x0;
	vm3 =	vlt.u32 v11, $0x1388;
	vm2 =	vlt.u32 v12, $0x1388;
	v10 =	vor.u32 v2, v10  }
.LBB2_5:
0x4b: {  	v11 =	vld [tilespmem:s15+$0x10];
	s14 =	sadd.s32 $0x4, s14;
	v10 =	vsel vm1, v10, v2;
	v8 =	vsel vm3, v8, v2;
	v3 =	vnsel vm0, $0x0, v3  }
0x4c: {  	v12 =	vsel vm2, v9, v2;
	p0 =	slt.u32 s14, $0x3C;
	v5 =	vnsel vm1, $0x0, v5;
	[tilespmem:v4+s10+$0x0] =	vst.idx.add.f32.msk $0xffff, v3  }
0x4d: {  	v3 =	vld [tilespmem:s15+$0xFFFFFFF0];
	v4 =	vnsel vm3, $0x0, v6  }
0x4e: {  	v6 =	vld [tilespmem:s15+$0x0];
	v13 =	vnsel vm2, $0x0, v7  }
0x4f: {  	v7 =	vld [tilespmem:s15+$0xFFFFFFE0]  }
0x50: {  	v9 =	vsub.s32 v11, v0;
	[tilespmem:v10+s10+$0x0] =	vst.idx.add.f32.msk $0xffff, v5  }
0x51: {  	s13 =	sadd.s32 $0x40, s13;
	v5 =	vshll.u32 v9, $0x4;
	[tilespmem:v8+s10+$0x0] =	vst.idx.add.f32.msk $0xffff, v4  }
.Ltmp1:
0x52: {  	vm0 =	vlt.u32 v9, $0x1388;
	v11 =	vsub.s32 v3, v0;
	v3 =	vld [tilespmem:s13+$0x10];
	v4 =	vor.u32 v2, v5;
	(pc) =	sbr.rel @p0 .LBB2_5-.Ltmp1, $4  }
0x53: {  	v5 =	vld [tilespmem:s13+$0xFFFFFFE0];
	v8 =	vshll.u32 v11, $0x4;
	v14 =	vsub.s32 v6, v0;
	v4 =	vsel vm0, v4, v2  }
0x54: {  	v7 =	vsub.s32 v7, v0;
	v6 =	vld [tilespmem:s13+$0xFFFFFFF0];
	v8 =	vor.u32 v2, v8;
	v9 =	vshll.u32 v14, $0x4  }
0x55: {  	vm1 =	vlt.u32 v7, $0x1388;
	v10 =	vshll.u32 v7, $0x4;
	v7 =	vld [tilespmem:s13+$0x0];
	v9 =	vor.u32 v2, v9  }
0x56: {  	s15 =	sadd.s32 $0x40, s15;
	vm3 =	vlt.u32 v11, $0x1388;
	vm2 =	vlt.u32 v14, $0x1388;
	v10 =	vor.u32 v2, v10;
	[tilespmem:v12+s10+$0x0] =	vst.idx.add.f32.msk $0xffff, v13  }
0x57: {  	v10 =	vsel vm1, v10, v2  }
0x58: {  	v8 =	vsel vm3, v8, v2;
	s12 =	sadd.s32 $0x1, s12  }
0x59: {  	v9 =	vsel vm2, v9, v2;
	p0 =	sne.s32 s12, $0x14  }
.Ltmp2:
0x5a: {  	v3 =	vnsel vm0, $0x0, v3;
	(pc) =	sbr.rel @p0 .LBB2_4-.Ltmp2, $4  }
0x5b: {  	v5 =	vnsel vm1, $0x0, v5;
	[tilespmem:v4+s10+$0x0] =	vst.idx.add.f32.msk $0xffff, v3  }
0x5c: {  	v3 =	vnsel vm3, $0x0, v6;
	[tilespmem:v10+s10+$0x0] =	vst.idx.add.f32.msk $0xffff, v5  }
0x5d: {  	v63 =	vnsel vm2, $0x0, v7;
	[tilespmem:v8+s10+$0x0] =	vst.idx.add.f32.msk $0xffff, v3  }
0x5e: {  	[tilespmem:v9+s10+$0x0] =	vst.idx.add.f32.msk $0xffff, v63  }
0x5f: {  	s11 =	sadd.s32 $0x1, s11  }
0x60: {  	p0 =	sne.s32 s11, s7  }
.Ltmp3:
0x61: {  	_ = 	snop;
	(pc) =	sbr.rel @p0 .LBB2_1-.Ltmp3, $4  }
0x62: {  	[hbm4b:s6+s2] =	stream.linear.scatter [tilespmem:s10], [sflag:$0x1], $0x13880, $0x38;
	[tilespmem:$0x14080] =	vst v63  }
0x63: {  	_ =	swait.ge [sflag:s8], $0x13880  }
0x64: {  	[sflag:s8] =	ssyncset.done $0x0  }
0x65: {  	[sflag:s8] =	ssyncadd.s32 $0xFFFEC780  }
0x66: {  	_ =	sfence.sel $0x180000  }
0x67: {  	[bflag:$0x0] =	sbarrier.arrive $0xFFFF  }
0x68: {  	p0 =	sne.s32 s1, $0x0;
	_ =	strace $0x90000047  }
0x69: {  	s0 =	sadd.s32 @!p0 $0x100000, s0;
	[bflag:$0x2] =	sbarrier.arrive $0xFFFF  }
0x6a: {  	[sflag:s0] =	ssyncadd.tile.s32 @!p0 $0x1;
	_ =	shalt  }
.Lfunc_end2:
_tile_overlayer_lowered:
.L_overlay_start_2:
0x6b: {  	(tag) =	ssettag $0x2  }
0x6c: {  	s0 =	rddreg [dreg:$0x0];
	s2 =	stileid.u32  }
0x6d: {  	s1 =	rddreg [dreg:$0x1];
	p0 =	sne.s32 s2, $0x0  }
0x6e: {  	s3 =	rddreg [dreg:$0x2];
	[bflag:$0x3] =	sbarrier.arrive $0xFFFF;
	s2 =	simm.s32 @!p0 $0x1C01  }
0x6f: {  	[timem:s3], [sflag:s2] =	dma.local @!p0 [hbm:s0], s1  }
0x70: {  	s0 =	simm.s32 @!p0 $0x1  }
0x71: {  	_ =	swait.ge @!p0 [sflag:s0], s1  }
0x72: {  	s1 =	ssub.s32 @!p0 $0x0, s1;
	[sflag:s0] =	ssyncset.done @!p0 $0x0  }
0x73: {  	[sflag:s0] =	ssyncadd.s32 @!p0 s1  }
0x74: {  	[bflag:$0x3] =	sbarrier.arrive $0xFFFF  }
0x75: {  	_ =	shalt  }

</sc_bundles>
